<compile_context>
chip_gen: v7x
topology: tpu7x:2x2x1
jax: 0.10.2.dev20260603
libtpu: 0.0.44.dev20260713+nightly
codegen_flags: <defaults>
</compile_context>

<pallas_src>
import functools

import jax
import jax.numpy as jnp
from jax import lax
from jax.experimental import pallas as pl
from jax.experimental.pallas import tpu as pltpu
from jax.experimental.pallas import tpu_sc as plsc

B, P, COORD, FEAT, NCLS, K = 128, 512, 3, 16, 10, 7
E = B * P * K
NS = 4
GB = B // NS
PK = P * K
_NP = float(B * P)
_NE = float(B * P * K)
_F32 = jnp.float32

_pallas_call = functools.partial(
    pl.pallas_call,
    compiler_params=pltpu.CompilerParams(vmem_limit_bytes=100 * 1024 * 1024))
_HI = lax.Precision.HIGHEST


def _dotT(x, w):
    return lax.dot_general(x, w, (((1,), (1,)), ((), ())), precision=_HI)


def _dotD(x, w):
    return lax.dot_general(x, w, (((1,), (1,)), ((), ())))


def _affine(s, ss, n, g, b):
    m = s / n
    v = ss / n - m * m
    inv = lax.rsqrt(v + 1e-5)
    sc = g * inv
    return sc, b - m * sc


def _mask_col(f):
    return (jnp.sum(jnp.abs(f), axis=1, keepdims=True) != 0.0).astype(_F32)


def _acc(st_ref, b, rows):
    @pl.when(b == 0)
    def _():
        st_ref[...] = jnp.zeros((8, 128), _F32)

    c = rows[0][1].shape[1]
    n = len(rows)
    assert [r for r, _ in rows] == list(range(n))
    val = jnp.concatenate([v for _, v in rows], axis=0)
    st_ref[0:n, 0:c] = st_ref[0:n, 0:c] + val


def _sums(y):
    return [(0, jnp.sum(y, axis=0, keepdims=True)),
            (1, jnp.sum(y * y, axis=0, keepdims=True))]


def _topk_store(rank, idx_ref, s, base):
    itf = lax.broadcasted_iota(jnp.int32, (P, P), 1).astype(_F32)
    cols = []
    r = rank
    for j in range(K + 1):
        m = jnp.max(r, axis=1, keepdims=True)
        am = jnp.min(jnp.where(r == m, itf, float(P)), axis=1, keepdims=True)
        cols.append(am)
        if j < K:
            r = jnp.where(itf == am, -jnp.inf, r)
    idx_ref[s] = jnp.concatenate(cols, axis=1).astype(jnp.int32) + base


def _prep_center(fT, st0, bg, bb):
    sc0, sh0 = _affine(st0[0:1, 0:FEAT], st0[1:2, 0:FEAT], _NP, bg, bb)
    mcol = _mask_col(fT)
    fts = (fT * sc0 + sh0) * mcol
    return fts, mcol, sc0, sh0


def _head_y(fts, gn, w0, cin, dot):
    w0a = w0[:, :cin]
    w0b = w0[:, cin:]
    u = dot(fts, w0a - w0b)
    v = dot(gn, w0b)
    rep = jnp.concatenate(
        [u[s * P:(s + 1) * P] for s in range(NS) for _ in range(K)], axis=0)
    return v + rep


def _kmean(h):
    outs = []
    for s in range(NS):
        base = s * PK
        acc = h[base:base + P]
        for k in range(1, K):
            acc = acc + h[base + k * P:base + (k + 1) * P]
        outs.append(acc / float(K))
    return jnp.concatenate(outs, axis=0)



def _p1_body(feat_ref, featT_ref, pts_ref, ptsT_ref, idx_ref, st_ref):
    b = pl.program_id(0)
    fT_all = featT_ref[...].reshape(NS * P, FEAT)
    mcol_all = _mask_col(fT_all)
    fm = fT_all * mcol_all
    _acc(st_ref, b, _sums(fm))
    for s in range(NS):
        f_cm = feat_ref[s]
        mrow = (jnp.sum(jnp.abs(f_cm), axis=0, keepdims=True)
                != 0.0).astype(_F32)
        mcol = mcol_all[s * P:(s + 1) * P]
        pc = ptsT_ref[s] * mcol + (1.0 - mcol) * 1e9
        pr = pts_ref[s] * mrow + (1.0 - mrow) * 1e9
        g = (pc[:, 0:1] * pr[0:1, :] + pc[:, 1:2] * pr[1:2, :]
             + pc[:, 2:3] * pr[2:3, :])
        xxr = jnp.sum(pr * pr, axis=0, keepdims=True)
        xxc = jnp.sum(pc * pc, axis=1, keepdims=True)
        _topk_store((2.0 * g - xxr) - xxc, idx_ref, s, (b * NS + s) * P)



def _gather_rows(table, eidx, d):
    info = plsc.get_sparse_core_info()
    nw = info.num_cores * info.num_subcores
    ch = 2048 if d <= 16 else 1024
    per_w = E // nw
    nch = per_w // ch
    mesh = plsc.VectorSubcoreMesh(core_axis_name="c", subcore_axis_name="s")

    @functools.partial(
        pl.kernel, mesh=mesh,
        out_type=jax.ShapeDtypeStruct((E, d), _F32),
        compiler_params=pltpu.CompilerParams(use_tc_tiling_on_sc=False),
        scratch_types=[
            pltpu.VMEM((per_w,), jnp.int32),
            pltpu.VMEM((ch, d), _F32),
            pltpu.VMEM((ch, d), _F32),
            pltpu.SemaphoreType.DMA,
            pltpu.SemaphoreType.DMA,
            pltpu.SemaphoreType.DMA,
            pltpu.SemaphoreType.DMA,
        ])
    def gk(table_hbm, idx_hbm, out_hbm, idx_v, r0, r1, sg0, sg1, sw0, sw1):
        wid = lax.axis_index("s") * info.num_cores + lax.axis_index("c")
        base0 = wid * per_w
        pltpu.sync_copy(idx_hbm.at[pl.ds(base0, per_w)], idx_v)
        rows = [r0, r1]
        sg = [sg0, sg1]
        sw = [sw0, sw1]
        gops = [None, None]
        wops = [None, None]
        for c in range(nch):
            i = c % 2
            if wops[i] is not None:
                wops[i].wait()
            gops[i] = pltpu.async_copy(
                table_hbm.at[idx_v.at[pl.ds(c * ch, ch)]], rows[i], sg[i])
            if c >= 1:
                j = (c - 1) % 2
                gops[j].wait()
                wops[j] = pltpu.async_copy(
                    rows[j], out_hbm.at[pl.ds(base0 + (c - 1) * ch, ch)],
                    sw[j])
        i = (nch - 1) % 2
        gops[i].wait()
        pltpu.async_copy(
            rows[i], out_hbm.at[pl.ds(base0 + (nch - 1) * ch, ch)],
            sw[i]).wait()
        if wops[1 - i] is not None:
            wops[1 - i].wait()

    return gk(table, eidx)



def _ec1_head_body(fT, g, st0, bg, bb, w0, scw, y_out, st_out):
    b = pl.program_id(0)
    fts, _, sc0, sh0 = _prep_center(fT[...].reshape(NS * P, FEAT), st0,
                                    bg[...], bb[...])
    gr = g[...].reshape(NS * PK, FEAT)
    gn = (gr * sc0 + sh0) * _mask_col(gr)
    y = _head_y(fts, gn, w0[...], FEAT, _dotT)
    y_out[...] = y.reshape(NS, PK, 32)
    sc1 = _dotT(fts, scw[...])
    _acc(st_out, b, _sums(y) + [(r + 2, v) for r, v in _sums(sc1)])


def _ec2_chain(o1, g, w0, ws, affs):
    fts = o1[...].reshape(NS * P, 32)
    gn = g[...].reshape(NS * PK, 32)
    y = _head_y(fts, gn, w0[...], 32, _dotD)
    for (a, sh), w in zip(affs, ws):
        y = _dotD(jnp.maximum(y * a + sh, 0.0), w[...])
    return y


def _make_ec2_stats(depth):
    def body(*refs):
        if depth == 1:
            o1, g, w0, st = refs
            ws, prior = [], []
        elif depth == 2:
            o1, g, w0, w1, stA, g0, b0, st = refs
            ws, prior = [w1], [(stA, g0, b0)]
        else:
            o1, g, w0, w1, w2, stA, g0, b0, stB, g1r, b1r, st = refs
            ws, prior = [w1, w2], [(stA, g0, b0), (stB, g1r, b1r)]
        b = pl.program_id(0)
        affs = [_affine(sa[0:1, 0:64], sa[1:2, 0:64], _NE, ga[...], ba[...])
                for (sa, ga, ba) in prior]
        y = _ec2_chain(o1, g, w0, ws, affs)
        _acc(st, b, _sums(y))
    return body


def _make_mid_body(dot):
    def _mid_body(y_in, stp, gam, bet, w, y_out, st_out):
        b = pl.program_id(0)
        c = w.shape[0]
        a, sh = _affine(stp[0:1, 0:c], stp[1:2, 0:c], _NE, gam[...], bet[...])
        h = jnp.maximum(y_in[...].reshape(NS * PK, c) * a + sh, 0.0)
        y = dot(h, w[...])
        y_out[...] = y.reshape(NS, PK, c)
        _acc(st_out, b, _sums(y))
    return _mid_body



def _p6_body(y3_in, fT, st0, bg, bb, stA, stC, g2r, b2r, scw, scg, scb, sc2w,
             out1_ref, idx2_ref, st2_ref):
    b = pl.program_id(0)
    a3, s3 = _affine(stC[0:1, 0:32], stC[1:2, 0:32], _NE, g2r[...], b2r[...])
    h3 = jnp.maximum(y3_in[...].reshape(NS * PK, 32) * a3 + s3, 0.0)
    fmean = _kmean(h3)
    fts, mcol, _, _ = _prep_center(fT[...].reshape(NS * P, FEAT), st0,
                                   bg[...], bb[...])
    sc1 = _dotT(fts, scw[...])
    asc, ssc = _affine(stA[2:3, 0:32], stA[3:4, 0:32], _NP, scg[...], scb[...])
    out1 = jnp.maximum(sc1 * asc + ssc + fmean, 0.0) * mcol
    out1_ref[...] = out1.reshape(NS, P, 32)
    ones = jnp.ones((1, 32), _F32)
    for s in range(NS):
        pts2 = out1[s * P:(s + 1) * P] + (1.0 - mcol[s * P:(s + 1) * P]) * 1e9
        gm = _dotT(pts2, pts2)
        xxr = _dotT(ones, pts2 * pts2)
        xxc = jnp.sum(pts2 * pts2, axis=1, keepdims=True)
        _topk_store((2.0 * gm - xxr) - xxc, idx2_ref, s, (b * NS + s) * P)
    sc2 = _dotD(out1, sc2w[...])
    _acc(st2_ref, b, _sums(sc2))



def _p11_body(o1, g, fT, w0, w1, w2, stA, g0, b0, stB, g1r, b1r,
              stC, g2r, b2r, stSC, scg, scb, sc2w, fwa, fwb,
              fz_ref, stF_ref):
    b = pl.program_id(0)
    mcol = _mask_col(fT[...].reshape(NS * P, FEAT))
    out1 = o1[...].reshape(NS * P, 32)
    affs = [_affine(stA[0:1, 0:64], stA[1:2, 0:64], _NE, g0[...], b0[...]),
            _affine(stB[0:1, 0:64], stB[1:2, 0:64], _NE, g1r[...], b1r[...])]
    y3 = _ec2_chain(o1, g, w0, [w1, w2], affs)
    a3, s3 = _affine(stC[0:1, 0:64], stC[1:2, 0:64], _NE, g2r[...], b2r[...])
    h3 = jnp.maximum(y3 * a3 + s3, 0.0)
    fmean = _kmean(h3)
    sc2 = _dotD(out1, sc2w[...])
    asc, ssc = _affine(stSC[0:1, 0:64], stSC[1:2, 0:64], _NP, scg[...],
                       scb[...])
    out2 = jnp.maximum(sc2 * asc + ssc + fmean, 0.0) * mcol
    fz = _dotD(out1, fwa[...]) + _dotD(out2, fwb[...])
    fz_ref[...] = fz.reshape(NS, P, 128)
    _acc(stF_ref, b, _sums(fz))



def _p12_body(fz_ref, fT_ref, stF, fg, fb, w1, b1, w2, b2, out_ref, xs):
    b = pl.program_id(0)
    a, sh = _affine(stF[0:1, :], stF[1:2, :], _NP, fg[...], fb[...])
    mcol = _mask_col(fT_ref[...].reshape(NS * P, FEAT))
    fused = jnp.maximum(fz_ref[...].reshape(NS * P, 128) * a + sh, 0.0) * mcol
    for s in range(NS):
        sl = slice(s * P, (s + 1) * P)
        cnt = jnp.maximum(jnp.sum(mcol[sl], axis=0, keepdims=True), 1.0)
        xs[pl.ds(b * NS + s, 1), :] = (
            jnp.sum(fused[sl], axis=0, keepdims=True) / cnt)

    @pl.when(b == GB - 1)
    def _():
        x = xs[...]
        h = jnp.maximum(_dotT(x, w1[...]) + b1[...], 0.0)
        out_ref[...] = _dotT(h, w2[...]) + b2[...]



def _c(shape):
    return pl.BlockSpec(shape, lambda b: tuple(0 for _ in shape))


def _s(shape):
    return pl.BlockSpec((NS,) + shape[1:],
                        lambda b: (b,) + (0,) * (len(shape) - 1))


_S88 = jax.ShapeDtypeStruct((8, 128), _F32)


def _y_shape(c):
    return jax.ShapeDtypeStruct((B, PK, c), _F32)


def kernel(points, features, bn_fts_g, bn_fts_b, ec1_w0, ec1_w1, ec1_w2,
           ec1_bn0_g, ec1_bn0_b, ec1_bn1_g, ec1_bn1_b, ec1_bn2_g, ec1_bn2_b,
           ec1_sc_w, ec1_sc_g, ec1_sc_b, ec2_w0, ec2_w1, ec2_w2,
           ec2_bn0_g, ec2_bn0_b, ec2_bn1_g, ec2_bn1_b, ec2_bn2_g, ec2_bn2_b,
           ec2_sc_w, ec2_sc_g, ec2_sc_b, fus_w, fus_g, fus_b,
           fc1_w, fc1_b, fc2_w, fc2_b):
    r1 = lambda v: v.reshape(1, -1)
    featT = jnp.transpose(features, (0, 2, 1))
    ptsT = jnp.transpose(points, (0, 2, 1))

    idx1, st0 = _pallas_call(
        _p1_body, grid=(GB,),
        in_specs=[_s((B, FEAT, P)), _s((B, P, FEAT)),
                  _s((B, COORD, P)), _s((B, P, COORD))],
        out_specs=[_s((B, P, K + 1)), _c((8, 128))],
        out_shape=[jax.ShapeDtypeStruct((B, P, K + 1), jnp.int32), _S88],
    )(features, featT, points, ptsT)

    eidx1 = idx1[:, :, 1:].transpose(0, 2, 1).reshape(E)
    g1 = _gather_rows(featT.reshape(B * P, FEAT), eidx1, FEAT)
    g1 = g1.reshape(B, PK, FEAT)

    bg, bb = r1(bn_fts_g), r1(bn_fts_b)
    ec1_bns = [r1(ec1_bn0_g), r1(ec1_bn0_b), r1(ec1_bn1_g), r1(ec1_bn1_b),
               r1(ec1_bn2_g), r1(ec1_bn2_b)]

    y1, stA1 = _pallas_call(
        _ec1_head_body, grid=(GB,),
        in_specs=[_s((B, P, FEAT)), _s((B, PK, FEAT)), _c((8, 128)),
                  _c((1, FEAT)), _c((1, FEAT)), _c((32, 32)), _c((32, FEAT))],
        out_specs=[_s((B, PK, 32)), _c((8, 128))],
        out_shape=[_y_shape(32), _S88],
    )(featT, g1, st0, bg, bb, ec1_w0, ec1_sc_w)

    def mid(y_in, stp, gam, bet, w, c, dot):
        return _pallas_call(
            _make_mid_body(dot), grid=(GB,),
            in_specs=[_s((B, PK, c)), _c((8, 128)), _c((1, c)),
                      _c((1, c)), _c((c, c))],
            out_specs=[_s((B, PK, c)), _c((8, 128))],
            out_shape=[_y_shape(c), _S88],
        )(y_in, stp, gam, bet, w)

    y2, stB1 = mid(y1, stA1, ec1_bns[0], ec1_bns[1], ec1_w1, 32, _dotT)
    y3, stC1 = mid(y2, stB1, ec1_bns[2], ec1_bns[3], ec1_w2, 32, _dotT)

    out1T, idx2, stSC2 = _pallas_call(
        _p6_body, grid=(GB,),
        in_specs=[_s((B, PK, 32)), _s((B, P, FEAT)), _c((8, 128)),
                  _c((1, FEAT)), _c((1, FEAT)), _c((8, 128)), _c((8, 128)),
                  _c((1, 32)), _c((1, 32)), _c((32, FEAT)), _c((1, 32)),
                  _c((1, 32)), _c((64, 32))],
        out_specs=[_s((B, P, 32)), _s((B, P, K + 1)), _c((8, 128))],
        out_shape=[jax.ShapeDtypeStruct((B, P, 32), _F32),
                   jax.ShapeDtypeStruct((B, P, K + 1), jnp.int32), _S88],
    )(y3, featT, st0, bg, bb, stA1, stC1, ec1_bns[4], ec1_bns[5],
      ec1_sc_w, r1(ec1_sc_g), r1(ec1_sc_b), ec2_sc_w)

    eidx2 = idx2[:, :, 1:].transpose(0, 2, 1).reshape(E)
    g2 = _gather_rows(out1T.reshape(B * P, 32), eidx2, 32)
    g2 = g2.reshape(B, PK, 32)

    ec2_bns = [r1(ec2_bn0_g), r1(ec2_bn0_b), r1(ec2_bn1_g), r1(ec2_bn1_b),
               r1(ec2_bn2_g), r1(ec2_bn2_b)]

    stA2 = _pallas_call(
        _make_ec2_stats(1), grid=(GB,),
        in_specs=[_s((B, P, 32)), _s((B, PK, 32)), _c((64, 64))],
        out_specs=_c((8, 128)), out_shape=_S88,
    )(out1T, g2, ec2_w0)

    stB2 = _pallas_call(
        _make_ec2_stats(2), grid=(GB,),
        in_specs=[_s((B, P, 32)), _s((B, PK, 32)), _c((64, 64)),
                  _c((64, 64)), _c((8, 128)), _c((1, 64)), _c((1, 64))],
        out_specs=_c((8, 128)), out_shape=_S88,
    )(out1T, g2, ec2_w0, ec2_w1, stA2, ec2_bns[0], ec2_bns[1])

    stC2 = _pallas_call(
        _make_ec2_stats(3), grid=(GB,),
        in_specs=[_s((B, P, 32)), _s((B, PK, 32)), _c((64, 64)),
                  _c((64, 64)), _c((64, 64)), _c((8, 128)), _c((1, 64)),
                  _c((1, 64)), _c((8, 128)), _c((1, 64)), _c((1, 64))],
        out_specs=_c((8, 128)), out_shape=_S88,
    )(out1T, g2, ec2_w0, ec2_w1, ec2_w2, stA2, ec2_bns[0], ec2_bns[1],
      stB2, ec2_bns[2], ec2_bns[3])

    fwa = fus_w[:, :32]
    fwb = fus_w[:, 32:]
    fz, stF = _pallas_call(
        _p11_body, grid=(GB,),
        in_specs=[_s((B, P, 32)), _s((B, PK, 32)), _s((B, P, FEAT)),
                  _c((64, 64)), _c((64, 64)), _c((64, 64)), _c((8, 128)),
                  _c((1, 64)), _c((1, 64)), _c((8, 128)), _c((1, 64)),
                  _c((1, 64)), _c((8, 128)), _c((1, 64)), _c((1, 64)),
                  _c((8, 128)), _c((1, 64)), _c((1, 64)), _c((64, 32)),
                  _c((128, 32)), _c((128, 64))],
        out_specs=[_s((B, P, 128)), _c((8, 128))],
        out_shape=[jax.ShapeDtypeStruct((B, P, 128), _F32), _S88],
    )(out1T, g2, featT, ec2_w0, ec2_w1, ec2_w2, stA2, ec2_bns[0],
      ec2_bns[1], stB2, ec2_bns[2], ec2_bns[3], stC2, ec2_bns[4],
      ec2_bns[5], stSC2, r1(ec2_sc_g), r1(ec2_sc_b), ec2_sc_w, fwa, fwb)

    logits = _pallas_call(
        _p12_body, grid=(GB,),
        in_specs=[_s((B, P, 128)), _s((B, P, FEAT)), _c((8, 128)),
                  _c((1, 128)), _c((1, 128)), _c((128, 128)), _c((1, 128)),
                  _c((NCLS, 128)), _c((1, NCLS))],
        out_specs=_c((B, NCLS)),
        out_shape=jax.ShapeDtypeStruct((B, NCLS), _F32),
        scratch_shapes=[pltpu.VMEM((B, 128), _F32)],
    )(fz, featT, stF, r1(fus_g), r1(fus_b), fc1_w, r1(fc1_b), fc2_w,
      r1(fc2_b))

    return logits

# --- scband reference (transcript-rebuilt; emitter-appended) ---
"""Pipeline reference for scband-particle-net-old-53712861003952 (READ-ONLY COPY).

The authoritative reference and input builder live on the scoring server;
editing this copy changes nothing except your own understanding.
"""

import jax, jax.numpy as jnp
import numpy as np

B, P, COORD, FEAT, NCLS, K = 128, 512, 3, 16, 10, 7

def setup_inputs(seed=0):
    key = jax.random.key(seed)
    ks = jax.random.split(key, 12)
    w = lambda k, s: (jax.random.normal(k, s, dtype=jnp.float32) * 0.05)
    inp = {}
    inp['points'] = jax.random.normal(ks[0], (B, COORD, P), dtype=jnp.float32)
    inp['features'] = jax.random.normal(ks[1], (B, FEAT, P), dtype=jnp.float32)
    inp['bn_fts_g'] = jnp.ones((FEAT,), jnp.float32)
    inp['bn_fts_b'] = jnp.zeros((FEAT,), jnp.float32)
    inp['ec1_w0'] = w(ks[2], (32, 32))
    inp['ec1_w1'] = w(ks[3], (32, 32))
    inp['ec1_w2'] = w(ks[4], (32, 32))
    for i in range(3):
        inp['ec1_bn%d_g' % i] = jnp.ones((32,), jnp.float32)
        inp['ec1_bn%d_b' % i] = jnp.zeros((32,), jnp.float32)
    inp['ec1_sc_w'] = w(ks[5], (32, 16))
    inp['ec1_sc_g'] = jnp.ones((32,), jnp.float32)
    inp['ec1_sc_b'] = jnp.zeros((32,), jnp.float32)
    inp['ec2_w0'] = w(ks[6], (64, 64))
    inp['ec2_w1'] = w(ks[7], (64, 64))
    inp['ec2_w2'] = w(ks[8], (64, 64))
    for i in range(3):
        inp['ec2_bn%d_g' % i] = jnp.ones((64,), jnp.float32)
        inp['ec2_bn%d_b' % i] = jnp.zeros((64,), jnp.float32)
    inp['ec2_sc_w'] = w(ks[9], (64, 32))
    inp['ec2_sc_g'] = jnp.ones((64,), jnp.float32)
    inp['ec2_sc_b'] = jnp.zeros((64,), jnp.float32)
    inp['fus_w'] = w(ks[10], (128, 96))
    inp['fus_g'] = jnp.ones((128,), jnp.float32)
    inp['fus_b'] = jnp.zeros((128,), jnp.float32)
    k11 = jax.random.split(ks[11], 2)
    inp['fc1_w'] = w(k11[0], (128, 128))
    inp['fc1_b'] = jnp.zeros((128,), jnp.float32)
    inp['fc2_w'] = w(k11[1], (NCLS, 128))
    inp['fc2_b'] = jnp.zeros((NCLS,), jnp.float32)
    return inp

def _bn(x, g, b, axes):
    m = jnp.mean(x, axis=axes, keepdims=True)
    v = jnp.var(x, axis=axes, keepdims=True)
    sh = [1] * x.ndim
    sh[1] = -1
    return (x - m) / jnp.sqrt(v + 1e-5) * g.reshape(sh) + b.reshape(sh)

def _knn(x, k):
    inner = -2.0 * jnp.einsum('bdp,bdq->bpq', x, x)
    xx = jnp.sum(x * x, axis=1, keepdims=True)
    pd = -xx - inner - jnp.swapaxes(xx, 1, 2)
    _, idx = jax.lax.top_k(pd, k + 1)
    return idx[:, :, 1:]

def _graph_feature(x, k, idx):
    b, d, p = x.shape
    xt = jnp.transpose(x, (0, 2, 1))
    fts = jax.vmap(lambda a, i: a[i])(xt, idx)
    fts = jnp.transpose(fts, (0, 3, 1, 2))
    xr = x[:, :, :, None]
    return jnp.concatenate([jnp.broadcast_to(xr, (b, d, p, k)), fts - xr], axis=1)

def _edge_conv(points, features, ws, gs, bs, sc_w, sc_g, sc_b, k):
    idx = _knn(points, k)
    x = _graph_feature(features, k, idx)
    for W, g, b in zip(ws, gs, bs):
        x = jnp.einsum('bcpk,oc->bopk', x, W)
        x = _bn(x, g, b, (0, 2, 3))
        x = jax.nn.relu(x)
    fts = jnp.mean(x, axis=-1)
    sc = jnp.einsum('bcp,oc->bop', features, sc_w)
    sc = _bn(sc, sc_g, sc_b, (0, 2))
    return jax.nn.relu(sc + fts)

def _forward(points, features, p):
    mask = (jnp.sum(jnp.abs(features), axis=1, keepdims=True) != 0).astype(jnp.float32)
    points = points * mask
    features = features * mask
    coord_shift = (1.0 - mask) * 1e9
    counts = jnp.maximum(jnp.sum(mask, axis=-1), 1.0)
    fts = _bn(features, p['bn_fts_g'], p['bn_fts_b'], (0, 2)) * mask
    out1 = _edge_conv(points + coord_shift, fts,
                      [p['ec1_w0'], p['ec1_w1'], p['ec1_w2']],
                      [p['ec1_bn0_g'], p['ec1_bn1_g'], p['ec1_bn2_g']],
                      [p['ec1_bn0_b'], p['ec1_bn1_b'], p['ec1_bn2_b']],
                      p['ec1_sc_w'], p['ec1_sc_g'], p['ec1_sc_b'], K) * mask
    out2 = _edge_conv(out1 + coord_shift, out1,
                      [p['ec2_w0'], p['ec2_w1'], p['ec2_w2']],
                      [p['ec2_bn0_g'], p['ec2_bn1_g'], p['ec2_bn2_g']],
                      [p['ec2_bn0_b'], p['ec2_bn1_b'], p['ec2_bn2_b']],
                      p['ec2_sc_w'], p['ec2_sc_g'], p['ec2_sc_b'], K) * mask
    fused = jnp.concatenate([out1, out2], axis=1)
    fused = jnp.einsum('bcp,oc->bop', fused, p['fus_w'])
    fused = jax.nn.relu(_bn(fused, p['fus_g'], p['fus_b'], (0, 2))) * mask
    x = jnp.sum(fused, axis=-1) / counts
    x = jax.nn.relu(x @ p['fc1_w'].T + p['fc1_b'])
    return x @ p['fc2_w'].T + p['fc2_b']

def reference(points, features, bn_fts_g, bn_fts_b,
              ec1_w0, ec1_w1, ec1_w2,
              ec1_bn0_g, ec1_bn0_b, ec1_bn1_g, ec1_bn1_b, ec1_bn2_g, ec1_bn2_b,
              ec1_sc_w, ec1_sc_g, ec1_sc_b,
              ec2_w0, ec2_w1, ec2_w2,
              ec2_bn0_g, ec2_bn0_b, ec2_bn1_g, ec2_bn1_b, ec2_bn2_g, ec2_bn2_b,
              ec2_sc_w, ec2_sc_g, ec2_sc_b,
              fus_w, fus_g, fus_b,
              fc1_w, fc1_b, fc2_w, fc2_b):
    p = {
        'bn_fts_g': bn_fts_g, 'bn_fts_b': bn_fts_b,
        'ec1_w0': ec1_w0, 'ec1_w1': ec1_w1, 'ec1_w2': ec1_w2,
        'ec1_bn0_g': ec1_bn0_g, 'ec1_bn0_b': ec1_bn0_b,
        'ec1_bn1_g': ec1_bn1_g, 'ec1_bn1_b': ec1_bn1_b,
        'ec1_bn2_g': ec1_bn2_g, 'ec1_bn2_b': ec1_bn2_b,
        'ec1_sc_w': ec1_sc_w, 'ec1_sc_g': ec1_sc_g, 'ec1_sc_b': ec1_sc_b,
        'ec2_w0': ec2_w0, 'ec2_w1': ec2_w1, 'ec2_w2': ec2_w2,
        'ec2_bn0_g': ec2_bn0_g, 'ec2_bn0_b': ec2_bn0_b,
        'ec2_bn1_g': ec2_bn1_g, 'ec2_bn1_b': ec2_bn1_b,
        'ec2_bn2_g': ec2_bn2_g, 'ec2_bn2_b': ec2_bn2_b,
        'ec2_sc_w': ec2_sc_w, 'ec2_sc_g': ec2_sc_g, 'ec2_sc_b': ec2_sc_b,
        'fus_w': fus_w, 'fus_g': fus_g, 'fus_b': fus_b,
        'fc1_w': fc1_w, 'fc1_b': fc1_b, 'fc2_w': fc2_w, 'fc2_b': fc2_b,
    }
    return _forward(points, features, p)

if __name__ == "__main__":
    import jax
    _d = setup_inputs()
    print(jax.jit(kernel)(*tuple(_d.values())))

</pallas_src>

<mosaic_0001>
#map = affine_map<(d0, d1) -> (0, 0)>
#map1 = affine_map<(d0, d1) -> (0)>
module attributes {stable_mosaic.version = 14 : i64} {
  func.func @gk(%arg0: i32, %arg1: i32, %arg2: memref<65536x16xf32, #tpu.memory_space<hbm>>, %arg3: memref<458752xi32, #tpu.memory_space<hbm>>, %arg4: memref<458752x16xf32, #tpu.memory_space<hbm>>, %arg5: memref<14336xi32, #tpu.memory_space<vmem>>, %arg6: memref<2048x16xf32, #tpu.memory_space<vmem>>, %arg7: memref<2048x16xf32, #tpu.memory_space<vmem>>, %arg8: memref<!tpu.dma_semaphore, #tpu.memory_space<semaphore_mem>>, %arg9: memref<!tpu.dma_semaphore, #tpu.memory_space<semaphore_mem>>, %arg10: memref<!tpu.dma_semaphore, #tpu.memory_space<semaphore_mem>>, %arg11: memref<!tpu.dma_semaphore, #tpu.memory_space<semaphore_mem>>) attributes {dimension_semantics = [#tpu.dimension_semantics<core_parallel>, #tpu.dimension_semantics<subcore_parallel>], iteration_bounds = array<i64: 2, 16>, scalar_prefetch = 0 : i64, scratch_operands = 7 : i64, tpu.core_type = #tpu.core_type<sc_vector_subcore>, window_params = [{transform_indices = #map}, {transform_indices = #map1}, {transform_indices = #map}]} {
    %mul3A = arith.constant 2 : i32
    %mul3A_0 = arith.muli %arg1, %mul3A : i32
    %add3A = arith.addi %mul3A_0, %arg0 : i32
    %mul3A_1 = arith.constant 14336 : i32
    %mul3A_2 = arith.muli %add3A, %mul3A_1 : i32
    "tpu.region"() ({
      %run_scoped3A = tpu.sem_alloc : memref<!tpu.dma_semaphore, #tpu.memory_space<semaphore_mem>>
      %dma_start3A_141 = tpu.memref_slice %arg3[%mul3A_2] : memref<458752xi32, #tpu.memory_space<hbm>> -> memref<14336xi32, #tpu.memory_space<hbm>>
      %dma_start3A_142 = tpu.memref_slice %arg3[%mul3A_2] : memref<458752xi32, #tpu.memory_space<hbm>> -> memref<14336xi32, #tpu.memory_space<hbm>>
      tpu.enqueue_dma source(%dma_start3A_142 : memref<14336xi32, #tpu.memory_space<hbm>>) target(%arg5 : memref<14336xi32, #tpu.memory_space<vmem>>) target_semaphore(%run_scoped3A : memref<!tpu.dma_semaphore, #tpu.memory_space<semaphore_mem>>)
      %dma_wait3A_143 = tpu.memref_slice %arg3[%mul3A_2] : memref<458752xi32, #tpu.memory_space<hbm>> -> memref<14336xi32, #tpu.memory_space<hbm>>
      %dma_wait3A_144 = tpu.memref_slice %arg3[%mul3A_2] : memref<458752xi32, #tpu.memory_space<hbm>> -> memref<14336xi32, #tpu.memory_space<hbm>>
      tpu.wait_dma2 semaphore(%run_scoped3A : memref<!tpu.dma_semaphore, #tpu.memory_space<semaphore_mem>>) src(%dma_wait3A_144 : memref<14336xi32, #tpu.memory_space<hbm>>) dst(%arg5 : memref<14336xi32, #tpu.memory_space<vmem>>)
      tpu.yield
    }) : () -> ()
    %dma_start3A = arith.constant 0 : i32
    %dma_start3A_3 = tpu.memref_slice %arg5[%dma_start3A] : memref<14336xi32, #tpu.memory_space<vmem>> -> memref<2048xi32, #tpu.memory_space<vmem>>
    %dma_start3A_4 = arith.constant 0 : i32
    %dma_start3A_5 = arith.constant 0 : i32
    %dma_start3A_6 = tpu.memref_slice %arg2[%dma_start3A_4, %dma_start3A_5] : memref<65536x16xf32, #tpu.memory_space<hbm>> -> memref<65536x16xf32, #tpu.memory_space<hbm>>
    tpu.enqueue_indirect_dma source(%dma_start3A_6 : memref<65536x16xf32, #tpu.memory_space<hbm>>) target(%arg6 : memref<2048x16xf32, #tpu.memory_space<vmem>>) offsets(%dma_start3A_3 : memref<2048xi32, #tpu.memory_space<vmem>>) semaphore(%arg8 : memref<!tpu.dma_semaphore, #tpu.memory_space<semaphore_mem>>)
    %dma_start3A_7 = arith.constant 2048 : i32
    %dma_start3A_8 = tpu.memref_slice %arg5[%dma_start3A_7] : memref<14336xi32, #tpu.memory_space<vmem>> -> memref<2048xi32, #tpu.memory_space<vmem>>
    %dma_start3A_9 = arith.constant 0 : i32
    %dma_start3A_10 = arith.constant 0 : i32
    %dma_start3A_11 = tpu.memref_slice %arg2[%dma_start3A_9, %dma_start3A_10] : memref<65536x16xf32, #tpu.memory_space<hbm>> -> memref<65536x16xf32, #tpu.memory_space<hbm>>
    tpu.enqueue_indirect_dma source(%dma_start3A_11 : memref<65536x16xf32, #tpu.memory_space<hbm>>) target(%arg7 : memref<2048x16xf32, #tpu.memory_space<vmem>>) offsets(%dma_start3A_8 : memref<2048xi32, #tpu.memory_space<vmem>>) semaphore(%arg9 : memref<!tpu.dma_semaphore, #tpu.memory_space<semaphore_mem>>)
    %dma_wait3A = arith.constant 0 : i32
    %dma_wait3A_12 = tpu.memref_slice %arg5[%dma_wait3A] : memref<14336xi32, #tpu.memory_space<vmem>> -> memref<2048xi32, #tpu.memory_space<vmem>>
    %dma_wait3A_13 = arith.constant 0 : i32
    %dma_wait3A_14 = arith.constant 0 : i32
    %dma_wait3A_15 = tpu.memref_slice %arg2[%dma_wait3A_13, %dma_wait3A_14] : memref<65536x16xf32, #tpu.memory_space<hbm>> -> memref<65536x16xf32, #tpu.memory_space<hbm>>
    tpu.wait_indirect_dma semaphore(%arg8 : memref<!tpu.dma_semaphore, #tpu.memory_space<semaphore_mem>>) src(%dma_wait3A_15 : memref<65536x16xf32, #tpu.memory_space<hbm>>) dst(%arg6 : memref<2048x16xf32, #tpu.memory_space<vmem>>)
    %add3A_16 = arith.constant 0 : i32
    %add3A_17 = arith.addi %mul3A_2, %add3A_16 : i32
    %dma_start3A_18 = arith.constant 0 : i32
    %dma_start3A_19 = tpu.memref_slice %arg4[%add3A_17, %dma_start3A_18] : memref<458752x16xf32, #tpu.memory_space<hbm>> -> memref<2048x16xf32, #tpu.memory_space<hbm>>
    %dma_start3A_20 = arith.constant 0 : i32
    %dma_start3A_21 = tpu.memref_slice %arg4[%add3A_17, %dma_start3A_20] : memref<458752x16xf32, #tpu.memory_space<hbm>> -> memref<2048x16xf32, #tpu.memory_space<hbm>>
    tpu.enqueue_dma source(%arg6 : memref<2048x16xf32, #tpu.memory_space<vmem>>) target(%dma_start3A_21 : memref<2048x16xf32, #tpu.memory_space<hbm>>) target_semaphore(%arg10 : memref<!tpu.dma_semaphore, #tpu.memory_space<semaphore_mem>>)
    %dma_wait3A_22 = arith.constant 0 : i32
    %dma_wait3A_23 = tpu.memref_slice %arg4[%add3A_17, %dma_wait3A_22] : memref<458752x16xf32, #tpu.memory_space<hbm>> -> memref<2048x16xf32, #tpu.memory_space<hbm>>
    %dma_wait3A_24 = arith.constant 0 : i32
    %dma_wait3A_25 = tpu.memref_slice %arg4[%add3A_17, %dma_wait3A_24] : memref<458752x16xf32, #tpu.memory_space<hbm>> -> memref<2048x16xf32, #tpu.memory_space<hbm>>
    tpu.wait_dma2 semaphore(%arg10 : memref<!tpu.dma_semaphore, #tpu.memory_space<semaphore_mem>>) src(%arg6 : memref<2048x16xf32, #tpu.memory_space<vmem>>) dst(%dma_wait3A_25 : memref<2048x16xf32, #tpu.memory_space<hbm>>)
    %dma_start3A_26 = arith.constant 4096 : i32
    %dma_start3A_27 = tpu.memref_slice %arg5[%dma_start3A_26] : memref<14336xi32, #tpu.memory_space<vmem>> -> memref<2048xi32, #tpu.memory_space<vmem>>
    %dma_start3A_28 = arith.constant 0 : i32
    %dma_start3A_29 = arith.constant 0 : i32
    %dma_start3A_30 = tpu.memref_slice %arg2[%dma_start3A_28, %dma_start3A_29] : memref<65536x16xf32, #tpu.memory_space<hbm>> -> memref<65536x16xf32, #tpu.memory_space<hbm>>
    tpu.enqueue_indirect_dma source(%dma_start3A_30 : memref<65536x16xf32, #tpu.memory_space<hbm>>) target(%arg6 : memref<2048x16xf32, #tpu.memory_space<vmem>>) offsets(%dma_start3A_27 : memref<2048xi32, #tpu.memory_space<vmem>>) semaphore(%arg8 : memref<!tpu.dma_semaphore, #tpu.memory_space<semaphore_mem>>)
    %dma_wait3A_31 = arith.constant 2048 : i32
    %dma_wait3A_32 = tpu.memref_slice %arg5[%dma_wait3A_31] : memref<14336xi32, #tpu.memory_space<vmem>> -> memref<2048xi32, #tpu.memory_space<vmem>>
    %dma_wait3A_33 = arith.constant 0 : i32
    %dma_wait3A_34 = arith.constant 0 : i32
    %dma_wait3A_35 = tpu.memref_slice %arg2[%dma_wait3A_33, %dma_wait3A_34] : memref<65536x16xf32, #tpu.memory_space<hbm>> -> memref<65536x16xf32, #tpu.memory_space<hbm>>
    tpu.wait_indirect_dma semaphore(%arg9 : memref<!tpu.dma_semaphore, #tpu.memory_space<semaphore_mem>>) src(%dma_wait3A_35 : memref<65536x16xf32, #tpu.memory_space<hbm>>) dst(%arg7 : memref<2048x16xf32, #tpu.memory_space<vmem>>)
    %add3A_36 = arith.constant 2048 : i32
    %add3A_37 = arith.addi %mul3A_2, %add3A_36 : i32
    %dma_start3A_38 = arith.constant 0 : i32
    %dma_start3A_39 = tpu.memref_slice %arg4[%add3A_37, %dma_start3A_38] : memref<458752x16xf32, #tpu.memory_space<hbm>> -> memref<2048x16xf32, #tpu.memory_space<hbm>>
    %dma_start3A_40 = arith.constant 0 : i32
    %dma_start3A_41 = tpu.memref_slice %arg4[%add3A_37, %dma_start3A_40] : memref<458752x16xf32, #tpu.memory_space<hbm>> -> memref<2048x16xf32, #tpu.memory_space<hbm>>
    tpu.enqueue_dma source(%arg7 : memref<2048x16xf32, #tpu.memory_space<vmem>>) target(%dma_start3A_41 : memref<2048x16xf32, #tpu.memory_space<hbm>>) target_semaphore(%arg11 : memref<!tpu.dma_semaphore, #tpu.memory_space<semaphore_mem>>)
    %dma_wait3A_42 = arith.constant 0 : i32
    %dma_wait3A_43 = tpu.memref_slice %arg4[%add3A_37, %dma_wait3A_42] : memref<458752x16xf32, #tpu.memory_space<hbm>> -> memref<2048x16xf32, #tpu.memory_space<hbm>>
    %dma_wait3A_44 = arith.constant 0 : i32
    %dma_wait3A_45 = tpu.memref_slice %arg4[%add3A_37, %dma_wait3A_44] : memref<458752x16xf32, #tpu.memory_space<hbm>> -> memref<2048x16xf32, #tpu.memory_space<hbm>>
    tpu.wait_dma2 semaphore(%arg11 : memref<!tpu.dma_semaphore, #tpu.memory_space<semaphore_mem>>) src(%arg7 : memref<2048x16xf32, #tpu.memory_space<vmem>>) dst(%dma_wait3A_45 : memref<2048x16xf32, #tpu.memory_space<hbm>>)
    %dma_start3A_46 = arith.constant 6144 : i32
    %dma_start3A_47 = tpu.memref_slice %arg5[%dma_start3A_46] : memref<14336xi32, #tpu.memory_space<vmem>> -> memref<2048xi32, #tpu.memory_space<vmem>>
    %dma_start3A_48 = arith.constant 0 : i32
    %dma_start3A_49 = arith.constant 0 : i32
    %dma_start3A_50 = tpu.memref_slice %arg2[%dma_start3A_48, %dma_start3A_49] : memref<65536x16xf32, #tpu.memory_space<hbm>> -> memref<65536x16xf32, #tpu.memory_space<hbm>>
    tpu.enqueue_indirect_dma source(%dma_start3A_50 : memref<65536x16xf32, #tpu.memory_space<hbm>>) target(%arg7 : memref<2048x16xf32, #tpu.memory_space<vmem>>) offsets(%dma_start3A_47 : memref<2048xi32, #tpu.memory_space<vmem>>) semaphore(%arg9 : memref<!tpu.dma_semaphore, #tpu.memory_space<semaphore_mem>>)
    %dma_wait3A_51 = arith.constant 4096 : i32
    %dma_wait3A_52 = tpu.memref_slice %arg5[%dma_wait3A_51] : memref<14336xi32, #tpu.memory_space<vmem>> -> memref<2048xi32, #tpu.memory_space<vmem>>
    %dma_wait3A_53 = arith.constant 0 : i32
    %dma_wait3A_54 = arith.constant 0 : i32
    %dma_wait3A_55 = tpu.memref_slice %arg2[%dma_wait3A_53, %dma_wait3A_54] : memref<65536x16xf32, #tpu.memory_space<hbm>> -> memref<65536x16xf32, #tpu.memory_space<hbm>>
    tpu.wait_indirect_dma semaphore(%arg8 : memref<!tpu.dma_semaphore, #tpu.memory_space<semaphore_mem>>) src(%dma_wait3A_55 : memref<65536x16xf32, #tpu.memory_space<hbm>>) dst(%arg6 : memref<2048x16xf32, #tpu.memory_space<vmem>>)
    %add3A_56 = arith.constant 4096 : i32
    %add3A_57 = arith.addi %mul3A_2, %add3A_56 : i32
    %dma_start3A_58 = arith.constant 0 : i32
    %dma_start3A_59 = tpu.memref_slice %arg4[%add3A_57, %dma_start3A_58] : memref<458752x16xf32, #tpu.memory_space<hbm>> -> memref<2048x16xf32, #tpu.memory_space<hbm>>
    %dma_start3A_60 = arith.constant 0 : i32
    %dma_start3A_61 = tpu.memref_slice %arg4[%add3A_57, %dma_start3A_60] : memref<458752x16xf32, #tpu.memory_space<hbm>> -> memref<2048x16xf32, #tpu.memory_space<hbm>>
    tpu.enqueue_dma source(%arg6 : memref<2048x16xf32, #tpu.memory_space<vmem>>) target(%dma_start3A_61 : memref<2048x16xf32, #tpu.memory_space<hbm>>) target_semaphore(%arg10 : memref<!tpu.dma_semaphore, #tpu.memory_space<semaphore_mem>>)
    %dma_wait3A_62 = arith.constant 0 : i32
    %dma_wait3A_63 = tpu.memref_slice %arg4[%add3A_57, %dma_wait3A_62] : memref<458752x16xf32, #tpu.memory_space<hbm>> -> memref<2048x16xf32, #tpu.memory_space<hbm>>
    %dma_wait3A_64 = arith.constant 0 : i32
    %dma_wait3A_65 = tpu.memref_slice %arg4[%add3A_57, %dma_wait3A_64] : memref<458752x16xf32, #tpu.memory_space<hbm>> -> memref<2048x16xf32, #tpu.memory_space<hbm>>
    tpu.wait_dma2 semaphore(%arg10 : memref<!tpu.dma_semaphore, #tpu.memory_space<semaphore_mem>>) src(%arg6 : memref<2048x16xf32, #tpu.memory_space<vmem>>) dst(%dma_wait3A_65 : memref<2048x16xf32, #tpu.memory_space<hbm>>)
    %dma_start3A_66 = arith.constant 8192 : i32
    %dma_start3A_67 = tpu.memref_slice %arg5[%dma_start3A_66] : memref<14336xi32, #tpu.memory_space<vmem>> -> memref<2048xi32, #tpu.memory_space<vmem>>
    %dma_start3A_68 = arith.constant 0 : i32
    %dma_start3A_69 = arith.constant 0 : i32
    %dma_start3A_70 = tpu.memref_slice %arg2[%dma_start3A_68, %dma_start3A_69] : memref<65536x16xf32, #tpu.memory_space<hbm>> -> memref<65536x16xf32, #tpu.memory_space<hbm>>
    tpu.enqueue_indirect_dma source(%dma_start3A_70 : memref<65536x16xf32, #tpu.memory_space<hbm>>) target(%arg6 : memref<2048x16xf32, #tpu.memory_space<vmem>>) offsets(%dma_start3A_67 : memref<2048xi32, #tpu.memory_space<vmem>>) semaphore(%arg8 : memref<!tpu.dma_semaphore, #tpu.memory_space<semaphore_mem>>)
    %dma_wait3A_71 = arith.constant 6144 : i32
    %dma_wait3A_72 = tpu.memref_slice %arg5[%dma_wait3A_71] : memref<14336xi32, #tpu.memory_space<vmem>> -> memref<2048xi32, #tpu.memory_space<vmem>>
    %dma_wait3A_73 = arith.constant 0 : i32
    %dma_wait3A_74 = arith.constant 0 : i32
    %dma_wait3A_75 = tpu.memref_slice %arg2[%dma_wait3A_73, %dma_wait3A_74] : memref<65536x16xf32, #tpu.memory_space<hbm>> -> memref<65536x16xf32, #tpu.memory_space<hbm>>
    tpu.wait_indirect_dma semaphore(%arg9 : memref<!tpu.dma_semaphore, #tpu.memory_space<semaphore_mem>>) src(%dma_wait3A_75 : memref<65536x16xf32, #tpu.memory_space<hbm>>) dst(%arg7 : memref<2048x16xf32, #tpu.memory_space<vmem>>)
    %add3A_76 = arith.constant 6144 : i32
    %add3A_77 = arith.addi %mul3A_2, %add3A_76 : i32
    %dma_start3A_78 = arith.constant 0 : i32
    %dma_start3A_79 = tpu.memref_slice %arg4[%add3A_77, %dma_start3A_78] : memref<458752x16xf32, #tpu.memory_space<hbm>> -> memref<2048x16xf32, #tpu.memory_space<hbm>>
    %dma_start3A_80 = arith.constant 0 : i32
    %dma_start3A_81 = tpu.memref_slice %arg4[%add3A_77, %dma_start3A_80] : memref<458752x16xf32, #tpu.memory_space<hbm>> -> memref<2048x16xf32, #tpu.memory_space<hbm>>
    tpu.enqueue_dma source(%arg7 : memref<2048x16xf32, #tpu.memory_space<vmem>>) target(%dma_start3A_81 : memref<2048x16xf32, #tpu.memory_space<hbm>>) target_semaphore(%arg11 : memref<!tpu.dma_semaphore, #tpu.memory_space<semaphore_mem>>)
    %dma_wait3A_82 = arith.constant 0 : i32
    %dma_wait3A_83 = tpu.memref_slice %arg4[%add3A_77, %dma_wait3A_82] : memref<458752x16xf32, #tpu.memory_space<hbm>> -> memref<2048x16xf32, #tpu.memory_space<hbm>>
    %dma_wait3A_84 = arith.constant 0 : i32
    %dma_wait3A_85 = tpu.memref_slice %arg4[%add3A_77, %dma_wait3A_84] : memref<458752x16xf32, #tpu.memory_space<hbm>> -> memref<2048x16xf32, #tpu.memory_space<hbm>>
    tpu.wait_dma2 semaphore(%arg11 : memref<!tpu.dma_semaphore, #tpu.memory_space<semaphore_mem>>) src(%arg7 : memref<2048x16xf32, #tpu.memory_space<vmem>>) dst(%dma_wait3A_85 : memref<2048x16xf32, #tpu.memory_space<hbm>>)
    %dma_start3A_86 = arith.constant 10240 : i32
    %dma_start3A_87 = tpu.memref_slice %arg5[%dma_start3A_86] : memref<14336xi32, #tpu.memory_space<vmem>> -> memref<2048xi32, #tpu.memory_space<vmem>>
    %dma_start3A_88 = arith.constant 0 : i32
    %dma_start3A_89 = arith.constant 0 : i32
    %dma_start3A_90 = tpu.memref_slice %arg2[%dma_start3A_88, %dma_start3A_89] : memref<65536x16xf32, #tpu.memory_space<hbm>> -> memref<65536x16xf32, #tpu.memory_space<hbm>>
    tpu.enqueue_indirect_dma source(%dma_start3A_90 : memref<65536x16xf32, #tpu.memory_space<hbm>>) target(%arg7 : memref<2048x16xf32, #tpu.memory_space<vmem>>) offsets(%dma_start3A_87 : memref<2048xi32, #tpu.memory_space<vmem>>) semaphore(%arg9 : memref<!tpu.dma_semaphore, #tpu.memory_space<semaphore_mem>>)
    %dma_wait3A_91 = arith.constant 8192 : i32
    %dma_wait3A_92 = tpu.memref_slice %arg5[%dma_wait3A_91] : memref<14336xi32, #tpu.memory_space<vmem>> -> memref<2048xi32, #tpu.memory_space<vmem>>
    %dma_wait3A_93 = arith.constant 0 : i32
    %dma_wait3A_94 = arith.constant 0 : i32
    %dma_wait3A_95 = tpu.memref_slice %arg2[%dma_wait3A_93, %dma_wait3A_94] : memref<65536x16xf32, #tpu.memory_space<hbm>> -> memref<65536x16xf32, #tpu.memory_space<hbm>>
    tpu.wait_indirect_dma semaphore(%arg8 : memref<!tpu.dma_semaphore, #tpu.memory_space<semaphore_mem>>) src(%dma_wait3A_95 : memref<65536x16xf32, #tpu.memory_space<hbm>>) dst(%arg6 : memref<2048x16xf32, #tpu.memory_space<vmem>>)
    %add3A_96 = arith.constant 8192 : i32
    %add3A_97 = arith.addi %mul3A_2, %add3A_96 : i32
    %dma_start3A_98 = arith.constant 0 : i32
    %dma_start3A_99 = tpu.memref_slice %arg4[%add3A_97, %dma_start3A_98] : memref<458752x16xf32, #tpu.memory_space<hbm>> -> memref<2048x16xf32, #tpu.memory_space<hbm>>
    %dma_start3A_100 = arith.constant 0 : i32
    %dma_start3A_101 = tpu.memref_slice %arg4[%add3A_97, %dma_start3A_100] : memref<458752x16xf32, #tpu.memory_space<hbm>> -> memref<2048x16xf32, #tpu.memory_space<hbm>>
    tpu.enqueue_dma source(%arg6 : memref<2048x16xf32, #tpu.memory_space<vmem>>) target(%dma_start3A_101 : memref<2048x16xf32, #tpu.memory_space<hbm>>) target_semaphore(%arg10 : memref<!tpu.dma_semaphore, #tpu.memory_space<semaphore_mem>>)
    %dma_wait3A_102 = arith.constant 0 : i32
    %dma_wait3A_103 = tpu.memref_slice %arg4[%add3A_97, %dma_wait3A_102] : memref<458752x16xf32, #tpu.memory_space<hbm>> -> memref<2048x16xf32, #tpu.memory_space<hbm>>
    %dma_wait3A_104 = arith.constant 0 : i32
    %dma_wait3A_105 = tpu.memref_slice %arg4[%add3A_97, %dma_wait3A_104] : memref<458752x16xf32, #tpu.memory_space<hbm>> -> memref<2048x16xf32, #tpu.memory_space<hbm>>
    tpu.wait_dma2 semaphore(%arg10 : memref<!tpu.dma_semaphore, #tpu.memory_space<semaphore_mem>>) src(%arg6 : memref<2048x16xf32, #tpu.memory_space<vmem>>) dst(%dma_wait3A_105 : memref<2048x16xf32, #tpu.memory_space<hbm>>)
    %dma_start3A_106 = arith.constant 12288 : i32
    %dma_start3A_107 = tpu.memref_slice %arg5[%dma_start3A_106] : memref<14336xi32, #tpu.memory_space<vmem>> -> memref<2048xi32, #tpu.memory_space<vmem>>
    %dma_start3A_108 = arith.constant 0 : i32
    %dma_start3A_109 = arith.constant 0 : i32
    %dma_start3A_110 = tpu.memref_slice %arg2[%dma_start3A_108, %dma_start3A_109] : memref<65536x16xf32, #tpu.memory_space<hbm>> -> memref<65536x16xf32, #tpu.memory_space<hbm>>
    tpu.enqueue_indirect_dma source(%dma_start3A_110 : memref<65536x16xf32, #tpu.memory_space<hbm>>) target(%arg6 : memref<2048x16xf32, #tpu.memory_space<vmem>>) offsets(%dma_start3A_107 : memref<2048xi32, #tpu.memory_space<vmem>>) semaphore(%arg8 : memref<!tpu.dma_semaphore, #tpu.memory_space<semaphore_mem>>)
    %dma_wait3A_111 = arith.constant 10240 : i32
    %dma_wait3A_112 = tpu.memref_slice %arg5[%dma_wait3A_111] : memref<14336xi32, #tpu.memory_space<vmem>> -> memref<2048xi32, #tpu.memory_space<vmem>>
    %dma_wait3A_113 = arith.constant 0 : i32
    %dma_wait3A_114 = arith.constant 0 : i32
    %dma_wait3A_115 = tpu.memref_slice %arg2[%dma_wait3A_113, %dma_wait3A_114] : memref<65536x16xf32, #tpu.memory_space<hbm>> -> memref<65536x16xf32, #tpu.memory_space<hbm>>
    tpu.wait_indirect_dma semaphore(%arg9 : memref<!tpu.dma_semaphore, #tpu.memory_space<semaphore_mem>>) src(%dma_wait3A_115 : memref<65536x16xf32, #tpu.memory_space<hbm>>) dst(%arg7 : memref<2048x16xf32, #tpu.memory_space<vmem>>)
    %add3A_116 = arith.constant 10240 : i32
    %add3A_117 = arith.addi %mul3A_2, %add3A_116 : i32
    %dma_start3A_118 = arith.constant 0 : i32
    %dma_start3A_119 = tpu.memref_slice %arg4[%add3A_117, %dma_start3A_118] : memref<458752x16xf32, #tpu.memory_space<hbm>> -> memref<2048x16xf32, #tpu.memory_space<hbm>>
    %dma_start3A_120 = arith.constant 0 : i32
    %dma_start3A_121 = tpu.memref_slice %arg4[%add3A_117, %dma_start3A_120] : memref<458752x16xf32, #tpu.memory_space<hbm>> -> memref<2048x16xf32, #tpu.memory_space<hbm>>
    tpu.enqueue_dma source(%arg7 : memref<2048x16xf32, #tpu.memory_space<vmem>>) target(%dma_start3A_121 : memref<2048x16xf32, #tpu.memory_space<hbm>>) target_semaphore(%arg11 : memref<!tpu.dma_semaphore, #tpu.memory_space<semaphore_mem>>)
    %dma_wait3A_122 = arith.constant 12288 : i32
    %dma_wait3A_123 = tpu.memref_slice %arg5[%dma_wait3A_122] : memref<14336xi32, #tpu.memory_space<vmem>> -> memref<2048xi32, #tpu.memory_space<vmem>>
    %dma_wait3A_124 = arith.constant 0 : i32
    %dma_wait3A_125 = arith.constant 0 : i32
    %dma_wait3A_126 = tpu.memref_slice %arg2[%dma_wait3A_124, %dma_wait3A_125] : memref<65536x16xf32, #tpu.memory_space<hbm>> -> memref<65536x16xf32, #tpu.memory_space<hbm>>
    tpu.wait_indirect_dma semaphore(%arg8 : memref<!tpu.dma_semaphore, #tpu.memory_space<semaphore_mem>>) src(%dma_wait3A_126 : memref<65536x16xf32, #tpu.memory_space<hbm>>) dst(%arg6 : memref<2048x16xf32, #tpu.memory_space<vmem>>)
    %add3A_127 = arith.constant 12288 : i32
    %add3A_128 = arith.addi %mul3A_2, %add3A_127 : i32
    %dma_start3A_129 = arith.constant 0 : i32
    %dma_start3A_130 = tpu.memref_slice %arg4[%add3A_128, %dma_start3A_129] : memref<458752x16xf32, #tpu.memory_space<hbm>> -> memref<2048x16xf32, #tpu.memory_space<hbm>>
    %dma_start3A_131 = arith.constant 0 : i32
    %dma_start3A_132 = tpu.memref_slice %arg4[%add3A_128, %dma_start3A_131] : memref<458752x16xf32, #tpu.memory_space<hbm>> -> memref<2048x16xf32, #tpu.memory_space<hbm>>
    tpu.enqueue_dma source(%arg6 : memref<2048x16xf32, #tpu.memory_space<vmem>>) target(%dma_start3A_132 : memref<2048x16xf32, #tpu.memory_space<hbm>>) target_semaphore(%arg10 : memref<!tpu.dma_semaphore, #tpu.memory_space<semaphore_mem>>)
    %dma_wait3A_133 = arith.constant 0 : i32
    %dma_wait3A_134 = tpu.memref_slice %arg4[%add3A_128, %dma_wait3A_133] : memref<458752x16xf32, #tpu.memory_space<hbm>> -> memref<2048x16xf32, #tpu.memory_space<hbm>>
    %dma_wait3A_135 = arith.constant 0 : i32
    %dma_wait3A_136 = tpu.memref_slice %arg4[%add3A_128, %dma_wait3A_135] : memref<458752x16xf32, #tpu.memory_space<hbm>> -> memref<2048x16xf32, #tpu.memory_space<hbm>>
    tpu.wait_dma2 semaphore(%arg10 : memref<!tpu.dma_semaphore, #tpu.memory_space<semaphore_mem>>) src(%arg6 : memref<2048x16xf32, #tpu.memory_space<vmem>>) dst(%dma_wait3A_136 : memref<2048x16xf32, #tpu.memory_space<hbm>>)
    %dma_wait3A_137 = arith.constant 0 : i32
    %dma_wait3A_138 = tpu.memref_slice %arg4[%add3A_117, %dma_wait3A_137] : memref<458752x16xf32, #tpu.memory_space<hbm>> -> memref<2048x16xf32, #tpu.memory_space<hbm>>
    %dma_wait3A_139 = arith.constant 0 : i32
    %dma_wait3A_140 = tpu.memref_slice %arg4[%add3A_117, %dma_wait3A_139] : memref<458752x16xf32, #tpu.memory_space<hbm>> -> memref<2048x16xf32, #tpu.memory_space<hbm>>
    tpu.wait_dma2 semaphore(%arg11 : memref<!tpu.dma_semaphore, #tpu.memory_space<semaphore_mem>>) src(%arg7 : memref<2048x16xf32, #tpu.memory_space<vmem>>) dst(%dma_wait3A_140 : memref<2048x16xf32, #tpu.memory_space<hbm>>)
    return
  }
}

#map = affine_map<(d0, d1) -> (0, 0)>
#map1 = affine_map<(d0, d1) -> (0)>
module attributes {stable_mosaic.version = 14 : i64} {
  func.func @gk(%arg0: i32, %arg1: i32, %arg2: memref<65536x32xf32, #tpu.memory_space<hbm>>, %arg3: memref<458752xi32, #tpu.memory_space<hbm>>, %arg4: memref<458752x32xf32, #tpu.memory_space<hbm>>, %arg5: memref<14336xi32, #tpu.memory_space<vmem>>, %arg6: memref<1024x32xf32, #tpu.memory_space<vmem>>, %arg7: memref<1024x32xf32, #tpu.memory_space<vmem>>, %arg8: memref<!tpu.dma_semaphore, #tpu.memory_space<semaphore_mem>>, %arg9: memref<!tpu.dma_semaphore, #tpu.memory_space<semaphore_mem>>, %arg10: memref<!tpu.dma_semaphore, #tpu.memory_space<semaphore_mem>>, %arg11: memref<!tpu.dma_semaphore, #tpu.memory_space<semaphore_mem>>) attributes {dimension_semantics = [#tpu.dimension_semantics<core_parallel>, #tpu.dimension_semantics<subcore_parallel>], iteration_bounds = array<i64: 2, 16>, scalar_prefetch = 0 : i64, scratch_operands = 7 : i64, tpu.core_type = #tpu.core_type<sc_vector_subcore>, window_params = [{transform_indices = #map}, {transform_indices = #map1}, {transform_indices = #map}]} {
    %mul3A = arith.constant 2 : i32
    %mul3A_0 = arith.muli %arg1, %mul3A : i32
    %add3A = arith.addi %mul3A_0, %arg0 : i32
    %mul3A_1 = arith.constant 14336 : i32
    %mul3A_2 = arith.muli %add3A, %mul3A_1 : i32
    "tpu.region"() ({
      %run_scoped3A = tpu.sem_alloc : memref<!tpu.dma_semaphore, #tpu.memory_space<semaphore_mem>>
      %dma_start3A_281 = tpu.memref_slice %arg3[%mul3A_2] : memref<458752xi32, #tpu.memory_space<hbm>> -> memref<14336xi32, #tpu.memory_space<hbm>>
      %dma_start3A_282 = tpu.memref_slice %arg3[%mul3A_2] : memref<458752xi32, #tpu.memory_space<hbm>> -> memref<14336xi32, #tpu.memory_space<hbm>>
      tpu.enqueue_dma source(%dma_start3A_282 : memref<14336xi32, #tpu.memory_space<hbm>>) target(%arg5 : memref<14336xi32, #tpu.memory_space<vmem>>) target_semaphore(%run_scoped3A : memref<!tpu.dma_semaphore, #tpu.memory_space<semaphore_mem>>)
      %dma_wait3A_283 = tpu.memref_slice %arg3[%mul3A_2] : memref<458752xi32, #tpu.memory_space<hbm>> -> memref<14336xi32, #tpu.memory_space<hbm>>
      %dma_wait3A_284 = tpu.memref_slice %arg3[%mul3A_2] : memref<458752xi32, #tpu.memory_space<hbm>> -> memref<14336xi32, #tpu.memory_space<hbm>>
      tpu.wait_dma2 semaphore(%run_scoped3A : memref<!tpu.dma_semaphore, #tpu.memory_space<semaphore_mem>>) src(%dma_wait3A_284 : memref<14336xi32, #tpu.memory_space<hbm>>) dst(%arg5 : memref<14336xi32, #tpu.memory_space<vmem>>)
      tpu.yield
    }) : () -> ()
    %dma_start3A = arith.constant 0 : i32
    %dma_start3A_3 = tpu.memref_slice %arg5[%dma_start3A] : memref<14336xi32, #tpu.memory_space<vmem>> -> memref<1024xi32, #tpu.memory_space<vmem>>
    %dma_start3A_4 = arith.constant 0 : i32
    %dma_start3A_5 = arith.constant 0 : i32
    %dma_start3A_6 = tpu.memref_slice %arg2[%dma_start3A_4, %dma_start3A_5] : memref<65536x32xf32, #tpu.memory_space<hbm>> -> memref<65536x32xf32, #tpu.memory_space<hbm>>
    tpu.enqueue_indirect_dma source(%dma_start3A_6 : memref<65536x32xf32, #tpu.memory_space<hbm>>) target(%arg6 : memref<1024x32xf32, #tpu.memory_space<vmem>>) offsets(%dma_start3A_3 : memref<1024xi32, #tpu.memory_space<vmem>>) semaphore(%arg8 : memref<!tpu.dma_semaphore, #tpu.memory_space<semaphore_mem>>)
    %dma_start3A_7 = arith.constant 1024 : i32
    %dma_start3A_8 = tpu.memref_slice %arg5[%dma_start3A_7] : memref<14336xi32, #tpu.memory_space<vmem>> -> memref<1024xi32, #tpu.memory_space<vmem>>
    %dma_start3A_9 = arith.constant 0 : i32
    %dma_start3A_10 = arith.constant 0 : i32
    %dma_start3A_11 = tpu.memref_slice %arg2[%dma_start3A_9, %dma_start3A_10] : memref<65536x32xf32, #tpu.memory_space<hbm>> -> memref<65536x32xf32, #tpu.memory_space<hbm>>
    tpu.enqueue_indirect_dma source(%dma_start3A_11 : memref<65536x32xf32, #tpu.memory_space<hbm>>) target(%arg7 : memref<1024x32xf32, #tpu.memory_space<vmem>>) offsets(%dma_start3A_8 : memref<1024xi32, #tpu.memory_space<vmem>>) semaphore(%arg9 : memref<!tpu.dma_semaphore, #tpu.memory_space<semaphore_mem>>)
    %dma_wait3A = arith.constant 0 : i32
    %dma_wait3A_12 = tpu.memref_slice %arg5[%dma_wait3A] : memref<14336xi32, #tpu.memory_space<vmem>> -> memref<1024xi32, #tpu.memory_space<vmem>>
    %dma_wait3A_13 = arith.constant 0 : i32
    %dma_wait3A_14 = arith.constant 0 : i32
    %dma_wait3A_15 = tpu.memref_slice %arg2[%dma_wait3A_13, %dma_wait3A_14] : memref<65536x32xf32, #tpu.memory_space<hbm>> -> memref<65536x32xf32, #tpu.memory_space<hbm>>
    tpu.wait_indirect_dma semaphore(%arg8 : memref<!tpu.dma_semaphore, #tpu.memory_space<semaphore_mem>>) src(%dma_wait3A_15 : memref<65536x32xf32, #tpu.memory_space<hbm>>) dst(%arg6 : memref<1024x32xf32, #tpu.memory_space<vmem>>)
    %add3A_16 = arith.constant 0 : i32
    %add3A_17 = arith.addi %mul3A_2, %add3A_16 : i32
    %dma_start3A_18 = arith.constant 0 : i32
    %dma_start3A_19 = tpu.memref_slice %arg4[%add3A_17, %dma_start3A_18] : memref<458752x32xf32, #tpu.memory_space<hbm>> -> memref<1024x32xf32, #tpu.memory_space<hbm>>
    %dma_start3A_20 = arith.constant 0 : i32
    %dma_start3A_21 = tpu.memref_slice %arg4[%add3A_17, %dma_start3A_20] : memref<458752x32xf32, #tpu.memory_space<hbm>> -> memref<1024x32xf32, #tpu.memory_space<hbm>>
    tpu.enqueue_dma source(%arg6 : memref<1024x32xf32, #tpu.memory_space<vmem>>) target(%dma_start3A_21 : memref<1024x32xf32, #tpu.memory_space<hbm>>) target_semaphore(%arg10 : memref<!tpu.dma_semaphore, #tpu.memory_space<semaphore_mem>>)
    %dma_wait3A_22 = arith.constant 0 : i32
    %dma_wait3A_23 = tpu.memref_slice %arg4[%add3A_17, %dma_wait3A_22] : memref<458752x32xf32, #tpu.memory_space<hbm>> -> memref<1024x32xf32, #tpu.memory_space<hbm>>
    %dma_wait3A_24 = arith.constant 0 : i32
    %dma_wait3A_25 = tpu.memref_slice %arg4[%add3A_17, %dma_wait3A_24] : memref<458752x32xf32, #tpu.memory_space<hbm>> -> memref<1024x32xf32, #tpu.memory_space<hbm>>
    tpu.wait_dma2 semaphore(%arg10 : memref<!tpu.dma_semaphore, #tpu.memory_space<semaphore_mem>>) src(%arg6 : memref<1024x32xf32, #tpu.memory_space<vmem>>) dst(%dma_wait3A_25 : memref<1024x32xf32, #tpu.memory_space<hbm>>)
    %dma_start3A_26 = arith.constant 2048 : i32
    %dma_start3A_27 = tpu.memref_slice %arg5[%dma_start3A_26] : memref<14336xi32, #tpu.memory_space<vmem>> -> memref<1024xi32, #tpu.memory_space<vmem>>
    %dma_start3A_28 = arith.constant 0 : i32
    %dma_start3A_29 = arith.constant 0 : i32
    %dma_start3A_30 = tpu.memref_slice %arg2[%dma_start3A_28, %dma_start3A_29] : memref<65536x32xf32, #tpu.memory_space<hbm>> -> memref<65536x32xf32, #tpu.memory_space<hbm>>
    tpu.enqueue_indirect_dma source(%dma_start3A_30 : memref<65536x32xf32, #tpu.memory_space<hbm>>) target(%arg6 : memref<1024x32xf32, #tpu.memory_space<vmem>>) offsets(%dma_start3A_27 : memref<1024xi32, #tpu.memory_space<vmem>>) semaphore(%arg8 : memref<!tpu.dma_semaphore, #tpu.memory_space<semaphore_mem>>)
    %dma_wait3A_31 = arith.constant 1024 : i32
    %dma_wait3A_32 = tpu.memref_slice %arg5[%dma_wait3A_31] : memref<14336xi32, #tpu.memory_space<vmem>> -> memref<1024xi32, #tpu.memory_space<vmem>>
    %dma_wait3A_33 = arith.constant 0 : i32
    %dma_wait3A_34 = arith.constant 0 : i32
    %dma_wait3A_35 = tpu.memref_slice %arg2[%dma_wait3A_33, %dma_wait3A_34] : memref<65536x32xf32, #tpu.memory_space<hbm>> -> memref<65536x32xf32, #tpu.memory_space<hbm>>
    tpu.wait_indirect_dma semaphore(%arg9 : memref<!tpu.dma_semaphore, #tpu.memory_space<semaphore_mem>>) src(%dma_wait3A_35 : memref<65536x32xf32, #tpu.memory_space<hbm>>) dst(%arg7 : memref<1024x32xf32, #tpu.memory_space<vmem>>)
    %add3A_36 = arith.constant 1024 : i32
    %add3A_37 = arith.addi %mul3A_2, %add3A_36 : i32
    %dma_start3A_38 = arith.constant 0 : i32
    %dma_start3A_39 = tpu.memref_slice %arg4[%add3A_37, %dma_start3A_38] : memref<458752x32xf32, #tpu.memory_space<hbm>> -> memref<1024x32xf32, #tpu.memory_space<hbm>>
    %dma_start3A_40 = arith.constant 0 : i32
    %dma_start3A_41 = tpu.memref_slice %arg4[%add3A_37, %dma_start3A_40] : memref<458752x32xf32, #tpu.memory_space<hbm>> -> memref<1024x32xf32, #tpu.memory_space<hbm>>
    tpu.enqueue_dma source(%arg7 : memref<1024x32xf32, #tpu.memory_space<vmem>>) target(%dma_start3A_41 : memref<1024x32xf32, #tpu.memory_space<hbm>>) target_semaphore(%arg11 : memref<!tpu.dma_semaphore, #tpu.memory_space<semaphore_mem>>)
    %dma_wait3A_42 = arith.constant 0 : i32
    %dma_wait3A_43 = tpu.memref_slice %arg4[%add3A_37, %dma_wait3A_42] : memref<458752x32xf32, #tpu.memory_space<hbm>> -> memref<1024x32xf32, #tpu.memory_space<hbm>>
    %dma_wait3A_44 = arith.constant 0 : i32
    %dma_wait3A_45 = tpu.memref_slice %arg4[%add3A_37, %dma_wait3A_44] : memref<458752x32xf32, #tpu.memory_space<hbm>> -> memref<1024x32xf32, #tpu.memory_space<hbm>>
    tpu.wait_dma2 semaphore(%arg11 : memref<!tpu.dma_semaphore, #tpu.memory_space<semaphore_mem>>) src(%arg7 : memref<1024x32xf32, #tpu.memory_space<vmem>>) dst(%dma_wait3A_45 : memref<1024x32xf32, #tpu.memory_space<hbm>>)
    %dma_start3A_46 = arith.constant 3072 : i32
    %dma_start3A_47 = tpu.memref_slice %arg5[%dma_start3A_46] : memref<14336xi32, #tpu.memory_space<vmem>> -> memref<1024xi32, #tpu.memory_space<vmem>>
    %dma_start3A_48 = arith.constant 0 : i32
    %dma_start3A_49 = arith.constant 0 : i32
    %dma_start3A_50 = tpu.memref_slice %arg2[%dma_start3A_48, %dma_start3A_49] : memref<65536x32xf32, #tpu.memory_space<hbm>> -> memref<65536x32xf32, #tpu.memory_space<hbm>>
    tpu.enqueue_indirect_dma source(%dma_start3A_50 : memref<65536x32xf32, #tpu.memory_space<hbm>>) target(%arg7 : memref<1024x32xf32, #tpu.memory_space<vmem>>) offsets(%dma_start3A_47 : memref<1024xi32, #tpu.memory_space<vmem>>) semaphore(%arg9 : memref<!tpu.dma_semaphore, #tpu.memory_space<semaphore_mem>>)
    %dma_wait3A_51 = arith.constant 2048 : i32
    %dma_wait3A_52 = tpu.memref_slice %arg5[%dma_wait3A_51] : memref<14336xi32, #tpu.memory_space<vmem>> -> memref<1024xi32, #tpu.memory_space<vmem>>
    %dma_wait3A_53 = arith.constant 0 : i32
    %dma_wait3A_54 = arith.constant 0 : i32
    %dma_wait3A_55 = tpu.memref_slice %arg2[%dma_wait3A_53, %dma_wait3A_54] : memref<65536x32xf32, #tpu.memory_space<hbm>> -> memref<65536x32xf32, #tpu.memory_space<hbm>>
    tpu.wait_indirect_dma semaphore(%arg8 : memref<!tpu.dma_semaphore, #tpu.memory_space<semaphore_mem>>) src(%dma_wait3A_55 : memref<65536x32xf32, #tpu.memory_space<hbm>>) dst(%arg6 : memref<1024x32xf32, #tpu.memory_space<vmem>>)
    %add3A_56 = arith.constant 2048 : i32
    %add3A_57 = arith.addi %mul3A_2, %add3A_56 : i32
    %dma_start3A_58 = arith.constant 0 : i32
    %dma_start3A_59 = tpu.memref_slice %arg4[%add3A_57, %dma_start3A_58] : memref<458752x32xf32, #tpu.memory_space<hbm>> -> memref<1024x32xf32, #tpu.memory_space<hbm>>
    %dma_start3A_60 = arith.constant 0 : i32
    %dma_start3A_61 = tpu.memref_slice %arg4[%add3A_57, %dma_start3A_60] : memref<458752x32xf32, #tpu.memory_space<hbm>> -> memref<1024x32xf32, #tpu.memory_space<hbm>>
    tpu.enqueue_dma source(%arg6 : memref<1024x32xf32, #tpu.memory_space<vmem>>) target(%dma_start3A_61 : memref<1024x32xf32, #tpu.memory_space<hbm>>) target_semaphore(%arg10 : memref<!tpu.dma_semaphore, #tpu.memory_space<semaphore_mem>>)
    %dma_wait3A_62 = arith.constant 0 : i32
    %dma_wait3A_63 = tpu.memref_slice %arg4[%add3A_57, %dma_wait3A_62] : memref<458752x32xf32, #tpu.memory_space<hbm>> -> memref<1024x32xf32, #tpu.memory_space<hbm>>
    %dma_wait3A_64 = arith.constant 0 : i32
    %dma_wait3A_65 = tpu.memref_slice %arg4[%add3A_57, %dma_wait3A_64] : memref<458752x32xf32, #tpu.memory_space<hbm>> -> memref<1024x32xf32, #tpu.memory_space<hbm>>
    tpu.wait_dma2 semaphore(%arg10 : memref<!tpu.dma_semaphore, #tpu.memory_space<semaphore_mem>>) src(%arg6 : memref<1024x32xf32, #tpu.memory_space<vmem>>) dst(%dma_wait3A_65 : memref<1024x32xf32, #tpu.memory_space<hbm>>)
    %dma_start3A_66 = arith.constant 4096 : i32
    %dma_start3A_67 = tpu.memref_slice %arg5[%dma_start3A_66] : memref<14336xi32, #tpu.memory_space<vmem>> -> memref<1024xi32, #tpu.memory_space<vmem>>
    %dma_start3A_68 = arith.constant 0 : i32
    %dma_start3A_69 = arith.constant 0 : i32
    %dma_start3A_70 = tpu.memref_slice %arg2[%dma_start3A_68, %dma_start3A_69] : memref<65536x32xf32, #tpu.memory_space<hbm>> -> memref<65536x32xf32, #tpu.memory_space<hbm>>
    tpu.enqueue_indirect_dma source(%dma_start3A_70 : memref<65536x32xf32, #tpu.memory_space<hbm>>) target(%arg6 : memref<1024x32xf32, #tpu.memory_space<vmem>>) offsets(%dma_start3A_67 : memref<1024xi32, #tpu.memory_space<vmem>>) semaphore(%arg8 : memref<!tpu.dma_semaphore, #tpu.memory_space<semaphore_mem>>)
    %dma_wait3A_71 = arith.constant 3072 : i32
    %dma_wait3A_72 = tpu.memref_slice %arg5[%dma_wait3A_71] : memref<14336xi32, #tpu.memory_space<vmem>> -> memref<1024xi32, #tpu.memory_space<vmem>>
    %dma_wait3A_73 = arith.constant 0 : i32
    %dma_wait3A_74 = arith.constant 0 : i32
    %dma_wait3A_75 = tpu.memref_slice %arg2[%dma_wait3A_73, %dma_wait3A_74] : memref<65536x32xf32, #tpu.memory_space<hbm>> -> memref<65536x32xf32, #tpu.memory_space<hbm>>
    tpu.wait_indirect_dma semaphore(%arg9 : memref<!tpu.dma_semaphore, #tpu.memory_space<semaphore_mem>>) src(%dma_wait3A_75 : memref<65536x32xf32, #tpu.memory_space<hbm>>) dst(%arg7 : memref<1024x32xf32, #tpu.memory_space<vmem>>)
    %add3A_76 = arith.constant 3072 : i32
    %add3A_77 = arith.addi %mul3A_2, %add3A_76 : i32
    %dma_start3A_78 = arith.constant 0 : i32
    %dma_start3A_79 = tpu.memref_slice %arg4[%add3A_77, %dma_start3A_78] : memref<458752x32xf32, #tpu.memory_space<hbm>> -> memref<1024x32xf32, #tpu.memory_space<hbm>>
    %dma_start3A_80 = arith.constant 0 : i32
    %dma_start3A_81 = tpu.memref_slice %arg4[%add3A_77, %dma_start3A_80] : memref<458752x32xf32, #tpu.memory_space<hbm>> -> memref<1024x32xf32, #tpu.memory_space<hbm>>
    tpu.enqueue_dma source(%arg7 : memref<1024x32xf32, #tpu.memory_space<vmem>>) target(%dma_start3A_81 : memref<1024x32xf32, #tpu.memory_space<hbm>>) target_semaphore(%arg11 : memref<!tpu.dma_semaphore, #tpu.memory_space<semaphore_mem>>)
    %dma_wait3A_82 = arith.constant 0 : i32
    %dma_wait3A_83 = tpu.memref_slice %arg4[%add3A_77, %dma_wait3A_82] : memref<458752x32xf32, #tpu.memory_space<hbm>> -> memref<1024x32xf32, #tpu.memory_space<hbm>>
    %dma_wait3A_84 = arith.constant 0 : i32
    %dma_wait3A_85 = tpu.memref_slice %arg4[%add3A_77, %dma_wait3A_84] : memref<458752x32xf32, #tpu.memory_space<hbm>> -> memref<1024x32xf32, #tpu.memory_space<hbm>>
    tpu.wait_dma2 semaphore(%arg11 : memref<!tpu.dma_semaphore, #tpu.memory_space<semaphore_mem>>) src(%arg7 : memref<1024x32xf32, #tpu.memory_space<vmem>>) dst(%dma_wait3A_85 : memref<1024x32xf32, #tpu.memory_space<hbm>>)
    %dma_start3A_86 = arith.constant 5120 : i32
    %dma_start3A_87 = tpu.memref_slice %arg5[%dma_start3A_86] : memref<14336xi32, #tpu.memory_space<vmem>> -> memref<1024xi32, #tpu.memory_space<vmem>>
    %dma_start3A_88 = arith.constant 0 : i32
    %dma_start3A_89 = arith.constant 0 : i32
    %dma_start3A_90 = tpu.memref_slice %arg2[%dma_start3A_88, %dma_start3A_89] : memref<65536x32xf32, #tpu.memory_space<hbm>> -> memref<65536x32xf32, #tpu.memory_space<hbm>>
    tpu.enqueue_indirect_dma source(%dma_start3A_90 : memref<65536x32xf32, #tpu.memory_space<hbm>>) target(%arg7 : memref<1024x32xf32, #tpu.memory_space<vmem>>) offsets(%dma_start3A_87 : memref<1024xi32, #tpu.memory_space<vmem>>) semaphore(%arg9 : memref<!tpu.dma_semaphore, #tpu.memory_space<semaphore_mem>>)
    %dma_wait3A_91 = arith.constant 4096 : i32
    %dma_wait3A_92 = tpu.memref_slice %arg5[%dma_wait3A_91] : memref<14336xi32, #tpu.memory_space<vmem>> -> memref<1024xi32, #tpu.memory_space<vmem>>
    %dma_wait3A_93 = arith.constant 0 : i32
    %dma_wait3A_94 = arith.constant 0 : i32
    %dma_wait3A_95 = tpu.memref_slice %arg2[%dma_wait3A_93, %dma_wait3A_94] : memref<65536x32xf32, #tpu.memory_space<hbm>> -> memref<65536x32xf32, #tpu.memory_space<hbm>>
    tpu.wait_indirect_dma semaphore(%arg8 : memref<!tpu.dma_semaphore, #tpu.memory_space<semaphore_mem>>) src(%dma_wait3A_95 : memref<65536x32xf32, #tpu.memory_space<hbm>>) dst(%arg6 : memref<1024x32xf32, #tpu.memory_space<vmem>>)
    %add3A_96 = arith.constant 4096 : i32
    %add3A_97 = arith.addi %mul3A_2, %add3A_96 : i32
    %dma_start3A_98 = arith.constant 0 : i32
    %dma_start3A_99 = tpu.memref_slice %arg4[%add3A_97, %dma_start3A_98] : memref<458752x32xf32, #tpu.memory_space<hbm>> -> memref<1024x32xf32, #tpu.memory_space<hbm>>
    %dma_start3A_100 = arith.constant 0 : i32
    %dma_start3A_101 = tpu.memref_slice %arg4[%add3A_97, %dma_start3A_100] : memref<458752x32xf32, #tpu.memory_space<hbm>> -> memref<1024x32xf32, #tpu.memory_space<hbm>>
    tpu.enqueue_dma source(%arg6 : memref<1024x32xf32, #tpu.memory_space<vmem>>) target(%dma_start3A_101 : memref<1024x32xf32, #tpu.memory_space<hbm>>) target_semaphore(%arg10 : memref<!tpu.dma_semaphore, #tpu.memory_space<semaphore_mem>>)
    %dma_wait3A_102 = arith.constant 0 : i32
    %dma_wait3A_103 = tpu.memref_slice %arg4[%add3A_97, %dma_wait3A_102] : memref<458752x32xf32, #tpu.memory_space<hbm>> -> memref<1024x32xf32, #tpu.memory_space<hbm>>
    %dma_wait3A_104 = arith.constant 0 : i32
    %dma_wait3A_105 = tpu.memref_slice %arg4[%add3A_97, %dma_wait3A_104] : memref<458752x32xf32, #tpu.memory_space<hbm>> -> memref<1024x32xf32, #tpu.memory_space<hbm>>
    tpu.wait_dma2 semaphore(%arg10 : memref<!tpu.dma_semaphore, #tpu.memory_space<semaphore_mem>>) src(%arg6 : memref<1024x32xf32, #tpu.memory_space<vmem>>) dst(%dma_wait3A_105 : memref<1024x32xf32, #tpu.memory_space<hbm>>)
    %dma_start3A_106 = arith.constant 6144 : i32
    %dma_start3A_107 = tpu.memref_slice %arg5[%dma_start3A_106] : memref<14336xi32, #tpu.memory_space<vmem>> -> memref<1024xi32, #tpu.memory_space<vmem>>
    %dma_start3A_108 = arith.constant 0 : i32
    %dma_start3A_109 = arith.constant 0 : i32
    %dma_start3A_110 = tpu.memref_slice %arg2[%dma_start3A_108, %dma_start3A_109] : memref<65536x32xf32, #tpu.memory_space<hbm>> -> memref<65536x32xf32, #tpu.memory_space<hbm>>
    tpu.enqueue_indirect_dma source(%dma_start3A_110 : memref<65536x32xf32, #tpu.memory_space<hbm>>) target(%arg6 : memref<1024x32xf32, #tpu.memory_space<vmem>>) offsets(%dma_start3A_107 : memref<1024xi32, #tpu.memory_space<vmem>>) semaphore(%arg8 : memref<!tpu.dma_semaphore, #tpu.memory_space<semaphore_mem>>)
    %dma_wait3A_111 = arith.constant 5120 : i32
    %dma_wait3A_112 = tpu.memref_slice %arg5[%dma_wait3A_111] : memref<14336xi32, #tpu.memory_space<vmem>> -> memref<1024xi32, #tpu.memory_space<vmem>>
    %dma_wait3A_113 = arith.constant 0 : i32
    %dma_wait3A_114 = arith.constant 0 : i32
    %dma_wait3A_115 = tpu.memref_slice %arg2[%dma_wait3A_113, %dma_wait3A_114] : memref<65536x32xf32, #tpu.memory_space<hbm>> -> memref<65536x32xf32, #tpu.memory_space<hbm>>
    tpu.wait_indirect_dma semaphore(%arg9 : memref<!tpu.dma_semaphore, #tpu.memory_space<semaphore_mem>>) src(%dma_wait3A_115 : memref<65536x32xf32, #tpu.memory_space<hbm>>) dst(%arg7 : memref<1024x32xf32, #tpu.memory_space<vmem>>)
    %add3A_116 = arith.constant 5120 : i32
    %add3A_117 = arith.addi %mul3A_2, %add3A_116 : i32
    %dma_start3A_118 = arith.constant 0 : i32
    %dma_start3A_119 = tpu.memref_slice %arg4[%add3A_117, %dma_start3A_118] : memref<458752x32xf32, #tpu.memory_space<hbm>> -> memref<1024x32xf32, #tpu.memory_space<hbm>>
    %dma_start3A_120 = arith.constant 0 : i32
    %dma_start3A_121 = tpu.memref_slice %arg4[%add3A_117, %dma_start3A_120] : memref<458752x32xf32, #tpu.memory_space<hbm>> -> memref<1024x32xf32, #tpu.memory_space<hbm>>
    tpu.enqueue_dma source(%arg7 : memref<1024x32xf32, #tpu.memory_space<vmem>>) target(%dma_start3A_121 : memref<1024x32xf32, #tpu.memory_space<hbm>>) target_semaphore(%arg11 : memref<!tpu.dma_semaphore, #tpu.memory_space<semaphore_mem>>)
    %dma_wait3A_122 = arith.constant 0 : i32
    %dma_wait3A_123 = tpu.memref_slice %arg4[%add3A_117, %dma_wait3A_122] : memref<458752x32xf32, #tpu.memory_space<hbm>> -> memref<1024x32xf32, #tpu.memory_space<hbm>>
    %dma_wait3A_124 = arith.constant 0 : i32
    %dma_wait3A_125 = tpu.memref_slice %arg4[%add3A_117, %dma_wait3A_124] : memref<458752x32xf32, #tpu.memory_space<hbm>> -> memref<1024x32xf32, #tpu.memory_space<hbm>>
    tpu.wait_dma2 semaphore(%arg11 : memref<!tpu.dma_semaphore, #tpu.memory_space<semaphore_mem>>) src(%arg7 : memref<1024x32xf32, #tpu.memory_space<vmem>>) dst(%dma_wait3A_125 : memref<1024x32xf32, #tpu.memory_space<hbm>>)
    %dma_start3A_126 = arith.constant 7168 : i32
    %dma_start3A_127 = tpu.memref_slice %arg5[%dma_start3A_126] : memref<14336xi32, #tpu.memory_space<vmem>> -> memref<1024xi32, #tpu.memory_space<vmem>>
    %dma_start3A_128 = arith.constant 0 : i32
    %dma_start3A_129 = arith.constant 0 : i32
    %dma_start3A_130 = tpu.memref_slice %arg2[%dma_start3A_128, %dma_start3A_129] : memref<65536x32xf32, #tpu.memory_space<hbm>> -> memref<65536x32xf32, #tpu.memory_space<hbm>>
    tpu.enqueue_indirect_dma source(%dma_start3A_130 : memref<65536x32xf32, #tpu.memory_space<hbm>>) target(%arg7 : memref<1024x32xf32, #tpu.memory_space<vmem>>) offsets(%dma_start3A_127 : memref<1024xi32, #tpu.memory_space<vmem>>) semaphore(%arg9 : memref<!tpu.dma_semaphore, #tpu.memory_space<semaphore_mem>>)
    %dma_wait3A_131 = arith.constant 6144 : i32
    %dma_wait3A_132 = tpu.memref_slice %arg5[%dma_wait3A_131] : memref<14336xi32, #tpu.memory_space<vmem>> -> memref<1024xi32, #tpu.memory_space<vmem>>
    %dma_wait3A_133 = arith.constant 0 : i32
    %dma_wait3A_134 = arith.constant 0 : i32
    %dma_wait3A_135 = tpu.memref_slice %arg2[%dma_wait3A_133, %dma_wait3A_134] : memref<65536x32xf32, #tpu.memory_space<hbm>> -> memref<65536x32xf32, #tpu.memory_space<hbm>>
    tpu.wait_indirect_dma semaphore(%arg8 : memref<!tpu.dma_semaphore, #tpu.memory_space<semaphore_mem>>) src(%dma_wait3A_135 : memref<65536x32xf32, #tpu.memory_space<hbm>>) dst(%arg6 : memref<1024x32xf32, #tpu.memory_space<vmem>>)
    %add3A_136 = arith.constant 6144 : i32
    %add3A_137 = arith.addi %mul3A_2, %add3A_136 : i32
    %dma_start3A_138 = arith.constant 0 : i32
    %dma_start3A_139 = tpu.memref_slice %arg4[%add3A_137, %dma_start3A_138] : memref<458752x32xf32, #tpu.memory_space<hbm>> -> memref<1024x32xf32, #tpu.memory_space<hbm>>
    %dma_start3A_140 = arith.constant 0 : i32
    %dma_start3A_141 = tpu.memref_slice %arg4[%add3A_137, %dma_start3A_140] : memref<458752x32xf32, #tpu.memory_space<hbm>> -> memref<1024x32xf32, #tpu.memory_space<hbm>>
    tpu.enqueue_dma source(%arg6 : memref<1024x32xf32, #tpu.memory_space<vmem>>) target(%dma_start3A_141 : memref<1024x32xf32, #tpu.memory_space<hbm>>) target_semaphore(%arg10 : memref<!tpu.dma_semaphore, #tpu.memory_space<semaphore_mem>>)
    %dma_wait3A_142 = arith.constant 0 : i32
    %dma_wait3A_143 = tpu.memref_slice %arg4[%add3A_137, %dma_wait3A_142] : memref<458752x32xf32, #tpu.memory_space<hbm>> -> memref<1024x32xf32, #tpu.memory_space<hbm>>
    %dma_wait3A_144 = arith.constant 0 : i32
    %dma_wait3A_145 = tpu.memref_slice %arg4[%add3A_137, %dma_wait3A_144] : memref<458752x32xf32, #tpu.memory_space<hbm>> -> memref<1024x32xf32, #tpu.memory_space<hbm>>
    tpu.wait_dma2 semaphore(%arg10 : memref<!tpu.dma_semaphore, #tpu.memory_space<semaphore_mem>>) src(%arg6 : memref<1024x32xf32, #tpu.memory_space<vmem>>) dst(%dma_wait3A_145 : memref<1024x32xf32, #tpu.memory_space<hbm>>)
    %dma_start3A_146 = arith.constant 8192 : i32
    %dma_start3A_147 = tpu.memref_slice %arg5[%dma_start3A_146] : memref<14336xi32, #tpu.memory_space<vmem>> -> memref<1024xi32, #tpu.memory_space<vmem>>
    %dma_start3A_148 = arith.constant 0 : i32
    %dma_start3A_149 = arith.constant 0 : i32
    %dma_start3A_150 = tpu.memref_slice %arg2[%dma_start3A_148, %dma_start3A_149] : memref<65536x32xf32, #tpu.memory_space<hbm>> -> memref<65536x32xf32, #tpu.memory_space<hbm>>
    tpu.enqueue_indirect_dma source(%dma_start3A_150 : memref<65536x32xf32, #tpu.memory_space<hbm>>) target(%arg6 : memref<1024x32xf32, #tpu.memory_space<vmem>>) offsets(%dma_start3A_147 : memref<1024xi32, #tpu.memory_space<vmem>>) semaphore(%arg8 : memref<!tpu.dma_semaphore, #tpu.memory_space<semaphore_mem>>)
    %dma_wait3A_151 = arith.constant 7168 : i32
    %dma_wait3A_152 = tpu.memref_slice %arg5[%dma_wait3A_151] : memref<14336xi32, #tpu.memory_space<vmem>> -> memref<1024xi32, #tpu.memory_space<vmem>>
    %dma_wait3A_153 = arith.constant 0 : i32
    %dma_wait3A_154 = arith.constant 0 : i32
    %dma_wait3A_155 = tpu.memref_slice %arg2[%dma_wait3A_153, %dma_wait3A_154] : memref<65536x32xf32, #tpu.memory_space<hbm>> -> memref<65536x32xf32, #tpu.memory_space<hbm>>
    tpu.wait_indirect_dma semaphore(%arg9 : memref<!tpu.dma_semaphore, #tpu.memory_space<semaphore_mem>>) src(%dma_wait3A_155 : memref<65536x32xf32, #tpu.memory_space<hbm>>) dst(%arg7 : memref<1024x32xf32, #tpu.memory_space<vmem>>)
    %add3A_156 = arith.constant 7168 : i32
    %add3A_157 = arith.addi %mul3A_2, %add3A_156 : i32
    %dma_start3A_158 = arith.constant 0 : i32
    %dma_start3A_159 = tpu.memref_slice %arg4[%add3A_157, %dma_start3A_158] : memref<458752x32xf32, #tpu.memory_space<hbm>> -> memref<1024x32xf32, #tpu.memory_space<hbm>>
    %dma_start3A_160 = arith.constant 0 : i32
    %dma_start3A_161 = tpu.memref_slice %arg4[%add3A_157, %dma_start3A_160] : memref<458752x32xf32, #tpu.memory_space<hbm>> -> memref<1024x32xf32, #tpu.memory_space<hbm>>
    tpu.enqueue_dma source(%arg7 : memref<1024x32xf32, #tpu.memory_space<vmem>>) target(%dma_start3A_161 : memref<1024x32xf32, #tpu.memory_space<hbm>>) target_semaphore(%arg11 : memref<!tpu.dma_semaphore, #tpu.memory_space<semaphore_mem>>)
    %dma_wait3A_162 = arith.constant 0 : i32
    %dma_wait3A_163 = tpu.memref_slice %arg4[%add3A_157, %dma_wait3A_162] : memref<458752x32xf32, #tpu.memory_space<hbm>> -> memref<1024x32xf32, #tpu.memory_space<hbm>>
    %dma_wait3A_164 = arith.constant 0 : i32
    %dma_wait3A_165 = tpu.memref_slice %arg4[%add3A_157, %dma_wait3A_164] : memref<458752x32xf32, #tpu.memory_space<hbm>> -> memref<1024x32xf32, #tpu.memory_space<hbm>>
    tpu.wait_dma2 semaphore(%arg11 : memref<!tpu.dma_semaphore, #tpu.memory_space<semaphore_mem>>) src(%arg7 : memref<1024x32xf32, #tpu.memory_space<vmem>>) dst(%dma_wait3A_165 : memref<1024x32xf32, #tpu.memory_space<hbm>>)
    %dma_start3A_166 = arith.constant 9216 : i32
    %dma_start3A_167 = tpu.memref_slice %arg5[%dma_start3A_166] : memref<14336xi32, #tpu.memory_space<vmem>> -> memref<1024xi32, #tpu.memory_space<vmem>>
    %dma_start3A_168 = arith.constant 0 : i32
    %dma_start3A_169 = arith.constant 0 : i32
    %dma_start3A_170 = tpu.memref_slice %arg2[%dma_start3A_168, %dma_start3A_169] : memref<65536x32xf32, #tpu.memory_space<hbm>> -> memref<65536x32xf32, #tpu.memory_space<hbm>>
    tpu.enqueue_indirect_dma source(%dma_start3A_170 : memref<65536x32xf32, #tpu.memory_space<hbm>>) target(%arg7 : memref<1024x32xf32, #tpu.memory_space<vmem>>) offsets(%dma_start3A_167 : memref<1024xi32, #tpu.memory_space<vmem>>) semaphore(%arg9 : memref<!tpu.dma_semaphore, #tpu.memory_space<semaphore_mem>>)
    %dma_wait3A_171 = arith.constant 8192 : i32
    %dma_wait3A_172 = tpu.memref_slice %arg5[%dma_wait3A_171] : memref<14336xi32, #tpu.memory_space<vmem>> -> memref<1024xi32, #tpu.memory_space<vmem>>
    %dma_wait3A_173 = arith.constant 0 : i32
    %dma_wait3A_174 = arith.constant 0 : i32
    %dma_wait3A_175 = tpu.memref_slice %arg2[%dma_wait3A_173, %dma_wait3A_174] : memref<65536x32xf32, #tpu.memory_space<hbm>> -> memref<65536x32xf32, #tpu.memory_space<hbm>>
    tpu.wait_indirect_dma semaphore(%arg8 : memref<!tpu.dma_semaphore, #tpu.memory_space<semaphore_mem>>) src(%dma_wait3A_175 : memref<65536x32xf32, #tpu.memory_space<hbm>>) dst(%arg6 : memref<1024x32xf32, #tpu.memory_space<vmem>>)
    %add3A_176 = arith.constant 8192 : i32
    %add3A_177 = arith.addi %mul3A_2, %add3A_176 : i32
    %dma_start3A_178 = arith.constant 0 : i32
    %dma_start3A_179 = tpu.memref_slice %arg4[%add3A_177, %dma_start3A_178] : memref<458752x32xf32, #tpu.memory_space<hbm>> -> memref<1024x32xf32, #tpu.memory_space<hbm>>
    %dma_start3A_180 = arith.constant 0 : i32
    %dma_start3A_181 = tpu.memref_slice %arg4[%add3A_177, %dma_start3A_180] : memref<458752x32xf32, #tpu.memory_space<hbm>> -> memref<1024x32xf32, #tpu.memory_space<hbm>>
    tpu.enqueue_dma source(%arg6 : memref<1024x32xf32, #tpu.memory_space<vmem>>) target(%dma_start3A_181 : memref<1024x32xf32, #tpu.memory_space<hbm>>) target_semaphore(%arg10 : memref<!tpu.dma_semaphore, #tpu.memory_space<semaphore_mem>>)
    %dma_wait3A_182 = arith.constant 0 : i32
    %dma_wait3A_183 = tpu.memref_slice %arg4[%add3A_177, %dma_wait3A_182] : memref<458752x32xf32, #tpu.memory_space<hbm>> -> memref<1024x32xf32, #tpu.memory_space<hbm>>
    %dma_wait3A_184 = arith.constant 0 : i32
    %dma_wait3A_185 = tpu.memref_slice %arg4[%add3A_177, %dma_wait3A_184] : memref<458752x32xf32, #tpu.memory_space<hbm>> -> memref<1024x32xf32, #tpu.memory_space<hbm>>
    tpu.wait_dma2 semaphore(%arg10 : memref<!tpu.dma_semaphore, #tpu.memory_space<semaphore_mem>>) src(%arg6 : memref<1024x32xf32, #tpu.memory_space<vmem>>) dst(%dma_wait3A_185 : memref<1024x32xf32, #tpu.memory_space<hbm>>)
    %dma_start3A_186 = arith.constant 10240 : i32
    %dma_start3A_187 = tpu.memref_slice %arg5[%dma_start3A_186] : memref<14336xi32, #tpu.memory_space<vmem>> -> memref<1024xi32, #tpu.memory_space<vmem>>
    %dma_start3A_188 = arith.constant 0 : i32
    %dma_start3A_189 = arith.constant 0 : i32
    %dma_start3A_190 = tpu.memref_slice %arg2[%dma_start3A_188, %dma_start3A_189] : memref<65536x32xf32, #tpu.memory_space<hbm>> -> memref<65536x32xf32, #tpu.memory_space<hbm>>
    tpu.enqueue_indirect_dma source(%dma_start3A_190 : memref<65536x32xf32, #tpu.memory_space<hbm>>) target(%arg6 : memref<1024x32xf32, #tpu.memory_space<vmem>>) offsets(%dma_start3A_187 : memref<1024xi32, #tpu.memory_space<vmem>>) semaphore(%arg8 : memref<!tpu.dma_semaphore, #tpu.memory_space<semaphore_mem>>)
    %dma_wait3A_191 = arith.constant 9216 : i32
    %dma_wait3A_192 = tpu.memref_slice %arg5[%dma_wait3A_191] : memref<14336xi32, #tpu.memory_space<vmem>> -> memref<1024xi32, #tpu.memory_space<vmem>>
    %dma_wait3A_193 = arith.constant 0 : i32
    %dma_wait3A_194 = arith.constant 0 : i32
    %dma_wait3A_195 = tpu.memref_slice %arg2[%dma_wait3A_193, %dma_wait3A_194] : memref<65536x32xf32, #tpu.memory_space<hbm>> -> memref<65536x32xf32, #tpu.memory_space<hbm>>
    tpu.wait_indirect_dma semaphore(%arg9 : memref<!tpu.dma_semaphore, #tpu.memory_space<semaphore_mem>>) src(%dma_wait3A_195 : memref<65536x32xf32, #tpu.memory_space<hbm>>) dst(%arg7 : memref<1024x32xf32, #tpu.memory_space<vmem>>)
    %add3A_196 = arith.constant 9216 : i32
    %add3A_197 = arith.addi %mul3A_2, %add3A_196 : i32
    %dma_start3A_198 = arith.constant 0 : i32
    %dma_start3A_199 = tpu.memref_slice %arg4[%add3A_197, %dma_start3A_198] : memref<458752x32xf32, #tpu.memory_space<hbm>> -> memref<1024x32xf32, #tpu.memory_space<hbm>>
    %dma_start3A_200 = arith.constant 0 : i32
    %dma_start3A_201 = tpu.memref_slice %arg4[%add3A_197, %dma_start3A_200] : memref<458752x32xf32, #tpu.memory_space<hbm>> -> memref<1024x32xf32, #tpu.memory_space<hbm>>
    tpu.enqueue_dma source(%arg7 : memref<1024x32xf32, #tpu.memory_space<vmem>>) target(%dma_start3A_201 : memref<1024x32xf32, #tpu.memory_space<hbm>>) target_semaphore(%arg11 : memref<!tpu.dma_semaphore, #tpu.memory_space<semaphore_mem>>)
    %dma_wait3A_202 = arith.constant 0 : i32
    %dma_wait3A_203 = tpu.memref_slice %arg4[%add3A_197, %dma_wait3A_202] : memref<458752x32xf32, #tpu.memory_space<hbm>> -> memref<1024x32xf32, #tpu.memory_space<hbm>>
    %dma_wait3A_204 = arith.constant 0 : i32
    %dma_wait3A_205 = tpu.memref_slice %arg4[%add3A_197, %dma_wait3A_204] : memref<458752x32xf32, #tpu.memory_space<hbm>> -> memref<1024x32xf32, #tpu.memory_space<hbm>>
    tpu.wait_dma2 semaphore(%arg11 : memref<!tpu.dma_semaphore, #tpu.memory_space<semaphore_mem>>) src(%arg7 : memref<1024x32xf32, #tpu.memory_space<vmem>>) dst(%dma_wait3A_205 : memref<1024x32xf32, #tpu.memory_space<hbm>>)
    %dma_start3A_206 = arith.constant 11264 : i32
    %dma_start3A_207 = tpu.memref_slice %arg5[%dma_start3A_206] : memref<14336xi32, #tpu.memory_space<vmem>> -> memref<1024xi32, #tpu.memory_space<vmem>>
    %dma_start3A_208 = arith.constant 0 : i32
    %dma_start3A_209 = arith.constant 0 : i32
    %dma_start3A_210 = tpu.memref_slice %arg2[%dma_start3A_208, %dma_start3A_209] : memref<65536x32xf32, #tpu.memory_space<hbm>> -> memref<65536x32xf32, #tpu.memory_space<hbm>>
    tpu.enqueue_indirect_dma source(%dma_start3A_210 : memref<65536x32xf32, #tpu.memory_space<hbm>>) target(%arg7 : memref<1024x32xf32, #tpu.memory_space<vmem>>) offsets(%dma_start3A_207 : memref<1024xi32, #tpu.memory_space<vmem>>) semaphore(%arg9 : memref<!tpu.dma_semaphore, #tpu.memory_space<semaphore_mem>>)
    %dma_wait3A_211 = arith.constant 10240 : i32
    %dma_wait3A_212 = tpu.memref_slice %arg5[%dma_wait3A_211] : memref<14336xi32, #tpu.memory_space<vmem>> -> memref<1024xi32, #tpu.memory_space<vmem>>
    %dma_wait3A_213 = arith.constant 0 : i32
    %dma_wait3A_214 = arith.constant 0 : i32
    %dma_wait3A_215 = tpu.memref_slice %arg2[%dma_wait3A_213, %dma_wait3A_214] : memref<65536x32xf32, #tpu.memory_space<hbm>> -> memref<65536x32xf32, #tpu.memory_space<hbm>>
    tpu.wait_indirect_dma semaphore(%arg8 : memref<!tpu.dma_semaphore, #tpu.memory_space<semaphore_mem>>) src(%dma_wait3A_215 : memref<65536x32xf32, #tpu.memory_space<hbm>>) dst(%arg6 : memref<1024x32xf32, #tpu.memory_space<vmem>>)
    %add3A_216 = arith.constant 10240 : i32
    %add3A_217 = arith.addi %mul3A_2, %add3A_216 : i32
    %dma_start3A_218 = arith.constant 0 : i32
    %dma_start3A_219 = tpu.memref_slice %arg4[%add3A_217, %dma_start3A_218] : memref<458752x32xf32, #tpu.memory_space<hbm>> -> memref<1024x32xf32, #tpu.memory_space<hbm>>
    %dma_start3A_220 = arith.constant 0 : i32
    %dma_start3A_221 = tpu.memref_slice %arg4[%add3A_217, %dma_start3A_220] : memref<458752x32xf32, #tpu.memory_space<hbm>> -> memref<1024x32xf32, #tpu.memory_space<hbm>>
    tpu.enqueue_dma source(%arg6 : memref<1024x32xf32, #tpu.memory_space<vmem>>) target(%dma_start3A_221 : memref<1024x32xf32, #tpu.memory_space<hbm>>) target_semaphore(%arg10 : memref<!tpu.dma_semaphore, #tpu.memory_space<semaphore_mem>>)
    %dma_wait3A_222 = arith.constant 0 : i32
    %dma_wait3A_223 = tpu.memref_slice %arg4[%add3A_217, %dma_wait3A_222] : memref<458752x32xf32, #tpu.memory_space<hbm>> -> memref<1024x32xf32, #tpu.memory_space<hbm>>
    %dma_wait3A_224 = arith.constant 0 : i32
    %dma_wait3A_225 = tpu.memref_slice %arg4[%add3A_217, %dma_wait3A_224] : memref<458752x32xf32, #tpu.memory_space<hbm>> -> memref<1024x32xf32, #tpu.memory_space<hbm>>
    tpu.wait_dma2 semaphore(%arg10 : memref<!tpu.dma_semaphore, #tpu.memory_space<semaphore_mem>>) src(%arg6 : memref<1024x32xf32, #tpu.memory_space<vmem>>) dst(%dma_wait3A_225 : memref<1024x32xf32, #tpu.memory_space<hbm>>)
    %dma_start3A_226 = arith.constant 12288 : i32
    %dma_start3A_227 = tpu.memref_slice %arg5[%dma_start3A_226] : memref<14336xi32, #tpu.memory_space<vmem>> -> memref<1024xi32, #tpu.memory_space<vmem>>
    %dma_start3A_228 = arith.constant 0 : i32
    %dma_start3A_229 = arith.constant 0 : i32
    %dma_start3A_230 = tpu.memref_slice %arg2[%dma_start3A_228, %dma_start3A_229] : memref<65536x32xf32, #tpu.memory_space<hbm>> -> memref<65536x32xf32, #tpu.memory_space<hbm>>
    tpu.enqueue_indirect_dma source(%dma_start3A_230 : memref<65536x32xf32, #tpu.memory_space<hbm>>) target(%arg6 : memref<1024x32xf32, #tpu.memory_space<vmem>>) offsets(%dma_start3A_227 : memref<1024xi32, #tpu.memory_space<vmem>>) semaphore(%arg8 : memref<!tpu.dma_semaphore, #tpu.memory_space<semaphore_mem>>)
    %dma_wait3A_231 = arith.constant 11264 : i32
    %dma_wait3A_232 = tpu.memref_slice %arg5[%dma_wait3A_231] : memref<14336xi32, #tpu.memory_space<vmem>> -> memref<1024xi32, #tpu.memory_space<vmem>>
    %dma_wait3A_233 = arith.constant 0 : i32
    %dma_wait3A_234 = arith.constant 0 : i32
    %dma_wait3A_235 = tpu.memref_slice %arg2[%dma_wait3A_233, %dma_wait3A_234] : memref<65536x32xf32, #tpu.memory_space<hbm>> -> memref<65536x32xf32, #tpu.memory_space<hbm>>
    tpu.wait_indirect_dma semaphore(%arg9 : memref<!tpu.dma_semaphore, #tpu.memory_space<semaphore_mem>>) src(%dma_wait3A_235 : memref<65536x32xf32, #tpu.memory_space<hbm>>) dst(%arg7 : memref<1024x32xf32, #tpu.memory_space<vmem>>)
    %add3A_236 = arith.constant 11264 : i32
    %add3A_237 = arith.addi %mul3A_2, %add3A_236 : i32
    %dma_start3A_238 = arith.constant 0 : i32
    %dma_start3A_239 = tpu.memref_slice %arg4[%add3A_237, %dma_start3A_238] : memref<458752x32xf32, #tpu.memory_space<hbm>> -> memref<1024x32xf32, #tpu.memory_space<hbm>>
    %dma_start3A_240 = arith.constant 0 : i32
    %dma_start3A_241 = tpu.memref_slice %arg4[%add3A_237, %dma_start3A_240] : memref<458752x32xf32, #tpu.memory_space<hbm>> -> memref<1024x32xf32, #tpu.memory_space<hbm>>
    tpu.enqueue_dma source(%arg7 : memref<1024x32xf32, #tpu.memory_space<vmem>>) target(%dma_start3A_241 : memref<1024x32xf32, #tpu.memory_space<hbm>>) target_semaphore(%arg11 : memref<!tpu.dma_semaphore, #tpu.memory_space<semaphore_mem>>)
    %dma_wait3A_242 = arith.constant 0 : i32
    %dma_wait3A_243 = tpu.memref_slice %arg4[%add3A_237, %dma_wait3A_242] : memref<458752x32xf32, #tpu.memory_space<hbm>> -> memref<1024x32xf32, #tpu.memory_space<hbm>>
    %dma_wait3A_244 = arith.constant 0 : i32
    %dma_wait3A_245 = tpu.memref_slice %arg4[%add3A_237, %dma_wait3A_244] : memref<458752x32xf32, #tpu.memory_space<hbm>> -> memref<1024x32xf32, #tpu.memory_space<hbm>>
    tpu.wait_dma2 semaphore(%arg11 : memref<!tpu.dma_semaphore, #tpu.memory_space<semaphore_mem>>) src(%arg7 : memref<1024x32xf32, #tpu.memory_space<vmem>>) dst(%dma_wait3A_245 : memref<1024x32xf32, #tpu.memory_space<hbm>>)
    %dma_start3A_246 = arith.constant 13312 : i32
    %dma_start3A_247 = tpu.memref_slice %arg5[%dma_start3A_246] : memref<14336xi32, #tpu.memory_space<vmem>> -> memref<1024xi32, #tpu.memory_space<vmem>>
    %dma_start3A_248 = arith.constant 0 : i32
    %dma_start3A_249 = arith.constant 0 : i32
    %dma_start3A_250 = tpu.memref_slice %arg2[%dma_start3A_248, %dma_start3A_249] : memref<65536x32xf32, #tpu.memory_space<hbm>> -> memref<65536x32xf32, #tpu.memory_space<hbm>>
    tpu.enqueue_indirect_dma source(%dma_start3A_250 : memref<65536x32xf32, #tpu.memory_space<hbm>>) target(%arg7 : memref<1024x32xf32, #tpu.memory_space<vmem>>) offsets(%dma_start3A_247 : memref<1024xi32, #tpu.memory_space<vmem>>) semaphore(%arg9 : memref<!tpu.dma_semaphore, #tpu.memory_space<semaphore_mem>>)
    %dma_wait3A_251 = arith.constant 12288 : i32
    %dma_wait3A_252 = tpu.memref_slice %arg5[%dma_wait3A_251] : memref<14336xi32, #tpu.memory_space<vmem>> -> memref<1024xi32, #tpu.memory_space<vmem>>
    %dma_wait3A_253 = arith.constant 0 : i32
    %dma_wait3A_254 = arith.constant 0 : i32
    %dma_wait3A_255 = tpu.memref_slice %arg2[%dma_wait3A_253, %dma_wait3A_254] : memref<65536x32xf32, #tpu.memory_space<hbm>> -> memref<65536x32xf32, #tpu.memory_space<hbm>>
    tpu.wait_indirect_dma semaphore(%arg8 : memref<!tpu.dma_semaphore, #tpu.memory_space<semaphore_mem>>) src(%dma_wait3A_255 : memref<65536x32xf32, #tpu.memory_space<hbm>>) dst(%arg6 : memref<1024x32xf32, #tpu.memory_space<vmem>>)
    %add3A_256 = arith.constant 12288 : i32
    %add3A_257 = arith.addi %mul3A_2, %add3A_256 : i32
    %dma_start3A_258 = arith.constant 0 : i32
    %dma_start3A_259 = tpu.memref_slice %arg4[%add3A_257, %dma_start3A_258] : memref<458752x32xf32, #tpu.memory_space<hbm>> -> memref<1024x32xf32, #tpu.memory_space<hbm>>
    %dma_start3A_260 = arith.constant 0 : i32
    %dma_start3A_261 = tpu.memref_slice %arg4[%add3A_257, %dma_start3A_260] : memref<458752x32xf32, #tpu.memory_space<hbm>> -> memref<1024x32xf32, #tpu.memory_space<hbm>>
    tpu.enqueue_dma source(%arg6 : memref<1024x32xf32, #tpu.memory_space<vmem>>) target(%dma_start3A_261 : memref<1024x32xf32, #tpu.memory_space<hbm>>) target_semaphore(%arg10 : memref<!tpu.dma_semaphore, #tpu.memory_space<semaphore_mem>>)
    %dma_wait3A_262 = arith.constant 13312 : i32
    %dma_wait3A_263 = tpu.memref_slice %arg5[%dma_wait3A_262] : memref<14336xi32, #tpu.memory_space<vmem>> -> memref<1024xi32, #tpu.memory_space<vmem>>
    %dma_wait3A_264 = arith.constant 0 : i32
    %dma_wait3A_265 = arith.constant 0 : i32
    %dma_wait3A_266 = tpu.memref_slice %arg2[%dma_wait3A_264, %dma_wait3A_265] : memref<65536x32xf32, #tpu.memory_space<hbm>> -> memref<65536x32xf32, #tpu.memory_space<hbm>>
    tpu.wait_indirect_dma semaphore(%arg9 : memref<!tpu.dma_semaphore, #tpu.memory_space<semaphore_mem>>) src(%dma_wait3A_266 : memref<65536x32xf32, #tpu.memory_space<hbm>>) dst(%arg7 : memref<1024x32xf32, #tpu.memory_space<vmem>>)
    %add3A_267 = arith.constant 13312 : i32
    %add3A_268 = arith.addi %mul3A_2, %add3A_267 : i32
    %dma_start3A_269 = arith.constant 0 : i32
    %dma_start3A_270 = tpu.memref_slice %arg4[%add3A_268, %dma_start3A_269] : memref<458752x32xf32, #tpu.memory_space<hbm>> -> memref<1024x32xf32, #tpu.memory_space<hbm>>
    %dma_start3A_271 = arith.constant 0 : i32
    %dma_start3A_272 = tpu.memref_slice %arg4[%add3A_268, %dma_start3A_271] : memref<458752x32xf32, #tpu.memory_space<hbm>> -> memref<1024x32xf32, #tpu.memory_space<hbm>>
    tpu.enqueue_dma source(%arg7 : memref<1024x32xf32, #tpu.memory_space<vmem>>) target(%dma_start3A_272 : memref<1024x32xf32, #tpu.memory_space<hbm>>) target_semaphore(%arg11 : memref<!tpu.dma_semaphore, #tpu.memory_space<semaphore_mem>>)
    %dma_wait3A_273 = arith.constant 0 : i32
    %dma_wait3A_274 = tpu.memref_slice %arg4[%add3A_268, %dma_wait3A_273] : memref<458752x32xf32, #tpu.memory_space<hbm>> -> memref<1024x32xf32, #tpu.memory_space<hbm>>
    %dma_wait3A_275 = arith.constant 0 : i32
    %dma_wait3A_276 = tpu.memref_slice %arg4[%add3A_268, %dma_wait3A_275] : memref<458752x32xf32, #tpu.memory_space<hbm>> -> memref<1024x32xf32, #tpu.memory_space<hbm>>
    tpu.wait_dma2 semaphore(%arg11 : memref<!tpu.dma_semaphore, #tpu.memory_space<semaphore_mem>>) src(%arg7 : memref<1024x32xf32, #tpu.memory_space<vmem>>) dst(%dma_wait3A_276 : memref<1024x32xf32, #tpu.memory_space<hbm>>)
    %dma_wait3A_277 = arith.constant 0 : i32
    %dma_wait3A_278 = tpu.memref_slice %arg4[%add3A_257, %dma_wait3A_277] : memref<458752x32xf32, #tpu.memory_space<hbm>> -> memref<1024x32xf32, #tpu.memory_space<hbm>>
    %dma_wait3A_279 = arith.constant 0 : i32
    %dma_wait3A_280 = tpu.memref_slice %arg4[%add3A_257, %dma_wait3A_279] : memref<458752x32xf32, #tpu.memory_space<hbm>> -> memref<1024x32xf32, #tpu.memory_space<hbm>>
    tpu.wait_dma2 semaphore(%arg10 : memref<!tpu.dma_semaphore, #tpu.memory_space<semaphore_mem>>) src(%arg6 : memref<1024x32xf32, #tpu.memory_space<vmem>>) dst(%dma_wait3A_280 : memref<1024x32xf32, #tpu.memory_space<hbm>>)
    return
  }
}

module attributes {stable_mosaic.version = 14 : i64} {
  func.func @_p1_body(%arg0: i32, %arg1: memref<4x16x512xf32, #tpu.memory_space<vmem>>, %arg2: memref<4x512x16xf32, #tpu.memory_space<vmem>>, %arg3: memref<4x3x512xf32, #tpu.memory_space<vmem>>, %arg4: memref<4x512x3xf32, #tpu.memory_space<vmem>>, %arg5: memref<4x512x8xi32, #tpu.memory_space<vmem>>, %arg6: memref<8x128xf32, #tpu.memory_space<vmem>>) attributes {dimension_semantics = [#tpu.dimension_semantics<arbitrary>], iteration_bounds = array<i64: 32>, scalar_prefetch = 0 : i64, scratch_operands = 0 : i64, tpu.core_type = #tpu.core_type<tc>, window_params = [{transform_indices = @transform_0, window_bounds = array<i64: 4, 16, 512>}, {transform_indices = @transform_1, window_bounds = array<i64: 4, 512, 16>}, {transform_indices = @transform_2, window_bounds = array<i64: 4, 3, 512>}, {transform_indices = @transform_3, window_bounds = array<i64: 4, 512, 3>}, {transform_indices = @transform_4, window_bounds = array<i64: 4, 512, 8>}, {pipeline_mode = #tpu.pipeline_mode<synchronous>, transform_indices = @transform_5, window_bounds = array<i64: 8, 128>}]} {
    %get3A = arith.constant 0 : index
    %get3A_0 = arith.constant 0 : index
    %get3A_1 = arith.constant 0 : index
    %get3A_2 = vector.load %arg2[%get3A, %get3A_0, %get3A_1] : memref<4x512x16xf32, #tpu.memory_space<vmem>>, vector<4x512x16xf32>
    %reshape3A = vector.shape_cast %get3A_2 : vector<4x512x16xf32> to vector<2048x16xf32>
    %abs3A = math.absf %reshape3A : vector<2048x16xf32>
    %reduce_sum3A = arith.constant dense<0.000000e+00> : vector<2048xf32>
    %reduce_sum3A_3 = vector.multi_reduction <add>, %abs3A, %reduce_sum3A [1] : vector<2048x16xf32> to vector<2048xf32>
    %broadcast_in_dim3A = vector.shape_cast %reduce_sum3A_3 : vector<2048xf32> to vector<2048x1xf32>
    %ne3A = arith.constant 0.000000e+00 : f32
    %ne3A_4 = vector.broadcast %ne3A : f32 to vector<2048x1xf32>
    %ne3A_5 = arith.cmpf one, %broadcast_in_dim3A, %ne3A_4 : vector<2048x1xf32>
    %convert_element_type3A = arith.extui %ne3A_5 : vector<2048x1xi1> to vector<2048x1xi32>
    %convert_element_type3A_6 = arith.sitofp %convert_element_type3A : vector<2048x1xi32> to vector<2048x1xf32>
    %mul3A = vector.broadcast %convert_element_type3A_6 : vector<2048x1xf32> to vector<2048x16xf32>
    %mul3A_7 = arith.mulf %reshape3A, %mul3A : vector<2048x16xf32>
    %reduce_sum3A_8 = arith.constant dense<0.000000e+00> : vector<16xf32>
    %reduce_sum3A_9 = vector.multi_reduction <add>, %mul3A_7, %reduce_sum3A_8 [0] : vector<2048x16xf32> to vector<16xf32>
    %broadcast_in_dim3A_10 = vector.shape_cast %reduce_sum3A_9 : vector<16xf32> to vector<1x16xf32>
    %mul3A_11 = arith.mulf %mul3A_7, %mul3A_7 : vector<2048x16xf32>
    %reduce_sum3A_12 = arith.constant dense<0.000000e+00> : vector<16xf32>
    %reduce_sum3A_13 = vector.multi_reduction <add>, %mul3A_11, %reduce_sum3A_12 [0] : vector<2048x16xf32> to vector<16xf32>
    %broadcast_in_dim3A_14 = vector.shape_cast %reduce_sum3A_13 : vector<16xf32> to vector<1x16xf32>
    %eq3A = arith.constant 0 : i32
    %eq3A_15 = arith.cmpi eq, %arg0, %eq3A : i32
    %convert_element_type3A_16 = arith.extui %eq3A_15 : i1 to i32
    %cond3A = arith.constant 0 : i32
    %cond3A_17 = arith.cmpi ne, %convert_element_type3A_16, %cond3A : i32
    scf.if %cond3A_17 {
      %broadcast_in_dim3A_888 = arith.constant 0.000000e+00 : f32
      %broadcast_in_dim3A_889 = vector.broadcast %broadcast_in_dim3A_888 : f32 to vector<8x128xf32>
      %swap3A_890 = arith.constant 0 : index
      %swap3A_891 = arith.constant 0 : index
      %swap3A_892 = vector.load %arg6[%swap3A_890, %swap3A_891] : memref<8x128xf32, #tpu.memory_space<vmem>>, vector<8x128xf32>
      tpu.vector_store %arg6[%swap3A_890, %swap3A_891], %broadcast_in_dim3A_889 {strides = array<i32>} : memref<8x128xf32, #tpu.memory_space<vmem>>, vector<8x128xf32>,
    } else {
    }
    %concatenate3A = tpu.concatenate %broadcast_in_dim3A_10, %broadcast_in_dim3A_14 in 0 : vector<1x16xf32>, vector<1x16xf32> -> vector<2x16xf32>
    %get3A_18 = arith.constant 0 : index
    %get3A_19 = arith.constant 0 : index
    %get3A_20 = vector.load %arg6[%get3A_18, %get3A_19] : memref<8x128xf32, #tpu.memory_space<vmem>>, vector<2x16xf32>
    %add3A = arith.addf %get3A_20, %concatenate3A : vector<2x16xf32>
    %swap3A = arith.constant 0 : index
    %swap3A_21 = arith.constant 0 : index
    %swap3A_22 = vector.load %arg6[%swap3A, %swap3A_21] : memref<8x128xf32, #tpu.memory_space<vmem>>, vector<2x16xf32>
    tpu.vector_store %arg6[%swap3A, %swap3A_21], %add3A {strides = array<i32>} : memref<8x128xf32, #tpu.memory_space<vmem>>, vector<2x16xf32>,
    %get3A_23 = arith.constant 0 : index
    %get3A_24 = arith.constant 0 : index
    %get3A_25 = arith.constant 0 : index
    %get3A_26 = vector.load %arg1[%get3A_23, %get3A_24, %get3A_25] : memref<4x16x512xf32, #tpu.memory_space<vmem>>, vector<1x16x512xf32>
    %get3A_27 = vector.shape_cast %get3A_26 : vector<1x16x512xf32> to vector<16x512xf32>
    %abs3A_28 = math.absf %get3A_27 : vector<16x512xf32>
    %reduce_sum3A_29 = arith.constant dense<0.000000e+00> : vector<512xf32>
    %reduce_sum3A_30 = vector.multi_reduction <add>, %abs3A_28, %reduce_sum3A_29 [0] : vector<16x512xf32> to vector<512xf32>
    %broadcast_in_dim3A_31 = vector.shape_cast %reduce_sum3A_30 : vector<512xf32> to vector<1x512xf32>
    %ne3A_32 = arith.constant 0.000000e+00 : f32
    %ne3A_33 = vector.broadcast %ne3A_32 : f32 to vector<1x512xf32>
    %ne3A_34 = arith.cmpf one, %broadcast_in_dim3A_31, %ne3A_33 : vector<1x512xf32>
    %convert_element_type3A_35 = arith.extui %ne3A_34 : vector<1x512xi1> to vector<1x512xi32>
    %convert_element_type3A_36 = arith.sitofp %convert_element_type3A_35 : vector<1x512xi32> to vector<1x512xf32>
    %slice3A = vector.extract_strided_slice %convert_element_type3A_6 {offsets = [0, 0], sizes = [512, 1], strides = [1, 1]} : vector<2048x1xf32> to vector<512x1xf32>
    %get3A_37 = arith.constant 0 : index
    %get3A_38 = arith.constant 0 : index
    %get3A_39 = arith.constant 0 : index
    %get3A_40 = vector.load %arg4[%get3A_37, %get3A_38, %get3A_39] : memref<4x512x3xf32, #tpu.memory_space<vmem>>, vector<1x512x3xf32>
    %get3A_41 = vector.shape_cast %get3A_40 : vector<1x512x3xf32> to vector<512x3xf32>
    %mul3A_42 = vector.broadcast %slice3A : vector<512x1xf32> to vector<512x3xf32>
    %mul3A_43 = arith.mulf %get3A_41, %mul3A_42 : vector<512x3xf32>
    %sub3A = arith.constant 1.000000e+00 : f32
    %sub3A_44 = vector.broadcast %sub3A : f32 to vector<512x1xf32>
    %sub3A_45 = arith.subf %sub3A_44, %slice3A : vector<512x1xf32>
    %mul3A_46 = arith.constant 1.000000e+09 : f32
    %mul3A_47 = vector.broadcast %mul3A_46 : f32 to vector<512x1xf32>
    %mul3A_48 = arith.mulf %sub3A_45, %mul3A_47 : vector<512x1xf32>
    %add3A_49 = vector.broadcast %mul3A_48 : vector<512x1xf32> to vector<512x3xf32>
    %add3A_50 = arith.addf %mul3A_43, %add3A_49 : vector<512x3xf32>
    %get3A_51 = arith.constant 0 : index
    %get3A_52 = arith.constant 0 : index
    %get3A_53 = arith.constant 0 : index
    %get3A_54 = vector.load %arg3[%get3A_51, %get3A_52, %get3A_53] : memref<4x3x512xf32, #tpu.memory_space<vmem>>, vector<1x3x512xf32>
    %get3A_55 = vector.shape_cast %get3A_54 : vector<1x3x512xf32> to vector<3x512xf32>
    %mul3A_56 = vector.broadcast %convert_element_type3A_36 : vector<1x512xf32> to vector<3x512xf32>
    %mul3A_57 = arith.mulf %get3A_55, %mul3A_56 : vector<3x512xf32>
    %sub3A_58 = arith.constant 1.000000e+00 : f32
    %sub3A_59 = vector.broadcast %sub3A_58 : f32 to vector<1x512xf32>
    %sub3A_60 = arith.subf %sub3A_59, %convert_element_type3A_36 : vector<1x512xf32>
    %mul3A_61 = arith.constant 1.000000e+09 : f32
    %mul3A_62 = vector.broadcast %mul3A_61 : f32 to vector<1x512xf32>
    %mul3A_63 = arith.mulf %sub3A_60, %mul3A_62 : vector<1x512xf32>
    %add3A_64 = vector.broadcast %mul3A_63 : vector<1x512xf32> to vector<3x512xf32>
    %add3A_65 = arith.addf %mul3A_57, %add3A_64 : vector<3x512xf32>
    %slice3A_66 = vector.extract_strided_slice %add3A_50 {offsets = [0, 0], sizes = [512, 1], strides = [1, 1]} : vector<512x3xf32> to vector<512x1xf32>
    %slice3A_67 = vector.extract_strided_slice %add3A_65 {offsets = [0, 0], sizes = [1, 512], strides = [1, 1]} : vector<3x512xf32> to vector<1x512xf32>
    %mul3A_68 = vector.broadcast %slice3A_66 : vector<512x1xf32> to vector<512x512xf32>
    %mul3A_69 = vector.broadcast %slice3A_67 : vector<1x512xf32> to vector<512x512xf32>
    %mul3A_70 = arith.mulf %mul3A_68, %mul3A_69 : vector<512x512xf32>
    %slice3A_71 = vector.extract_strided_slice %add3A_50 {offsets = [0, 1], sizes = [512, 1], strides = [1, 1]} : vector<512x3xf32> to vector<512x1xf32>
    %slice3A_72 = vector.extract_strided_slice %add3A_65 {offsets = [1, 0], sizes = [1, 512], strides = [1, 1]} : vector<3x512xf32> to vector<1x512xf32>
    %mul3A_73 = vector.broadcast %slice3A_71 : vector<512x1xf32> to vector<512x512xf32>
    %mul3A_74 = vector.broadcast %slice3A_72 : vector<1x512xf32> to vector<512x512xf32>
    %mul3A_75 = arith.mulf %mul3A_73, %mul3A_74 : vector<512x512xf32>
    %add3A_76 = arith.addf %mul3A_70, %mul3A_75 : vector<512x512xf32>
    %slice3A_77 = vector.extract_strided_slice %add3A_50 {offsets = [0, 2], sizes = [512, 1], strides = [1, 1]} : vector<512x3xf32> to vector<512x1xf32>
    %slice3A_78 = vector.extract_strided_slice %add3A_65 {offsets = [2, 0], sizes = [1, 512], strides = [1, 1]} : vector<3x512xf32> to vector<1x512xf32>
    %mul3A_79 = vector.broadcast %slice3A_77 : vector<512x1xf32> to vector<512x512xf32>
    %mul3A_80 = vector.broadcast %slice3A_78 : vector<1x512xf32> to vector<512x512xf32>
    %mul3A_81 = arith.mulf %mul3A_79, %mul3A_80 : vector<512x512xf32>
    %add3A_82 = arith.addf %add3A_76, %mul3A_81 : vector<512x512xf32>
    %mul3A_83 = arith.mulf %add3A_65, %add3A_65 : vector<3x512xf32>
    %reduce_sum3A_84 = arith.constant dense<0.000000e+00> : vector<512xf32>
    %reduce_sum3A_85 = vector.multi_reduction <add>, %mul3A_83, %reduce_sum3A_84 [0] : vector<3x512xf32> to vector<512xf32>
    %broadcast_in_dim3A_86 = vector.shape_cast %reduce_sum3A_85 : vector<512xf32> to vector<1x512xf32>
    %mul3A_87 = arith.mulf %add3A_50, %add3A_50 : vector<512x3xf32>
    %reduce_sum3A_88 = arith.constant dense<0.000000e+00> : vector<512xf32>
    %reduce_sum3A_89 = vector.multi_reduction <add>, %mul3A_87, %reduce_sum3A_88 [1] : vector<512x3xf32> to vector<512xf32>
    %broadcast_in_dim3A_90 = vector.shape_cast %reduce_sum3A_89 : vector<512xf32> to vector<512x1xf32>
    %mul3A_91 = arith.constant 2.000000e+00 : f32
    %mul3A_92 = vector.broadcast %mul3A_91 : f32 to vector<512x512xf32>
    %mul3A_93 = arith.mulf %mul3A_92, %add3A_82 : vector<512x512xf32>
    %sub3A_94 = vector.broadcast %broadcast_in_dim3A_86 : vector<1x512xf32> to vector<512x512xf32>
    %sub3A_95 = arith.subf %mul3A_93, %sub3A_94 : vector<512x512xf32>
    %sub3A_96 = vector.broadcast %broadcast_in_dim3A_90 : vector<512x1xf32> to vector<512x512xf32>
    %sub3A_97 = arith.subf %sub3A_95, %sub3A_96 : vector<512x512xf32>
    %mul3A_98 = arith.constant 4 : i32
    %mul3A_99 = arith.muli %arg0, %mul3A_98 : i32
    %add3A_100 = arith.constant 0 : i32
    %add3A_101 = arith.addi %mul3A_99, %add3A_100 : i32
    %mul3A_102 = arith.constant 512 : i32
    %mul3A_103 = arith.muli %add3A_101, %mul3A_102 : i32
    %iota3A = tpu.iota {dimensions = array<i32: 1>} : vector<512x512xi32>
    %convert_element_type3A_104 = arith.sitofp %iota3A : vector<512x512xi32> to vector<512x512xf32>
    %reduce_max3A = arith.constant dense<0xFF800000> : vector<512xf32>
    %reduce_max3A_105 = vector.multi_reduction <maximumf>, %sub3A_97, %reduce_max3A [1] : vector<512x512xf32> to vector<512xf32>
    %broadcast_in_dim3A_106 = vector.shape_cast %reduce_max3A_105 : vector<512xf32> to vector<512x1xf32>
    %eq3A_107 = vector.broadcast %broadcast_in_dim3A_106 : vector<512x1xf32> to vector<512x512xf32>
    %eq3A_108 = arith.cmpf oeq, %sub3A_97, %eq3A_107 : vector<512x512xf32>
    %jit3A = arith.constant 5.120000e+02 : f32
    %broadcast_in_dim3A_109 = vector.broadcast %jit3A : f32 to vector<512x512xf32>
    %select_n3A = arith.select %eq3A_108, %convert_element_type3A_104, %broadcast_in_dim3A_109 : vector<512x512xi1>, vector<512x512xf32>
    %reduce_min3A = arith.constant dense<0x7F800000> : vector<512xf32>
    %reduce_min3A_110 = vector.multi_reduction <minimumf>, %select_n3A, %reduce_min3A [1] : vector<512x512xf32> to vector<512xf32>
    %broadcast_in_dim3A_111 = vector.shape_cast %reduce_min3A_110 : vector<512xf32> to vector<512x1xf32>
    %eq3A_112 = vector.broadcast %broadcast_in_dim3A_111 : vector<512x1xf32> to vector<512x512xf32>
    %eq3A_113 = arith.cmpf oeq, %convert_element_type3A_104, %eq3A_112 : vector<512x512xf32>
    %jit3A_114 = arith.constant 0xFF800000 : f32
    %broadcast_in_dim3A_115 = vector.broadcast %jit3A_114 : f32 to vector<512x512xf32>
    %select_n3A_116 = arith.select %eq3A_113, %broadcast_in_dim3A_115, %sub3A_97 : vector<512x512xi1>, vector<512x512xf32>
    %reduce_max3A_117 = arith.constant dense<0xFF800000> : vector<512xf32>
    %reduce_max3A_118 = vector.multi_reduction <maximumf>, %select_n3A_116, %reduce_max3A_117 [1] : vector<512x512xf32> to vector<512xf32>
    %broadcast_in_dim3A_119 = vector.shape_cast %reduce_max3A_118 : vector<512xf32> to vector<512x1xf32>
    %eq3A_120 = vector.broadcast %broadcast_in_dim3A_119 : vector<512x1xf32> to vector<512x512xf32>
    %eq3A_121 = arith.cmpf oeq, %select_n3A_116, %eq3A_120 : vector<512x512xf32>
    %jit3A_122 = arith.constant 5.120000e+02 : f32
    %broadcast_in_dim3A_123 = vector.broadcast %jit3A_122 : f32 to vector<512x512xf32>
    %select_n3A_124 = arith.select %eq3A_121, %convert_element_type3A_104, %broadcast_in_dim3A_123 : vector<512x512xi1>, vector<512x512xf32>
    %reduce_min3A_125 = arith.constant dense<0x7F800000> : vector<512xf32>
    %reduce_min3A_126 = vector.multi_reduction <minimumf>, %select_n3A_124, %reduce_min3A_125 [1] : vector<512x512xf32> to vector<512xf32>
    %broadcast_in_dim3A_127 = vector.shape_cast %reduce_min3A_126 : vector<512xf32> to vector<512x1xf32>
    %eq3A_128 = vector.broadcast %broadcast_in_dim3A_127 : vector<512x1xf32> to vector<512x512xf32>
    %eq3A_129 = arith.cmpf oeq, %convert_element_type3A_104, %eq3A_128 : vector<512x512xf32>
    %jit3A_130 = arith.constant 0xFF800000 : f32
    %broadcast_in_dim3A_131 = vector.broadcast %jit3A_130 : f32 to vector<512x512xf32>
    %select_n3A_132 = arith.select %eq3A_129, %broadcast_in_dim3A_131, %select_n3A_116 : vector<512x512xi1>, vector<512x512xf32>
    %reduce_max3A_133 = arith.constant dense<0xFF800000> : vector<512xf32>
    %reduce_max3A_134 = vector.multi_reduction <maximumf>, %select_n3A_132, %reduce_max3A_133 [1] : vector<512x512xf32> to vector<512xf32>
    %broadcast_in_dim3A_135 = vector.shape_cast %reduce_max3A_134 : vector<512xf32> to vector<512x1xf32>
    %eq3A_136 = vector.broadcast %broadcast_in_dim3A_135 : vector<512x1xf32> to vector<512x512xf32>
    %eq3A_137 = arith.cmpf oeq, %select_n3A_132, %eq3A_136 : vector<512x512xf32>
    %jit3A_138 = arith.constant 5.120000e+02 : f32
    %broadcast_in_dim3A_139 = vector.broadcast %jit3A_138 : f32 to vector<512x512xf32>
    %select_n3A_140 = arith.select %eq3A_137, %convert_element_type3A_104, %broadcast_in_dim3A_139 : vector<512x512xi1>, vector<512x512xf32>
    %reduce_min3A_141 = arith.constant dense<0x7F800000> : vector<512xf32>
    %reduce_min3A_142 = vector.multi_reduction <minimumf>, %select_n3A_140, %reduce_min3A_141 [1] : vector<512x512xf32> to vector<512xf32>
    %broadcast_in_dim3A_143 = vector.shape_cast %reduce_min3A_142 : vector<512xf32> to vector<512x1xf32>
    %eq3A_144 = vector.broadcast %broadcast_in_dim3A_143 : vector<512x1xf32> to vector<512x512xf32>
    %eq3A_145 = arith.cmpf oeq, %convert_element_type3A_104, %eq3A_144 : vector<512x512xf32>
    %jit3A_146 = arith.constant 0xFF800000 : f32
    %broadcast_in_dim3A_147 = vector.broadcast %jit3A_146 : f32 to vector<512x512xf32>
    %select_n3A_148 = arith.select %eq3A_145, %broadcast_in_dim3A_147, %select_n3A_132 : vector<512x512xi1>, vector<512x512xf32>
    %reduce_max3A_149 = arith.constant dense<0xFF800000> : vector<512xf32>
    %reduce_max3A_150 = vector.multi_reduction <maximumf>, %select_n3A_148, %reduce_max3A_149 [1] : vector<512x512xf32> to vector<512xf32>
    %broadcast_in_dim3A_151 = vector.shape_cast %reduce_max3A_150 : vector<512xf32> to vector<512x1xf32>
    %eq3A_152 = vector.broadcast %broadcast_in_dim3A_151 : vector<512x1xf32> to vector<512x512xf32>
    %eq3A_153 = arith.cmpf oeq, %select_n3A_148, %eq3A_152 : vector<512x512xf32>
    %jit3A_154 = arith.constant 5.120000e+02 : f32
    %broadcast_in_dim3A_155 = vector.broadcast %jit3A_154 : f32 to vector<512x512xf32>
    %select_n3A_156 = arith.select %eq3A_153, %convert_element_type3A_104, %broadcast_in_dim3A_155 : vector<512x512xi1>, vector<512x512xf32>
    %reduce_min3A_157 = arith.constant dense<0x7F800000> : vector<512xf32>
    %reduce_min3A_158 = vector.multi_reduction <minimumf>, %select_n3A_156, %reduce_min3A_157 [1] : vector<512x512xf32> to vector<512xf32>
    %broadcast_in_dim3A_159 = vector.shape_cast %reduce_min3A_158 : vector<512xf32> to vector<512x1xf32>
    %eq3A_160 = vector.broadcast %broadcast_in_dim3A_159 : vector<512x1xf32> to vector<512x512xf32>
    %eq3A_161 = arith.cmpf oeq, %convert_element_type3A_104, %eq3A_160 : vector<512x512xf32>
    %jit3A_162 = arith.constant 0xFF800000 : f32
    %broadcast_in_dim3A_163 = vector.broadcast %jit3A_162 : f32 to vector<512x512xf32>
    %select_n3A_164 = arith.select %eq3A_161, %broadcast_in_dim3A_163, %select_n3A_148 : vector<512x512xi1>, vector<512x512xf32>
    %reduce_max3A_165 = arith.constant dense<0xFF800000> : vector<512xf32>
    %reduce_max3A_166 = vector.multi_reduction <maximumf>, %select_n3A_164, %reduce_max3A_165 [1] : vector<512x512xf32> to vector<512xf32>
    %broadcast_in_dim3A_167 = vector.shape_cast %reduce_max3A_166 : vector<512xf32> to vector<512x1xf32>
    %eq3A_168 = vector.broadcast %broadcast_in_dim3A_167 : vector<512x1xf32> to vector<512x512xf32>
    %eq3A_169 = arith.cmpf oeq, %select_n3A_164, %eq3A_168 : vector<512x512xf32>
    %jit3A_170 = arith.constant 5.120000e+02 : f32
    %broadcast_in_dim3A_171 = vector.broadcast %jit3A_170 : f32 to vector<512x512xf32>
    %select_n3A_172 = arith.select %eq3A_169, %convert_element_type3A_104, %broadcast_in_dim3A_171 : vector<512x512xi1>, vector<512x512xf32>
    %reduce_min3A_173 = arith.constant dense<0x7F800000> : vector<512xf32>
    %reduce_min3A_174 = vector.multi_reduction <minimumf>, %select_n3A_172, %reduce_min3A_173 [1] : vector<512x512xf32> to vector<512xf32>
    %broadcast_in_dim3A_175 = vector.shape_cast %reduce_min3A_174 : vector<512xf32> to vector<512x1xf32>
    %eq3A_176 = vector.broadcast %broadcast_in_dim3A_175 : vector<512x1xf32> to vector<512x512xf32>
    %eq3A_177 = arith.cmpf oeq, %convert_element_type3A_104, %eq3A_176 : vector<512x512xf32>
    %jit3A_178 = arith.constant 0xFF800000 : f32
    %broadcast_in_dim3A_179 = vector.broadcast %jit3A_178 : f32 to vector<512x512xf32>
    %select_n3A_180 = arith.select %eq3A_177, %broadcast_in_dim3A_179, %select_n3A_164 : vector<512x512xi1>, vector<512x512xf32>
    %reduce_max3A_181 = arith.constant dense<0xFF800000> : vector<512xf32>
    %reduce_max3A_182 = vector.multi_reduction <maximumf>, %select_n3A_180, %reduce_max3A_181 [1] : vector<512x512xf32> to vector<512xf32>
    %broadcast_in_dim3A_183 = vector.shape_cast %reduce_max3A_182 : vector<512xf32> to vector<512x1xf32>
    %eq3A_184 = vector.broadcast %broadcast_in_dim3A_183 : vector<512x1xf32> to vector<512x512xf32>
    %eq3A_185 = arith.cmpf oeq, %select_n3A_180, %eq3A_184 : vector<512x512xf32>
    %jit3A_186 = arith.constant 5.120000e+02 : f32
    %broadcast_in_dim3A_187 = vector.broadcast %jit3A_186 : f32 to vector<512x512xf32>
    %select_n3A_188 = arith.select %eq3A_185, %convert_element_type3A_104, %broadcast_in_dim3A_187 : vector<512x512xi1>, vector<512x512xf32>
    %reduce_min3A_189 = arith.constant dense<0x7F800000> : vector<512xf32>
    %reduce_min3A_190 = vector.multi_reduction <minimumf>, %select_n3A_188, %reduce_min3A_189 [1] : vector<512x512xf32> to vector<512xf32>
    %broadcast_in_dim3A_191 = vector.shape_cast %reduce_min3A_190 : vector<512xf32> to vector<512x1xf32>
    %eq3A_192 = vector.broadcast %broadcast_in_dim3A_191 : vector<512x1xf32> to vector<512x512xf32>
    %eq3A_193 = arith.cmpf oeq, %convert_element_type3A_104, %eq3A_192 : vector<512x512xf32>
    %jit3A_194 = arith.constant 0xFF800000 : f32
    %broadcast_in_dim3A_195 = vector.broadcast %jit3A_194 : f32 to vector<512x512xf32>
    %select_n3A_196 = arith.select %eq3A_193, %broadcast_in_dim3A_195, %select_n3A_180 : vector<512x512xi1>, vector<512x512xf32>
    %reduce_max3A_197 = arith.constant dense<0xFF800000> : vector<512xf32>
    %reduce_max3A_198 = vector.multi_reduction <maximumf>, %select_n3A_196, %reduce_max3A_197 [1] : vector<512x512xf32> to vector<512xf32>
    %broadcast_in_dim3A_199 = vector.shape_cast %reduce_max3A_198 : vector<512xf32> to vector<512x1xf32>
    %eq3A_200 = vector.broadcast %broadcast_in_dim3A_199 : vector<512x1xf32> to vector<512x512xf32>
    %eq3A_201 = arith.cmpf oeq, %select_n3A_196, %eq3A_200 : vector<512x512xf32>
    %jit3A_202 = arith.constant 5.120000e+02 : f32
    %broadcast_in_dim3A_203 = vector.broadcast %jit3A_202 : f32 to vector<512x512xf32>
    %select_n3A_204 = arith.select %eq3A_201, %convert_element_type3A_104, %broadcast_in_dim3A_203 : vector<512x512xi1>, vector<512x512xf32>
    %reduce_min3A_205 = arith.constant dense<0x7F800000> : vector<512xf32>
    %reduce_min3A_206 = vector.multi_reduction <minimumf>, %select_n3A_204, %reduce_min3A_205 [1] : vector<512x512xf32> to vector<512xf32>
    %broadcast_in_dim3A_207 = vector.shape_cast %reduce_min3A_206 : vector<512xf32> to vector<512x1xf32>
    %eq3A_208 = vector.broadcast %broadcast_in_dim3A_207 : vector<512x1xf32> to vector<512x512xf32>
    %eq3A_209 = arith.cmpf oeq, %convert_element_type3A_104, %eq3A_208 : vector<512x512xf32>
    %jit3A_210 = arith.constant 0xFF800000 : f32
    %broadcast_in_dim3A_211 = vector.broadcast %jit3A_210 : f32 to vector<512x512xf32>
    %select_n3A_212 = arith.select %eq3A_209, %broadcast_in_dim3A_211, %select_n3A_196 : vector<512x512xi1>, vector<512x512xf32>
    %reduce_max3A_213 = arith.constant dense<0xFF800000> : vector<512xf32>
    %reduce_max3A_214 = vector.multi_reduction <maximumf>, %select_n3A_212, %reduce_max3A_213 [1] : vector<512x512xf32> to vector<512xf32>
    %broadcast_in_dim3A_215 = vector.shape_cast %reduce_max3A_214 : vector<512xf32> to vector<512x1xf32>
    %eq3A_216 = vector.broadcast %broadcast_in_dim3A_215 : vector<512x1xf32> to vector<512x512xf32>
    %eq3A_217 = arith.cmpf oeq, %select_n3A_212, %eq3A_216 : vector<512x512xf32>
    %jit3A_218 = arith.constant 5.120000e+02 : f32
    %broadcast_in_dim3A_219 = vector.broadcast %jit3A_218 : f32 to vector<512x512xf32>
    %select_n3A_220 = arith.select %eq3A_217, %convert_element_type3A_104, %broadcast_in_dim3A_219 : vector<512x512xi1>, vector<512x512xf32>
    %reduce_min3A_221 = arith.constant dense<0x7F800000> : vector<512xf32>
    %reduce_min3A_222 = vector.multi_reduction <minimumf>, %select_n3A_220, %reduce_min3A_221 [1] : vector<512x512xf32> to vector<512xf32>
    %broadcast_in_dim3A_223 = vector.shape_cast %reduce_min3A_222 : vector<512xf32> to vector<512x1xf32>
    %concatenate3A_224 = tpu.concatenate %broadcast_in_dim3A_111, %broadcast_in_dim3A_127, %broadcast_in_dim3A_143, %broadcast_in_dim3A_159, %broadcast_in_dim3A_175, %broadcast_in_dim3A_191, %broadcast_in_dim3A_207, %broadcast_in_dim3A_223 in 1 : vector<512x1xf32>, vector<512x1xf32>, vector<512x1xf32>, vector<512x1xf32>, vector<512x1xf32>, vector<512x1xf32>, vector<512x1xf32>, vector<512x1xf32> -> vector<512x8xf32>
    %convert_element_type3A_225 = arith.fptosi %concatenate3A_224 : vector<512x8xf32> to vector<512x8xi32>
    %add3A_226 = vector.broadcast %mul3A_103 : i32 to vector<512x8xi32>
    %add3A_227 = arith.addi %convert_element_type3A_225, %add3A_226 : vector<512x8xi32>
    %swap3A_228 = arith.constant 0 : index
    %swap3A_229 = arith.constant 0 : index
    %swap3A_230 = arith.constant 0 : index
    %swap3A_231 = vector.load %arg5[%swap3A_228, %swap3A_229, %swap3A_230] : memref<4x512x8xi32, #tpu.memory_space<vmem>>, vector<1x512x8xi32>
    %swap3A_232 = vector.shape_cast %swap3A_231 : vector<1x512x8xi32> to vector<512x8xi32>
    %swap3A_233 = vector.shape_cast %add3A_227 : vector<512x8xi32> to vector<1x512x8xi32>
    tpu.vector_store %arg5[%swap3A_228, %swap3A_229, %swap3A_230], %swap3A_233 {strides = array<i32>} : memref<4x512x8xi32, #tpu.memory_space<vmem>>, vector<1x512x8xi32>,
    %get3A_234 = arith.constant 1 : index
    %get3A_235 = arith.constant 0 : index
    %get3A_236 = arith.constant 0 : index
    %get3A_237 = vector.load %arg1[%get3A_234, %get3A_235, %get3A_236] : memref<4x16x512xf32, #tpu.memory_space<vmem>>, vector<1x16x512xf32>
    %get3A_238 = vector.shape_cast %get3A_237 : vector<1x16x512xf32> to vector<16x512xf32>
    %abs3A_239 = math.absf %get3A_238 : vector<16x512xf32>
    %reduce_sum3A_240 = arith.constant dense<0.000000e+00> : vector<512xf32>
    %reduce_sum3A_241 = vector.multi_reduction <add>, %abs3A_239, %reduce_sum3A_240 [0] : vector<16x512xf32> to vector<512xf32>
    %broadcast_in_dim3A_242 = vector.shape_cast %reduce_sum3A_241 : vector<512xf32> to vector<1x512xf32>
    %ne3A_243 = arith.constant 0.000000e+00 : f32
    %ne3A_244 = vector.broadcast %ne3A_243 : f32 to vector<1x512xf32>
    %ne3A_245 = arith.cmpf one, %broadcast_in_dim3A_242, %ne3A_244 : vector<1x512xf32>
    %convert_element_type3A_246 = arith.extui %ne3A_245 : vector<1x512xi1> to vector<1x512xi32>
    %convert_element_type3A_247 = arith.sitofp %convert_element_type3A_246 : vector<1x512xi32> to vector<1x512xf32>
    %slice3A_248 = vector.extract_strided_slice %convert_element_type3A_6 {offsets = [512, 0], sizes = [512, 1], strides = [1, 1]} : vector<2048x1xf32> to vector<512x1xf32>
    %get3A_249 = arith.constant 1 : index
    %get3A_250 = arith.constant 0 : index
    %get3A_251 = arith.constant 0 : index
    %get3A_252 = vector.load %arg4[%get3A_249, %get3A_250, %get3A_251] : memref<4x512x3xf32, #tpu.memory_space<vmem>>, vector<1x512x3xf32>
    %get3A_253 = vector.shape_cast %get3A_252 : vector<1x512x3xf32> to vector<512x3xf32>
    %mul3A_254 = vector.broadcast %slice3A_248 : vector<512x1xf32> to vector<512x3xf32>
    %mul3A_255 = arith.mulf %get3A_253, %mul3A_254 : vector<512x3xf32>
    %sub3A_256 = arith.constant 1.000000e+00 : f32
    %sub3A_257 = vector.broadcast %sub3A_256 : f32 to vector<512x1xf32>
    %sub3A_258 = arith.subf %sub3A_257, %slice3A_248 : vector<512x1xf32>
    %mul3A_259 = arith.constant 1.000000e+09 : f32
    %mul3A_260 = vector.broadcast %mul3A_259 : f32 to vector<512x1xf32>
    %mul3A_261 = arith.mulf %sub3A_258, %mul3A_260 : vector<512x1xf32>
    %add3A_262 = vector.broadcast %mul3A_261 : vector<512x1xf32> to vector<512x3xf32>
    %add3A_263 = arith.addf %mul3A_255, %add3A_262 : vector<512x3xf32>
    %get3A_264 = arith.constant 1 : index
    %get3A_265 = arith.constant 0 : index
    %get3A_266 = arith.constant 0 : index
    %get3A_267 = vector.load %arg3[%get3A_264, %get3A_265, %get3A_266] : memref<4x3x512xf32, #tpu.memory_space<vmem>>, vector<1x3x512xf32>
    %get3A_268 = vector.shape_cast %get3A_267 : vector<1x3x512xf32> to vector<3x512xf32>
    %mul3A_269 = vector.broadcast %convert_element_type3A_247 : vector<1x512xf32> to vector<3x512xf32>
    %mul3A_270 = arith.mulf %get3A_268, %mul3A_269 : vector<3x512xf32>
    %sub3A_271 = arith.constant 1.000000e+00 : f32
    %sub3A_272 = vector.broadcast %sub3A_271 : f32 to vector<1x512xf32>
    %sub3A_273 = arith.subf %sub3A_272, %convert_element_type3A_247 : vector<1x512xf32>
    %mul3A_274 = arith.constant 1.000000e+09 : f32
    %mul3A_275 = vector.broadcast %mul3A_274 : f32 to vector<1x512xf32>
    %mul3A_276 = arith.mulf %sub3A_273, %mul3A_275 : vector<1x512xf32>
    %add3A_277 = vector.broadcast %mul3A_276 : vector<1x512xf32> to vector<3x512xf32>
    %add3A_278 = arith.addf %mul3A_270, %add3A_277 : vector<3x512xf32>
    %slice3A_279 = vector.extract_strided_slice %add3A_263 {offsets = [0, 0], sizes = [512, 1], strides = [1, 1]} : vector<512x3xf32> to vector<512x1xf32>
    %slice3A_280 = vector.extract_strided_slice %add3A_278 {offsets = [0, 0], sizes = [1, 512], strides = [1, 1]} : vector<3x512xf32> to vector<1x512xf32>
    %mul3A_281 = vector.broadcast %slice3A_279 : vector<512x1xf32> to vector<512x512xf32>
    %mul3A_282 = vector.broadcast %slice3A_280 : vector<1x512xf32> to vector<512x512xf32>
    %mul3A_283 = arith.mulf %mul3A_281, %mul3A_282 : vector<512x512xf32>
    %slice3A_284 = vector.extract_strided_slice %add3A_263 {offsets = [0, 1], sizes = [512, 1], strides = [1, 1]} : vector<512x3xf32> to vector<512x1xf32>
    %slice3A_285 = vector.extract_strided_slice %add3A_278 {offsets = [1, 0], sizes = [1, 512], strides = [1, 1]} : vector<3x512xf32> to vector<1x512xf32>
    %mul3A_286 = vector.broadcast %slice3A_284 : vector<512x1xf32> to vector<512x512xf32>
    %mul3A_287 = vector.broadcast %slice3A_285 : vector<1x512xf32> to vector<512x512xf32>
    %mul3A_288 = arith.mulf %mul3A_286, %mul3A_287 : vector<512x512xf32>
    %add3A_289 = arith.addf %mul3A_283, %mul3A_288 : vector<512x512xf32>
    %slice3A_290 = vector.extract_strided_slice %add3A_263 {offsets = [0, 2], sizes = [512, 1], strides = [1, 1]} : vector<512x3xf32> to vector<512x1xf32>
    %slice3A_291 = vector.extract_strided_slice %add3A_278 {offsets = [2, 0], sizes = [1, 512], strides = [1, 1]} : vector<3x512xf32> to vector<1x512xf32>
    %mul3A_292 = vector.broadcast %slice3A_290 : vector<512x1xf32> to vector<512x512xf32>
    %mul3A_293 = vector.broadcast %slice3A_291 : vector<1x512xf32> to vector<512x512xf32>
    %mul3A_294 = arith.mulf %mul3A_292, %mul3A_293 : vector<512x512xf32>
    %add3A_295 = arith.addf %add3A_289, %mul3A_294 : vector<512x512xf32>
    %mul3A_296 = arith.mulf %add3A_278, %add3A_278 : vector<3x512xf32>
    %reduce_sum3A_297 = arith.constant dense<0.000000e+00> : vector<512xf32>
    %reduce_sum3A_298 = vector.multi_reduction <add>, %mul3A_296, %reduce_sum3A_297 [0] : vector<3x512xf32> to vector<512xf32>
    %broadcast_in_dim3A_299 = vector.shape_cast %reduce_sum3A_298 : vector<512xf32> to vector<1x512xf32>
    %mul3A_300 = arith.mulf %add3A_263, %add3A_263 : vector<512x3xf32>
    %reduce_sum3A_301 = arith.constant dense<0.000000e+00> : vector<512xf32>
    %reduce_sum3A_302 = vector.multi_reduction <add>, %mul3A_300, %reduce_sum3A_301 [1] : vector<512x3xf32> to vector<512xf32>
    %broadcast_in_dim3A_303 = vector.shape_cast %reduce_sum3A_302 : vector<512xf32> to vector<512x1xf32>
    %mul3A_304 = arith.constant 2.000000e+00 : f32
    %mul3A_305 = vector.broadcast %mul3A_304 : f32 to vector<512x512xf32>
    %mul3A_306 = arith.mulf %mul3A_305, %add3A_295 : vector<512x512xf32>
    %sub3A_307 = vector.broadcast %broadcast_in_dim3A_299 : vector<1x512xf32> to vector<512x512xf32>
    %sub3A_308 = arith.subf %mul3A_306, %sub3A_307 : vector<512x512xf32>
    %sub3A_309 = vector.broadcast %broadcast_in_dim3A_303 : vector<512x1xf32> to vector<512x512xf32>
    %sub3A_310 = arith.subf %sub3A_308, %sub3A_309 : vector<512x512xf32>
    %mul3A_311 = arith.constant 4 : i32
    %mul3A_312 = arith.muli %arg0, %mul3A_311 : i32
    %add3A_313 = arith.constant 1 : i32
    %add3A_314 = arith.addi %mul3A_312, %add3A_313 : i32
    %mul3A_315 = arith.constant 512 : i32
    %mul3A_316 = arith.muli %add3A_314, %mul3A_315 : i32
    %iota3A_317 = tpu.iota {dimensions = array<i32: 1>} : vector<512x512xi32>
    %convert_element_type3A_318 = arith.sitofp %iota3A_317 : vector<512x512xi32> to vector<512x512xf32>
    %reduce_max3A_319 = arith.constant dense<0xFF800000> : vector<512xf32>
    %reduce_max3A_320 = vector.multi_reduction <maximumf>, %sub3A_310, %reduce_max3A_319 [1] : vector<512x512xf32> to vector<512xf32>
    %broadcast_in_dim3A_321 = vector.shape_cast %reduce_max3A_320 : vector<512xf32> to vector<512x1xf32>
    %eq3A_322 = vector.broadcast %broadcast_in_dim3A_321 : vector<512x1xf32> to vector<512x512xf32>
    %eq3A_323 = arith.cmpf oeq, %sub3A_310, %eq3A_322 : vector<512x512xf32>
    %jit3A_324 = arith.constant 5.120000e+02 : f32
    %broadcast_in_dim3A_325 = vector.broadcast %jit3A_324 : f32 to vector<512x512xf32>
    %select_n3A_326 = arith.select %eq3A_323, %convert_element_type3A_318, %broadcast_in_dim3A_325 : vector<512x512xi1>, vector<512x512xf32>
    %reduce_min3A_327 = arith.constant dense<0x7F800000> : vector<512xf32>
    %reduce_min3A_328 = vector.multi_reduction <minimumf>, %select_n3A_326, %reduce_min3A_327 [1] : vector<512x512xf32> to vector<512xf32>
    %broadcast_in_dim3A_329 = vector.shape_cast %reduce_min3A_328 : vector<512xf32> to vector<512x1xf32>
    %eq3A_330 = vector.broadcast %broadcast_in_dim3A_329 : vector<512x1xf32> to vector<512x512xf32>
    %eq3A_331 = arith.cmpf oeq, %convert_element_type3A_318, %eq3A_330 : vector<512x512xf32>
    %jit3A_332 = arith.constant 0xFF800000 : f32
    %broadcast_in_dim3A_333 = vector.broadcast %jit3A_332 : f32 to vector<512x512xf32>
    %select_n3A_334 = arith.select %eq3A_331, %broadcast_in_dim3A_333, %sub3A_310 : vector<512x512xi1>, vector<512x512xf32>
    %reduce_max3A_335 = arith.constant dense<0xFF800000> : vector<512xf32>
    %reduce_max3A_336 = vector.multi_reduction <maximumf>, %select_n3A_334, %reduce_max3A_335 [1] : vector<512x512xf32> to vector<512xf32>
    %broadcast_in_dim3A_337 = vector.shape_cast %reduce_max3A_336 : vector<512xf32> to vector<512x1xf32>
    %eq3A_338 = vector.broadcast %broadcast_in_dim3A_337 : vector<512x1xf32> to vector<512x512xf32>
    %eq3A_339 = arith.cmpf oeq, %select_n3A_334, %eq3A_338 : vector<512x512xf32>
    %jit3A_340 = arith.constant 5.120000e+02 : f32
    %broadcast_in_dim3A_341 = vector.broadcast %jit3A_340 : f32 to vector<512x512xf32>
    %select_n3A_342 = arith.select %eq3A_339, %convert_element_type3A_318, %broadcast_in_dim3A_341 : vector<512x512xi1>, vector<512x512xf32>
    %reduce_min3A_343 = arith.constant dense<0x7F800000> : vector<512xf32>
    %reduce_min3A_344 = vector.multi_reduction <minimumf>, %select_n3A_342, %reduce_min3A_343 [1] : vector<512x512xf32> to vector<512xf32>
    %broadcast_in_dim3A_345 = vector.shape_cast %reduce_min3A_344 : vector<512xf32> to vector<512x1xf32>
    %eq3A_346 = vector.broadcast %broadcast_in_dim3A_345 : vector<512x1xf32> to vector<512x512xf32>
    %eq3A_347 = arith.cmpf oeq, %convert_element_type3A_318, %eq3A_346 : vector<512x512xf32>
    %jit3A_348 = arith.constant 0xFF800000 : f32
    %broadcast_in_dim3A_349 = vector.broadcast %jit3A_348 : f32 to vector<512x512xf32>
    %select_n3A_350 = arith.select %eq3A_347, %broadcast_in_dim3A_349, %select_n3A_334 : vector<512x512xi1>, vector<512x512xf32>
    %reduce_max3A_351 = arith.constant dense<0xFF800000> : vector<512xf32>
    %reduce_max3A_352 = vector.multi_reduction <maximumf>, %select_n3A_350, %reduce_max3A_351 [1] : vector<512x512xf32> to vector<512xf32>
    %broadcast_in_dim3A_353 = vector.shape_cast %reduce_max3A_352 : vector<512xf32> to vector<512x1xf32>
    %eq3A_354 = vector.broadcast %broadcast_in_dim3A_353 : vector<512x1xf32> to vector<512x512xf32>
    %eq3A_355 = arith.cmpf oeq, %select_n3A_350, %eq3A_354 : vector<512x512xf32>
    %jit3A_356 = arith.constant 5.120000e+02 : f32
    %broadcast_in_dim3A_357 = vector.broadcast %jit3A_356 : f32 to vector<512x512xf32>
    %select_n3A_358 = arith.select %eq3A_355, %convert_element_type3A_318, %broadcast_in_dim3A_357 : vector<512x512xi1>, vector<512x512xf32>
    %reduce_min3A_359 = arith.constant dense<0x7F800000> : vector<512xf32>
    %reduce_min3A_360 = vector.multi_reduction <minimumf>, %select_n3A_358, %reduce_min3A_359 [1] : vector<512x512xf32> to vector<512xf32>
    %broadcast_in_dim3A_361 = vector.shape_cast %reduce_min3A_360 : vector<512xf32> to vector<512x1xf32>
    %eq3A_362 = vector.broadcast %broadcast_in_dim3A_361 : vector<512x1xf32> to vector<512x512xf32>
    %eq3A_363 = arith.cmpf oeq, %convert_element_type3A_318, %eq3A_362 : vector<512x512xf32>
    %jit3A_364 = arith.constant 0xFF800000 : f32
    %broadcast_in_dim3A_365 = vector.broadcast %jit3A_364 : f32 to vector<512x512xf32>
    %select_n3A_366 = arith.select %eq3A_363, %broadcast_in_dim3A_365, %select_n3A_350 : vector<512x512xi1>, vector<512x512xf32>
    %reduce_max3A_367 = arith.constant dense<0xFF800000> : vector<512xf32>
    %reduce_max3A_368 = vector.multi_reduction <maximumf>, %select_n3A_366, %reduce_max3A_367 [1] : vector<512x512xf32> to vector<512xf32>
    %broadcast_in_dim3A_369 = vector.shape_cast %reduce_max3A_368 : vector<512xf32> to vector<512x1xf32>
    %eq3A_370 = vector.broadcast %broadcast_in_dim3A_369 : vector<512x1xf32> to vector<512x512xf32>
    %eq3A_371 = arith.cmpf oeq, %select_n3A_366, %eq3A_370 : vector<512x512xf32>
    %jit3A_372 = arith.constant 5.120000e+02 : f32
    %broadcast_in_dim3A_373 = vector.broadcast %jit3A_372 : f32 to vector<512x512xf32>
    %select_n3A_374 = arith.select %eq3A_371, %convert_element_type3A_318, %broadcast_in_dim3A_373 : vector<512x512xi1>, vector<512x512xf32>
    %reduce_min3A_375 = arith.constant dense<0x7F800000> : vector<512xf32>
    %reduce_min3A_376 = vector.multi_reduction <minimumf>, %select_n3A_374, %reduce_min3A_375 [1] : vector<512x512xf32> to vector<512xf32>
    %broadcast_in_dim3A_377 = vector.shape_cast %reduce_min3A_376 : vector<512xf32> to vector<512x1xf32>
    %eq3A_378 = vector.broadcast %broadcast_in_dim3A_377 : vector<512x1xf32> to vector<512x512xf32>
    %eq3A_379 = arith.cmpf oeq, %convert_element_type3A_318, %eq3A_378 : vector<512x512xf32>
    %jit3A_380 = arith.constant 0xFF800000 : f32
    %broadcast_in_dim3A_381 = vector.broadcast %jit3A_380 : f32 to vector<512x512xf32>
    %select_n3A_382 = arith.select %eq3A_379, %broadcast_in_dim3A_381, %select_n3A_366 : vector<512x512xi1>, vector<512x512xf32>
    %reduce_max3A_383 = arith.constant dense<0xFF800000> : vector<512xf32>
    %reduce_max3A_384 = vector.multi_reduction <maximumf>, %select_n3A_382, %reduce_max3A_383 [1] : vector<512x512xf32> to vector<512xf32>
    %broadcast_in_dim3A_385 = vector.shape_cast %reduce_max3A_384 : vector<512xf32> to vector<512x1xf32>
    %eq3A_386 = vector.broadcast %broadcast_in_dim3A_385 : vector<512x1xf32> to vector<512x512xf32>
    %eq3A_387 = arith.cmpf oeq, %select_n3A_382, %eq3A_386 : vector<512x512xf32>
    %jit3A_388 = arith.constant 5.120000e+02 : f32
    %broadcast_in_dim3A_389 = vector.broadcast %jit3A_388 : f32 to vector<512x512xf32>
    %select_n3A_390 = arith.select %eq3A_387, %convert_element_type3A_318, %broadcast_in_dim3A_389 : vector<512x512xi1>, vector<512x512xf32>
    %reduce_min3A_391 = arith.constant dense<0x7F800000> : vector<512xf32>
    %reduce_min3A_392 = vector.multi_reduction <minimumf>, %select_n3A_390, %reduce_min3A_391 [1] : vector<512x512xf32> to vector<512xf32>
    %broadcast_in_dim3A_393 = vector.shape_cast %reduce_min3A_392 : vector<512xf32> to vector<512x1xf32>
    %eq3A_394 = vector.broadcast %broadcast_in_dim3A_393 : vector<512x1xf32> to vector<512x512xf32>
    %eq3A_395 = arith.cmpf oeq, %convert_element_type3A_318, %eq3A_394 : vector<512x512xf32>
    %jit3A_396 = arith.constant 0xFF800000 : f32
    %broadcast_in_dim3A_397 = vector.broadcast %jit3A_396 : f32 to vector<512x512xf32>
    %select_n3A_398 = arith.select %eq3A_395, %broadcast_in_dim3A_397, %select_n3A_382 : vector<512x512xi1>, vector<512x512xf32>
    %reduce_max3A_399 = arith.constant dense<0xFF800000> : vector<512xf32>
    %reduce_max3A_400 = vector.multi_reduction <maximumf>, %select_n3A_398, %reduce_max3A_399 [1] : vector<512x512xf32> to vector<512xf32>
    %broadcast_in_dim3A_401 = vector.shape_cast %reduce_max3A_400 : vector<512xf32> to vector<512x1xf32>
    %eq3A_402 = vector.broadcast %broadcast_in_dim3A_401 : vector<512x1xf32> to vector<512x512xf32>
    %eq3A_403 = arith.cmpf oeq, %select_n3A_398, %eq3A_402 : vector<512x512xf32>
    %jit3A_404 = arith.constant 5.120000e+02 : f32
    %broadcast_in_dim3A_405 = vector.broadcast %jit3A_404 : f32 to vector<512x512xf32>
    %select_n3A_406 = arith.select %eq3A_403, %convert_element_type3A_318, %broadcast_in_dim3A_405 : vector<512x512xi1>, vector<512x512xf32>
    %reduce_min3A_407 = arith.constant dense<0x7F800000> : vector<512xf32>
    %reduce_min3A_408 = vector.multi_reduction <minimumf>, %select_n3A_406, %reduce_min3A_407 [1] : vector<512x512xf32> to vector<512xf32>
    %broadcast_in_dim3A_409 = vector.shape_cast %reduce_min3A_408 : vector<512xf32> to vector<512x1xf32>
    %eq3A_410 = vector.broadcast %broadcast_in_dim3A_409 : vector<512x1xf32> to vector<512x512xf32>
    %eq3A_411 = arith.cmpf oeq, %convert_element_type3A_318, %eq3A_410 : vector<512x512xf32>
    %jit3A_412 = arith.constant 0xFF800000 : f32
    %broadcast_in_dim3A_413 = vector.broadcast %jit3A_412 : f32 to vector<512x512xf32>
    %select_n3A_414 = arith.select %eq3A_411, %broadcast_in_dim3A_413, %select_n3A_398 : vector<512x512xi1>, vector<512x512xf32>
    %reduce_max3A_415 = arith.constant dense<0xFF800000> : vector<512xf32>
    %reduce_max3A_416 = vector.multi_reduction <maximumf>, %select_n3A_414, %reduce_max3A_415 [1] : vector<512x512xf32> to vector<512xf32>
    %broadcast_in_dim3A_417 = vector.shape_cast %reduce_max3A_416 : vector<512xf32> to vector<512x1xf32>
    %eq3A_418 = vector.broadcast %broadcast_in_dim3A_417 : vector<512x1xf32> to vector<512x512xf32>
    %eq3A_419 = arith.cmpf oeq, %select_n3A_414, %eq3A_418 : vector<512x512xf32>
    %jit3A_420 = arith.constant 5.120000e+02 : f32
    %broadcast_in_dim3A_421 = vector.broadcast %jit3A_420 : f32 to vector<512x512xf32>
    %select_n3A_422 = arith.select %eq3A_419, %convert_element_type3A_318, %broadcast_in_dim3A_421 : vector<512x512xi1>, vector<512x512xf32>
    %reduce_min3A_423 = arith.constant dense<0x7F800000> : vector<512xf32>
    %reduce_min3A_424 = vector.multi_reduction <minimumf>, %select_n3A_422, %reduce_min3A_423 [1] : vector<512x512xf32> to vector<512xf32>
    %broadcast_in_dim3A_425 = vector.shape_cast %reduce_min3A_424 : vector<512xf32> to vector<512x1xf32>
    %eq3A_426 = vector.broadcast %broadcast_in_dim3A_425 : vector<512x1xf32> to vector<512x512xf32>
    %eq3A_427 = arith.cmpf oeq, %convert_element_type3A_318, %eq3A_426 : vector<512x512xf32>
    %jit3A_428 = arith.constant 0xFF800000 : f32
    %broadcast_in_dim3A_429 = vector.broadcast %jit3A_428 : f32 to vector<512x512xf32>
    %select_n3A_430 = arith.select %eq3A_427, %broadcast_in_dim3A_429, %select_n3A_414 : vector<512x512xi1>, vector<512x512xf32>
    %reduce_max3A_431 = arith.constant dense<0xFF800000> : vector<512xf32>
    %reduce_max3A_432 = vector.multi_reduction <maximumf>, %select_n3A_430, %reduce_max3A_431 [1] : vector<512x512xf32> to vector<512xf32>
    %broadcast_in_dim3A_433 = vector.shape_cast %reduce_max3A_432 : vector<512xf32> to vector<512x1xf32>
    %eq3A_434 = vector.broadcast %broadcast_in_dim3A_433 : vector<512x1xf32> to vector<512x512xf32>
    %eq3A_435 = arith.cmpf oeq, %select_n3A_430, %eq3A_434 : vector<512x512xf32>
    %jit3A_436 = arith.constant 5.120000e+02 : f32
    %broadcast_in_dim3A_437 = vector.broadcast %jit3A_436 : f32 to vector<512x512xf32>
    %select_n3A_438 = arith.select %eq3A_435, %convert_element_type3A_318, %broadcast_in_dim3A_437 : vector<512x512xi1>, vector<512x512xf32>
    %reduce_min3A_439 = arith.constant dense<0x7F800000> : vector<512xf32>
    %reduce_min3A_440 = vector.multi_reduction <minimumf>, %select_n3A_438, %reduce_min3A_439 [1] : vector<512x512xf32> to vector<512xf32>
    %broadcast_in_dim3A_441 = vector.shape_cast %reduce_min3A_440 : vector<512xf32> to vector<512x1xf32>
    %concatenate3A_442 = tpu.concatenate %broadcast_in_dim3A_329, %broadcast_in_dim3A_345, %broadcast_in_dim3A_361, %broadcast_in_dim3A_377, %broadcast_in_dim3A_393, %broadcast_in_dim3A_409, %broadcast_in_dim3A_425, %broadcast_in_dim3A_441 in 1 : vector<512x1xf32>, vector<512x1xf32>, vector<512x1xf32>, vector<512x1xf32>, vector<512x1xf32>, vector<512x1xf32>, vector<512x1xf32>, vector<512x1xf32> -> vector<512x8xf32>
    %convert_element_type3A_443 = arith.fptosi %concatenate3A_442 : vector<512x8xf32> to vector<512x8xi32>
    %add3A_444 = vector.broadcast %mul3A_316 : i32 to vector<512x8xi32>
    %add3A_445 = arith.addi %convert_element_type3A_443, %add3A_444 : vector<512x8xi32>
    %swap3A_446 = arith.constant 1 : index
    %swap3A_447 = arith.constant 0 : index
    %swap3A_448 = arith.constant 0 : index
    %swap3A_449 = vector.load %arg5[%swap3A_446, %swap3A_447, %swap3A_448] : memref<4x512x8xi32, #tpu.memory_space<vmem>>, vector<1x512x8xi32>
    %swap3A_450 = vector.shape_cast %swap3A_449 : vector<1x512x8xi32> to vector<512x8xi32>
    %swap3A_451 = vector.shape_cast %add3A_445 : vector<512x8xi32> to vector<1x512x8xi32>
    tpu.vector_store %arg5[%swap3A_446, %swap3A_447, %swap3A_448], %swap3A_451 {strides = array<i32>} : memref<4x512x8xi32, #tpu.memory_space<vmem>>, vector<1x512x8xi32>,
    %get3A_452 = arith.constant 2 : index
    %get3A_453 = arith.constant 0 : index
    %get3A_454 = arith.constant 0 : index
    %get3A_455 = vector.load %arg1[%get3A_452, %get3A_453, %get3A_454] : memref<4x16x512xf32, #tpu.memory_space<vmem>>, vector<1x16x512xf32>
    %get3A_456 = vector.shape_cast %get3A_455 : vector<1x16x512xf32> to vector<16x512xf32>
    %abs3A_457 = math.absf %get3A_456 : vector<16x512xf32>
    %reduce_sum3A_458 = arith.constant dense<0.000000e+00> : vector<512xf32>
    %reduce_sum3A_459 = vector.multi_reduction <add>, %abs3A_457, %reduce_sum3A_458 [0] : vector<16x512xf32> to vector<512xf32>
    %broadcast_in_dim3A_460 = vector.shape_cast %reduce_sum3A_459 : vector<512xf32> to vector<1x512xf32>
    %ne3A_461 = arith.constant 0.000000e+00 : f32
    %ne3A_462 = vector.broadcast %ne3A_461 : f32 to vector<1x512xf32>
    %ne3A_463 = arith.cmpf one, %broadcast_in_dim3A_460, %ne3A_462 : vector<1x512xf32>
    %convert_element_type3A_464 = arith.extui %ne3A_463 : vector<1x512xi1> to vector<1x512xi32>
    %convert_element_type3A_465 = arith.sitofp %convert_element_type3A_464 : vector<1x512xi32> to vector<1x512xf32>
    %slice3A_466 = vector.extract_strided_slice %convert_element_type3A_6 {offsets = [1024, 0], sizes = [512, 1], strides = [1, 1]} : vector<2048x1xf32> to vector<512x1xf32>
    %get3A_467 = arith.constant 2 : index
    %get3A_468 = arith.constant 0 : index
    %get3A_469 = arith.constant 0 : index
    %get3A_470 = vector.load %arg4[%get3A_467, %get3A_468, %get3A_469] : memref<4x512x3xf32, #tpu.memory_space<vmem>>, vector<1x512x3xf32>
    %get3A_471 = vector.shape_cast %get3A_470 : vector<1x512x3xf32> to vector<512x3xf32>
    %mul3A_472 = vector.broadcast %slice3A_466 : vector<512x1xf32> to vector<512x3xf32>
    %mul3A_473 = arith.mulf %get3A_471, %mul3A_472 : vector<512x3xf32>
    %sub3A_474 = arith.constant 1.000000e+00 : f32
    %sub3A_475 = vector.broadcast %sub3A_474 : f32 to vector<512x1xf32>
    %sub3A_476 = arith.subf %sub3A_475, %slice3A_466 : vector<512x1xf32>
    %mul3A_477 = arith.constant 1.000000e+09 : f32
    %mul3A_478 = vector.broadcast %mul3A_477 : f32 to vector<512x1xf32>
    %mul3A_479 = arith.mulf %sub3A_476, %mul3A_478 : vector<512x1xf32>
    %add3A_480 = vector.broadcast %mul3A_479 : vector<512x1xf32> to vector<512x3xf32>
    %add3A_481 = arith.addf %mul3A_473, %add3A_480 : vector<512x3xf32>
    %get3A_482 = arith.constant 2 : index
    %get3A_483 = arith.constant 0 : index
    %get3A_484 = arith.constant 0 : index
    %get3A_485 = vector.load %arg3[%get3A_482, %get3A_483, %get3A_484] : memref<4x3x512xf32, #tpu.memory_space<vmem>>, vector<1x3x512xf32>
    %get3A_486 = vector.shape_cast %get3A_485 : vector<1x3x512xf32> to vector<3x512xf32>
    %mul3A_487 = vector.broadcast %convert_element_type3A_465 : vector<1x512xf32> to vector<3x512xf32>
    %mul3A_488 = arith.mulf %get3A_486, %mul3A_487 : vector<3x512xf32>
    %sub3A_489 = arith.constant 1.000000e+00 : f32
    %sub3A_490 = vector.broadcast %sub3A_489 : f32 to vector<1x512xf32>
    %sub3A_491 = arith.subf %sub3A_490, %convert_element_type3A_465 : vector<1x512xf32>
    %mul3A_492 = arith.constant 1.000000e+09 : f32
    %mul3A_493 = vector.broadcast %mul3A_492 : f32 to vector<1x512xf32>
    %mul3A_494 = arith.mulf %sub3A_491, %mul3A_493 : vector<1x512xf32>
    %add3A_495 = vector.broadcast %mul3A_494 : vector<1x512xf32> to vector<3x512xf32>
    %add3A_496 = arith.addf %mul3A_488, %add3A_495 : vector<3x512xf32>
    %slice3A_497 = vector.extract_strided_slice %add3A_481 {offsets = [0, 0], sizes = [512, 1], strides = [1, 1]} : vector<512x3xf32> to vector<512x1xf32>
    %slice3A_498 = vector.extract_strided_slice %add3A_496 {offsets = [0, 0], sizes = [1, 512], strides = [1, 1]} : vector<3x512xf32> to vector<1x512xf32>
    %mul3A_499 = vector.broadcast %slice3A_497 : vector<512x1xf32> to vector<512x512xf32>
    %mul3A_500 = vector.broadcast %slice3A_498 : vector<1x512xf32> to vector<512x512xf32>
    %mul3A_501 = arith.mulf %mul3A_499, %mul3A_500 : vector<512x512xf32>
    %slice3A_502 = vector.extract_strided_slice %add3A_481 {offsets = [0, 1], sizes = [512, 1], strides = [1, 1]} : vector<512x3xf32> to vector<512x1xf32>
    %slice3A_503 = vector.extract_strided_slice %add3A_496 {offsets = [1, 0], sizes = [1, 512], strides = [1, 1]} : vector<3x512xf32> to vector<1x512xf32>
    %mul3A_504 = vector.broadcast %slice3A_502 : vector<512x1xf32> to vector<512x512xf32>
    %mul3A_505 = vector.broadcast %slice3A_503 : vector<1x512xf32> to vector<512x512xf32>
    %mul3A_506 = arith.mulf %mul3A_504, %mul3A_505 : vector<512x512xf32>
    %add3A_507 = arith.addf %mul3A_501, %mul3A_506 : vector<512x512xf32>
    %slice3A_508 = vector.extract_strided_slice %add3A_481 {offsets = [0, 2], sizes = [512, 1], strides = [1, 1]} : vector<512x3xf32> to vector<512x1xf32>
    %slice3A_509 = vector.extract_strided_slice %add3A_496 {offsets = [2, 0], sizes = [1, 512], strides = [1, 1]} : vector<3x512xf32> to vector<1x512xf32>
    %mul3A_510 = vector.broadcast %slice3A_508 : vector<512x1xf32> to vector<512x512xf32>
    %mul3A_511 = vector.broadcast %slice3A_509 : vector<1x512xf32> to vector<512x512xf32>
    %mul3A_512 = arith.mulf %mul3A_510, %mul3A_511 : vector<512x512xf32>
    %add3A_513 = arith.addf %add3A_507, %mul3A_512 : vector<512x512xf32>
    %mul3A_514 = arith.mulf %add3A_496, %add3A_496 : vector<3x512xf32>
    %reduce_sum3A_515 = arith.constant dense<0.000000e+00> : vector<512xf32>
    %reduce_sum3A_516 = vector.multi_reduction <add>, %mul3A_514, %reduce_sum3A_515 [0] : vector<3x512xf32> to vector<512xf32>
    %broadcast_in_dim3A_517 = vector.shape_cast %reduce_sum3A_516 : vector<512xf32> to vector<1x512xf32>
    %mul3A_518 = arith.mulf %add3A_481, %add3A_481 : vector<512x3xf32>
    %reduce_sum3A_519 = arith.constant dense<0.000000e+00> : vector<512xf32>
    %reduce_sum3A_520 = vector.multi_reduction <add>, %mul3A_518, %reduce_sum3A_519 [1] : vector<512x3xf32> to vector<512xf32>
    %broadcast_in_dim3A_521 = vector.shape_cast %reduce_sum3A_520 : vector<512xf32> to vector<512x1xf32>
    %mul3A_522 = arith.constant 2.000000e+00 : f32
    %mul3A_523 = vector.broadcast %mul3A_522 : f32 to vector<512x512xf32>
    %mul3A_524 = arith.mulf %mul3A_523, %add3A_513 : vector<512x512xf32>
    %sub3A_525 = vector.broadcast %broadcast_in_dim3A_517 : vector<1x512xf32> to vector<512x512xf32>
    %sub3A_526 = arith.subf %mul3A_524, %sub3A_525 : vector<512x512xf32>
    %sub3A_527 = vector.broadcast %broadcast_in_dim3A_521 : vector<512x1xf32> to vector<512x512xf32>
    %sub3A_528 = arith.subf %sub3A_526, %sub3A_527 : vector<512x512xf32>
    %mul3A_529 = arith.constant 4 : i32
    %mul3A_530 = arith.muli %arg0, %mul3A_529 : i32
    %add3A_531 = arith.constant 2 : i32
    %add3A_532 = arith.addi %mul3A_530, %add3A_531 : i32
    %mul3A_533 = arith.constant 512 : i32
    %mul3A_534 = arith.muli %add3A_532, %mul3A_533 : i32
    %iota3A_535 = tpu.iota {dimensions = array<i32: 1>} : vector<512x512xi32>
    %convert_element_type3A_536 = arith.sitofp %iota3A_535 : vector<512x512xi32> to vector<512x512xf32>
    %reduce_max3A_537 = arith.constant dense<0xFF800000> : vector<512xf32>
    %reduce_max3A_538 = vector.multi_reduction <maximumf>, %sub3A_528, %reduce_max3A_537 [1] : vector<512x512xf32> to vector<512xf32>
    %broadcast_in_dim3A_539 = vector.shape_cast %reduce_max3A_538 : vector<512xf32> to vector<512x1xf32>
    %eq3A_540 = vector.broadcast %broadcast_in_dim3A_539 : vector<512x1xf32> to vector<512x512xf32>
    %eq3A_541 = arith.cmpf oeq, %sub3A_528, %eq3A_540 : vector<512x512xf32>
    %jit3A_542 = arith.constant 5.120000e+02 : f32
    %broadcast_in_dim3A_543 = vector.broadcast %jit3A_542 : f32 to vector<512x512xf32>
    %select_n3A_544 = arith.select %eq3A_541, %convert_element_type3A_536, %broadcast_in_dim3A_543 : vector<512x512xi1>, vector<512x512xf32>
    %reduce_min3A_545 = arith.constant dense<0x7F800000> : vector<512xf32>
    %reduce_min3A_546 = vector.multi_reduction <minimumf>, %select_n3A_544, %reduce_min3A_545 [1] : vector<512x512xf32> to vector<512xf32>
    %broadcast_in_dim3A_547 = vector.shape_cast %reduce_min3A_546 : vector<512xf32> to vector<512x1xf32>
    %eq3A_548 = vector.broadcast %broadcast_in_dim3A_547 : vector<512x1xf32> to vector<512x512xf32>
    %eq3A_549 = arith.cmpf oeq, %convert_element_type3A_536, %eq3A_548 : vector<512x512xf32>
    %jit3A_550 = arith.constant 0xFF800000 : f32
    %broadcast_in_dim3A_551 = vector.broadcast %jit3A_550 : f32 to vector<512x512xf32>
    %select_n3A_552 = arith.select %eq3A_549, %broadcast_in_dim3A_551, %sub3A_528 : vector<512x512xi1>, vector<512x512xf32>
    %reduce_max3A_553 = arith.constant dense<0xFF800000> : vector<512xf32>
    %reduce_max3A_554 = vector.multi_reduction <maximumf>, %select_n3A_552, %reduce_max3A_553 [1] : vector<512x512xf32> to vector<512xf32>
    %broadcast_in_dim3A_555 = vector.shape_cast %reduce_max3A_554 : vector<512xf32> to vector<512x1xf32>
    %eq3A_556 = vector.broadcast %broadcast_in_dim3A_555 : vector<512x1xf32> to vector<512x512xf32>
    %eq3A_557 = arith.cmpf oeq, %select_n3A_552, %eq3A_556 : vector<512x512xf32>
    %jit3A_558 = arith.constant 5.120000e+02 : f32
    %broadcast_in_dim3A_559 = vector.broadcast %jit3A_558 : f32 to vector<512x512xf32>
    %select_n3A_560 = arith.select %eq3A_557, %convert_element_type3A_536, %broadcast_in_dim3A_559 : vector<512x512xi1>, vector<512x512xf32>
    %reduce_min3A_561 = arith.constant dense<0x7F800000> : vector<512xf32>
    %reduce_min3A_562 = vector.multi_reduction <minimumf>, %select_n3A_560, %reduce_min3A_561 [1] : vector<512x512xf32> to vector<512xf32>
    %broadcast_in_dim3A_563 = vector.shape_cast %reduce_min3A_562 : vector<512xf32> to vector<512x1xf32>
    %eq3A_564 = vector.broadcast %broadcast_in_dim3A_563 : vector<512x1xf32> to vector<512x512xf32>
    %eq3A_565 = arith.cmpf oeq, %convert_element_type3A_536, %eq3A_564 : vector<512x512xf32>
    %jit3A_566 = arith.constant 0xFF800000 : f32
    %broadcast_in_dim3A_567 = vector.broadcast %jit3A_566 : f32 to vector<512x512xf32>
    %select_n3A_568 = arith.select %eq3A_565, %broadcast_in_dim3A_567, %select_n3A_552 : vector<512x512xi1>, vector<512x512xf32>
    %reduce_max3A_569 = arith.constant dense<0xFF800000> : vector<512xf32>
    %reduce_max3A_570 = vector.multi_reduction <maximumf>, %select_n3A_568, %reduce_max3A_569 [1] : vector<512x512xf32> to vector<512xf32>
    %broadcast_in_dim3A_571 = vector.shape_cast %reduce_max3A_570 : vector<512xf32> to vector<512x1xf32>
    %eq3A_572 = vector.broadcast %broadcast_in_dim3A_571 : vector<512x1xf32> to vector<512x512xf32>
    %eq3A_573 = arith.cmpf oeq, %select_n3A_568, %eq3A_572 : vector<512x512xf32>
    %jit3A_574 = arith.constant 5.120000e+02 : f32
    %broadcast_in_dim3A_575 = vector.broadcast %jit3A_574 : f32 to vector<512x512xf32>
    %select_n3A_576 = arith.select %eq3A_573, %convert_element_type3A_536, %broadcast_in_dim3A_575 : vector<512x512xi1>, vector<512x512xf32>
    %reduce_min3A_577 = arith.constant dense<0x7F800000> : vector<512xf32>
    %reduce_min3A_578 = vector.multi_reduction <minimumf>, %select_n3A_576, %reduce_min3A_577 [1] : vector<512x512xf32> to vector<512xf32>
    %broadcast_in_dim3A_579 = vector.shape_cast %reduce_min3A_578 : vector<512xf32> to vector<512x1xf32>
    %eq3A_580 = vector.broadcast %broadcast_in_dim3A_579 : vector<512x1xf32> to vector<512x512xf32>
    %eq3A_581 = arith.cmpf oeq, %convert_element_type3A_536, %eq3A_580 : vector<512x512xf32>
    %jit3A_582 = arith.constant 0xFF800000 : f32
    %broadcast_in_dim3A_583 = vector.broadcast %jit3A_582 : f32 to vector<512x512xf32>
    %select_n3A_584 = arith.select %eq3A_581, %broadcast_in_dim3A_583, %select_n3A_568 : vector<512x512xi1>, vector<512x512xf32>
    %reduce_max3A_585 = arith.constant dense<0xFF800000> : vector<512xf32>
    %reduce_max3A_586 = vector.multi_reduction <maximumf>, %select_n3A_584, %reduce_max3A_585 [1] : vector<512x512xf32> to vector<512xf32>
    %broadcast_in_dim3A_587 = vector.shape_cast %reduce_max3A_586 : vector<512xf32> to vector<512x1xf32>
    %eq3A_588 = vector.broadcast %broadcast_in_dim3A_587 : vector<512x1xf32> to vector<512x512xf32>
    %eq3A_589 = arith.cmpf oeq, %select_n3A_584, %eq3A_588 : vector<512x512xf32>
    %jit3A_590 = arith.constant 5.120000e+02 : f32
    %broadcast_in_dim3A_591 = vector.broadcast %jit3A_590 : f32 to vector<512x512xf32>
    %select_n3A_592 = arith.select %eq3A_589, %convert_element_type3A_536, %broadcast_in_dim3A_591 : vector<512x512xi1>, vector<512x512xf32>
    %reduce_min3A_593 = arith.constant dense<0x7F800000> : vector<512xf32>
    %reduce_min3A_594 = vector.multi_reduction <minimumf>, %select_n3A_592, %reduce_min3A_593 [1] : vector<512x512xf32> to vector<512xf32>
    %broadcast_in_dim3A_595 = vector.shape_cast %reduce_min3A_594 : vector<512xf32> to vector<512x1xf32>
    %eq3A_596 = vector.broadcast %broadcast_in_dim3A_595 : vector<512x1xf32> to vector<512x512xf32>
    %eq3A_597 = arith.cmpf oeq, %convert_element_type3A_536, %eq3A_596 : vector<512x512xf32>
    %jit3A_598 = arith.constant 0xFF800000 : f32
    %broadcast_in_dim3A_599 = vector.broadcast %jit3A_598 : f32 to vector<512x512xf32>
    %select_n3A_600 = arith.select %eq3A_597, %broadcast_in_dim3A_599, %select_n3A_584 : vector<512x512xi1>, vector<512x512xf32>
    %reduce_max3A_601 = arith.constant dense<0xFF800000> : vector<512xf32>
    %reduce_max3A_602 = vector.multi_reduction <maximumf>, %select_n3A_600, %reduce_max3A_601 [1] : vector<512x512xf32> to vector<512xf32>
    %broadcast_in_dim3A_603 = vector.shape_cast %reduce_max3A_602 : vector<512xf32> to vector<512x1xf32>
    %eq3A_604 = vector.broadcast %broadcast_in_dim3A_603 : vector<512x1xf32> to vector<512x512xf32>
    %eq3A_605 = arith.cmpf oeq, %select_n3A_600, %eq3A_604 : vector<512x512xf32>
    %jit3A_606 = arith.constant 5.120000e+02 : f32
    %broadcast_in_dim3A_607 = vector.broadcast %jit3A_606 : f32 to vector<512x512xf32>
    %select_n3A_608 = arith.select %eq3A_605, %convert_element_type3A_536, %broadcast_in_dim3A_607 : vector<512x512xi1>, vector<512x512xf32>
    %reduce_min3A_609 = arith.constant dense<0x7F800000> : vector<512xf32>
    %reduce_min3A_610 = vector.multi_reduction <minimumf>, %select_n3A_608, %reduce_min3A_609 [1] : vector<512x512xf32> to vector<512xf32>
    %broadcast_in_dim3A_611 = vector.shape_cast %reduce_min3A_610 : vector<512xf32> to vector<512x1xf32>
    %eq3A_612 = vector.broadcast %broadcast_in_dim3A_611 : vector<512x1xf32> to vector<512x512xf32>
    %eq3A_613 = arith.cmpf oeq, %convert_element_type3A_536, %eq3A_612 : vector<512x512xf32>
    %jit3A_614 = arith.constant 0xFF800000 : f32
    %broadcast_in_dim3A_615 = vector.broadcast %jit3A_614 : f32 to vector<512x512xf32>
    %select_n3A_616 = arith.select %eq3A_613, %broadcast_in_dim3A_615, %select_n3A_600 : vector<512x512xi1>, vector<512x512xf32>
    %reduce_max3A_617 = arith.constant dense<0xFF800000> : vector<512xf32>
    %reduce_max3A_618 = vector.multi_reduction <maximumf>, %select_n3A_616, %reduce_max3A_617 [1] : vector<512x512xf32> to vector<512xf32>
    %broadcast_in_dim3A_619 = vector.shape_cast %reduce_max3A_618 : vector<512xf32> to vector<512x1xf32>
    %eq3A_620 = vector.broadcast %broadcast_in_dim3A_619 : vector<512x1xf32> to vector<512x512xf32>
    %eq3A_621 = arith.cmpf oeq, %select_n3A_616, %eq3A_620 : vector<512x512xf32>
    %jit3A_622 = arith.constant 5.120000e+02 : f32
    %broadcast_in_dim3A_623 = vector.broadcast %jit3A_622 : f32 to vector<512x512xf32>
    %select_n3A_624 = arith.select %eq3A_621, %convert_element_type3A_536, %broadcast_in_dim3A_623 : vector<512x512xi1>, vector<512x512xf32>
    %reduce_min3A_625 = arith.constant dense<0x7F800000> : vector<512xf32>
    %reduce_min3A_626 = vector.multi_reduction <minimumf>, %select_n3A_624, %reduce_min3A_625 [1] : vector<512x512xf32> to vector<512xf32>
    %broadcast_in_dim3A_627 = vector.shape_cast %reduce_min3A_626 : vector<512xf32> to vector<512x1xf32>
    %eq3A_628 = vector.broadcast %broadcast_in_dim3A_627 : vector<512x1xf32> to vector<512x512xf32>
    %eq3A_629 = arith.cmpf oeq, %convert_element_type3A_536, %eq3A_628 : vector<512x512xf32>
    %jit3A_630 = arith.constant 0xFF800000 : f32
    %broadcast_in_dim3A_631 = vector.broadcast %jit3A_630 : f32 to vector<512x512xf32>
    %select_n3A_632 = arith.select %eq3A_629, %broadcast_in_dim3A_631, %select_n3A_616 : vector<512x512xi1>, vector<512x512xf32>
    %reduce_max3A_633 = arith.constant dense<0xFF800000> : vector<512xf32>
    %reduce_max3A_634 = vector.multi_reduction <maximumf>, %select_n3A_632, %reduce_max3A_633 [1] : vector<512x512xf32> to vector<512xf32>
    %broadcast_in_dim3A_635 = vector.shape_cast %reduce_max3A_634 : vector<512xf32> to vector<512x1xf32>
    %eq3A_636 = vector.broadcast %broadcast_in_dim3A_635 : vector<512x1xf32> to vector<512x512xf32>
    %eq3A_637 = arith.cmpf oeq, %select_n3A_632, %eq3A_636 : vector<512x512xf32>
    %jit3A_638 = arith.constant 5.120000e+02 : f32
    %broadcast_in_dim3A_639 = vector.broadcast %jit3A_638 : f32 to vector<512x512xf32>
    %select_n3A_640 = arith.select %eq3A_637, %convert_element_type3A_536, %broadcast_in_dim3A_639 : vector<512x512xi1>, vector<512x512xf32>
    %reduce_min3A_641 = arith.constant dense<0x7F800000> : vector<512xf32>
    %reduce_min3A_642 = vector.multi_reduction <minimumf>, %select_n3A_640, %reduce_min3A_641 [1] : vector<512x512xf32> to vector<512xf32>
    %broadcast_in_dim3A_643 = vector.shape_cast %reduce_min3A_642 : vector<512xf32> to vector<512x1xf32>
    %eq3A_644 = vector.broadcast %broadcast_in_dim3A_643 : vector<512x1xf32> to vector<512x512xf32>
    %eq3A_645 = arith.cmpf oeq, %convert_element_type3A_536, %eq3A_644 : vector<512x512xf32>
    %jit3A_646 = arith.constant 0xFF800000 : f32
    %broadcast_in_dim3A_647 = vector.broadcast %jit3A_646 : f32 to vector<512x512xf32>
    %select_n3A_648 = arith.select %eq3A_645, %broadcast_in_dim3A_647, %select_n3A_632 : vector<512x512xi1>, vector<512x512xf32>
    %reduce_max3A_649 = arith.constant dense<0xFF800000> : vector<512xf32>
    %reduce_max3A_650 = vector.multi_reduction <maximumf>, %select_n3A_648, %reduce_max3A_649 [1] : vector<512x512xf32> to vector<512xf32>
    %broadcast_in_dim3A_651 = vector.shape_cast %reduce_max3A_650 : vector<512xf32> to vector<512x1xf32>
    %eq3A_652 = vector.broadcast %broadcast_in_dim3A_651 : vector<512x1xf32> to vector<512x512xf32>
    %eq3A_653 = arith.cmpf oeq, %select_n3A_648, %eq3A_652 : vector<512x512xf32>
    %jit3A_654 = arith.constant 5.120000e+02 : f32
    %broadcast_in_dim3A_655 = vector.broadcast %jit3A_654 : f32 to vector<512x512xf32>
    %select_n3A_656 = arith.select %eq3A_653, %convert_element_type3A_536, %broadcast_in_dim3A_655 : vector<512x512xi1>, vector<512x512xf32>
    %reduce_min3A_657 = arith.constant dense<0x7F800000> : vector<512xf32>
    %reduce_min3A_658 = vector.multi_reduction <minimumf>, %select_n3A_656, %reduce_min3A_657 [1] : vector<512x512xf32> to vector<512xf32>
    %broadcast_in_dim3A_659 = vector.shape_cast %reduce_min3A_658 : vector<512xf32> to vector<512x1xf32>
    %concatenate3A_660 = tpu.concatenate %broadcast_in_dim3A_547, %broadcast_in_dim3A_563, %broadcast_in_dim3A_579, %broadcast_in_dim3A_595, %broadcast_in_dim3A_611, %broadcast_in_dim3A_627, %broadcast_in_dim3A_643, %broadcast_in_dim3A_659 in 1 : vector<512x1xf32>, vector<512x1xf32>, vector<512x1xf32>, vector<512x1xf32>, vector<512x1xf32>, vector<512x1xf32>, vector<512x1xf32>, vector<512x1xf32> -> vector<512x8xf32>
    %convert_element_type3A_661 = arith.fptosi %concatenate3A_660 : vector<512x8xf32> to vector<512x8xi32>
    %add3A_662 = vector.broadcast %mul3A_534 : i32 to vector<512x8xi32>
    %add3A_663 = arith.addi %convert_element_type3A_661, %add3A_662 : vector<512x8xi32>
    %swap3A_664 = arith.constant 2 : index
    %swap3A_665 = arith.constant 0 : index
    %swap3A_666 = arith.constant 0 : index
    %swap3A_667 = vector.load %arg5[%swap3A_664, %swap3A_665, %swap3A_666] : memref<4x512x8xi32, #tpu.memory_space<vmem>>, vector<1x512x8xi32>
    %swap3A_668 = vector.shape_cast %swap3A_667 : vector<1x512x8xi32> to vector<512x8xi32>
    %swap3A_669 = vector.shape_cast %add3A_663 : vector<512x8xi32> to vector<1x512x8xi32>
    tpu.vector_store %arg5[%swap3A_664, %swap3A_665, %swap3A_666], %swap3A_669 {strides = array<i32>} : memref<4x512x8xi32, #tpu.memory_space<vmem>>, vector<1x512x8xi32>,
    %get3A_670 = arith.constant 3 : index
    %get3A_671 = arith.constant 0 : index
    %get3A_672 = arith.constant 0 : index
    %get3A_673 = vector.load %arg1[%get3A_670, %get3A_671, %get3A_672] : memref<4x16x512xf32, #tpu.memory_space<vmem>>, vector<1x16x512xf32>
    %get3A_674 = vector.shape_cast %get3A_673 : vector<1x16x512xf32> to vector<16x512xf32>
    %abs3A_675 = math.absf %get3A_674 : vector<16x512xf32>
    %reduce_sum3A_676 = arith.constant dense<0.000000e+00> : vector<512xf32>
    %reduce_sum3A_677 = vector.multi_reduction <add>, %abs3A_675, %reduce_sum3A_676 [0] : vector<16x512xf32> to vector<512xf32>
    %broadcast_in_dim3A_678 = vector.shape_cast %reduce_sum3A_677 : vector<512xf32> to vector<1x512xf32>
    %ne3A_679 = arith.constant 0.000000e+00 : f32
    %ne3A_680 = vector.broadcast %ne3A_679 : f32 to vector<1x512xf32>
    %ne3A_681 = arith.cmpf one, %broadcast_in_dim3A_678, %ne3A_680 : vector<1x512xf32>
    %convert_element_type3A_682 = arith.extui %ne3A_681 : vector<1x512xi1> to vector<1x512xi32>
    %convert_element_type3A_683 = arith.sitofp %convert_element_type3A_682 : vector<1x512xi32> to vector<1x512xf32>
    %slice3A_684 = vector.extract_strided_slice %convert_element_type3A_6 {offsets = [1536, 0], sizes = [512, 1], strides = [1, 1]} : vector<2048x1xf32> to vector<512x1xf32>
    %get3A_685 = arith.constant 3 : index
    %get3A_686 = arith.constant 0 : index
    %get3A_687 = arith.constant 0 : index
    %get3A_688 = vector.load %arg4[%get3A_685, %get3A_686, %get3A_687] : memref<4x512x3xf32, #tpu.memory_space<vmem>>, vector<1x512x3xf32>
    %get3A_689 = vector.shape_cast %get3A_688 : vector<1x512x3xf32> to vector<512x3xf32>
    %mul3A_690 = vector.broadcast %slice3A_684 : vector<512x1xf32> to vector<512x3xf32>
    %mul3A_691 = arith.mulf %get3A_689, %mul3A_690 : vector<512x3xf32>
    %sub3A_692 = arith.constant 1.000000e+00 : f32
    %sub3A_693 = vector.broadcast %sub3A_692 : f32 to vector<512x1xf32>
    %sub3A_694 = arith.subf %sub3A_693, %slice3A_684 : vector<512x1xf32>
    %mul3A_695 = arith.constant 1.000000e+09 : f32
    %mul3A_696 = vector.broadcast %mul3A_695 : f32 to vector<512x1xf32>
    %mul3A_697 = arith.mulf %sub3A_694, %mul3A_696 : vector<512x1xf32>
    %add3A_698 = vector.broadcast %mul3A_697 : vector<512x1xf32> to vector<512x3xf32>
    %add3A_699 = arith.addf %mul3A_691, %add3A_698 : vector<512x3xf32>
    %get3A_700 = arith.constant 3 : index
    %get3A_701 = arith.constant 0 : index
    %get3A_702 = arith.constant 0 : index
    %get3A_703 = vector.load %arg3[%get3A_700, %get3A_701, %get3A_702] : memref<4x3x512xf32, #tpu.memory_space<vmem>>, vector<1x3x512xf32>
    %get3A_704 = vector.shape_cast %get3A_703 : vector<1x3x512xf32> to vector<3x512xf32>
    %mul3A_705 = vector.broadcast %convert_element_type3A_683 : vector<1x512xf32> to vector<3x512xf32>
    %mul3A_706 = arith.mulf %get3A_704, %mul3A_705 : vector<3x512xf32>
    %sub3A_707 = arith.constant 1.000000e+00 : f32
    %sub3A_708 = vector.broadcast %sub3A_707 : f32 to vector<1x512xf32>
    %sub3A_709 = arith.subf %sub3A_708, %convert_element_type3A_683 : vector<1x512xf32>
    %mul3A_710 = arith.constant 1.000000e+09 : f32
    %mul3A_711 = vector.broadcast %mul3A_710 : f32 to vector<1x512xf32>
    %mul3A_712 = arith.mulf %sub3A_709, %mul3A_711 : vector<1x512xf32>
    %add3A_713 = vector.broadcast %mul3A_712 : vector<1x512xf32> to vector<3x512xf32>
    %add3A_714 = arith.addf %mul3A_706, %add3A_713 : vector<3x512xf32>
    %slice3A_715 = vector.extract_strided_slice %add3A_699 {offsets = [0, 0], sizes = [512, 1], strides = [1, 1]} : vector<512x3xf32> to vector<512x1xf32>
    %slice3A_716 = vector.extract_strided_slice %add3A_714 {offsets = [0, 0], sizes = [1, 512], strides = [1, 1]} : vector<3x512xf32> to vector<1x512xf32>
    %mul3A_717 = vector.broadcast %slice3A_715 : vector<512x1xf32> to vector<512x512xf32>
    %mul3A_718 = vector.broadcast %slice3A_716 : vector<1x512xf32> to vector<512x512xf32>
    %mul3A_719 = arith.mulf %mul3A_717, %mul3A_718 : vector<512x512xf32>
    %slice3A_720 = vector.extract_strided_slice %add3A_699 {offsets = [0, 1], sizes = [512, 1], strides = [1, 1]} : vector<512x3xf32> to vector<512x1xf32>
    %slice3A_721 = vector.extract_strided_slice %add3A_714 {offsets = [1, 0], sizes = [1, 512], strides = [1, 1]} : vector<3x512xf32> to vector<1x512xf32>
    %mul3A_722 = vector.broadcast %slice3A_720 : vector<512x1xf32> to vector<512x512xf32>
    %mul3A_723 = vector.broadcast %slice3A_721 : vector<1x512xf32> to vector<512x512xf32>
    %mul3A_724 = arith.mulf %mul3A_722, %mul3A_723 : vector<512x512xf32>
    %add3A_725 = arith.addf %mul3A_719, %mul3A_724 : vector<512x512xf32>
    %slice3A_726 = vector.extract_strided_slice %add3A_699 {offsets = [0, 2], sizes = [512, 1], strides = [1, 1]} : vector<512x3xf32> to vector<512x1xf32>
    %slice3A_727 = vector.extract_strided_slice %add3A_714 {offsets = [2, 0], sizes = [1, 512], strides = [1, 1]} : vector<3x512xf32> to vector<1x512xf32>
    %mul3A_728 = vector.broadcast %slice3A_726 : vector<512x1xf32> to vector<512x512xf32>
    %mul3A_729 = vector.broadcast %slice3A_727 : vector<1x512xf32> to vector<512x512xf32>
    %mul3A_730 = arith.mulf %mul3A_728, %mul3A_729 : vector<512x512xf32>
    %add3A_731 = arith.addf %add3A_725, %mul3A_730 : vector<512x512xf32>
    %mul3A_732 = arith.mulf %add3A_714, %add3A_714 : vector<3x512xf32>
    %reduce_sum3A_733 = arith.constant dense<0.000000e+00> : vector<512xf32>
    %reduce_sum3A_734 = vector.multi_reduction <add>, %mul3A_732, %reduce_sum3A_733 [0] : vector<3x512xf32> to vector<512xf32>
    %broadcast_in_dim3A_735 = vector.shape_cast %reduce_sum3A_734 : vector<512xf32> to vector<1x512xf32>
    %mul3A_736 = arith.mulf %add3A_699, %add3A_699 : vector<512x3xf32>
    %reduce_sum3A_737 = arith.constant dense<0.000000e+00> : vector<512xf32>
    %reduce_sum3A_738 = vector.multi_reduction <add>, %mul3A_736, %reduce_sum3A_737 [1] : vector<512x3xf32> to vector<512xf32>
    %broadcast_in_dim3A_739 = vector.shape_cast %reduce_sum3A_738 : vector<512xf32> to vector<512x1xf32>
    %mul3A_740 = arith.constant 2.000000e+00 : f32
    %mul3A_741 = vector.broadcast %mul3A_740 : f32 to vector<512x512xf32>
    %mul3A_742 = arith.mulf %mul3A_741, %add3A_731 : vector<512x512xf32>
    %sub3A_743 = vector.broadcast %broadcast_in_dim3A_735 : vector<1x512xf32> to vector<512x512xf32>
    %sub3A_744 = arith.subf %mul3A_742, %sub3A_743 : vector<512x512xf32>
    %sub3A_745 = vector.broadcast %broadcast_in_dim3A_739 : vector<512x1xf32> to vector<512x512xf32>
    %sub3A_746 = arith.subf %sub3A_744, %sub3A_745 : vector<512x512xf32>
    %mul3A_747 = arith.constant 4 : i32
    %mul3A_748 = arith.muli %arg0, %mul3A_747 : i32
    %add3A_749 = arith.constant 3 : i32
    %add3A_750 = arith.addi %mul3A_748, %add3A_749 : i32
    %mul3A_751 = arith.constant 512 : i32
    %mul3A_752 = arith.muli %add3A_750, %mul3A_751 : i32
    %iota3A_753 = tpu.iota {dimensions = array<i32: 1>} : vector<512x512xi32>
    %convert_element_type3A_754 = arith.sitofp %iota3A_753 : vector<512x512xi32> to vector<512x512xf32>
    %reduce_max3A_755 = arith.constant dense<0xFF800000> : vector<512xf32>
    %reduce_max3A_756 = vector.multi_reduction <maximumf>, %sub3A_746, %reduce_max3A_755 [1] : vector<512x512xf32> to vector<512xf32>
    %broadcast_in_dim3A_757 = vector.shape_cast %reduce_max3A_756 : vector<512xf32> to vector<512x1xf32>
    %eq3A_758 = vector.broadcast %broadcast_in_dim3A_757 : vector<512x1xf32> to vector<512x512xf32>
    %eq3A_759 = arith.cmpf oeq, %sub3A_746, %eq3A_758 : vector<512x512xf32>
    %jit3A_760 = arith.constant 5.120000e+02 : f32
    %broadcast_in_dim3A_761 = vector.broadcast %jit3A_760 : f32 to vector<512x512xf32>
    %select_n3A_762 = arith.select %eq3A_759, %convert_element_type3A_754, %broadcast_in_dim3A_761 : vector<512x512xi1>, vector<512x512xf32>
    %reduce_min3A_763 = arith.constant dense<0x7F800000> : vector<512xf32>
    %reduce_min3A_764 = vector.multi_reduction <minimumf>, %select_n3A_762, %reduce_min3A_763 [1] : vector<512x512xf32> to vector<512xf32>
    %broadcast_in_dim3A_765 = vector.shape_cast %reduce_min3A_764 : vector<512xf32> to vector<512x1xf32>
    %eq3A_766 = vector.broadcast %broadcast_in_dim3A_765 : vector<512x1xf32> to vector<512x512xf32>
    %eq3A_767 = arith.cmpf oeq, %convert_element_type3A_754, %eq3A_766 : vector<512x512xf32>
    %jit3A_768 = arith.constant 0xFF800000 : f32
    %broadcast_in_dim3A_769 = vector.broadcast %jit3A_768 : f32 to vector<512x512xf32>
    %select_n3A_770 = arith.select %eq3A_767, %broadcast_in_dim3A_769, %sub3A_746 : vector<512x512xi1>, vector<512x512xf32>
    %reduce_max3A_771 = arith.constant dense<0xFF800000> : vector<512xf32>
    %reduce_max3A_772 = vector.multi_reduction <maximumf>, %select_n3A_770, %reduce_max3A_771 [1] : vector<512x512xf32> to vector<512xf32>
    %broadcast_in_dim3A_773 = vector.shape_cast %reduce_max3A_772 : vector<512xf32> to vector<512x1xf32>
    %eq3A_774 = vector.broadcast %broadcast_in_dim3A_773 : vector<512x1xf32> to vector<512x512xf32>
    %eq3A_775 = arith.cmpf oeq, %select_n3A_770, %eq3A_774 : vector<512x512xf32>
    %jit3A_776 = arith.constant 5.120000e+02 : f32
    %broadcast_in_dim3A_777 = vector.broadcast %jit3A_776 : f32 to vector<512x512xf32>
    %select_n3A_778 = arith.select %eq3A_775, %convert_element_type3A_754, %broadcast_in_dim3A_777 : vector<512x512xi1>, vector<512x512xf32>
    %reduce_min3A_779 = arith.constant dense<0x7F800000> : vector<512xf32>
    %reduce_min3A_780 = vector.multi_reduction <minimumf>, %select_n3A_778, %reduce_min3A_779 [1] : vector<512x512xf32> to vector<512xf32>
    %broadcast_in_dim3A_781 = vector.shape_cast %reduce_min3A_780 : vector<512xf32> to vector<512x1xf32>
    %eq3A_782 = vector.broadcast %broadcast_in_dim3A_781 : vector<512x1xf32> to vector<512x512xf32>
    %eq3A_783 = arith.cmpf oeq, %convert_element_type3A_754, %eq3A_782 : vector<512x512xf32>
    %jit3A_784 = arith.constant 0xFF800000 : f32
    %broadcast_in_dim3A_785 = vector.broadcast %jit3A_784 : f32 to vector<512x512xf32>
    %select_n3A_786 = arith.select %eq3A_783, %broadcast_in_dim3A_785, %select_n3A_770 : vector<512x512xi1>, vector<512x512xf32>
    %reduce_max3A_787 = arith.constant dense<0xFF800000> : vector<512xf32>
    %reduce_max3A_788 = vector.multi_reduction <maximumf>, %select_n3A_786, %reduce_max3A_787 [1] : vector<512x512xf32> to vector<512xf32>
    %broadcast_in_dim3A_789 = vector.shape_cast %reduce_max3A_788 : vector<512xf32> to vector<512x1xf32>
    %eq3A_790 = vector.broadcast %broadcast_in_dim3A_789 : vector<512x1xf32> to vector<512x512xf32>
    %eq3A_791 = arith.cmpf oeq, %select_n3A_786, %eq3A_790 : vector<512x512xf32>
    %jit3A_792 = arith.constant 5.120000e+02 : f32
    %broadcast_in_dim3A_793 = vector.broadcast %jit3A_792 : f32 to vector<512x512xf32>
    %select_n3A_794 = arith.select %eq3A_791, %convert_element_type3A_754, %broadcast_in_dim3A_793 : vector<512x512xi1>, vector<512x512xf32>
    %reduce_min3A_795 = arith.constant dense<0x7F800000> : vector<512xf32>
    %reduce_min3A_796 = vector.multi_reduction <minimumf>, %select_n3A_794, %reduce_min3A_795 [1] : vector<512x512xf32> to vector<512xf32>
    %broadcast_in_dim3A_797 = vector.shape_cast %reduce_min3A_796 : vector<512xf32> to vector<512x1xf32>
    %eq3A_798 = vector.broadcast %broadcast_in_dim3A_797 : vector<512x1xf32> to vector<512x512xf32>
    %eq3A_799 = arith.cmpf oeq, %convert_element_type3A_754, %eq3A_798 : vector<512x512xf32>
    %jit3A_800 = arith.constant 0xFF800000 : f32
    %broadcast_in_dim3A_801 = vector.broadcast %jit3A_800 : f32 to vector<512x512xf32>
    %select_n3A_802 = arith.select %eq3A_799, %broadcast_in_dim3A_801, %select_n3A_786 : vector<512x512xi1>, vector<512x512xf32>
    %reduce_max3A_803 = arith.constant dense<0xFF800000> : vector<512xf32>
    %reduce_max3A_804 = vector.multi_reduction <maximumf>, %select_n3A_802, %reduce_max3A_803 [1] : vector<512x512xf32> to vector<512xf32>
    %broadcast_in_dim3A_805 = vector.shape_cast %reduce_max3A_804 : vector<512xf32> to vector<512x1xf32>
    %eq3A_806 = vector.broadcast %broadcast_in_dim3A_805 : vector<512x1xf32> to vector<512x512xf32>
    %eq3A_807 = arith.cmpf oeq, %select_n3A_802, %eq3A_806 : vector<512x512xf32>
    %jit3A_808 = arith.constant 5.120000e+02 : f32
    %broadcast_in_dim3A_809 = vector.broadcast %jit3A_808 : f32 to vector<512x512xf32>
    %select_n3A_810 = arith.select %eq3A_807, %convert_element_type3A_754, %broadcast_in_dim3A_809 : vector<512x512xi1>, vector<512x512xf32>
    %reduce_min3A_811 = arith.constant dense<0x7F800000> : vector<512xf32>
    %reduce_min3A_812 = vector.multi_reduction <minimumf>, %select_n3A_810, %reduce_min3A_811 [1] : vector<512x512xf32> to vector<512xf32>
    %broadcast_in_dim3A_813 = vector.shape_cast %reduce_min3A_812 : vector<512xf32> to vector<512x1xf32>
    %eq3A_814 = vector.broadcast %broadcast_in_dim3A_813 : vector<512x1xf32> to vector<512x512xf32>
    %eq3A_815 = arith.cmpf oeq, %convert_element_type3A_754, %eq3A_814 : vector<512x512xf32>
    %jit3A_816 = arith.constant 0xFF800000 : f32
    %broadcast_in_dim3A_817 = vector.broadcast %jit3A_816 : f32 to vector<512x512xf32>
    %select_n3A_818 = arith.select %eq3A_815, %broadcast_in_dim3A_817, %select_n3A_802 : vector<512x512xi1>, vector<512x512xf32>
    %reduce_max3A_819 = arith.constant dense<0xFF800000> : vector<512xf32>
    %reduce_max3A_820 = vector.multi_reduction <maximumf>, %select_n3A_818, %reduce_max3A_819 [1] : vector<512x512xf32> to vector<512xf32>
    %broadcast_in_dim3A_821 = vector.shape_cast %reduce_max3A_820 : vector<512xf32> to vector<512x1xf32>
    %eq3A_822 = vector.broadcast %broadcast_in_dim3A_821 : vector<512x1xf32> to vector<512x512xf32>
    %eq3A_823 = arith.cmpf oeq, %select_n3A_818, %eq3A_822 : vector<512x512xf32>
    %jit3A_824 = arith.constant 5.120000e+02 : f32
    %broadcast_in_dim3A_825 = vector.broadcast %jit3A_824 : f32 to vector<512x512xf32>
    %select_n3A_826 = arith.select %eq3A_823, %convert_element_type3A_754, %broadcast_in_dim3A_825 : vector<512x512xi1>, vector<512x512xf32>
    %reduce_min3A_827 = arith.constant dense<0x7F800000> : vector<512xf32>
    %reduce_min3A_828 = vector.multi_reduction <minimumf>, %select_n3A_826, %reduce_min3A_827 [1] : vector<512x512xf32> to vector<512xf32>
    %broadcast_in_dim3A_829 = vector.shape_cast %reduce_min3A_828 : vector<512xf32> to vector<512x1xf32>
    %eq3A_830 = vector.broadcast %broadcast_in_dim3A_829 : vector<512x1xf32> to vector<512x512xf32>
    %eq3A_831 = arith.cmpf oeq, %convert_element_type3A_754, %eq3A_830 : vector<512x512xf32>
    %jit3A_832 = arith.constant 0xFF800000 : f32
    %broadcast_in_dim3A_833 = vector.broadcast %jit3A_832 : f32 to vector<512x512xf32>
    %select_n3A_834 = arith.select %eq3A_831, %broadcast_in_dim3A_833, %select_n3A_818 : vector<512x512xi1>, vector<512x512xf32>
    %reduce_max3A_835 = arith.constant dense<0xFF800000> : vector<512xf32>
    %reduce_max3A_836 = vector.multi_reduction <maximumf>, %select_n3A_834, %reduce_max3A_835 [1] : vector<512x512xf32> to vector<512xf32>
    %broadcast_in_dim3A_837 = vector.shape_cast %reduce_max3A_836 : vector<512xf32> to vector<512x1xf32>
    %eq3A_838 = vector.broadcast %broadcast_in_dim3A_837 : vector<512x1xf32> to vector<512x512xf32>
    %eq3A_839 = arith.cmpf oeq, %select_n3A_834, %eq3A_838 : vector<512x512xf32>
    %jit3A_840 = arith.constant 5.120000e+02 : f32
    %broadcast_in_dim3A_841 = vector.broadcast %jit3A_840 : f32 to vector<512x512xf32>
    %select_n3A_842 = arith.select %eq3A_839, %convert_element_type3A_754, %broadcast_in_dim3A_841 : vector<512x512xi1>, vector<512x512xf32>
    %reduce_min3A_843 = arith.constant dense<0x7F800000> : vector<512xf32>
    %reduce_min3A_844 = vector.multi_reduction <minimumf>, %select_n3A_842, %reduce_min3A_843 [1] : vector<512x512xf32> to vector<512xf32>
    %broadcast_in_dim3A_845 = vector.shape_cast %reduce_min3A_844 : vector<512xf32> to vector<512x1xf32>
    %eq3A_846 = vector.broadcast %broadcast_in_dim3A_845 : vector<512x1xf32> to vector<512x512xf32>
    %eq3A_847 = arith.cmpf oeq, %convert_element_type3A_754, %eq3A_846 : vector<512x512xf32>
    %jit3A_848 = arith.constant 0xFF800000 : f32
    %broadcast_in_dim3A_849 = vector.broadcast %jit3A_848 : f32 to vector<512x512xf32>
    %select_n3A_850 = arith.select %eq3A_847, %broadcast_in_dim3A_849, %select_n3A_834 : vector<512x512xi1>, vector<512x512xf32>
    %reduce_max3A_851 = arith.constant dense<0xFF800000> : vector<512xf32>
    %reduce_max3A_852 = vector.multi_reduction <maximumf>, %select_n3A_850, %reduce_max3A_851 [1] : vector<512x512xf32> to vector<512xf32>
    %broadcast_in_dim3A_853 = vector.shape_cast %reduce_max3A_852 : vector<512xf32> to vector<512x1xf32>
    %eq3A_854 = vector.broadcast %broadcast_in_dim3A_853 : vector<512x1xf32> to vector<512x512xf32>
    %eq3A_855 = arith.cmpf oeq, %select_n3A_850, %eq3A_854 : vector<512x512xf32>
    %jit3A_856 = arith.constant 5.120000e+02 : f32
    %broadcast_in_dim3A_857 = vector.broadcast %jit3A_856 : f32 to vector<512x512xf32>
    %select_n3A_858 = arith.select %eq3A_855, %convert_element_type3A_754, %broadcast_in_dim3A_857 : vector<512x512xi1>, vector<512x512xf32>
    %reduce_min3A_859 = arith.constant dense<0x7F800000> : vector<512xf32>
    %reduce_min3A_860 = vector.multi_reduction <minimumf>, %select_n3A_858, %reduce_min3A_859 [1] : vector<512x512xf32> to vector<512xf32>
    %broadcast_in_dim3A_861 = vector.shape_cast %reduce_min3A_860 : vector<512xf32> to vector<512x1xf32>
    %eq3A_862 = vector.broadcast %broadcast_in_dim3A_861 : vector<512x1xf32> to vector<512x512xf32>
    %eq3A_863 = arith.cmpf oeq, %convert_element_type3A_754, %eq3A_862 : vector<512x512xf32>
    %jit3A_864 = arith.constant 0xFF800000 : f32
    %broadcast_in_dim3A_865 = vector.broadcast %jit3A_864 : f32 to vector<512x512xf32>
    %select_n3A_866 = arith.select %eq3A_863, %broadcast_in_dim3A_865, %select_n3A_850 : vector<512x512xi1>, vector<512x512xf32>
    %reduce_max3A_867 = arith.constant dense<0xFF800000> : vector<512xf32>
    %reduce_max3A_868 = vector.multi_reduction <maximumf>, %select_n3A_866, %reduce_max3A_867 [1] : vector<512x512xf32> to vector<512xf32>
    %broadcast_in_dim3A_869 = vector.shape_cast %reduce_max3A_868 : vector<512xf32> to vector<512x1xf32>
    %eq3A_870 = vector.broadcast %broadcast_in_dim3A_869 : vector<512x1xf32> to vector<512x512xf32>
    %eq3A_871 = arith.cmpf oeq, %select_n3A_866, %eq3A_870 : vector<512x512xf32>
    %jit3A_872 = arith.constant 5.120000e+02 : f32
    %broadcast_in_dim3A_873 = vector.broadcast %jit3A_872 : f32 to vector<512x512xf32>
    %select_n3A_874 = arith.select %eq3A_871, %convert_element_type3A_754, %broadcast_in_dim3A_873 : vector<512x512xi1>, vector<512x512xf32>
    %reduce_min3A_875 = arith.constant dense<0x7F800000> : vector<512xf32>
    %reduce_min3A_876 = vector.multi_reduction <minimumf>, %select_n3A_874, %reduce_min3A_875 [1] : vector<512x512xf32> to vector<512xf32>
    %broadcast_in_dim3A_877 = vector.shape_cast %reduce_min3A_876 : vector<512xf32> to vector<512x1xf32>
    %concatenate3A_878 = tpu.concatenate %broadcast_in_dim3A_765, %broadcast_in_dim3A_781, %broadcast_in_dim3A_797, %broadcast_in_dim3A_813, %broadcast_in_dim3A_829, %broadcast_in_dim3A_845, %broadcast_in_dim3A_861, %broadcast_in_dim3A_877 in 1 : vector<512x1xf32>, vector<512x1xf32>, vector<512x1xf32>, vector<512x1xf32>, vector<512x1xf32>, vector<512x1xf32>, vector<512x1xf32>, vector<512x1xf32> -> vector<512x8xf32>
    %convert_element_type3A_879 = arith.fptosi %concatenate3A_878 : vector<512x8xf32> to vector<512x8xi32>
    %add3A_880 = vector.broadcast %mul3A_752 : i32 to vector<512x8xi32>
    %add3A_881 = arith.addi %convert_element_type3A_879, %add3A_880 : vector<512x8xi32>
    %swap3A_882 = arith.constant 3 : index
    %swap3A_883 = arith.constant 0 : index
    %swap3A_884 = arith.constant 0 : index
    %swap3A_885 = vector.load %arg5[%swap3A_882, %swap3A_883, %swap3A_884] : memref<4x512x8xi32, #tpu.memory_space<vmem>>, vector<1x512x8xi32>
    %swap3A_886 = vector.shape_cast %swap3A_885 : vector<1x512x8xi32> to vector<512x8xi32>
    %swap3A_887 = vector.shape_cast %add3A_881 : vector<512x8xi32> to vector<1x512x8xi32>
    tpu.vector_store %arg5[%swap3A_882, %swap3A_883, %swap3A_884], %swap3A_887 {strides = array<i32>} : memref<4x512x8xi32, #tpu.memory_space<vmem>>, vector<1x512x8xi32>,
    return
  }
  func.func @transform_0(%arg0: i32) -> (i32, i32, i32) {
    %c0_i32 = arith.constant 0 : i32
    %c0_i32_0 = arith.constant 0 : i32
    %c0_i32_1 = arith.constant 0 : i32
    return %arg0, %c0_i32, %c0_i32_0 : i32, i32, i32
  }
  func.func @transform_1(%arg0: i32) -> (i32, i32, i32) {
    %c0_i32 = arith.constant 0 : i32
    %c0_i32_0 = arith.constant 0 : i32
    %c0_i32_1 = arith.constant 0 : i32
    return %arg0, %c0_i32, %c0_i32_0 : i32, i32, i32
  }
  func.func @transform_2(%arg0: i32) -> (i32, i32, i32) {
    %c0_i32 = arith.constant 0 : i32
    %c0_i32_0 = arith.constant 0 : i32
    %c0_i32_1 = arith.constant 0 : i32
    return %arg0, %c0_i32, %c0_i32_0 : i32, i32, i32
  }
  func.func @transform_3(%arg0: i32) -> (i32, i32, i32) {
    %c0_i32 = arith.constant 0 : i32
    %c0_i32_0 = arith.constant 0 : i32
    %c0_i32_1 = arith.constant 0 : i32
    return %arg0, %c0_i32, %c0_i32_0 : i32, i32, i32
  }
  func.func @transform_4(%arg0: i32) -> (i32, i32, i32) {
    %c0_i32 = arith.constant 0 : i32
    %c0_i32_0 = arith.constant 0 : i32
    %c0_i32_1 = arith.constant 0 : i32
    return %arg0, %c0_i32, %c0_i32_0 : i32, i32, i32
  }
  func.func @transform_5(%arg0: i32) -> (i32, i32) {
    %c0_i32 = arith.constant 0 : i32
    %c0_i32_0 = arith.constant 0 : i32
    %c0_i32_1 = arith.constant 0 : i32
    return %c0_i32, %c0_i32_0 : i32, i32
  }
}

module attributes {stable_mosaic.version = 14 : i64} {
  func.func @_ec1_head_body(%arg0: i32, %arg1: memref<4x512x16xf32, #tpu.memory_space<vmem>>, %arg2: memref<4x3584x16xf32, #tpu.memory_space<vmem>>, %arg3: memref<8x128xf32, #tpu.memory_space<vmem>>, %arg4: memref<1x16xf32, #tpu.memory_space<vmem>>, %arg5: memref<1x16xf32, #tpu.memory_space<vmem>>, %arg6: memref<32x32xf32, #tpu.memory_space<vmem>>, %arg7: memref<32x16xf32, #tpu.memory_space<vmem>>, %arg8: memref<4x3584x32xf32, #tpu.memory_space<vmem>>, %arg9: memref<8x128xf32, #tpu.memory_space<vmem>>) attributes {dimension_semantics = [#tpu.dimension_semantics<arbitrary>], iteration_bounds = array<i64: 32>, scalar_prefetch = 0 : i64, scratch_operands = 0 : i64, tpu.core_type = #tpu.core_type<tc>, window_params = [{transform_indices = @transform_0, window_bounds = array<i64: 4, 512, 16>}, {transform_indices = @transform_1, window_bounds = array<i64: 4, 3584, 16>}, {pipeline_mode = #tpu.pipeline_mode<synchronous>, transform_indices = @transform_2, window_bounds = array<i64: 8, 128>}, {pipeline_mode = #tpu.pipeline_mode<synchronous>, transform_indices = @transform_3, window_bounds = array<i64: 1, 16>}, {pipeline_mode = #tpu.pipeline_mode<synchronous>, transform_indices = @transform_4, window_bounds = array<i64: 1, 16>}, {pipeline_mode = #tpu.pipeline_mode<synchronous>, transform_indices = @transform_5, window_bounds = array<i64: 32, 32>}, {pipeline_mode = #tpu.pipeline_mode<synchronous>, transform_indices = @transform_6, window_bounds = array<i64: 32, 16>}, {transform_indices = @transform_7, window_bounds = array<i64: 4, 3584, 32>}, {pipeline_mode = #tpu.pipeline_mode<synchronous>, transform_indices = @transform_8, window_bounds = array<i64: 8, 128>}]} {
    %get3A = arith.constant 0 : index
    %get3A_0 = arith.constant 0 : index
    %get3A_1 = arith.constant 0 : index
    %get3A_2 = vector.load %arg1[%get3A, %get3A_0, %get3A_1] : memref<4x512x16xf32, #tpu.memory_space<vmem>>, vector<4x512x16xf32>
    %reshape3A = vector.shape_cast %get3A_2 : vector<4x512x16xf32> to vector<2048x16xf32>
    %get3A_3 = arith.constant 0 : index
    %get3A_4 = arith.constant 0 : index
    %get3A_5 = vector.load %arg4[%get3A_3, %get3A_4] : memref<1x16xf32, #tpu.memory_space<vmem>>, vector<1x16xf32>
    %get3A_6 = arith.constant 0 : index
    %get3A_7 = arith.constant 0 : index
    %get3A_8 = vector.load %arg5[%get3A_6, %get3A_7] : memref<1x16xf32, #tpu.memory_space<vmem>>, vector<1x16xf32>
    %get3A_9 = arith.constant 0 : index
    %get3A_10 = arith.constant 0 : index
    %get3A_11 = vector.load %arg3[%get3A_9, %get3A_10] : memref<8x128xf32, #tpu.memory_space<vmem>>, vector<1x16xf32>
    %get3A_12 = arith.constant 1 : index
    %get3A_13 = arith.constant 0 : index
    %get3A_14 = vector.load %arg3[%get3A_12, %get3A_13] : memref<8x128xf32, #tpu.memory_space<vmem>>, vector<1x16xf32>
    %div3A = arith.constant 6.553600e+04 : f32
    %div3A_15 = vector.broadcast %div3A : f32 to vector<1x16xf32>
    %div3A_16 = arith.divf %get3A_11, %div3A_15 : vector<1x16xf32>
    %div3A_17 = arith.constant 6.553600e+04 : f32
    %div3A_18 = vector.broadcast %div3A_17 : f32 to vector<1x16xf32>
    %div3A_19 = arith.divf %get3A_14, %div3A_18 : vector<1x16xf32>
    %mul3A = arith.mulf %div3A_16, %div3A_16 : vector<1x16xf32>
    %sub3A = arith.subf %div3A_19, %mul3A : vector<1x16xf32>
    %add3A = arith.constant 9.99999974E-6 : f32
    %add3A_20 = vector.broadcast %add3A : f32 to vector<1x16xf32>
    %add3A_21 = arith.addf %sub3A, %add3A_20 : vector<1x16xf32>
    %rsqrt3A = math.rsqrt %add3A_21 : vector<1x16xf32>
    %mul3A_22 = arith.mulf %get3A_5, %rsqrt3A : vector<1x16xf32>
    %mul3A_23 = arith.mulf %div3A_16, %mul3A_22 : vector<1x16xf32>
    %sub3A_24 = arith.subf %get3A_8, %mul3A_23 : vector<1x16xf32>
    %abs3A = math.absf %reshape3A : vector<2048x16xf32>
    %reduce_sum3A = arith.constant dense<0.000000e+00> : vector<2048xf32>
    %reduce_sum3A_25 = vector.multi_reduction <add>, %abs3A, %reduce_sum3A [1] : vector<2048x16xf32> to vector<2048xf32>
    %broadcast_in_dim3A = vector.shape_cast %reduce_sum3A_25 : vector<2048xf32> to vector<2048x1xf32>
    %ne3A = arith.constant 0.000000e+00 : f32
    %ne3A_26 = vector.broadcast %ne3A : f32 to vector<2048x1xf32>
    %ne3A_27 = arith.cmpf one, %broadcast_in_dim3A, %ne3A_26 : vector<2048x1xf32>
    %convert_element_type3A = arith.extui %ne3A_27 : vector<2048x1xi1> to vector<2048x1xi32>
    %convert_element_type3A_28 = arith.sitofp %convert_element_type3A : vector<2048x1xi32> to vector<2048x1xf32>
    %mul3A_29 = vector.broadcast %mul3A_22 : vector<1x16xf32> to vector<2048x16xf32>
    %mul3A_30 = arith.mulf %reshape3A, %mul3A_29 : vector<2048x16xf32>
    %add3A_31 = vector.broadcast %sub3A_24 : vector<1x16xf32> to vector<2048x16xf32>
    %add3A_32 = arith.addf %mul3A_30, %add3A_31 : vector<2048x16xf32>
    %mul3A_33 = vector.broadcast %convert_element_type3A_28 : vector<2048x1xf32> to vector<2048x16xf32>
    %mul3A_34 = arith.mulf %add3A_32, %mul3A_33 : vector<2048x16xf32>
    %get3A_35 = arith.constant 0 : index
    %get3A_36 = arith.constant 0 : index
    %get3A_37 = arith.constant 0 : index
    %get3A_38 = vector.load %arg2[%get3A_35, %get3A_36, %get3A_37] : memref<4x3584x16xf32, #tpu.memory_space<vmem>>, vector<4x3584x16xf32>
    %reshape3A_39 = vector.shape_cast %get3A_38 : vector<4x3584x16xf32> to vector<14336x16xf32>
    %mul3A_40 = vector.broadcast %mul3A_22 : vector<1x16xf32> to vector<14336x16xf32>
    %mul3A_41 = arith.mulf %reshape3A_39, %mul3A_40 : vector<14336x16xf32>
    %add3A_42 = vector.broadcast %sub3A_24 : vector<1x16xf32> to vector<14336x16xf32>
    %add3A_43 = arith.addf %mul3A_41, %add3A_42 : vector<14336x16xf32>
    %abs3A_44 = math.absf %reshape3A_39 : vector<14336x16xf32>
    %reduce_sum3A_45 = arith.constant dense<0.000000e+00> : vector<14336xf32>
    %reduce_sum3A_46 = vector.multi_reduction <add>, %abs3A_44, %reduce_sum3A_45 [1] : vector<14336x16xf32> to vector<14336xf32>
    %broadcast_in_dim3A_47 = vector.shape_cast %reduce_sum3A_46 : vector<14336xf32> to vector<14336x1xf32>
    %ne3A_48 = arith.constant 0.000000e+00 : f32
    %ne3A_49 = vector.broadcast %ne3A_48 : f32 to vector<14336x1xf32>
    %ne3A_50 = arith.cmpf one, %broadcast_in_dim3A_47, %ne3A_49 : vector<14336x1xf32>
    %convert_element_type3A_51 = arith.extui %ne3A_50 : vector<14336x1xi1> to vector<14336x1xi32>
    %convert_element_type3A_52 = arith.sitofp %convert_element_type3A_51 : vector<14336x1xi32> to vector<14336x1xf32>
    %mul3A_53 = vector.broadcast %convert_element_type3A_52 : vector<14336x1xf32> to vector<14336x16xf32>
    %mul3A_54 = arith.mulf %add3A_43, %mul3A_53 : vector<14336x16xf32>
    %get3A_55 = arith.constant 0 : index
    %get3A_56 = arith.constant 0 : index
    %get3A_57 = vector.load %arg6[%get3A_55, %get3A_56] : memref<32x32xf32, #tpu.memory_space<vmem>>, vector<32x32xf32>
    %slice3A = vector.extract_strided_slice %get3A_57 {offsets = [0, 0], sizes = [32, 16], strides = [1, 1]} : vector<32x32xf32> to vector<32x16xf32>
    %slice3A_58 = vector.extract_strided_slice %get3A_57 {offsets = [0, 16], sizes = [32, 16], strides = [1, 1]} : vector<32x32xf32> to vector<32x16xf32>
    %sub3A_59 = arith.subf %slice3A, %slice3A_58 : vector<32x16xf32>
    %dot_general3A = arith.constant dense<0.000000e+00> : vector<2048x32xf32>
    %dot_general3A_60 = tpu.matmul %mul3A_34, %sub3A_59, %dot_general3A {dimension_numbers = #tpu.dot_dimension_numbers<[1], [1], [0], [0], [0, 0, 1, 0], [], []>, precision = #tpu.contract_precision<fp32>, transpose_lhs_hint = false} : vector<2048x16xf32>, vector<32x16xf32>, vector<2048x32xf32> -> vector<2048x32xf32>
    %dot_general3A_61 = arith.constant dense<0.000000e+00> : vector<14336x32xf32>
    %dot_general3A_62 = tpu.matmul %mul3A_54, %slice3A_58, %dot_general3A_61 {dimension_numbers = #tpu.dot_dimension_numbers<[1], [1], [0], [0], [0, 0, 1, 0], [], []>, precision = #tpu.contract_precision<fp32>, transpose_lhs_hint = false} : vector<14336x16xf32>, vector<32x16xf32>, vector<14336x32xf32> -> vector<14336x32xf32>
    %slice3A_63 = vector.extract_strided_slice %dot_general3A_60 {offsets = [0, 0], sizes = [512, 32], strides = [1, 1]} : vector<2048x32xf32> to vector<512x32xf32>
    %slice3A_64 = vector.extract_strided_slice %dot_general3A_60 {offsets = [0, 0], sizes = [512, 32], strides = [1, 1]} : vector<2048x32xf32> to vector<512x32xf32>
    %slice3A_65 = vector.extract_strided_slice %dot_general3A_60 {offsets = [0, 0], sizes = [512, 32], strides = [1, 1]} : vector<2048x32xf32> to vector<512x32xf32>
    %slice3A_66 = vector.extract_strided_slice %dot_general3A_60 {offsets = [0, 0], sizes = [512, 32], strides = [1, 1]} : vector<2048x32xf32> to vector<512x32xf32>
    %slice3A_67 = vector.extract_strided_slice %dot_general3A_60 {offsets = [0, 0], sizes = [512, 32], strides = [1, 1]} : vector<2048x32xf32> to vector<512x32xf32>
    %slice3A_68 = vector.extract_strided_slice %dot_general3A_60 {offsets = [0, 0], sizes = [512, 32], strides = [1, 1]} : vector<2048x32xf32> to vector<512x32xf32>
    %slice3A_69 = vector.extract_strided_slice %dot_general3A_60 {offsets = [0, 0], sizes = [512, 32], strides = [1, 1]} : vector<2048x32xf32> to vector<512x32xf32>
    %slice3A_70 = vector.extract_strided_slice %dot_general3A_60 {offsets = [512, 0], sizes = [512, 32], strides = [1, 1]} : vector<2048x32xf32> to vector<512x32xf32>
    %slice3A_71 = vector.extract_strided_slice %dot_general3A_60 {offsets = [512, 0], sizes = [512, 32], strides = [1, 1]} : vector<2048x32xf32> to vector<512x32xf32>
    %slice3A_72 = vector.extract_strided_slice %dot_general3A_60 {offsets = [512, 0], sizes = [512, 32], strides = [1, 1]} : vector<2048x32xf32> to vector<512x32xf32>
    %slice3A_73 = vector.extract_strided_slice %dot_general3A_60 {offsets = [512, 0], sizes = [512, 32], strides = [1, 1]} : vector<2048x32xf32> to vector<512x32xf32>
    %slice3A_74 = vector.extract_strided_slice %dot_general3A_60 {offsets = [512, 0], sizes = [512, 32], strides = [1, 1]} : vector<2048x32xf32> to vector<512x32xf32>
    %slice3A_75 = vector.extract_strided_slice %dot_general3A_60 {offsets = [512, 0], sizes = [512, 32], strides = [1, 1]} : vector<2048x32xf32> to vector<512x32xf32>
    %slice3A_76 = vector.extract_strided_slice %dot_general3A_60 {offsets = [512, 0], sizes = [512, 32], strides = [1, 1]} : vector<2048x32xf32> to vector<512x32xf32>
    %slice3A_77 = vector.extract_strided_slice %dot_general3A_60 {offsets = [1024, 0], sizes = [512, 32], strides = [1, 1]} : vector<2048x32xf32> to vector<512x32xf32>
    %slice3A_78 = vector.extract_strided_slice %dot_general3A_60 {offsets = [1024, 0], sizes = [512, 32], strides = [1, 1]} : vector<2048x32xf32> to vector<512x32xf32>
    %slice3A_79 = vector.extract_strided_slice %dot_general3A_60 {offsets = [1024, 0], sizes = [512, 32], strides = [1, 1]} : vector<2048x32xf32> to vector<512x32xf32>
    %slice3A_80 = vector.extract_strided_slice %dot_general3A_60 {offsets = [1024, 0], sizes = [512, 32], strides = [1, 1]} : vector<2048x32xf32> to vector<512x32xf32>
    %slice3A_81 = vector.extract_strided_slice %dot_general3A_60 {offsets = [1024, 0], sizes = [512, 32], strides = [1, 1]} : vector<2048x32xf32> to vector<512x32xf32>
    %slice3A_82 = vector.extract_strided_slice %dot_general3A_60 {offsets = [1024, 0], sizes = [512, 32], strides = [1, 1]} : vector<2048x32xf32> to vector<512x32xf32>
    %slice3A_83 = vector.extract_strided_slice %dot_general3A_60 {offsets = [1024, 0], sizes = [512, 32], strides = [1, 1]} : vector<2048x32xf32> to vector<512x32xf32>
    %slice3A_84 = vector.extract_strided_slice %dot_general3A_60 {offsets = [1536, 0], sizes = [512, 32], strides = [1, 1]} : vector<2048x32xf32> to vector<512x32xf32>
    %slice3A_85 = vector.extract_strided_slice %dot_general3A_60 {offsets = [1536, 0], sizes = [512, 32], strides = [1, 1]} : vector<2048x32xf32> to vector<512x32xf32>
    %slice3A_86 = vector.extract_strided_slice %dot_general3A_60 {offsets = [1536, 0], sizes = [512, 32], strides = [1, 1]} : vector<2048x32xf32> to vector<512x32xf32>
    %slice3A_87 = vector.extract_strided_slice %dot_general3A_60 {offsets = [1536, 0], sizes = [512, 32], strides = [1, 1]} : vector<2048x32xf32> to vector<512x32xf32>
    %slice3A_88 = vector.extract_strided_slice %dot_general3A_60 {offsets = [1536, 0], sizes = [512, 32], strides = [1, 1]} : vector<2048x32xf32> to vector<512x32xf32>
    %slice3A_89 = vector.extract_strided_slice %dot_general3A_60 {offsets = [1536, 0], sizes = [512, 32], strides = [1, 1]} : vector<2048x32xf32> to vector<512x32xf32>
    %slice3A_90 = vector.extract_strided_slice %dot_general3A_60 {offsets = [1536, 0], sizes = [512, 32], strides = [1, 1]} : vector<2048x32xf32> to vector<512x32xf32>
    %concatenate3A = tpu.concatenate %slice3A_63, %slice3A_64, %slice3A_65, %slice3A_66, %slice3A_67, %slice3A_68, %slice3A_69, %slice3A_70, %slice3A_71, %slice3A_72, %slice3A_73, %slice3A_74, %slice3A_75, %slice3A_76, %slice3A_77, %slice3A_78, %slice3A_79, %slice3A_80, %slice3A_81, %slice3A_82, %slice3A_83, %slice3A_84, %slice3A_85, %slice3A_86, %slice3A_87, %slice3A_88, %slice3A_89, %slice3A_90 in 0 : vector<512x32xf32>, vector<512x32xf32>, vector<512x32xf32>, vector<512x32xf32>, vector<512x32xf32>, vector<512x32xf32>, vector<512x32xf32>, vector<512x32xf32>, vector<512x32xf32>, vector<512x32xf32>, vector<512x32xf32>, vector<512x32xf32>, vector<512x32xf32>, vector<512x32xf32>, vector<512x32xf32>, vector<512x32xf32>, vector<512x32xf32>, vector<512x32xf32>, vector<512x32xf32>, vector<512x32xf32>, vector<512x32xf32>, vector<512x32xf32>, vector<512x32xf32>, vector<512x32xf32>, vector<512x32xf32>, vector<512x32xf32>, vector<512x32xf32>, vector<512x32xf32> -> vector<14336x32xf32>
    %add3A_91 = arith.addf %dot_general3A_62, %concatenate3A : vector<14336x32xf32>
    %reshape3A_92 = vector.shape_cast %add3A_91 : vector<14336x32xf32> to vector<4x3584x32xf32>
    %swap3A = arith.constant 0 : index
    %swap3A_93 = arith.constant 0 : index
    %swap3A_94 = arith.constant 0 : index
    %swap3A_95 = vector.load %arg8[%swap3A, %swap3A_93, %swap3A_94] : memref<4x3584x32xf32, #tpu.memory_space<vmem>>, vector<4x3584x32xf32>
    tpu.vector_store %arg8[%swap3A, %swap3A_93, %swap3A_94], %reshape3A_92 {strides = array<i32>} : memref<4x3584x32xf32, #tpu.memory_space<vmem>>, vector<4x3584x32xf32>,
    %get3A_96 = arith.constant 0 : index
    %get3A_97 = arith.constant 0 : index
    %get3A_98 = vector.load %arg7[%get3A_96, %get3A_97] : memref<32x16xf32, #tpu.memory_space<vmem>>, vector<32x16xf32>
    %dot_general3A_99 = arith.constant dense<0.000000e+00> : vector<2048x32xf32>
    %dot_general3A_100 = tpu.matmul %mul3A_34, %get3A_98, %dot_general3A_99 {dimension_numbers = #tpu.dot_dimension_numbers<[1], [1], [0], [0], [0, 0, 1, 0], [], []>, precision = #tpu.contract_precision<fp32>, transpose_lhs_hint = false} : vector<2048x16xf32>, vector<32x16xf32>, vector<2048x32xf32> -> vector<2048x32xf32>
    %reduce_sum3A_101 = arith.constant dense<0.000000e+00> : vector<32xf32>
    %reduce_sum3A_102 = vector.multi_reduction <add>, %add3A_91, %reduce_sum3A_101 [0] : vector<14336x32xf32> to vector<32xf32>
    %broadcast_in_dim3A_103 = vector.shape_cast %reduce_sum3A_102 : vector<32xf32> to vector<1x32xf32>
    %mul3A_104 = arith.mulf %add3A_91, %add3A_91 : vector<14336x32xf32>
    %reduce_sum3A_105 = arith.constant dense<0.000000e+00> : vector<32xf32>
    %reduce_sum3A_106 = vector.multi_reduction <add>, %mul3A_104, %reduce_sum3A_105 [0] : vector<14336x32xf32> to vector<32xf32>
    %broadcast_in_dim3A_107 = vector.shape_cast %reduce_sum3A_106 : vector<32xf32> to vector<1x32xf32>
    %reduce_sum3A_108 = arith.constant dense<0.000000e+00> : vector<32xf32>
    %reduce_sum3A_109 = vector.multi_reduction <add>, %dot_general3A_100, %reduce_sum3A_108 [0] : vector<2048x32xf32> to vector<32xf32>
    %broadcast_in_dim3A_110 = vector.shape_cast %reduce_sum3A_109 : vector<32xf32> to vector<1x32xf32>
    %mul3A_111 = arith.mulf %dot_general3A_100, %dot_general3A_100 : vector<2048x32xf32>
    %reduce_sum3A_112 = arith.constant dense<0.000000e+00> : vector<32xf32>
    %reduce_sum3A_113 = vector.multi_reduction <add>, %mul3A_111, %reduce_sum3A_112 [0] : vector<2048x32xf32> to vector<32xf32>
    %broadcast_in_dim3A_114 = vector.shape_cast %reduce_sum3A_113 : vector<32xf32> to vector<1x32xf32>
    %eq3A = arith.constant 0 : i32
    %eq3A_115 = arith.cmpi eq, %arg0, %eq3A : i32
    %convert_element_type3A_116 = arith.extui %eq3A_115 : i1 to i32
    %cond3A = arith.constant 0 : i32
    %cond3A_117 = arith.cmpi ne, %convert_element_type3A_116, %cond3A : i32
    scf.if %cond3A_117 {
      %broadcast_in_dim3A_126 = arith.constant 0.000000e+00 : f32
      %broadcast_in_dim3A_127 = vector.broadcast %broadcast_in_dim3A_126 : f32 to vector<8x128xf32>
      %swap3A_128 = arith.constant 0 : index
      %swap3A_129 = arith.constant 0 : index
      %swap3A_130 = vector.load %arg9[%swap3A_128, %swap3A_129] : memref<8x128xf32, #tpu.memory_space<vmem>>, vector<8x128xf32>
      tpu.vector_store %arg9[%swap3A_128, %swap3A_129], %broadcast_in_dim3A_127 {strides = array<i32>} : memref<8x128xf32, #tpu.memory_space<vmem>>, vector<8x128xf32>,
    } else {
    }
    %concatenate3A_118 = tpu.concatenate %broadcast_in_dim3A_103, %broadcast_in_dim3A_107, %broadcast_in_dim3A_110, %broadcast_in_dim3A_114 in 0 : vector<1x32xf32>, vector<1x32xf32>, vector<1x32xf32>, vector<1x32xf32> -> vector<4x32xf32>
    %get3A_119 = arith.constant 0 : index
    %get3A_120 = arith.constant 0 : index
    %get3A_121 = vector.load %arg9[%get3A_119, %get3A_120] : memref<8x128xf32, #tpu.memory_space<vmem>>, vector<4x32xf32>
    %add3A_122 = arith.addf %get3A_121, %concatenate3A_118 : vector<4x32xf32>
    %swap3A_123 = arith.constant 0 : index
    %swap3A_124 = arith.constant 0 : index
    %swap3A_125 = vector.load %arg9[%swap3A_123, %swap3A_124] : memref<8x128xf32, #tpu.memory_space<vmem>>, vector<4x32xf32>
    tpu.vector_store %arg9[%swap3A_123, %swap3A_124], %add3A_122 {strides = array<i32>} : memref<8x128xf32, #tpu.memory_space<vmem>>, vector<4x32xf32>,
    return
  }
  func.func @transform_0(%arg0: i32) -> (i32, i32, i32) {
    %c0_i32 = arith.constant 0 : i32
    %c0_i32_0 = arith.constant 0 : i32
    %c0_i32_1 = arith.constant 0 : i32
    return %arg0, %c0_i32, %c0_i32_0 : i32, i32, i32
  }
  func.func @transform_1(%arg0: i32) -> (i32, i32, i32) {
    %c0_i32 = arith.constant 0 : i32
    %c0_i32_0 = arith.constant 0 : i32
    %c0_i32_1 = arith.constant 0 : i32
    return %arg0, %c0_i32, %c0_i32_0 : i32, i32, i32
  }
  func.func @transform_2(%arg0: i32) -> (i32, i32) {
    %c0_i32 = arith.constant 0 : i32
    %c0_i32_0 = arith.constant 0 : i32
    %c0_i32_1 = arith.constant 0 : i32
    return %c0_i32, %c0_i32_0 : i32, i32
  }
  func.func @transform_3(%arg0: i32) -> (i32, i32) {
    %c0_i32 = arith.constant 0 : i32
    %c0_i32_0 = arith.constant 0 : i32
    %c0_i32_1 = arith.constant 0 : i32
    return %c0_i32, %c0_i32_0 : i32, i32
  }
  func.func @transform_4(%arg0: i32) -> (i32, i32) {
    %c0_i32 = arith.constant 0 : i32
    %c0_i32_0 = arith.constant 0 : i32
    %c0_i32_1 = arith.constant 0 : i32
    return %c0_i32, %c0_i32_0 : i32, i32
  }
  func.func @transform_5(%arg0: i32) -> (i32, i32) {
    %c0_i32 = arith.constant 0 : i32
    %c0_i32_0 = arith.constant 0 : i32
    %c0_i32_1 = arith.constant 0 : i32
    return %c0_i32, %c0_i32_0 : i32, i32
  }
  func.func @transform_6(%arg0: i32) -> (i32, i32) {
    %c0_i32 = arith.constant 0 : i32
    %c0_i32_0 = arith.constant 0 : i32
    %c0_i32_1 = arith.constant 0 : i32
    return %c0_i32, %c0_i32_0 : i32, i32
  }
  func.func @transform_7(%arg0: i32) -> (i32, i32, i32) {
    %c0_i32 = arith.constant 0 : i32
    %c0_i32_0 = arith.constant 0 : i32
    %c0_i32_1 = arith.constant 0 : i32
    return %arg0, %c0_i32, %c0_i32_0 : i32, i32, i32
  }
  func.func @transform_8(%arg0: i32) -> (i32, i32) {
    %c0_i32 = arith.constant 0 : i32
    %c0_i32_0 = arith.constant 0 : i32
    %c0_i32_1 = arith.constant 0 : i32
    return %c0_i32, %c0_i32_0 : i32, i32
  }
}

module attributes {stable_mosaic.version = 14 : i64} {
  func.func @_mid_body(%arg0: i32, %arg1: memref<4x3584x32xf32, #tpu.memory_space<vmem>>, %arg2: memref<8x128xf32, #tpu.memory_space<vmem>>, %arg3: memref<1x32xf32, #tpu.memory_space<vmem>>, %arg4: memref<1x32xf32, #tpu.memory_space<vmem>>, %arg5: memref<32x32xf32, #tpu.memory_space<vmem>>, %arg6: memref<4x3584x32xf32, #tpu.memory_space<vmem>>, %arg7: memref<8x128xf32, #tpu.memory_space<vmem>>) attributes {dimension_semantics = [#tpu.dimension_semantics<arbitrary>], iteration_bounds = array<i64: 32>, scalar_prefetch = 0 : i64, scratch_operands = 0 : i64, tpu.core_type = #tpu.core_type<tc>, window_params = [{transform_indices = @transform_0, window_bounds = array<i64: 4, 3584, 32>}, {pipeline_mode = #tpu.pipeline_mode<synchronous>, transform_indices = @transform_1, window_bounds = array<i64: 8, 128>}, {pipeline_mode = #tpu.pipeline_mode<synchronous>, transform_indices = @transform_2, window_bounds = array<i64: 1, 32>}, {pipeline_mode = #tpu.pipeline_mode<synchronous>, transform_indices = @transform_3, window_bounds = array<i64: 1, 32>}, {pipeline_mode = #tpu.pipeline_mode<synchronous>, transform_indices = @transform_4, window_bounds = array<i64: 32, 32>}, {transform_indices = @transform_5, window_bounds = array<i64: 4, 3584, 32>}, {pipeline_mode = #tpu.pipeline_mode<synchronous>, transform_indices = @transform_6, window_bounds = array<i64: 8, 128>}]} {
    %get3A = arith.constant 0 : index
    %get3A_0 = arith.constant 0 : index
    %get3A_1 = vector.load %arg2[%get3A, %get3A_0] : memref<8x128xf32, #tpu.memory_space<vmem>>, vector<1x32xf32>
    %get3A_2 = arith.constant 1 : index
    %get3A_3 = arith.constant 0 : index
    %get3A_4 = vector.load %arg2[%get3A_2, %get3A_3] : memref<8x128xf32, #tpu.memory_space<vmem>>, vector<1x32xf32>
    %get3A_5 = arith.constant 0 : index
    %get3A_6 = arith.constant 0 : index
    %get3A_7 = vector.load %arg3[%get3A_5, %get3A_6] : memref<1x32xf32, #tpu.memory_space<vmem>>, vector<1x32xf32>
    %get3A_8 = arith.constant 0 : index
    %get3A_9 = arith.constant 0 : index
    %get3A_10 = vector.load %arg4[%get3A_8, %get3A_9] : memref<1x32xf32, #tpu.memory_space<vmem>>, vector<1x32xf32>
    %div3A = arith.constant 4.587520e+05 : f32
    %div3A_11 = vector.broadcast %div3A : f32 to vector<1x32xf32>
    %div3A_12 = arith.divf %get3A_1, %div3A_11 : vector<1x32xf32>
    %div3A_13 = arith.constant 4.587520e+05 : f32
    %div3A_14 = vector.broadcast %div3A_13 : f32 to vector<1x32xf32>
    %div3A_15 = arith.divf %get3A_4, %div3A_14 : vector<1x32xf32>
    %mul3A = arith.mulf %div3A_12, %div3A_12 : vector<1x32xf32>
    %sub3A = arith.subf %div3A_15, %mul3A : vector<1x32xf32>
    %add3A = arith.constant 9.99999974E-6 : f32
    %add3A_16 = vector.broadcast %add3A : f32 to vector<1x32xf32>
    %add3A_17 = arith.addf %sub3A, %add3A_16 : vector<1x32xf32>
    %rsqrt3A = math.rsqrt %add3A_17 : vector<1x32xf32>
    %mul3A_18 = arith.mulf %get3A_7, %rsqrt3A : vector<1x32xf32>
    %mul3A_19 = arith.mulf %div3A_12, %mul3A_18 : vector<1x32xf32>
    %sub3A_20 = arith.subf %get3A_10, %mul3A_19 : vector<1x32xf32>
    %get3A_21 = arith.constant 0 : index
    %get3A_22 = arith.constant 0 : index
    %get3A_23 = arith.constant 0 : index
    %get3A_24 = vector.load %arg1[%get3A_21, %get3A_22, %get3A_23] : memref<4x3584x32xf32, #tpu.memory_space<vmem>>, vector<4x3584x32xf32>
    %reshape3A = vector.shape_cast %get3A_24 : vector<4x3584x32xf32> to vector<14336x32xf32>
    %mul3A_25 = vector.broadcast %mul3A_18 : vector<1x32xf32> to vector<14336x32xf32>
    %mul3A_26 = arith.mulf %reshape3A, %mul3A_25 : vector<14336x32xf32>
    %add3A_27 = vector.broadcast %sub3A_20 : vector<1x32xf32> to vector<14336x32xf32>
    %add3A_28 = arith.addf %mul3A_26, %add3A_27 : vector<14336x32xf32>
    %max3A = arith.constant 0.000000e+00 : f32
    %max3A_29 = vector.broadcast %max3A : f32 to vector<14336x32xf32>
    %max3A_30 = arith.maximumf %add3A_28, %max3A_29 : vector<14336x32xf32>
    %get3A_31 = arith.constant 0 : index
    %get3A_32 = arith.constant 0 : index
    %get3A_33 = vector.load %arg5[%get3A_31, %get3A_32] : memref<32x32xf32, #tpu.memory_space<vmem>>, vector<32x32xf32>
    %dot_general3A = arith.constant dense<0.000000e+00> : vector<14336x32xf32>
    %dot_general3A_34 = tpu.matmul %max3A_30, %get3A_33, %dot_general3A {dimension_numbers = #tpu.dot_dimension_numbers<[1], [1], [0], [0], [0, 0, 1, 0], [], []>, precision = #tpu.contract_precision<fp32>, transpose_lhs_hint = false} : vector<14336x32xf32>, vector<32x32xf32>, vector<14336x32xf32> -> vector<14336x32xf32>
    %reshape3A_35 = vector.shape_cast %dot_general3A_34 : vector<14336x32xf32> to vector<4x3584x32xf32>
    %swap3A = arith.constant 0 : index
    %swap3A_36 = arith.constant 0 : index
    %swap3A_37 = arith.constant 0 : index
    %swap3A_38 = vector.load %arg6[%swap3A, %swap3A_36, %swap3A_37] : memref<4x3584x32xf32, #tpu.memory_space<vmem>>, vector<4x3584x32xf32>
    tpu.vector_store %arg6[%swap3A, %swap3A_36, %swap3A_37], %reshape3A_35 {strides = array<i32>} : memref<4x3584x32xf32, #tpu.memory_space<vmem>>, vector<4x3584x32xf32>,
    %reduce_sum3A = arith.constant dense<0.000000e+00> : vector<32xf32>
    %reduce_sum3A_39 = vector.multi_reduction <add>, %dot_general3A_34, %reduce_sum3A [0] : vector<14336x32xf32> to vector<32xf32>
    %broadcast_in_dim3A = vector.shape_cast %reduce_sum3A_39 : vector<32xf32> to vector<1x32xf32>
    %mul3A_40 = arith.mulf %dot_general3A_34, %dot_general3A_34 : vector<14336x32xf32>
    %reduce_sum3A_41 = arith.constant dense<0.000000e+00> : vector<32xf32>
    %reduce_sum3A_42 = vector.multi_reduction <add>, %mul3A_40, %reduce_sum3A_41 [0] : vector<14336x32xf32> to vector<32xf32>
    %broadcast_in_dim3A_43 = vector.shape_cast %reduce_sum3A_42 : vector<32xf32> to vector<1x32xf32>
    %eq3A = arith.constant 0 : i32
    %eq3A_44 = arith.cmpi eq, %arg0, %eq3A : i32
    %convert_element_type3A = arith.extui %eq3A_44 : i1 to i32
    %cond3A = arith.constant 0 : i32
    %cond3A_45 = arith.cmpi ne, %convert_element_type3A, %cond3A : i32
    scf.if %cond3A_45 {
      %broadcast_in_dim3A_53 = arith.constant 0.000000e+00 : f32
      %broadcast_in_dim3A_54 = vector.broadcast %broadcast_in_dim3A_53 : f32 to vector<8x128xf32>
      %swap3A_55 = arith.constant 0 : index
      %swap3A_56 = arith.constant 0 : index
      %swap3A_57 = vector.load %arg7[%swap3A_55, %swap3A_56] : memref<8x128xf32, #tpu.memory_space<vmem>>, vector<8x128xf32>
      tpu.vector_store %arg7[%swap3A_55, %swap3A_56], %broadcast_in_dim3A_54 {strides = array<i32>} : memref<8x128xf32, #tpu.memory_space<vmem>>, vector<8x128xf32>,
    } else {
    }
    %concatenate3A = tpu.concatenate %broadcast_in_dim3A, %broadcast_in_dim3A_43 in 0 : vector<1x32xf32>, vector<1x32xf32> -> vector<2x32xf32>
    %get3A_46 = arith.constant 0 : index
    %get3A_47 = arith.constant 0 : index
    %get3A_48 = vector.load %arg7[%get3A_46, %get3A_47] : memref<8x128xf32, #tpu.memory_space<vmem>>, vector<2x32xf32>
    %add3A_49 = arith.addf %get3A_48, %concatenate3A : vector<2x32xf32>
    %swap3A_50 = arith.constant 0 : index
    %swap3A_51 = arith.constant 0 : index
    %swap3A_52 = vector.load %arg7[%swap3A_50, %swap3A_51] : memref<8x128xf32, #tpu.memory_space<vmem>>, vector<2x32xf32>
    tpu.vector_store %arg7[%swap3A_50, %swap3A_51], %add3A_49 {strides = array<i32>} : memref<8x128xf32, #tpu.memory_space<vmem>>, vector<2x32xf32>,
    return
  }
  func.func @transform_0(%arg0: i32) -> (i32, i32, i32) {
    %c0_i32 = arith.constant 0 : i32
    %c0_i32_0 = arith.constant 0 : i32
    %c0_i32_1 = arith.constant 0 : i32
    return %arg0, %c0_i32, %c0_i32_0 : i32, i32, i32
  }
  func.func @transform_1(%arg0: i32) -> (i32, i32) {
    %c0_i32 = arith.constant 0 : i32
    %c0_i32_0 = arith.constant 0 : i32
    %c0_i32_1 = arith.constant 0 : i32
    return %c0_i32, %c0_i32_0 : i32, i32
  }
  func.func @transform_2(%arg0: i32) -> (i32, i32) {
    %c0_i32 = arith.constant 0 : i32
    %c0_i32_0 = arith.constant 0 : i32
    %c0_i32_1 = arith.constant 0 : i32
    return %c0_i32, %c0_i32_0 : i32, i32
  }
  func.func @transform_3(%arg0: i32) -> (i32, i32) {
    %c0_i32 = arith.constant 0 : i32
    %c0_i32_0 = arith.constant 0 : i32
    %c0_i32_1 = arith.constant 0 : i32
    return %c0_i32, %c0_i32_0 : i32, i32
  }
  func.func @transform_4(%arg0: i32) -> (i32, i32) {
    %c0_i32 = arith.constant 0 : i32
    %c0_i32_0 = arith.constant 0 : i32
    %c0_i32_1 = arith.constant 0 : i32
    return %c0_i32, %c0_i32_0 : i32, i32
  }
  func.func @transform_5(%arg0: i32) -> (i32, i32, i32) {
    %c0_i32 = arith.constant 0 : i32
    %c0_i32_0 = arith.constant 0 : i32
    %c0_i32_1 = arith.constant 0 : i32
    return %arg0, %c0_i32, %c0_i32_0 : i32, i32, i32
  }
  func.func @transform_6(%arg0: i32) -> (i32, i32) {
    %c0_i32 = arith.constant 0 : i32
    %c0_i32_0 = arith.constant 0 : i32
    %c0_i32_1 = arith.constant 0 : i32
    return %c0_i32, %c0_i32_0 : i32, i32
  }
}

module attributes {stable_mosaic.version = 14 : i64} {
  func.func @_p6_body(%arg0: i32, %arg1: memref<4x3584x32xf32, #tpu.memory_space<vmem>>, %arg2: memref<4x512x16xf32, #tpu.memory_space<vmem>>, %arg3: memref<8x128xf32, #tpu.memory_space<vmem>>, %arg4: memref<1x16xf32, #tpu.memory_space<vmem>>, %arg5: memref<1x16xf32, #tpu.memory_space<vmem>>, %arg6: memref<8x128xf32, #tpu.memory_space<vmem>>, %arg7: memref<8x128xf32, #tpu.memory_space<vmem>>, %arg8: memref<1x32xf32, #tpu.memory_space<vmem>>, %arg9: memref<1x32xf32, #tpu.memory_space<vmem>>, %arg10: memref<32x16xf32, #tpu.memory_space<vmem>>, %arg11: memref<1x32xf32, #tpu.memory_space<vmem>>, %arg12: memref<1x32xf32, #tpu.memory_space<vmem>>, %arg13: memref<64x32xf32, #tpu.memory_space<vmem>>, %arg14: memref<4x512x32xf32, #tpu.memory_space<vmem>>, %arg15: memref<4x512x8xi32, #tpu.memory_space<vmem>>, %arg16: memref<8x128xf32, #tpu.memory_space<vmem>>) attributes {dimension_semantics = [#tpu.dimension_semantics<arbitrary>], iteration_bounds = array<i64: 32>, scalar_prefetch = 0 : i64, scratch_operands = 0 : i64, tpu.core_type = #tpu.core_type<tc>, window_params = [{transform_indices = @transform_0, window_bounds = array<i64: 4, 3584, 32>}, {transform_indices = @transform_1, window_bounds = array<i64: 4, 512, 16>}, {pipeline_mode = #tpu.pipeline_mode<synchronous>, transform_indices = @transform_2, window_bounds = array<i64: 8, 128>}, {pipeline_mode = #tpu.pipeline_mode<synchronous>, transform_indices = @transform_3, window_bounds = array<i64: 1, 16>}, {pipeline_mode = #tpu.pipeline_mode<synchronous>, transform_indices = @transform_4, window_bounds = array<i64: 1, 16>}, {pipeline_mode = #tpu.pipeline_mode<synchronous>, transform_indices = @transform_5, window_bounds = array<i64: 8, 128>}, {pipeline_mode = #tpu.pipeline_mode<synchronous>, transform_indices = @transform_6, window_bounds = array<i64: 8, 128>}, {pipeline_mode = #tpu.pipeline_mode<synchronous>, transform_indices = @transform_7, window_bounds = array<i64: 1, 32>}, {pipeline_mode = #tpu.pipeline_mode<synchronous>, transform_indices = @transform_8, window_bounds = array<i64: 1, 32>}, {pipeline_mode = #tpu.pipeline_mode<synchronous>, transform_indices = @transform_9, window_bounds = array<i64: 32, 16>}, {pipeline_mode = #tpu.pipeline_mode<synchronous>, transform_indices = @transform_10, window_bounds = array<i64: 1, 32>}, {pipeline_mode = #tpu.pipeline_mode<synchronous>, transform_indices = @transform_11, window_bounds = array<i64: 1, 32>}, {pipeline_mode = #tpu.pipeline_mode<synchronous>, transform_indices = @transform_12, window_bounds = array<i64: 64, 32>}, {transform_indices = @transform_13, window_bounds = array<i64: 4, 512, 32>}, {transform_indices = @transform_14, window_bounds = array<i64: 4, 512, 8>}, {pipeline_mode = #tpu.pipeline_mode<synchronous>, transform_indices = @transform_15, window_bounds = array<i64: 8, 128>}]} {
    %get3A = arith.constant 0 : index
    %get3A_0 = arith.constant 0 : index
    %get3A_1 = vector.load %arg7[%get3A, %get3A_0] : memref<8x128xf32, #tpu.memory_space<vmem>>, vector<1x32xf32>
    %get3A_2 = arith.constant 1 : index
    %get3A_3 = arith.constant 0 : index
    %get3A_4 = vector.load %arg7[%get3A_2, %get3A_3] : memref<8x128xf32, #tpu.memory_space<vmem>>, vector<1x32xf32>
    %get3A_5 = arith.constant 0 : index
    %get3A_6 = arith.constant 0 : index
    %get3A_7 = vector.load %arg8[%get3A_5, %get3A_6] : memref<1x32xf32, #tpu.memory_space<vmem>>, vector<1x32xf32>
    %get3A_8 = arith.constant 0 : index
    %get3A_9 = arith.constant 0 : index
    %get3A_10 = vector.load %arg9[%get3A_8, %get3A_9] : memref<1x32xf32, #tpu.memory_space<vmem>>, vector<1x32xf32>
    %div3A = arith.constant 4.587520e+05 : f32
    %div3A_11 = vector.broadcast %div3A : f32 to vector<1x32xf32>
    %div3A_12 = arith.divf %get3A_1, %div3A_11 : vector<1x32xf32>
    %div3A_13 = arith.constant 4.587520e+05 : f32
    %div3A_14 = vector.broadcast %div3A_13 : f32 to vector<1x32xf32>
    %div3A_15 = arith.divf %get3A_4, %div3A_14 : vector<1x32xf32>
    %mul3A = arith.mulf %div3A_12, %div3A_12 : vector<1x32xf32>
    %sub3A = arith.subf %div3A_15, %mul3A : vector<1x32xf32>
    %add3A = arith.constant 9.99999974E-6 : f32
    %add3A_16 = vector.broadcast %add3A : f32 to vector<1x32xf32>
    %add3A_17 = arith.addf %sub3A, %add3A_16 : vector<1x32xf32>
    %rsqrt3A = math.rsqrt %add3A_17 : vector<1x32xf32>
    %mul3A_18 = arith.mulf %get3A_7, %rsqrt3A : vector<1x32xf32>
    %mul3A_19 = arith.mulf %div3A_12, %mul3A_18 : vector<1x32xf32>
    %sub3A_20 = arith.subf %get3A_10, %mul3A_19 : vector<1x32xf32>
    %get3A_21 = arith.constant 0 : index
    %get3A_22 = arith.constant 0 : index
    %get3A_23 = arith.constant 0 : index
    %get3A_24 = vector.load %arg1[%get3A_21, %get3A_22, %get3A_23] : memref<4x3584x32xf32, #tpu.memory_space<vmem>>, vector<4x3584x32xf32>
    %reshape3A = vector.shape_cast %get3A_24 : vector<4x3584x32xf32> to vector<14336x32xf32>
    %mul3A_25 = vector.broadcast %mul3A_18 : vector<1x32xf32> to vector<14336x32xf32>
    %mul3A_26 = arith.mulf %reshape3A, %mul3A_25 : vector<14336x32xf32>
    %add3A_27 = vector.broadcast %sub3A_20 : vector<1x32xf32> to vector<14336x32xf32>
    %add3A_28 = arith.addf %mul3A_26, %add3A_27 : vector<14336x32xf32>
    %max3A = arith.constant 0.000000e+00 : f32
    %max3A_29 = vector.broadcast %max3A : f32 to vector<14336x32xf32>
    %max3A_30 = arith.maximumf %add3A_28, %max3A_29 : vector<14336x32xf32>
    %slice3A = vector.extract_strided_slice %max3A_30 {offsets = [0, 0], sizes = [512, 32], strides = [1, 1]} : vector<14336x32xf32> to vector<512x32xf32>
    %slice3A_31 = vector.extract_strided_slice %max3A_30 {offsets = [512, 0], sizes = [512, 32], strides = [1, 1]} : vector<14336x32xf32> to vector<512x32xf32>
    %add3A_32 = arith.addf %slice3A, %slice3A_31 : vector<512x32xf32>
    %slice3A_33 = vector.extract_strided_slice %max3A_30 {offsets = [1024, 0], sizes = [512, 32], strides = [1, 1]} : vector<14336x32xf32> to vector<512x32xf32>
    %add3A_34 = arith.addf %add3A_32, %slice3A_33 : vector<512x32xf32>
    %slice3A_35 = vector.extract_strided_slice %max3A_30 {offsets = [1536, 0], sizes = [512, 32], strides = [1, 1]} : vector<14336x32xf32> to vector<512x32xf32>
    %add3A_36 = arith.addf %add3A_34, %slice3A_35 : vector<512x32xf32>
    %slice3A_37 = vector.extract_strided_slice %max3A_30 {offsets = [2048, 0], sizes = [512, 32], strides = [1, 1]} : vector<14336x32xf32> to vector<512x32xf32>
    %add3A_38 = arith.addf %add3A_36, %slice3A_37 : vector<512x32xf32>
    %slice3A_39 = vector.extract_strided_slice %max3A_30 {offsets = [2560, 0], sizes = [512, 32], strides = [1, 1]} : vector<14336x32xf32> to vector<512x32xf32>
    %add3A_40 = arith.addf %add3A_38, %slice3A_39 : vector<512x32xf32>
    %slice3A_41 = vector.extract_strided_slice %max3A_30 {offsets = [3072, 0], sizes = [512, 32], strides = [1, 1]} : vector<14336x32xf32> to vector<512x32xf32>
    %add3A_42 = arith.addf %add3A_40, %slice3A_41 : vector<512x32xf32>
    %div3A_43 = arith.constant 7.000000e+00 : f32
    %div3A_44 = vector.broadcast %div3A_43 : f32 to vector<512x32xf32>
    %div3A_45 = arith.divf %add3A_42, %div3A_44 : vector<512x32xf32>
    %slice3A_46 = vector.extract_strided_slice %max3A_30 {offsets = [3584, 0], sizes = [512, 32], strides = [1, 1]} : vector<14336x32xf32> to vector<512x32xf32>
    %slice3A_47 = vector.extract_strided_slice %max3A_30 {offsets = [4096, 0], sizes = [512, 32], strides = [1, 1]} : vector<14336x32xf32> to vector<512x32xf32>
    %add3A_48 = arith.addf %slice3A_46, %slice3A_47 : vector<512x32xf32>
    %slice3A_49 = vector.extract_strided_slice %max3A_30 {offsets = [4608, 0], sizes = [512, 32], strides = [1, 1]} : vector<14336x32xf32> to vector<512x32xf32>
    %add3A_50 = arith.addf %add3A_48, %slice3A_49 : vector<512x32xf32>
    %slice3A_51 = vector.extract_strided_slice %max3A_30 {offsets = [5120, 0], sizes = [512, 32], strides = [1, 1]} : vector<14336x32xf32> to vector<512x32xf32>
    %add3A_52 = arith.addf %add3A_50, %slice3A_51 : vector<512x32xf32>
    %slice3A_53 = vector.extract_strided_slice %max3A_30 {offsets = [5632, 0], sizes = [512, 32], strides = [1, 1]} : vector<14336x32xf32> to vector<512x32xf32>
    %add3A_54 = arith.addf %add3A_52, %slice3A_53 : vector<512x32xf32>
    %slice3A_55 = vector.extract_strided_slice %max3A_30 {offsets = [6144, 0], sizes = [512, 32], strides = [1, 1]} : vector<14336x32xf32> to vector<512x32xf32>
    %add3A_56 = arith.addf %add3A_54, %slice3A_55 : vector<512x32xf32>
    %slice3A_57 = vector.extract_strided_slice %max3A_30 {offsets = [6656, 0], sizes = [512, 32], strides = [1, 1]} : vector<14336x32xf32> to vector<512x32xf32>
    %add3A_58 = arith.addf %add3A_56, %slice3A_57 : vector<512x32xf32>
    %div3A_59 = arith.constant 7.000000e+00 : f32
    %div3A_60 = vector.broadcast %div3A_59 : f32 to vector<512x32xf32>
    %div3A_61 = arith.divf %add3A_58, %div3A_60 : vector<512x32xf32>
    %slice3A_62 = vector.extract_strided_slice %max3A_30 {offsets = [7168, 0], sizes = [512, 32], strides = [1, 1]} : vector<14336x32xf32> to vector<512x32xf32>
    %slice3A_63 = vector.extract_strided_slice %max3A_30 {offsets = [7680, 0], sizes = [512, 32], strides = [1, 1]} : vector<14336x32xf32> to vector<512x32xf32>
    %add3A_64 = arith.addf %slice3A_62, %slice3A_63 : vector<512x32xf32>
    %slice3A_65 = vector.extract_strided_slice %max3A_30 {offsets = [8192, 0], sizes = [512, 32], strides = [1, 1]} : vector<14336x32xf32> to vector<512x32xf32>
    %add3A_66 = arith.addf %add3A_64, %slice3A_65 : vector<512x32xf32>
    %slice3A_67 = vector.extract_strided_slice %max3A_30 {offsets = [8704, 0], sizes = [512, 32], strides = [1, 1]} : vector<14336x32xf32> to vector<512x32xf32>
    %add3A_68 = arith.addf %add3A_66, %slice3A_67 : vector<512x32xf32>
    %slice3A_69 = vector.extract_strided_slice %max3A_30 {offsets = [9216, 0], sizes = [512, 32], strides = [1, 1]} : vector<14336x32xf32> to vector<512x32xf32>
    %add3A_70 = arith.addf %add3A_68, %slice3A_69 : vector<512x32xf32>
    %slice3A_71 = vector.extract_strided_slice %max3A_30 {offsets = [9728, 0], sizes = [512, 32], strides = [1, 1]} : vector<14336x32xf32> to vector<512x32xf32>
    %add3A_72 = arith.addf %add3A_70, %slice3A_71 : vector<512x32xf32>
    %slice3A_73 = vector.extract_strided_slice %max3A_30 {offsets = [10240, 0], sizes = [512, 32], strides = [1, 1]} : vector<14336x32xf32> to vector<512x32xf32>
    %add3A_74 = arith.addf %add3A_72, %slice3A_73 : vector<512x32xf32>
    %div3A_75 = arith.constant 7.000000e+00 : f32
    %div3A_76 = vector.broadcast %div3A_75 : f32 to vector<512x32xf32>
    %div3A_77 = arith.divf %add3A_74, %div3A_76 : vector<512x32xf32>
    %slice3A_78 = vector.extract_strided_slice %max3A_30 {offsets = [10752, 0], sizes = [512, 32], strides = [1, 1]} : vector<14336x32xf32> to vector<512x32xf32>
    %slice3A_79 = vector.extract_strided_slice %max3A_30 {offsets = [11264, 0], sizes = [512, 32], strides = [1, 1]} : vector<14336x32xf32> to vector<512x32xf32>
    %add3A_80 = arith.addf %slice3A_78, %slice3A_79 : vector<512x32xf32>
    %slice3A_81 = vector.extract_strided_slice %max3A_30 {offsets = [11776, 0], sizes = [512, 32], strides = [1, 1]} : vector<14336x32xf32> to vector<512x32xf32>
    %add3A_82 = arith.addf %add3A_80, %slice3A_81 : vector<512x32xf32>
    %slice3A_83 = vector.extract_strided_slice %max3A_30 {offsets = [12288, 0], sizes = [512, 32], strides = [1, 1]} : vector<14336x32xf32> to vector<512x32xf32>
    %add3A_84 = arith.addf %add3A_82, %slice3A_83 : vector<512x32xf32>
    %slice3A_85 = vector.extract_strided_slice %max3A_30 {offsets = [12800, 0], sizes = [512, 32], strides = [1, 1]} : vector<14336x32xf32> to vector<512x32xf32>
    %add3A_86 = arith.addf %add3A_84, %slice3A_85 : vector<512x32xf32>
    %slice3A_87 = vector.extract_strided_slice %max3A_30 {offsets = [13312, 0], sizes = [512, 32], strides = [1, 1]} : vector<14336x32xf32> to vector<512x32xf32>
    %add3A_88 = arith.addf %add3A_86, %slice3A_87 : vector<512x32xf32>
    %slice3A_89 = vector.extract_strided_slice %max3A_30 {offsets = [13824, 0], sizes = [512, 32], strides = [1, 1]} : vector<14336x32xf32> to vector<512x32xf32>
    %add3A_90 = arith.addf %add3A_88, %slice3A_89 : vector<512x32xf32>
    %div3A_91 = arith.constant 7.000000e+00 : f32
    %div3A_92 = vector.broadcast %div3A_91 : f32 to vector<512x32xf32>
    %div3A_93 = arith.divf %add3A_90, %div3A_92 : vector<512x32xf32>
    %concatenate3A = tpu.concatenate %div3A_45, %div3A_61, %div3A_77, %div3A_93 in 0 : vector<512x32xf32>, vector<512x32xf32>, vector<512x32xf32>, vector<512x32xf32> -> vector<2048x32xf32>
    %get3A_94 = arith.constant 0 : index
    %get3A_95 = arith.constant 0 : index
    %get3A_96 = arith.constant 0 : index
    %get3A_97 = vector.load %arg2[%get3A_94, %get3A_95, %get3A_96] : memref<4x512x16xf32, #tpu.memory_space<vmem>>, vector<4x512x16xf32>
    %reshape3A_98 = vector.shape_cast %get3A_97 : vector<4x512x16xf32> to vector<2048x16xf32>
    %get3A_99 = arith.constant 0 : index
    %get3A_100 = arith.constant 0 : index
    %get3A_101 = vector.load %arg4[%get3A_99, %get3A_100] : memref<1x16xf32, #tpu.memory_space<vmem>>, vector<1x16xf32>
    %get3A_102 = arith.constant 0 : index
    %get3A_103 = arith.constant 0 : index
    %get3A_104 = vector.load %arg5[%get3A_102, %get3A_103] : memref<1x16xf32, #tpu.memory_space<vmem>>, vector<1x16xf32>
    %get3A_105 = arith.constant 0 : index
    %get3A_106 = arith.constant 0 : index
    %get3A_107 = vector.load %arg3[%get3A_105, %get3A_106] : memref<8x128xf32, #tpu.memory_space<vmem>>, vector<1x16xf32>
    %get3A_108 = arith.constant 1 : index
    %get3A_109 = arith.constant 0 : index
    %get3A_110 = vector.load %arg3[%get3A_108, %get3A_109] : memref<8x128xf32, #tpu.memory_space<vmem>>, vector<1x16xf32>
    %div3A_111 = arith.constant 6.553600e+04 : f32
    %div3A_112 = vector.broadcast %div3A_111 : f32 to vector<1x16xf32>
    %div3A_113 = arith.divf %get3A_107, %div3A_112 : vector<1x16xf32>
    %div3A_114 = arith.constant 6.553600e+04 : f32
    %div3A_115 = vector.broadcast %div3A_114 : f32 to vector<1x16xf32>
    %div3A_116 = arith.divf %get3A_110, %div3A_115 : vector<1x16xf32>
    %mul3A_117 = arith.mulf %div3A_113, %div3A_113 : vector<1x16xf32>
    %sub3A_118 = arith.subf %div3A_116, %mul3A_117 : vector<1x16xf32>
    %add3A_119 = arith.constant 9.99999974E-6 : f32
    %add3A_120 = vector.broadcast %add3A_119 : f32 to vector<1x16xf32>
    %add3A_121 = arith.addf %sub3A_118, %add3A_120 : vector<1x16xf32>
    %rsqrt3A_122 = math.rsqrt %add3A_121 : vector<1x16xf32>
    %mul3A_123 = arith.mulf %get3A_101, %rsqrt3A_122 : vector<1x16xf32>
    %mul3A_124 = arith.mulf %div3A_113, %mul3A_123 : vector<1x16xf32>
    %sub3A_125 = arith.subf %get3A_104, %mul3A_124 : vector<1x16xf32>
    %abs3A = math.absf %reshape3A_98 : vector<2048x16xf32>
    %reduce_sum3A = arith.constant dense<0.000000e+00> : vector<2048xf32>
    %reduce_sum3A_126 = vector.multi_reduction <add>, %abs3A, %reduce_sum3A [1] : vector<2048x16xf32> to vector<2048xf32>
    %broadcast_in_dim3A = vector.shape_cast %reduce_sum3A_126 : vector<2048xf32> to vector<2048x1xf32>
    %ne3A = arith.constant 0.000000e+00 : f32
    %ne3A_127 = vector.broadcast %ne3A : f32 to vector<2048x1xf32>
    %ne3A_128 = arith.cmpf one, %broadcast_in_dim3A, %ne3A_127 : vector<2048x1xf32>
    %convert_element_type3A = arith.extui %ne3A_128 : vector<2048x1xi1> to vector<2048x1xi32>
    %convert_element_type3A_129 = arith.sitofp %convert_element_type3A : vector<2048x1xi32> to vector<2048x1xf32>
    %mul3A_130 = vector.broadcast %mul3A_123 : vector<1x16xf32> to vector<2048x16xf32>
    %mul3A_131 = arith.mulf %reshape3A_98, %mul3A_130 : vector<2048x16xf32>
    %add3A_132 = vector.broadcast %sub3A_125 : vector<1x16xf32> to vector<2048x16xf32>
    %add3A_133 = arith.addf %mul3A_131, %add3A_132 : vector<2048x16xf32>
    %mul3A_134 = vector.broadcast %convert_element_type3A_129 : vector<2048x1xf32> to vector<2048x16xf32>
    %mul3A_135 = arith.mulf %add3A_133, %mul3A_134 : vector<2048x16xf32>
    %get3A_136 = arith.constant 0 : index
    %get3A_137 = arith.constant 0 : index
    %get3A_138 = vector.load %arg10[%get3A_136, %get3A_137] : memref<32x16xf32, #tpu.memory_space<vmem>>, vector<32x16xf32>
    %dot_general3A = arith.constant dense<0.000000e+00> : vector<2048x32xf32>
    %dot_general3A_139 = tpu.matmul %mul3A_135, %get3A_138, %dot_general3A {dimension_numbers = #tpu.dot_dimension_numbers<[1], [1], [0], [0], [0, 0, 1, 0], [], []>, precision = #tpu.contract_precision<fp32>, transpose_lhs_hint = false} : vector<2048x16xf32>, vector<32x16xf32>, vector<2048x32xf32> -> vector<2048x32xf32>
    %get3A_140 = arith.constant 2 : index
    %get3A_141 = arith.constant 0 : index
    %get3A_142 = vector.load %arg6[%get3A_140, %get3A_141] : memref<8x128xf32, #tpu.memory_space<vmem>>, vector<1x32xf32>
    %get3A_143 = arith.constant 3 : index
    %get3A_144 = arith.constant 0 : index
    %get3A_145 = vector.load %arg6[%get3A_143, %get3A_144] : memref<8x128xf32, #tpu.memory_space<vmem>>, vector<1x32xf32>
    %get3A_146 = arith.constant 0 : index
    %get3A_147 = arith.constant 0 : index
    %get3A_148 = vector.load %arg11[%get3A_146, %get3A_147] : memref<1x32xf32, #tpu.memory_space<vmem>>, vector<1x32xf32>
    %get3A_149 = arith.constant 0 : index
    %get3A_150 = arith.constant 0 : index
    %get3A_151 = vector.load %arg12[%get3A_149, %get3A_150] : memref<1x32xf32, #tpu.memory_space<vmem>>, vector<1x32xf32>
    %div3A_152 = arith.constant 6.553600e+04 : f32
    %div3A_153 = vector.broadcast %div3A_152 : f32 to vector<1x32xf32>
    %div3A_154 = arith.divf %get3A_142, %div3A_153 : vector<1x32xf32>
    %div3A_155 = arith.constant 6.553600e+04 : f32
    %div3A_156 = vector.broadcast %div3A_155 : f32 to vector<1x32xf32>
    %div3A_157 = arith.divf %get3A_145, %div3A_156 : vector<1x32xf32>
    %mul3A_158 = arith.mulf %div3A_154, %div3A_154 : vector<1x32xf32>
    %sub3A_159 = arith.subf %div3A_157, %mul3A_158 : vector<1x32xf32>
    %add3A_160 = arith.constant 9.99999974E-6 : f32
    %add3A_161 = vector.broadcast %add3A_160 : f32 to vector<1x32xf32>
    %add3A_162 = arith.addf %sub3A_159, %add3A_161 : vector<1x32xf32>
    %rsqrt3A_163 = math.rsqrt %add3A_162 : vector<1x32xf32>
    %mul3A_164 = arith.mulf %get3A_148, %rsqrt3A_163 : vector<1x32xf32>
    %mul3A_165 = arith.mulf %div3A_154, %mul3A_164 : vector<1x32xf32>
    %sub3A_166 = arith.subf %get3A_151, %mul3A_165 : vector<1x32xf32>
    %mul3A_167 = vector.broadcast %mul3A_164 : vector<1x32xf32> to vector<2048x32xf32>
    %mul3A_168 = arith.mulf %dot_general3A_139, %mul3A_167 : vector<2048x32xf32>
    %add3A_169 = vector.broadcast %sub3A_166 : vector<1x32xf32> to vector<2048x32xf32>
    %add3A_170 = arith.addf %mul3A_168, %add3A_169 : vector<2048x32xf32>
    %add3A_171 = arith.addf %add3A_170, %concatenate3A : vector<2048x32xf32>
    %max3A_172 = arith.constant 0.000000e+00 : f32
    %max3A_173 = vector.broadcast %max3A_172 : f32 to vector<2048x32xf32>
    %max3A_174 = arith.maximumf %add3A_171, %max3A_173 : vector<2048x32xf32>
    %mul3A_175 = vector.broadcast %convert_element_type3A_129 : vector<2048x1xf32> to vector<2048x32xf32>
    %mul3A_176 = arith.mulf %max3A_174, %mul3A_175 : vector<2048x32xf32>
    %reshape3A_177 = vector.shape_cast %mul3A_176 : vector<2048x32xf32> to vector<4x512x32xf32>
    %swap3A = arith.constant 0 : index
    %swap3A_178 = arith.constant 0 : index
    %swap3A_179 = arith.constant 0 : index
    %swap3A_180 = vector.load %arg14[%swap3A, %swap3A_178, %swap3A_179] : memref<4x512x32xf32, #tpu.memory_space<vmem>>, vector<4x512x32xf32>
    tpu.vector_store %arg14[%swap3A, %swap3A_178, %swap3A_179], %reshape3A_177 {strides = array<i32>} : memref<4x512x32xf32, #tpu.memory_space<vmem>>, vector<4x512x32xf32>,
    %broadcast_in_dim3A_181 = arith.constant 1.000000e+00 : f32
    %broadcast_in_dim3A_182 = vector.broadcast %broadcast_in_dim3A_181 : f32 to vector<1x32xf32>
    %slice3A_183 = vector.extract_strided_slice %mul3A_176 {offsets = [0, 0], sizes = [512, 32], strides = [1, 1]} : vector<2048x32xf32> to vector<512x32xf32>
    %slice3A_184 = vector.extract_strided_slice %convert_element_type3A_129 {offsets = [0, 0], sizes = [512, 1], strides = [1, 1]} : vector<2048x1xf32> to vector<512x1xf32>
    %sub3A_185 = arith.constant 1.000000e+00 : f32
    %sub3A_186 = vector.broadcast %sub3A_185 : f32 to vector<512x1xf32>
    %sub3A_187 = arith.subf %sub3A_186, %slice3A_184 : vector<512x1xf32>
    %mul3A_188 = arith.constant 1.000000e+09 : f32
    %mul3A_189 = vector.broadcast %mul3A_188 : f32 to vector<512x1xf32>
    %mul3A_190 = arith.mulf %sub3A_187, %mul3A_189 : vector<512x1xf32>
    %add3A_191 = vector.broadcast %mul3A_190 : vector<512x1xf32> to vector<512x32xf32>
    %add3A_192 = arith.addf %slice3A_183, %add3A_191 : vector<512x32xf32>
    %dot_general3A_193 = arith.constant dense<0.000000e+00> : vector<512x512xf32>
    %dot_general3A_194 = tpu.matmul %add3A_192, %add3A_192, %dot_general3A_193 {dimension_numbers = #tpu.dot_dimension_numbers<[1], [1], [0], [0], [0, 0, 1, 0], [], []>, precision = #tpu.contract_precision<fp32>, transpose_lhs_hint = false} : vector<512x32xf32>, vector<512x32xf32>, vector<512x512xf32> -> vector<512x512xf32>
    %mul3A_195 = arith.mulf %add3A_192, %add3A_192 : vector<512x32xf32>
    %dot_general3A_196 = arith.constant dense<0.000000e+00> : vector<1x512xf32>
    %dot_general3A_197 = tpu.matmul %broadcast_in_dim3A_182, %mul3A_195, %dot_general3A_196 {dimension_numbers = #tpu.dot_dimension_numbers<[1], [1], [0], [0], [0, 0, 1, 0], [], []>, precision = #tpu.contract_precision<fp32>, transpose_lhs_hint = false} : vector<1x32xf32>, vector<512x32xf32>, vector<1x512xf32> -> vector<1x512xf32>
    %mul3A_198 = arith.mulf %add3A_192, %add3A_192 : vector<512x32xf32>
    %reduce_sum3A_199 = arith.constant dense<0.000000e+00> : vector<512xf32>
    %reduce_sum3A_200 = vector.multi_reduction <add>, %mul3A_198, %reduce_sum3A_199 [1] : vector<512x32xf32> to vector<512xf32>
    %broadcast_in_dim3A_201 = vector.shape_cast %reduce_sum3A_200 : vector<512xf32> to vector<512x1xf32>
    %mul3A_202 = arith.constant 2.000000e+00 : f32
    %mul3A_203 = vector.broadcast %mul3A_202 : f32 to vector<512x512xf32>
    %mul3A_204 = arith.mulf %mul3A_203, %dot_general3A_194 : vector<512x512xf32>
    %sub3A_205 = vector.broadcast %dot_general3A_197 : vector<1x512xf32> to vector<512x512xf32>
    %sub3A_206 = arith.subf %mul3A_204, %sub3A_205 : vector<512x512xf32>
    %sub3A_207 = vector.broadcast %broadcast_in_dim3A_201 : vector<512x1xf32> to vector<512x512xf32>
    %sub3A_208 = arith.subf %sub3A_206, %sub3A_207 : vector<512x512xf32>
    %mul3A_209 = arith.constant 4 : i32
    %mul3A_210 = arith.muli %arg0, %mul3A_209 : i32
    %add3A_211 = arith.constant 0 : i32
    %add3A_212 = arith.addi %mul3A_210, %add3A_211 : i32
    %mul3A_213 = arith.constant 512 : i32
    %mul3A_214 = arith.muli %add3A_212, %mul3A_213 : i32
    %iota3A = tpu.iota {dimensions = array<i32: 1>} : vector<512x512xi32>
    %convert_element_type3A_215 = arith.sitofp %iota3A : vector<512x512xi32> to vector<512x512xf32>
    %reduce_max3A = arith.constant dense<0xFF800000> : vector<512xf32>
    %reduce_max3A_216 = vector.multi_reduction <maximumf>, %sub3A_208, %reduce_max3A [1] : vector<512x512xf32> to vector<512xf32>
    %broadcast_in_dim3A_217 = vector.shape_cast %reduce_max3A_216 : vector<512xf32> to vector<512x1xf32>
    %eq3A = vector.broadcast %broadcast_in_dim3A_217 : vector<512x1xf32> to vector<512x512xf32>
    %eq3A_218 = arith.cmpf oeq, %sub3A_208, %eq3A : vector<512x512xf32>
    %jit3A = arith.constant 5.120000e+02 : f32
    %broadcast_in_dim3A_219 = vector.broadcast %jit3A : f32 to vector<512x512xf32>
    %select_n3A = arith.select %eq3A_218, %convert_element_type3A_215, %broadcast_in_dim3A_219 : vector<512x512xi1>, vector<512x512xf32>
    %reduce_min3A = arith.constant dense<0x7F800000> : vector<512xf32>
    %reduce_min3A_220 = vector.multi_reduction <minimumf>, %select_n3A, %reduce_min3A [1] : vector<512x512xf32> to vector<512xf32>
    %broadcast_in_dim3A_221 = vector.shape_cast %reduce_min3A_220 : vector<512xf32> to vector<512x1xf32>
    %eq3A_222 = vector.broadcast %broadcast_in_dim3A_221 : vector<512x1xf32> to vector<512x512xf32>
    %eq3A_223 = arith.cmpf oeq, %convert_element_type3A_215, %eq3A_222 : vector<512x512xf32>
    %jit3A_224 = arith.constant 0xFF800000 : f32
    %broadcast_in_dim3A_225 = vector.broadcast %jit3A_224 : f32 to vector<512x512xf32>
    %select_n3A_226 = arith.select %eq3A_223, %broadcast_in_dim3A_225, %sub3A_208 : vector<512x512xi1>, vector<512x512xf32>
    %reduce_max3A_227 = arith.constant dense<0xFF800000> : vector<512xf32>
    %reduce_max3A_228 = vector.multi_reduction <maximumf>, %select_n3A_226, %reduce_max3A_227 [1] : vector<512x512xf32> to vector<512xf32>
    %broadcast_in_dim3A_229 = vector.shape_cast %reduce_max3A_228 : vector<512xf32> to vector<512x1xf32>
    %eq3A_230 = vector.broadcast %broadcast_in_dim3A_229 : vector<512x1xf32> to vector<512x512xf32>
    %eq3A_231 = arith.cmpf oeq, %select_n3A_226, %eq3A_230 : vector<512x512xf32>
    %jit3A_232 = arith.constant 5.120000e+02 : f32
    %broadcast_in_dim3A_233 = vector.broadcast %jit3A_232 : f32 to vector<512x512xf32>
    %select_n3A_234 = arith.select %eq3A_231, %convert_element_type3A_215, %broadcast_in_dim3A_233 : vector<512x512xi1>, vector<512x512xf32>
    %reduce_min3A_235 = arith.constant dense<0x7F800000> : vector<512xf32>
    %reduce_min3A_236 = vector.multi_reduction <minimumf>, %select_n3A_234, %reduce_min3A_235 [1] : vector<512x512xf32> to vector<512xf32>
    %broadcast_in_dim3A_237 = vector.shape_cast %reduce_min3A_236 : vector<512xf32> to vector<512x1xf32>
    %eq3A_238 = vector.broadcast %broadcast_in_dim3A_237 : vector<512x1xf32> to vector<512x512xf32>
    %eq3A_239 = arith.cmpf oeq, %convert_element_type3A_215, %eq3A_238 : vector<512x512xf32>
    %jit3A_240 = arith.constant 0xFF800000 : f32
    %broadcast_in_dim3A_241 = vector.broadcast %jit3A_240 : f32 to vector<512x512xf32>
    %select_n3A_242 = arith.select %eq3A_239, %broadcast_in_dim3A_241, %select_n3A_226 : vector<512x512xi1>, vector<512x512xf32>
    %reduce_max3A_243 = arith.constant dense<0xFF800000> : vector<512xf32>
    %reduce_max3A_244 = vector.multi_reduction <maximumf>, %select_n3A_242, %reduce_max3A_243 [1] : vector<512x512xf32> to vector<512xf32>
    %broadcast_in_dim3A_245 = vector.shape_cast %reduce_max3A_244 : vector<512xf32> to vector<512x1xf32>
    %eq3A_246 = vector.broadcast %broadcast_in_dim3A_245 : vector<512x1xf32> to vector<512x512xf32>
    %eq3A_247 = arith.cmpf oeq, %select_n3A_242, %eq3A_246 : vector<512x512xf32>
    %jit3A_248 = arith.constant 5.120000e+02 : f32
    %broadcast_in_dim3A_249 = vector.broadcast %jit3A_248 : f32 to vector<512x512xf32>
    %select_n3A_250 = arith.select %eq3A_247, %convert_element_type3A_215, %broadcast_in_dim3A_249 : vector<512x512xi1>, vector<512x512xf32>
    %reduce_min3A_251 = arith.constant dense<0x7F800000> : vector<512xf32>
    %reduce_min3A_252 = vector.multi_reduction <minimumf>, %select_n3A_250, %reduce_min3A_251 [1] : vector<512x512xf32> to vector<512xf32>
    %broadcast_in_dim3A_253 = vector.shape_cast %reduce_min3A_252 : vector<512xf32> to vector<512x1xf32>
    %eq3A_254 = vector.broadcast %broadcast_in_dim3A_253 : vector<512x1xf32> to vector<512x512xf32>
    %eq3A_255 = arith.cmpf oeq, %convert_element_type3A_215, %eq3A_254 : vector<512x512xf32>
    %jit3A_256 = arith.constant 0xFF800000 : f32
    %broadcast_in_dim3A_257 = vector.broadcast %jit3A_256 : f32 to vector<512x512xf32>
    %select_n3A_258 = arith.select %eq3A_255, %broadcast_in_dim3A_257, %select_n3A_242 : vector<512x512xi1>, vector<512x512xf32>
    %reduce_max3A_259 = arith.constant dense<0xFF800000> : vector<512xf32>
    %reduce_max3A_260 = vector.multi_reduction <maximumf>, %select_n3A_258, %reduce_max3A_259 [1] : vector<512x512xf32> to vector<512xf32>
    %broadcast_in_dim3A_261 = vector.shape_cast %reduce_max3A_260 : vector<512xf32> to vector<512x1xf32>
    %eq3A_262 = vector.broadcast %broadcast_in_dim3A_261 : vector<512x1xf32> to vector<512x512xf32>
    %eq3A_263 = arith.cmpf oeq, %select_n3A_258, %eq3A_262 : vector<512x512xf32>
    %jit3A_264 = arith.constant 5.120000e+02 : f32
    %broadcast_in_dim3A_265 = vector.broadcast %jit3A_264 : f32 to vector<512x512xf32>
    %select_n3A_266 = arith.select %eq3A_263, %convert_element_type3A_215, %broadcast_in_dim3A_265 : vector<512x512xi1>, vector<512x512xf32>
    %reduce_min3A_267 = arith.constant dense<0x7F800000> : vector<512xf32>
    %reduce_min3A_268 = vector.multi_reduction <minimumf>, %select_n3A_266, %reduce_min3A_267 [1] : vector<512x512xf32> to vector<512xf32>
    %broadcast_in_dim3A_269 = vector.shape_cast %reduce_min3A_268 : vector<512xf32> to vector<512x1xf32>
    %eq3A_270 = vector.broadcast %broadcast_in_dim3A_269 : vector<512x1xf32> to vector<512x512xf32>
    %eq3A_271 = arith.cmpf oeq, %convert_element_type3A_215, %eq3A_270 : vector<512x512xf32>
    %jit3A_272 = arith.constant 0xFF800000 : f32
    %broadcast_in_dim3A_273 = vector.broadcast %jit3A_272 : f32 to vector<512x512xf32>
    %select_n3A_274 = arith.select %eq3A_271, %broadcast_in_dim3A_273, %select_n3A_258 : vector<512x512xi1>, vector<512x512xf32>
    %reduce_max3A_275 = arith.constant dense<0xFF800000> : vector<512xf32>
    %reduce_max3A_276 = vector.multi_reduction <maximumf>, %select_n3A_274, %reduce_max3A_275 [1] : vector<512x512xf32> to vector<512xf32>
    %broadcast_in_dim3A_277 = vector.shape_cast %reduce_max3A_276 : vector<512xf32> to vector<512x1xf32>
    %eq3A_278 = vector.broadcast %broadcast_in_dim3A_277 : vector<512x1xf32> to vector<512x512xf32>
    %eq3A_279 = arith.cmpf oeq, %select_n3A_274, %eq3A_278 : vector<512x512xf32>
    %jit3A_280 = arith.constant 5.120000e+02 : f32
    %broadcast_in_dim3A_281 = vector.broadcast %jit3A_280 : f32 to vector<512x512xf32>
    %select_n3A_282 = arith.select %eq3A_279, %convert_element_type3A_215, %broadcast_in_dim3A_281 : vector<512x512xi1>, vector<512x512xf32>
    %reduce_min3A_283 = arith.constant dense<0x7F800000> : vector<512xf32>
    %reduce_min3A_284 = vector.multi_reduction <minimumf>, %select_n3A_282, %reduce_min3A_283 [1] : vector<512x512xf32> to vector<512xf32>
    %broadcast_in_dim3A_285 = vector.shape_cast %reduce_min3A_284 : vector<512xf32> to vector<512x1xf32>
    %eq3A_286 = vector.broadcast %broadcast_in_dim3A_285 : vector<512x1xf32> to vector<512x512xf32>
    %eq3A_287 = arith.cmpf oeq, %convert_element_type3A_215, %eq3A_286 : vector<512x512xf32>
    %jit3A_288 = arith.constant 0xFF800000 : f32
    %broadcast_in_dim3A_289 = vector.broadcast %jit3A_288 : f32 to vector<512x512xf32>
    %select_n3A_290 = arith.select %eq3A_287, %broadcast_in_dim3A_289, %select_n3A_274 : vector<512x512xi1>, vector<512x512xf32>
    %reduce_max3A_291 = arith.constant dense<0xFF800000> : vector<512xf32>
    %reduce_max3A_292 = vector.multi_reduction <maximumf>, %select_n3A_290, %reduce_max3A_291 [1] : vector<512x512xf32> to vector<512xf32>
    %broadcast_in_dim3A_293 = vector.shape_cast %reduce_max3A_292 : vector<512xf32> to vector<512x1xf32>
    %eq3A_294 = vector.broadcast %broadcast_in_dim3A_293 : vector<512x1xf32> to vector<512x512xf32>
    %eq3A_295 = arith.cmpf oeq, %select_n3A_290, %eq3A_294 : vector<512x512xf32>
    %jit3A_296 = arith.constant 5.120000e+02 : f32
    %broadcast_in_dim3A_297 = vector.broadcast %jit3A_296 : f32 to vector<512x512xf32>
    %select_n3A_298 = arith.select %eq3A_295, %convert_element_type3A_215, %broadcast_in_dim3A_297 : vector<512x512xi1>, vector<512x512xf32>
    %reduce_min3A_299 = arith.constant dense<0x7F800000> : vector<512xf32>
    %reduce_min3A_300 = vector.multi_reduction <minimumf>, %select_n3A_298, %reduce_min3A_299 [1] : vector<512x512xf32> to vector<512xf32>
    %broadcast_in_dim3A_301 = vector.shape_cast %reduce_min3A_300 : vector<512xf32> to vector<512x1xf32>
    %eq3A_302 = vector.broadcast %broadcast_in_dim3A_301 : vector<512x1xf32> to vector<512x512xf32>
    %eq3A_303 = arith.cmpf oeq, %convert_element_type3A_215, %eq3A_302 : vector<512x512xf32>
    %jit3A_304 = arith.constant 0xFF800000 : f32
    %broadcast_in_dim3A_305 = vector.broadcast %jit3A_304 : f32 to vector<512x512xf32>
    %select_n3A_306 = arith.select %eq3A_303, %broadcast_in_dim3A_305, %select_n3A_290 : vector<512x512xi1>, vector<512x512xf32>
    %reduce_max3A_307 = arith.constant dense<0xFF800000> : vector<512xf32>
    %reduce_max3A_308 = vector.multi_reduction <maximumf>, %select_n3A_306, %reduce_max3A_307 [1] : vector<512x512xf32> to vector<512xf32>
    %broadcast_in_dim3A_309 = vector.shape_cast %reduce_max3A_308 : vector<512xf32> to vector<512x1xf32>
    %eq3A_310 = vector.broadcast %broadcast_in_dim3A_309 : vector<512x1xf32> to vector<512x512xf32>
    %eq3A_311 = arith.cmpf oeq, %select_n3A_306, %eq3A_310 : vector<512x512xf32>
    %jit3A_312 = arith.constant 5.120000e+02 : f32
    %broadcast_in_dim3A_313 = vector.broadcast %jit3A_312 : f32 to vector<512x512xf32>
    %select_n3A_314 = arith.select %eq3A_311, %convert_element_type3A_215, %broadcast_in_dim3A_313 : vector<512x512xi1>, vector<512x512xf32>
    %reduce_min3A_315 = arith.constant dense<0x7F800000> : vector<512xf32>
    %reduce_min3A_316 = vector.multi_reduction <minimumf>, %select_n3A_314, %reduce_min3A_315 [1] : vector<512x512xf32> to vector<512xf32>
    %broadcast_in_dim3A_317 = vector.shape_cast %reduce_min3A_316 : vector<512xf32> to vector<512x1xf32>
    %eq3A_318 = vector.broadcast %broadcast_in_dim3A_317 : vector<512x1xf32> to vector<512x512xf32>
    %eq3A_319 = arith.cmpf oeq, %convert_element_type3A_215, %eq3A_318 : vector<512x512xf32>
    %jit3A_320 = arith.constant 0xFF800000 : f32
    %broadcast_in_dim3A_321 = vector.broadcast %jit3A_320 : f32 to vector<512x512xf32>
    %select_n3A_322 = arith.select %eq3A_319, %broadcast_in_dim3A_321, %select_n3A_306 : vector<512x512xi1>, vector<512x512xf32>
    %reduce_max3A_323 = arith.constant dense<0xFF800000> : vector<512xf32>
    %reduce_max3A_324 = vector.multi_reduction <maximumf>, %select_n3A_322, %reduce_max3A_323 [1] : vector<512x512xf32> to vector<512xf32>
    %broadcast_in_dim3A_325 = vector.shape_cast %reduce_max3A_324 : vector<512xf32> to vector<512x1xf32>
    %eq3A_326 = vector.broadcast %broadcast_in_dim3A_325 : vector<512x1xf32> to vector<512x512xf32>
    %eq3A_327 = arith.cmpf oeq, %select_n3A_322, %eq3A_326 : vector<512x512xf32>
    %jit3A_328 = arith.constant 5.120000e+02 : f32
    %broadcast_in_dim3A_329 = vector.broadcast %jit3A_328 : f32 to vector<512x512xf32>
    %select_n3A_330 = arith.select %eq3A_327, %convert_element_type3A_215, %broadcast_in_dim3A_329 : vector<512x512xi1>, vector<512x512xf32>
    %reduce_min3A_331 = arith.constant dense<0x7F800000> : vector<512xf32>
    %reduce_min3A_332 = vector.multi_reduction <minimumf>, %select_n3A_330, %reduce_min3A_331 [1] : vector<512x512xf32> to vector<512xf32>
    %broadcast_in_dim3A_333 = vector.shape_cast %reduce_min3A_332 : vector<512xf32> to vector<512x1xf32>
    %concatenate3A_334 = tpu.concatenate %broadcast_in_dim3A_221, %broadcast_in_dim3A_237, %broadcast_in_dim3A_253, %broadcast_in_dim3A_269, %broadcast_in_dim3A_285, %broadcast_in_dim3A_301, %broadcast_in_dim3A_317, %broadcast_in_dim3A_333 in 1 : vector<512x1xf32>, vector<512x1xf32>, vector<512x1xf32>, vector<512x1xf32>, vector<512x1xf32>, vector<512x1xf32>, vector<512x1xf32>, vector<512x1xf32> -> vector<512x8xf32>
    %convert_element_type3A_335 = arith.fptosi %concatenate3A_334 : vector<512x8xf32> to vector<512x8xi32>
    %add3A_336 = vector.broadcast %mul3A_214 : i32 to vector<512x8xi32>
    %add3A_337 = arith.addi %convert_element_type3A_335, %add3A_336 : vector<512x8xi32>
    %swap3A_338 = arith.constant 0 : index
    %swap3A_339 = arith.constant 0 : index
    %swap3A_340 = arith.constant 0 : index
    %swap3A_341 = vector.load %arg15[%swap3A_338, %swap3A_339, %swap3A_340] : memref<4x512x8xi32, #tpu.memory_space<vmem>>, vector<1x512x8xi32>
    %swap3A_342 = vector.shape_cast %swap3A_341 : vector<1x512x8xi32> to vector<512x8xi32>
    %swap3A_343 = vector.shape_cast %add3A_337 : vector<512x8xi32> to vector<1x512x8xi32>
    tpu.vector_store %arg15[%swap3A_338, %swap3A_339, %swap3A_340], %swap3A_343 {strides = array<i32>} : memref<4x512x8xi32, #tpu.memory_space<vmem>>, vector<1x512x8xi32>,
    %slice3A_344 = vector.extract_strided_slice %mul3A_176 {offsets = [512, 0], sizes = [512, 32], strides = [1, 1]} : vector<2048x32xf32> to vector<512x32xf32>
    %slice3A_345 = vector.extract_strided_slice %convert_element_type3A_129 {offsets = [512, 0], sizes = [512, 1], strides = [1, 1]} : vector<2048x1xf32> to vector<512x1xf32>
    %sub3A_346 = arith.constant 1.000000e+00 : f32
    %sub3A_347 = vector.broadcast %sub3A_346 : f32 to vector<512x1xf32>
    %sub3A_348 = arith.subf %sub3A_347, %slice3A_345 : vector<512x1xf32>
    %mul3A_349 = arith.constant 1.000000e+09 : f32
    %mul3A_350 = vector.broadcast %mul3A_349 : f32 to vector<512x1xf32>
    %mul3A_351 = arith.mulf %sub3A_348, %mul3A_350 : vector<512x1xf32>
    %add3A_352 = vector.broadcast %mul3A_351 : vector<512x1xf32> to vector<512x32xf32>
    %add3A_353 = arith.addf %slice3A_344, %add3A_352 : vector<512x32xf32>
    %dot_general3A_354 = arith.constant dense<0.000000e+00> : vector<512x512xf32>
    %dot_general3A_355 = tpu.matmul %add3A_353, %add3A_353, %dot_general3A_354 {dimension_numbers = #tpu.dot_dimension_numbers<[1], [1], [0], [0], [0, 0, 1, 0], [], []>, precision = #tpu.contract_precision<fp32>, transpose_lhs_hint = false} : vector<512x32xf32>, vector<512x32xf32>, vector<512x512xf32> -> vector<512x512xf32>
    %mul3A_356 = arith.mulf %add3A_353, %add3A_353 : vector<512x32xf32>
    %dot_general3A_357 = arith.constant dense<0.000000e+00> : vector<1x512xf32>
    %dot_general3A_358 = tpu.matmul %broadcast_in_dim3A_182, %mul3A_356, %dot_general3A_357 {dimension_numbers = #tpu.dot_dimension_numbers<[1], [1], [0], [0], [0, 0, 1, 0], [], []>, precision = #tpu.contract_precision<fp32>, transpose_lhs_hint = false} : vector<1x32xf32>, vector<512x32xf32>, vector<1x512xf32> -> vector<1x512xf32>
    %mul3A_359 = arith.mulf %add3A_353, %add3A_353 : vector<512x32xf32>
    %reduce_sum3A_360 = arith.constant dense<0.000000e+00> : vector<512xf32>
    %reduce_sum3A_361 = vector.multi_reduction <add>, %mul3A_359, %reduce_sum3A_360 [1] : vector<512x32xf32> to vector<512xf32>
    %broadcast_in_dim3A_362 = vector.shape_cast %reduce_sum3A_361 : vector<512xf32> to vector<512x1xf32>
    %mul3A_363 = arith.constant 2.000000e+00 : f32
    %mul3A_364 = vector.broadcast %mul3A_363 : f32 to vector<512x512xf32>
    %mul3A_365 = arith.mulf %mul3A_364, %dot_general3A_355 : vector<512x512xf32>
    %sub3A_366 = vector.broadcast %dot_general3A_358 : vector<1x512xf32> to vector<512x512xf32>
    %sub3A_367 = arith.subf %mul3A_365, %sub3A_366 : vector<512x512xf32>
    %sub3A_368 = vector.broadcast %broadcast_in_dim3A_362 : vector<512x1xf32> to vector<512x512xf32>
    %sub3A_369 = arith.subf %sub3A_367, %sub3A_368 : vector<512x512xf32>
    %mul3A_370 = arith.constant 4 : i32
    %mul3A_371 = arith.muli %arg0, %mul3A_370 : i32
    %add3A_372 = arith.constant 1 : i32
    %add3A_373 = arith.addi %mul3A_371, %add3A_372 : i32
    %mul3A_374 = arith.constant 512 : i32
    %mul3A_375 = arith.muli %add3A_373, %mul3A_374 : i32
    %iota3A_376 = tpu.iota {dimensions = array<i32: 1>} : vector<512x512xi32>
    %convert_element_type3A_377 = arith.sitofp %iota3A_376 : vector<512x512xi32> to vector<512x512xf32>
    %reduce_max3A_378 = arith.constant dense<0xFF800000> : vector<512xf32>
    %reduce_max3A_379 = vector.multi_reduction <maximumf>, %sub3A_369, %reduce_max3A_378 [1] : vector<512x512xf32> to vector<512xf32>
    %broadcast_in_dim3A_380 = vector.shape_cast %reduce_max3A_379 : vector<512xf32> to vector<512x1xf32>
    %eq3A_381 = vector.broadcast %broadcast_in_dim3A_380 : vector<512x1xf32> to vector<512x512xf32>
    %eq3A_382 = arith.cmpf oeq, %sub3A_369, %eq3A_381 : vector<512x512xf32>
    %jit3A_383 = arith.constant 5.120000e+02 : f32
    %broadcast_in_dim3A_384 = vector.broadcast %jit3A_383 : f32 to vector<512x512xf32>
    %select_n3A_385 = arith.select %eq3A_382, %convert_element_type3A_377, %broadcast_in_dim3A_384 : vector<512x512xi1>, vector<512x512xf32>
    %reduce_min3A_386 = arith.constant dense<0x7F800000> : vector<512xf32>
    %reduce_min3A_387 = vector.multi_reduction <minimumf>, %select_n3A_385, %reduce_min3A_386 [1] : vector<512x512xf32> to vector<512xf32>
    %broadcast_in_dim3A_388 = vector.shape_cast %reduce_min3A_387 : vector<512xf32> to vector<512x1xf32>
    %eq3A_389 = vector.broadcast %broadcast_in_dim3A_388 : vector<512x1xf32> to vector<512x512xf32>
    %eq3A_390 = arith.cmpf oeq, %convert_element_type3A_377, %eq3A_389 : vector<512x512xf32>
    %jit3A_391 = arith.constant 0xFF800000 : f32
    %broadcast_in_dim3A_392 = vector.broadcast %jit3A_391 : f32 to vector<512x512xf32>
    %select_n3A_393 = arith.select %eq3A_390, %broadcast_in_dim3A_392, %sub3A_369 : vector<512x512xi1>, vector<512x512xf32>
    %reduce_max3A_394 = arith.constant dense<0xFF800000> : vector<512xf32>
    %reduce_max3A_395 = vector.multi_reduction <maximumf>, %select_n3A_393, %reduce_max3A_394 [1] : vector<512x512xf32> to vector<512xf32>
    %broadcast_in_dim3A_396 = vector.shape_cast %reduce_max3A_395 : vector<512xf32> to vector<512x1xf32>
    %eq3A_397 = vector.broadcast %broadcast_in_dim3A_396 : vector<512x1xf32> to vector<512x512xf32>
    %eq3A_398 = arith.cmpf oeq, %select_n3A_393, %eq3A_397 : vector<512x512xf32>
    %jit3A_399 = arith.constant 5.120000e+02 : f32
    %broadcast_in_dim3A_400 = vector.broadcast %jit3A_399 : f32 to vector<512x512xf32>
    %select_n3A_401 = arith.select %eq3A_398, %convert_element_type3A_377, %broadcast_in_dim3A_400 : vector<512x512xi1>, vector<512x512xf32>
    %reduce_min3A_402 = arith.constant dense<0x7F800000> : vector<512xf32>
    %reduce_min3A_403 = vector.multi_reduction <minimumf>, %select_n3A_401, %reduce_min3A_402 [1] : vector<512x512xf32> to vector<512xf32>
    %broadcast_in_dim3A_404 = vector.shape_cast %reduce_min3A_403 : vector<512xf32> to vector<512x1xf32>
    %eq3A_405 = vector.broadcast %broadcast_in_dim3A_404 : vector<512x1xf32> to vector<512x512xf32>
    %eq3A_406 = arith.cmpf oeq, %convert_element_type3A_377, %eq3A_405 : vector<512x512xf32>
    %jit3A_407 = arith.constant 0xFF800000 : f32
    %broadcast_in_dim3A_408 = vector.broadcast %jit3A_407 : f32 to vector<512x512xf32>
    %select_n3A_409 = arith.select %eq3A_406, %broadcast_in_dim3A_408, %select_n3A_393 : vector<512x512xi1>, vector<512x512xf32>
    %reduce_max3A_410 = arith.constant dense<0xFF800000> : vector<512xf32>
    %reduce_max3A_411 = vector.multi_reduction <maximumf>, %select_n3A_409, %reduce_max3A_410 [1] : vector<512x512xf32> to vector<512xf32>
    %broadcast_in_dim3A_412 = vector.shape_cast %reduce_max3A_411 : vector<512xf32> to vector<512x1xf32>
    %eq3A_413 = vector.broadcast %broadcast_in_dim3A_412 : vector<512x1xf32> to vector<512x512xf32>
    %eq3A_414 = arith.cmpf oeq, %select_n3A_409, %eq3A_413 : vector<512x512xf32>
    %jit3A_415 = arith.constant 5.120000e+02 : f32
    %broadcast_in_dim3A_416 = vector.broadcast %jit3A_415 : f32 to vector<512x512xf32>
    %select_n3A_417 = arith.select %eq3A_414, %convert_element_type3A_377, %broadcast_in_dim3A_416 : vector<512x512xi1>, vector<512x512xf32>
    %reduce_min3A_418 = arith.constant dense<0x7F800000> : vector<512xf32>
    %reduce_min3A_419 = vector.multi_reduction <minimumf>, %select_n3A_417, %reduce_min3A_418 [1] : vector<512x512xf32> to vector<512xf32>
    %broadcast_in_dim3A_420 = vector.shape_cast %reduce_min3A_419 : vector<512xf32> to vector<512x1xf32>
    %eq3A_421 = vector.broadcast %broadcast_in_dim3A_420 : vector<512x1xf32> to vector<512x512xf32>
    %eq3A_422 = arith.cmpf oeq, %convert_element_type3A_377, %eq3A_421 : vector<512x512xf32>
    %jit3A_423 = arith.constant 0xFF800000 : f32
    %broadcast_in_dim3A_424 = vector.broadcast %jit3A_423 : f32 to vector<512x512xf32>
    %select_n3A_425 = arith.select %eq3A_422, %broadcast_in_dim3A_424, %select_n3A_409 : vector<512x512xi1>, vector<512x512xf32>
    %reduce_max3A_426 = arith.constant dense<0xFF800000> : vector<512xf32>
    %reduce_max3A_427 = vector.multi_reduction <maximumf>, %select_n3A_425, %reduce_max3A_426 [1] : vector<512x512xf32> to vector<512xf32>
    %broadcast_in_dim3A_428 = vector.shape_cast %reduce_max3A_427 : vector<512xf32> to vector<512x1xf32>
    %eq3A_429 = vector.broadcast %broadcast_in_dim3A_428 : vector<512x1xf32> to vector<512x512xf32>
    %eq3A_430 = arith.cmpf oeq, %select_n3A_425, %eq3A_429 : vector<512x512xf32>
    %jit3A_431 = arith.constant 5.120000e+02 : f32
    %broadcast_in_dim3A_432 = vector.broadcast %jit3A_431 : f32 to vector<512x512xf32>
    %select_n3A_433 = arith.select %eq3A_430, %convert_element_type3A_377, %broadcast_in_dim3A_432 : vector<512x512xi1>, vector<512x512xf32>
    %reduce_min3A_434 = arith.constant dense<0x7F800000> : vector<512xf32>
    %reduce_min3A_435 = vector.multi_reduction <minimumf>, %select_n3A_433, %reduce_min3A_434 [1] : vector<512x512xf32> to vector<512xf32>
    %broadcast_in_dim3A_436 = vector.shape_cast %reduce_min3A_435 : vector<512xf32> to vector<512x1xf32>
    %eq3A_437 = vector.broadcast %broadcast_in_dim3A_436 : vector<512x1xf32> to vector<512x512xf32>
    %eq3A_438 = arith.cmpf oeq, %convert_element_type3A_377, %eq3A_437 : vector<512x512xf32>
    %jit3A_439 = arith.constant 0xFF800000 : f32
    %broadcast_in_dim3A_440 = vector.broadcast %jit3A_439 : f32 to vector<512x512xf32>
    %select_n3A_441 = arith.select %eq3A_438, %broadcast_in_dim3A_440, %select_n3A_425 : vector<512x512xi1>, vector<512x512xf32>
    %reduce_max3A_442 = arith.constant dense<0xFF800000> : vector<512xf32>
    %reduce_max3A_443 = vector.multi_reduction <maximumf>, %select_n3A_441, %reduce_max3A_442 [1] : vector<512x512xf32> to vector<512xf32>
    %broadcast_in_dim3A_444 = vector.shape_cast %reduce_max3A_443 : vector<512xf32> to vector<512x1xf32>
    %eq3A_445 = vector.broadcast %broadcast_in_dim3A_444 : vector<512x1xf32> to vector<512x512xf32>
    %eq3A_446 = arith.cmpf oeq, %select_n3A_441, %eq3A_445 : vector<512x512xf32>
    %jit3A_447 = arith.constant 5.120000e+02 : f32
    %broadcast_in_dim3A_448 = vector.broadcast %jit3A_447 : f32 to vector<512x512xf32>
    %select_n3A_449 = arith.select %eq3A_446, %convert_element_type3A_377, %broadcast_in_dim3A_448 : vector<512x512xi1>, vector<512x512xf32>
    %reduce_min3A_450 = arith.constant dense<0x7F800000> : vector<512xf32>
    %reduce_min3A_451 = vector.multi_reduction <minimumf>, %select_n3A_449, %reduce_min3A_450 [1] : vector<512x512xf32> to vector<512xf32>
    %broadcast_in_dim3A_452 = vector.shape_cast %reduce_min3A_451 : vector<512xf32> to vector<512x1xf32>
    %eq3A_453 = vector.broadcast %broadcast_in_dim3A_452 : vector<512x1xf32> to vector<512x512xf32>
    %eq3A_454 = arith.cmpf oeq, %convert_element_type3A_377, %eq3A_453 : vector<512x512xf32>
    %jit3A_455 = arith.constant 0xFF800000 : f32
    %broadcast_in_dim3A_456 = vector.broadcast %jit3A_455 : f32 to vector<512x512xf32>
    %select_n3A_457 = arith.select %eq3A_454, %broadcast_in_dim3A_456, %select_n3A_441 : vector<512x512xi1>, vector<512x512xf32>
    %reduce_max3A_458 = arith.constant dense<0xFF800000> : vector<512xf32>
    %reduce_max3A_459 = vector.multi_reduction <maximumf>, %select_n3A_457, %reduce_max3A_458 [1] : vector<512x512xf32> to vector<512xf32>
    %broadcast_in_dim3A_460 = vector.shape_cast %reduce_max3A_459 : vector<512xf32> to vector<512x1xf32>
    %eq3A_461 = vector.broadcast %broadcast_in_dim3A_460 : vector<512x1xf32> to vector<512x512xf32>
    %eq3A_462 = arith.cmpf oeq, %select_n3A_457, %eq3A_461 : vector<512x512xf32>
    %jit3A_463 = arith.constant 5.120000e+02 : f32
    %broadcast_in_dim3A_464 = vector.broadcast %jit3A_463 : f32 to vector<512x512xf32>
    %select_n3A_465 = arith.select %eq3A_462, %convert_element_type3A_377, %broadcast_in_dim3A_464 : vector<512x512xi1>, vector<512x512xf32>
    %reduce_min3A_466 = arith.constant dense<0x7F800000> : vector<512xf32>
    %reduce_min3A_467 = vector.multi_reduction <minimumf>, %select_n3A_465, %reduce_min3A_466 [1] : vector<512x512xf32> to vector<512xf32>
    %broadcast_in_dim3A_468 = vector.shape_cast %reduce_min3A_467 : vector<512xf32> to vector<512x1xf32>
    %eq3A_469 = vector.broadcast %broadcast_in_dim3A_468 : vector<512x1xf32> to vector<512x512xf32>
    %eq3A_470 = arith.cmpf oeq, %convert_element_type3A_377, %eq3A_469 : vector<512x512xf32>
    %jit3A_471 = arith.constant 0xFF800000 : f32
    %broadcast_in_dim3A_472 = vector.broadcast %jit3A_471 : f32 to vector<512x512xf32>
    %select_n3A_473 = arith.select %eq3A_470, %broadcast_in_dim3A_472, %select_n3A_457 : vector<512x512xi1>, vector<512x512xf32>
    %reduce_max3A_474 = arith.constant dense<0xFF800000> : vector<512xf32>
    %reduce_max3A_475 = vector.multi_reduction <maximumf>, %select_n3A_473, %reduce_max3A_474 [1] : vector<512x512xf32> to vector<512xf32>
    %broadcast_in_dim3A_476 = vector.shape_cast %reduce_max3A_475 : vector<512xf32> to vector<512x1xf32>
    %eq3A_477 = vector.broadcast %broadcast_in_dim3A_476 : vector<512x1xf32> to vector<512x512xf32>
    %eq3A_478 = arith.cmpf oeq, %select_n3A_473, %eq3A_477 : vector<512x512xf32>
    %jit3A_479 = arith.constant 5.120000e+02 : f32
    %broadcast_in_dim3A_480 = vector.broadcast %jit3A_479 : f32 to vector<512x512xf32>
    %select_n3A_481 = arith.select %eq3A_478, %convert_element_type3A_377, %broadcast_in_dim3A_480 : vector<512x512xi1>, vector<512x512xf32>
    %reduce_min3A_482 = arith.constant dense<0x7F800000> : vector<512xf32>
    %reduce_min3A_483 = vector.multi_reduction <minimumf>, %select_n3A_481, %reduce_min3A_482 [1] : vector<512x512xf32> to vector<512xf32>
    %broadcast_in_dim3A_484 = vector.shape_cast %reduce_min3A_483 : vector<512xf32> to vector<512x1xf32>
    %eq3A_485 = vector.broadcast %broadcast_in_dim3A_484 : vector<512x1xf32> to vector<512x512xf32>
    %eq3A_486 = arith.cmpf oeq, %convert_element_type3A_377, %eq3A_485 : vector<512x512xf32>
    %jit3A_487 = arith.constant 0xFF800000 : f32
    %broadcast_in_dim3A_488 = vector.broadcast %jit3A_487 : f32 to vector<512x512xf32>
    %select_n3A_489 = arith.select %eq3A_486, %broadcast_in_dim3A_488, %select_n3A_473 : vector<512x512xi1>, vector<512x512xf32>
    %reduce_max3A_490 = arith.constant dense<0xFF800000> : vector<512xf32>
    %reduce_max3A_491 = vector.multi_reduction <maximumf>, %select_n3A_489, %reduce_max3A_490 [1] : vector<512x512xf32> to vector<512xf32>
    %broadcast_in_dim3A_492 = vector.shape_cast %reduce_max3A_491 : vector<512xf32> to vector<512x1xf32>
    %eq3A_493 = vector.broadcast %broadcast_in_dim3A_492 : vector<512x1xf32> to vector<512x512xf32>
    %eq3A_494 = arith.cmpf oeq, %select_n3A_489, %eq3A_493 : vector<512x512xf32>
    %jit3A_495 = arith.constant 5.120000e+02 : f32
    %broadcast_in_dim3A_496 = vector.broadcast %jit3A_495 : f32 to vector<512x512xf32>
    %select_n3A_497 = arith.select %eq3A_494, %convert_element_type3A_377, %broadcast_in_dim3A_496 : vector<512x512xi1>, vector<512x512xf32>
    %reduce_min3A_498 = arith.constant dense<0x7F800000> : vector<512xf32>
    %reduce_min3A_499 = vector.multi_reduction <minimumf>, %select_n3A_497, %reduce_min3A_498 [1] : vector<512x512xf32> to vector<512xf32>
    %broadcast_in_dim3A_500 = vector.shape_cast %reduce_min3A_499 : vector<512xf32> to vector<512x1xf32>
    %concatenate3A_501 = tpu.concatenate %broadcast_in_dim3A_388, %broadcast_in_dim3A_404, %broadcast_in_dim3A_420, %broadcast_in_dim3A_436, %broadcast_in_dim3A_452, %broadcast_in_dim3A_468, %broadcast_in_dim3A_484, %broadcast_in_dim3A_500 in 1 : vector<512x1xf32>, vector<512x1xf32>, vector<512x1xf32>, vector<512x1xf32>, vector<512x1xf32>, vector<512x1xf32>, vector<512x1xf32>, vector<512x1xf32> -> vector<512x8xf32>
    %convert_element_type3A_502 = arith.fptosi %concatenate3A_501 : vector<512x8xf32> to vector<512x8xi32>
    %add3A_503 = vector.broadcast %mul3A_375 : i32 to vector<512x8xi32>
    %add3A_504 = arith.addi %convert_element_type3A_502, %add3A_503 : vector<512x8xi32>
    %swap3A_505 = arith.constant 1 : index
    %swap3A_506 = arith.constant 0 : index
    %swap3A_507 = arith.constant 0 : index
    %swap3A_508 = vector.load %arg15[%swap3A_505, %swap3A_506, %swap3A_507] : memref<4x512x8xi32, #tpu.memory_space<vmem>>, vector<1x512x8xi32>
    %swap3A_509 = vector.shape_cast %swap3A_508 : vector<1x512x8xi32> to vector<512x8xi32>
    %swap3A_510 = vector.shape_cast %add3A_504 : vector<512x8xi32> to vector<1x512x8xi32>
    tpu.vector_store %arg15[%swap3A_505, %swap3A_506, %swap3A_507], %swap3A_510 {strides = array<i32>} : memref<4x512x8xi32, #tpu.memory_space<vmem>>, vector<1x512x8xi32>,
    %slice3A_511 = vector.extract_strided_slice %mul3A_176 {offsets = [1024, 0], sizes = [512, 32], strides = [1, 1]} : vector<2048x32xf32> to vector<512x32xf32>
    %slice3A_512 = vector.extract_strided_slice %convert_element_type3A_129 {offsets = [1024, 0], sizes = [512, 1], strides = [1, 1]} : vector<2048x1xf32> to vector<512x1xf32>
    %sub3A_513 = arith.constant 1.000000e+00 : f32
    %sub3A_514 = vector.broadcast %sub3A_513 : f32 to vector<512x1xf32>
    %sub3A_515 = arith.subf %sub3A_514, %slice3A_512 : vector<512x1xf32>
    %mul3A_516 = arith.constant 1.000000e+09 : f32
    %mul3A_517 = vector.broadcast %mul3A_516 : f32 to vector<512x1xf32>
    %mul3A_518 = arith.mulf %sub3A_515, %mul3A_517 : vector<512x1xf32>
    %add3A_519 = vector.broadcast %mul3A_518 : vector<512x1xf32> to vector<512x32xf32>
    %add3A_520 = arith.addf %slice3A_511, %add3A_519 : vector<512x32xf32>
    %dot_general3A_521 = arith.constant dense<0.000000e+00> : vector<512x512xf32>
    %dot_general3A_522 = tpu.matmul %add3A_520, %add3A_520, %dot_general3A_521 {dimension_numbers = #tpu.dot_dimension_numbers<[1], [1], [0], [0], [0, 0, 1, 0], [], []>, precision = #tpu.contract_precision<fp32>, transpose_lhs_hint = false} : vector<512x32xf32>, vector<512x32xf32>, vector<512x512xf32> -> vector<512x512xf32>
    %mul3A_523 = arith.mulf %add3A_520, %add3A_520 : vector<512x32xf32>
    %dot_general3A_524 = arith.constant dense<0.000000e+00> : vector<1x512xf32>
    %dot_general3A_525 = tpu.matmul %broadcast_in_dim3A_182, %mul3A_523, %dot_general3A_524 {dimension_numbers = #tpu.dot_dimension_numbers<[1], [1], [0], [0], [0, 0, 1, 0], [], []>, precision = #tpu.contract_precision<fp32>, transpose_lhs_hint = false} : vector<1x32xf32>, vector<512x32xf32>, vector<1x512xf32> -> vector<1x512xf32>
    %mul3A_526 = arith.mulf %add3A_520, %add3A_520 : vector<512x32xf32>
    %reduce_sum3A_527 = arith.constant dense<0.000000e+00> : vector<512xf32>
    %reduce_sum3A_528 = vector.multi_reduction <add>, %mul3A_526, %reduce_sum3A_527 [1] : vector<512x32xf32> to vector<512xf32>
    %broadcast_in_dim3A_529 = vector.shape_cast %reduce_sum3A_528 : vector<512xf32> to vector<512x1xf32>
    %mul3A_530 = arith.constant 2.000000e+00 : f32
    %mul3A_531 = vector.broadcast %mul3A_530 : f32 to vector<512x512xf32>
    %mul3A_532 = arith.mulf %mul3A_531, %dot_general3A_522 : vector<512x512xf32>
    %sub3A_533 = vector.broadcast %dot_general3A_525 : vector<1x512xf32> to vector<512x512xf32>
    %sub3A_534 = arith.subf %mul3A_532, %sub3A_533 : vector<512x512xf32>
    %sub3A_535 = vector.broadcast %broadcast_in_dim3A_529 : vector<512x1xf32> to vector<512x512xf32>
    %sub3A_536 = arith.subf %sub3A_534, %sub3A_535 : vector<512x512xf32>
    %mul3A_537 = arith.constant 4 : i32
    %mul3A_538 = arith.muli %arg0, %mul3A_537 : i32
    %add3A_539 = arith.constant 2 : i32
    %add3A_540 = arith.addi %mul3A_538, %add3A_539 : i32
    %mul3A_541 = arith.constant 512 : i32
    %mul3A_542 = arith.muli %add3A_540, %mul3A_541 : i32
    %iota3A_543 = tpu.iota {dimensions = array<i32: 1>} : vector<512x512xi32>
    %convert_element_type3A_544 = arith.sitofp %iota3A_543 : vector<512x512xi32> to vector<512x512xf32>
    %reduce_max3A_545 = arith.constant dense<0xFF800000> : vector<512xf32>
    %reduce_max3A_546 = vector.multi_reduction <maximumf>, %sub3A_536, %reduce_max3A_545 [1] : vector<512x512xf32> to vector<512xf32>
    %broadcast_in_dim3A_547 = vector.shape_cast %reduce_max3A_546 : vector<512xf32> to vector<512x1xf32>
    %eq3A_548 = vector.broadcast %broadcast_in_dim3A_547 : vector<512x1xf32> to vector<512x512xf32>
    %eq3A_549 = arith.cmpf oeq, %sub3A_536, %eq3A_548 : vector<512x512xf32>
    %jit3A_550 = arith.constant 5.120000e+02 : f32
    %broadcast_in_dim3A_551 = vector.broadcast %jit3A_550 : f32 to vector<512x512xf32>
    %select_n3A_552 = arith.select %eq3A_549, %convert_element_type3A_544, %broadcast_in_dim3A_551 : vector<512x512xi1>, vector<512x512xf32>
    %reduce_min3A_553 = arith.constant dense<0x7F800000> : vector<512xf32>
    %reduce_min3A_554 = vector.multi_reduction <minimumf>, %select_n3A_552, %reduce_min3A_553 [1] : vector<512x512xf32> to vector<512xf32>
    %broadcast_in_dim3A_555 = vector.shape_cast %reduce_min3A_554 : vector<512xf32> to vector<512x1xf32>
    %eq3A_556 = vector.broadcast %broadcast_in_dim3A_555 : vector<512x1xf32> to vector<512x512xf32>
    %eq3A_557 = arith.cmpf oeq, %convert_element_type3A_544, %eq3A_556 : vector<512x512xf32>
    %jit3A_558 = arith.constant 0xFF800000 : f32
    %broadcast_in_dim3A_559 = vector.broadcast %jit3A_558 : f32 to vector<512x512xf32>
    %select_n3A_560 = arith.select %eq3A_557, %broadcast_in_dim3A_559, %sub3A_536 : vector<512x512xi1>, vector<512x512xf32>
    %reduce_max3A_561 = arith.constant dense<0xFF800000> : vector<512xf32>
    %reduce_max3A_562 = vector.multi_reduction <maximumf>, %select_n3A_560, %reduce_max3A_561 [1] : vector<512x512xf32> to vector<512xf32>
    %broadcast_in_dim3A_563 = vector.shape_cast %reduce_max3A_562 : vector<512xf32> to vector<512x1xf32>
    %eq3A_564 = vector.broadcast %broadcast_in_dim3A_563 : vector<512x1xf32> to vector<512x512xf32>
    %eq3A_565 = arith.cmpf oeq, %select_n3A_560, %eq3A_564 : vector<512x512xf32>
    %jit3A_566 = arith.constant 5.120000e+02 : f32
    %broadcast_in_dim3A_567 = vector.broadcast %jit3A_566 : f32 to vector<512x512xf32>
    %select_n3A_568 = arith.select %eq3A_565, %convert_element_type3A_544, %broadcast_in_dim3A_567 : vector<512x512xi1>, vector<512x512xf32>
    %reduce_min3A_569 = arith.constant dense<0x7F800000> : vector<512xf32>
    %reduce_min3A_570 = vector.multi_reduction <minimumf>, %select_n3A_568, %reduce_min3A_569 [1] : vector<512x512xf32> to vector<512xf32>
    %broadcast_in_dim3A_571 = vector.shape_cast %reduce_min3A_570 : vector<512xf32> to vector<512x1xf32>
    %eq3A_572 = vector.broadcast %broadcast_in_dim3A_571 : vector<512x1xf32> to vector<512x512xf32>
    %eq3A_573 = arith.cmpf oeq, %convert_element_type3A_544, %eq3A_572 : vector<512x512xf32>
    %jit3A_574 = arith.constant 0xFF800000 : f32
    %broadcast_in_dim3A_575 = vector.broadcast %jit3A_574 : f32 to vector<512x512xf32>
    %select_n3A_576 = arith.select %eq3A_573, %broadcast_in_dim3A_575, %select_n3A_560 : vector<512x512xi1>, vector<512x512xf32>
    %reduce_max3A_577 = arith.constant dense<0xFF800000> : vector<512xf32>
    %reduce_max3A_578 = vector.multi_reduction <maximumf>, %select_n3A_576, %reduce_max3A_577 [1] : vector<512x512xf32> to vector<512xf32>
    %broadcast_in_dim3A_579 = vector.shape_cast %reduce_max3A_578 : vector<512xf32> to vector<512x1xf32>
    %eq3A_580 = vector.broadcast %broadcast_in_dim3A_579 : vector<512x1xf32> to vector<512x512xf32>
    %eq3A_581 = arith.cmpf oeq, %select_n3A_576, %eq3A_580 : vector<512x512xf32>
    %jit3A_582 = arith.constant 5.120000e+02 : f32
    %broadcast_in_dim3A_583 = vector.broadcast %jit3A_582 : f32 to vector<512x512xf32>
    %select_n3A_584 = arith.select %eq3A_581, %convert_element_type3A_544, %broadcast_in_dim3A_583 : vector<512x512xi1>, vector<512x512xf32>
    %reduce_min3A_585 = arith.constant dense<0x7F800000> : vector<512xf32>
    %reduce_min3A_586 = vector.multi_reduction <minimumf>, %select_n3A_584, %reduce_min3A_585 [1] : vector<512x512xf32> to vector<512xf32>
    %broadcast_in_dim3A_587 = vector.shape_cast %reduce_min3A_586 : vector<512xf32> to vector<512x1xf32>
    %eq3A_588 = vector.broadcast %broadcast_in_dim3A_587 : vector<512x1xf32> to vector<512x512xf32>
    %eq3A_589 = arith.cmpf oeq, %convert_element_type3A_544, %eq3A_588 : vector<512x512xf32>
    %jit3A_590 = arith.constant 0xFF800000 : f32
    %broadcast_in_dim3A_591 = vector.broadcast %jit3A_590 : f32 to vector<512x512xf32>
    %select_n3A_592 = arith.select %eq3A_589, %broadcast_in_dim3A_591, %select_n3A_576 : vector<512x512xi1>, vector<512x512xf32>
    %reduce_max3A_593 = arith.constant dense<0xFF800000> : vector<512xf32>
    %reduce_max3A_594 = vector.multi_reduction <maximumf>, %select_n3A_592, %reduce_max3A_593 [1] : vector<512x512xf32> to vector<512xf32>
    %broadcast_in_dim3A_595 = vector.shape_cast %reduce_max3A_594 : vector<512xf32> to vector<512x1xf32>
    %eq3A_596 = vector.broadcast %broadcast_in_dim3A_595 : vector<512x1xf32> to vector<512x512xf32>
    %eq3A_597 = arith.cmpf oeq, %select_n3A_592, %eq3A_596 : vector<512x512xf32>
    %jit3A_598 = arith.constant 5.120000e+02 : f32
    %broadcast_in_dim3A_599 = vector.broadcast %jit3A_598 : f32 to vector<512x512xf32>
    %select_n3A_600 = arith.select %eq3A_597, %convert_element_type3A_544, %broadcast_in_dim3A_599 : vector<512x512xi1>, vector<512x512xf32>
    %reduce_min3A_601 = arith.constant dense<0x7F800000> : vector<512xf32>
    %reduce_min3A_602 = vector.multi_reduction <minimumf>, %select_n3A_600, %reduce_min3A_601 [1] : vector<512x512xf32> to vector<512xf32>
    %broadcast_in_dim3A_603 = vector.shape_cast %reduce_min3A_602 : vector<512xf32> to vector<512x1xf32>
    %eq3A_604 = vector.broadcast %broadcast_in_dim3A_603 : vector<512x1xf32> to vector<512x512xf32>
    %eq3A_605 = arith.cmpf oeq, %convert_element_type3A_544, %eq3A_604 : vector<512x512xf32>
    %jit3A_606 = arith.constant 0xFF800000 : f32
    %broadcast_in_dim3A_607 = vector.broadcast %jit3A_606 : f32 to vector<512x512xf32>
    %select_n3A_608 = arith.select %eq3A_605, %broadcast_in_dim3A_607, %select_n3A_592 : vector<512x512xi1>, vector<512x512xf32>
    %reduce_max3A_609 = arith.constant dense<0xFF800000> : vector<512xf32>
    %reduce_max3A_610 = vector.multi_reduction <maximumf>, %select_n3A_608, %reduce_max3A_609 [1] : vector<512x512xf32> to vector<512xf32>
    %broadcast_in_dim3A_611 = vector.shape_cast %reduce_max3A_610 : vector<512xf32> to vector<512x1xf32>
    %eq3A_612 = vector.broadcast %broadcast_in_dim3A_611 : vector<512x1xf32> to vector<512x512xf32>
    %eq3A_613 = arith.cmpf oeq, %select_n3A_608, %eq3A_612 : vector<512x512xf32>
    %jit3A_614 = arith.constant 5.120000e+02 : f32
    %broadcast_in_dim3A_615 = vector.broadcast %jit3A_614 : f32 to vector<512x512xf32>
    %select_n3A_616 = arith.select %eq3A_613, %convert_element_type3A_544, %broadcast_in_dim3A_615 : vector<512x512xi1>, vector<512x512xf32>
    %reduce_min3A_617 = arith.constant dense<0x7F800000> : vector<512xf32>
    %reduce_min3A_618 = vector.multi_reduction <minimumf>, %select_n3A_616, %reduce_min3A_617 [1] : vector<512x512xf32> to vector<512xf32>
    %broadcast_in_dim3A_619 = vector.shape_cast %reduce_min3A_618 : vector<512xf32> to vector<512x1xf32>
    %eq3A_620 = vector.broadcast %broadcast_in_dim3A_619 : vector<512x1xf32> to vector<512x512xf32>
    %eq3A_621 = arith.cmpf oeq, %convert_element_type3A_544, %eq3A_620 : vector<512x512xf32>
    %jit3A_622 = arith.constant 0xFF800000 : f32
    %broadcast_in_dim3A_623 = vector.broadcast %jit3A_622 : f32 to vector<512x512xf32>
    %select_n3A_624 = arith.select %eq3A_621, %broadcast_in_dim3A_623, %select_n3A_608 : vector<512x512xi1>, vector<512x512xf32>
    %reduce_max3A_625 = arith.constant dense<0xFF800000> : vector<512xf32>
    %reduce_max3A_626 = vector.multi_reduction <maximumf>, %select_n3A_624, %reduce_max3A_625 [1] : vector<512x512xf32> to vector<512xf32>
    %broadcast_in_dim3A_627 = vector.shape_cast %reduce_max3A_626 : vector<512xf32> to vector<512x1xf32>
    %eq3A_628 = vector.broadcast %broadcast_in_dim3A_627 : vector<512x1xf32> to vector<512x512xf32>
    %eq3A_629 = arith.cmpf oeq, %select_n3A_624, %eq3A_628 : vector<512x512xf32>
    %jit3A_630 = arith.constant 5.120000e+02 : f32
    %broadcast_in_dim3A_631 = vector.broadcast %jit3A_630 : f32 to vector<512x512xf32>
    %select_n3A_632 = arith.select %eq3A_629, %convert_element_type3A_544, %broadcast_in_dim3A_631 : vector<512x512xi1>, vector<512x512xf32>
    %reduce_min3A_633 = arith.constant dense<0x7F800000> : vector<512xf32>
    %reduce_min3A_634 = vector.multi_reduction <minimumf>, %select_n3A_632, %reduce_min3A_633 [1] : vector<512x512xf32> to vector<512xf32>
    %broadcast_in_dim3A_635 = vector.shape_cast %reduce_min3A_634 : vector<512xf32> to vector<512x1xf32>
    %eq3A_636 = vector.broadcast %broadcast_in_dim3A_635 : vector<512x1xf32> to vector<512x512xf32>
    %eq3A_637 = arith.cmpf oeq, %convert_element_type3A_544, %eq3A_636 : vector<512x512xf32>
    %jit3A_638 = arith.constant 0xFF800000 : f32
    %broadcast_in_dim3A_639 = vector.broadcast %jit3A_638 : f32 to vector<512x512xf32>
    %select_n3A_640 = arith.select %eq3A_637, %broadcast_in_dim3A_639, %select_n3A_624 : vector<512x512xi1>, vector<512x512xf32>
    %reduce_max3A_641 = arith.constant dense<0xFF800000> : vector<512xf32>
    %reduce_max3A_642 = vector.multi_reduction <maximumf>, %select_n3A_640, %reduce_max3A_641 [1] : vector<512x512xf32> to vector<512xf32>
    %broadcast_in_dim3A_643 = vector.shape_cast %reduce_max3A_642 : vector<512xf32> to vector<512x1xf32>
    %eq3A_644 = vector.broadcast %broadcast_in_dim3A_643 : vector<512x1xf32> to vector<512x512xf32>
    %eq3A_645 = arith.cmpf oeq, %select_n3A_640, %eq3A_644 : vector<512x512xf32>
    %jit3A_646 = arith.constant 5.120000e+02 : f32
    %broadcast_in_dim3A_647 = vector.broadcast %jit3A_646 : f32 to vector<512x512xf32>
    %select_n3A_648 = arith.select %eq3A_645, %convert_element_type3A_544, %broadcast_in_dim3A_647 : vector<512x512xi1>, vector<512x512xf32>
    %reduce_min3A_649 = arith.constant dense<0x7F800000> : vector<512xf32>
    %reduce_min3A_650 = vector.multi_reduction <minimumf>, %select_n3A_648, %reduce_min3A_649 [1] : vector<512x512xf32> to vector<512xf32>
    %broadcast_in_dim3A_651 = vector.shape_cast %reduce_min3A_650 : vector<512xf32> to vector<512x1xf32>
    %eq3A_652 = vector.broadcast %broadcast_in_dim3A_651 : vector<512x1xf32> to vector<512x512xf32>
    %eq3A_653 = arith.cmpf oeq, %convert_element_type3A_544, %eq3A_652 : vector<512x512xf32>
    %jit3A_654 = arith.constant 0xFF800000 : f32
    %broadcast_in_dim3A_655 = vector.broadcast %jit3A_654 : f32 to vector<512x512xf32>
    %select_n3A_656 = arith.select %eq3A_653, %broadcast_in_dim3A_655, %select_n3A_640 : vector<512x512xi1>, vector<512x512xf32>
    %reduce_max3A_657 = arith.constant dense<0xFF800000> : vector<512xf32>
    %reduce_max3A_658 = vector.multi_reduction <maximumf>, %select_n3A_656, %reduce_max3A_657 [1] : vector<512x512xf32> to vector<512xf32>
    %broadcast_in_dim3A_659 = vector.shape_cast %reduce_max3A_658 : vector<512xf32> to vector<512x1xf32>
    %eq3A_660 = vector.broadcast %broadcast_in_dim3A_659 : vector<512x1xf32> to vector<512x512xf32>
    %eq3A_661 = arith.cmpf oeq, %select_n3A_656, %eq3A_660 : vector<512x512xf32>
    %jit3A_662 = arith.constant 5.120000e+02 : f32
    %broadcast_in_dim3A_663 = vector.broadcast %jit3A_662 : f32 to vector<512x512xf32>
    %select_n3A_664 = arith.select %eq3A_661, %convert_element_type3A_544, %broadcast_in_dim3A_663 : vector<512x512xi1>, vector<512x512xf32>
    %reduce_min3A_665 = arith.constant dense<0x7F800000> : vector<512xf32>
    %reduce_min3A_666 = vector.multi_reduction <minimumf>, %select_n3A_664, %reduce_min3A_665 [1] : vector<512x512xf32> to vector<512xf32>
    %broadcast_in_dim3A_667 = vector.shape_cast %reduce_min3A_666 : vector<512xf32> to vector<512x1xf32>
    %concatenate3A_668 = tpu.concatenate %broadcast_in_dim3A_555, %broadcast_in_dim3A_571, %broadcast_in_dim3A_587, %broadcast_in_dim3A_603, %broadcast_in_dim3A_619, %broadcast_in_dim3A_635, %broadcast_in_dim3A_651, %broadcast_in_dim3A_667 in 1 : vector<512x1xf32>, vector<512x1xf32>, vector<512x1xf32>, vector<512x1xf32>, vector<512x1xf32>, vector<512x1xf32>, vector<512x1xf32>, vector<512x1xf32> -> vector<512x8xf32>
    %convert_element_type3A_669 = arith.fptosi %concatenate3A_668 : vector<512x8xf32> to vector<512x8xi32>
    %add3A_670 = vector.broadcast %mul3A_542 : i32 to vector<512x8xi32>
    %add3A_671 = arith.addi %convert_element_type3A_669, %add3A_670 : vector<512x8xi32>
    %swap3A_672 = arith.constant 2 : index
    %swap3A_673 = arith.constant 0 : index
    %swap3A_674 = arith.constant 0 : index
    %swap3A_675 = vector.load %arg15[%swap3A_672, %swap3A_673, %swap3A_674] : memref<4x512x8xi32, #tpu.memory_space<vmem>>, vector<1x512x8xi32>
    %swap3A_676 = vector.shape_cast %swap3A_675 : vector<1x512x8xi32> to vector<512x8xi32>
    %swap3A_677 = vector.shape_cast %add3A_671 : vector<512x8xi32> to vector<1x512x8xi32>
    tpu.vector_store %arg15[%swap3A_672, %swap3A_673, %swap3A_674], %swap3A_677 {strides = array<i32>} : memref<4x512x8xi32, #tpu.memory_space<vmem>>, vector<1x512x8xi32>,
    %slice3A_678 = vector.extract_strided_slice %mul3A_176 {offsets = [1536, 0], sizes = [512, 32], strides = [1, 1]} : vector<2048x32xf32> to vector<512x32xf32>
    %slice3A_679 = vector.extract_strided_slice %convert_element_type3A_129 {offsets = [1536, 0], sizes = [512, 1], strides = [1, 1]} : vector<2048x1xf32> to vector<512x1xf32>
    %sub3A_680 = arith.constant 1.000000e+00 : f32
    %sub3A_681 = vector.broadcast %sub3A_680 : f32 to vector<512x1xf32>
    %sub3A_682 = arith.subf %sub3A_681, %slice3A_679 : vector<512x1xf32>
    %mul3A_683 = arith.constant 1.000000e+09 : f32
    %mul3A_684 = vector.broadcast %mul3A_683 : f32 to vector<512x1xf32>
    %mul3A_685 = arith.mulf %sub3A_682, %mul3A_684 : vector<512x1xf32>
    %add3A_686 = vector.broadcast %mul3A_685 : vector<512x1xf32> to vector<512x32xf32>
    %add3A_687 = arith.addf %slice3A_678, %add3A_686 : vector<512x32xf32>
    %dot_general3A_688 = arith.constant dense<0.000000e+00> : vector<512x512xf32>
    %dot_general3A_689 = tpu.matmul %add3A_687, %add3A_687, %dot_general3A_688 {dimension_numbers = #tpu.dot_dimension_numbers<[1], [1], [0], [0], [0, 0, 1, 0], [], []>, precision = #tpu.contract_precision<fp32>, transpose_lhs_hint = false} : vector<512x32xf32>, vector<512x32xf32>, vector<512x512xf32> -> vector<512x512xf32>
    %mul3A_690 = arith.mulf %add3A_687, %add3A_687 : vector<512x32xf32>
    %dot_general3A_691 = arith.constant dense<0.000000e+00> : vector<1x512xf32>
    %dot_general3A_692 = tpu.matmul %broadcast_in_dim3A_182, %mul3A_690, %dot_general3A_691 {dimension_numbers = #tpu.dot_dimension_numbers<[1], [1], [0], [0], [0, 0, 1, 0], [], []>, precision = #tpu.contract_precision<fp32>, transpose_lhs_hint = false} : vector<1x32xf32>, vector<512x32xf32>, vector<1x512xf32> -> vector<1x512xf32>
    %mul3A_693 = arith.mulf %add3A_687, %add3A_687 : vector<512x32xf32>
    %reduce_sum3A_694 = arith.constant dense<0.000000e+00> : vector<512xf32>
    %reduce_sum3A_695 = vector.multi_reduction <add>, %mul3A_693, %reduce_sum3A_694 [1] : vector<512x32xf32> to vector<512xf32>
    %broadcast_in_dim3A_696 = vector.shape_cast %reduce_sum3A_695 : vector<512xf32> to vector<512x1xf32>
    %mul3A_697 = arith.constant 2.000000e+00 : f32
    %mul3A_698 = vector.broadcast %mul3A_697 : f32 to vector<512x512xf32>
    %mul3A_699 = arith.mulf %mul3A_698, %dot_general3A_689 : vector<512x512xf32>
    %sub3A_700 = vector.broadcast %dot_general3A_692 : vector<1x512xf32> to vector<512x512xf32>
    %sub3A_701 = arith.subf %mul3A_699, %sub3A_700 : vector<512x512xf32>
    %sub3A_702 = vector.broadcast %broadcast_in_dim3A_696 : vector<512x1xf32> to vector<512x512xf32>
    %sub3A_703 = arith.subf %sub3A_701, %sub3A_702 : vector<512x512xf32>
    %mul3A_704 = arith.constant 4 : i32
    %mul3A_705 = arith.muli %arg0, %mul3A_704 : i32
    %add3A_706 = arith.constant 3 : i32
    %add3A_707 = arith.addi %mul3A_705, %add3A_706 : i32
    %mul3A_708 = arith.constant 512 : i32
    %mul3A_709 = arith.muli %add3A_707, %mul3A_708 : i32
    %iota3A_710 = tpu.iota {dimensions = array<i32: 1>} : vector<512x512xi32>
    %convert_element_type3A_711 = arith.sitofp %iota3A_710 : vector<512x512xi32> to vector<512x512xf32>
    %reduce_max3A_712 = arith.constant dense<0xFF800000> : vector<512xf32>
    %reduce_max3A_713 = vector.multi_reduction <maximumf>, %sub3A_703, %reduce_max3A_712 [1] : vector<512x512xf32> to vector<512xf32>
    %broadcast_in_dim3A_714 = vector.shape_cast %reduce_max3A_713 : vector<512xf32> to vector<512x1xf32>
    %eq3A_715 = vector.broadcast %broadcast_in_dim3A_714 : vector<512x1xf32> to vector<512x512xf32>
    %eq3A_716 = arith.cmpf oeq, %sub3A_703, %eq3A_715 : vector<512x512xf32>
    %jit3A_717 = arith.constant 5.120000e+02 : f32
    %broadcast_in_dim3A_718 = vector.broadcast %jit3A_717 : f32 to vector<512x512xf32>
    %select_n3A_719 = arith.select %eq3A_716, %convert_element_type3A_711, %broadcast_in_dim3A_718 : vector<512x512xi1>, vector<512x512xf32>
    %reduce_min3A_720 = arith.constant dense<0x7F800000> : vector<512xf32>
    %reduce_min3A_721 = vector.multi_reduction <minimumf>, %select_n3A_719, %reduce_min3A_720 [1] : vector<512x512xf32> to vector<512xf32>
    %broadcast_in_dim3A_722 = vector.shape_cast %reduce_min3A_721 : vector<512xf32> to vector<512x1xf32>
    %eq3A_723 = vector.broadcast %broadcast_in_dim3A_722 : vector<512x1xf32> to vector<512x512xf32>
    %eq3A_724 = arith.cmpf oeq, %convert_element_type3A_711, %eq3A_723 : vector<512x512xf32>
    %jit3A_725 = arith.constant 0xFF800000 : f32
    %broadcast_in_dim3A_726 = vector.broadcast %jit3A_725 : f32 to vector<512x512xf32>
    %select_n3A_727 = arith.select %eq3A_724, %broadcast_in_dim3A_726, %sub3A_703 : vector<512x512xi1>, vector<512x512xf32>
    %reduce_max3A_728 = arith.constant dense<0xFF800000> : vector<512xf32>
    %reduce_max3A_729 = vector.multi_reduction <maximumf>, %select_n3A_727, %reduce_max3A_728 [1] : vector<512x512xf32> to vector<512xf32>
    %broadcast_in_dim3A_730 = vector.shape_cast %reduce_max3A_729 : vector<512xf32> to vector<512x1xf32>
    %eq3A_731 = vector.broadcast %broadcast_in_dim3A_730 : vector<512x1xf32> to vector<512x512xf32>
    %eq3A_732 = arith.cmpf oeq, %select_n3A_727, %eq3A_731 : vector<512x512xf32>
    %jit3A_733 = arith.constant 5.120000e+02 : f32
    %broadcast_in_dim3A_734 = vector.broadcast %jit3A_733 : f32 to vector<512x512xf32>
    %select_n3A_735 = arith.select %eq3A_732, %convert_element_type3A_711, %broadcast_in_dim3A_734 : vector<512x512xi1>, vector<512x512xf32>
    %reduce_min3A_736 = arith.constant dense<0x7F800000> : vector<512xf32>
    %reduce_min3A_737 = vector.multi_reduction <minimumf>, %select_n3A_735, %reduce_min3A_736 [1] : vector<512x512xf32> to vector<512xf32>
    %broadcast_in_dim3A_738 = vector.shape_cast %reduce_min3A_737 : vector<512xf32> to vector<512x1xf32>
    %eq3A_739 = vector.broadcast %broadcast_in_dim3A_738 : vector<512x1xf32> to vector<512x512xf32>
    %eq3A_740 = arith.cmpf oeq, %convert_element_type3A_711, %eq3A_739 : vector<512x512xf32>
    %jit3A_741 = arith.constant 0xFF800000 : f32
    %broadcast_in_dim3A_742 = vector.broadcast %jit3A_741 : f32 to vector<512x512xf32>
    %select_n3A_743 = arith.select %eq3A_740, %broadcast_in_dim3A_742, %select_n3A_727 : vector<512x512xi1>, vector<512x512xf32>
    %reduce_max3A_744 = arith.constant dense<0xFF800000> : vector<512xf32>
    %reduce_max3A_745 = vector.multi_reduction <maximumf>, %select_n3A_743, %reduce_max3A_744 [1] : vector<512x512xf32> to vector<512xf32>
    %broadcast_in_dim3A_746 = vector.shape_cast %reduce_max3A_745 : vector<512xf32> to vector<512x1xf32>
    %eq3A_747 = vector.broadcast %broadcast_in_dim3A_746 : vector<512x1xf32> to vector<512x512xf32>
    %eq3A_748 = arith.cmpf oeq, %select_n3A_743, %eq3A_747 : vector<512x512xf32>
    %jit3A_749 = arith.constant 5.120000e+02 : f32
    %broadcast_in_dim3A_750 = vector.broadcast %jit3A_749 : f32 to vector<512x512xf32>
    %select_n3A_751 = arith.select %eq3A_748, %convert_element_type3A_711, %broadcast_in_dim3A_750 : vector<512x512xi1>, vector<512x512xf32>
    %reduce_min3A_752 = arith.constant dense<0x7F800000> : vector<512xf32>
    %reduce_min3A_753 = vector.multi_reduction <minimumf>, %select_n3A_751, %reduce_min3A_752 [1] : vector<512x512xf32> to vector<512xf32>
    %broadcast_in_dim3A_754 = vector.shape_cast %reduce_min3A_753 : vector<512xf32> to vector<512x1xf32>
    %eq3A_755 = vector.broadcast %broadcast_in_dim3A_754 : vector<512x1xf32> to vector<512x512xf32>
    %eq3A_756 = arith.cmpf oeq, %convert_element_type3A_711, %eq3A_755 : vector<512x512xf32>
    %jit3A_757 = arith.constant 0xFF800000 : f32
    %broadcast_in_dim3A_758 = vector.broadcast %jit3A_757 : f32 to vector<512x512xf32>
    %select_n3A_759 = arith.select %eq3A_756, %broadcast_in_dim3A_758, %select_n3A_743 : vector<512x512xi1>, vector<512x512xf32>
    %reduce_max3A_760 = arith.constant dense<0xFF800000> : vector<512xf32>
    %reduce_max3A_761 = vector.multi_reduction <maximumf>, %select_n3A_759, %reduce_max3A_760 [1] : vector<512x512xf32> to vector<512xf32>
    %broadcast_in_dim3A_762 = vector.shape_cast %reduce_max3A_761 : vector<512xf32> to vector<512x1xf32>
    %eq3A_763 = vector.broadcast %broadcast_in_dim3A_762 : vector<512x1xf32> to vector<512x512xf32>
    %eq3A_764 = arith.cmpf oeq, %select_n3A_759, %eq3A_763 : vector<512x512xf32>
    %jit3A_765 = arith.constant 5.120000e+02 : f32
    %broadcast_in_dim3A_766 = vector.broadcast %jit3A_765 : f32 to vector<512x512xf32>
    %select_n3A_767 = arith.select %eq3A_764, %convert_element_type3A_711, %broadcast_in_dim3A_766 : vector<512x512xi1>, vector<512x512xf32>
    %reduce_min3A_768 = arith.constant dense<0x7F800000> : vector<512xf32>
    %reduce_min3A_769 = vector.multi_reduction <minimumf>, %select_n3A_767, %reduce_min3A_768 [1] : vector<512x512xf32> to vector<512xf32>
    %broadcast_in_dim3A_770 = vector.shape_cast %reduce_min3A_769 : vector<512xf32> to vector<512x1xf32>
    %eq3A_771 = vector.broadcast %broadcast_in_dim3A_770 : vector<512x1xf32> to vector<512x512xf32>
    %eq3A_772 = arith.cmpf oeq, %convert_element_type3A_711, %eq3A_771 : vector<512x512xf32>
    %jit3A_773 = arith.constant 0xFF800000 : f32
    %broadcast_in_dim3A_774 = vector.broadcast %jit3A_773 : f32 to vector<512x512xf32>
    %select_n3A_775 = arith.select %eq3A_772, %broadcast_in_dim3A_774, %select_n3A_759 : vector<512x512xi1>, vector<512x512xf32>
    %reduce_max3A_776 = arith.constant dense<0xFF800000> : vector<512xf32>
    %reduce_max3A_777 = vector.multi_reduction <maximumf>, %select_n3A_775, %reduce_max3A_776 [1] : vector<512x512xf32> to vector<512xf32>
    %broadcast_in_dim3A_778 = vector.shape_cast %reduce_max3A_777 : vector<512xf32> to vector<512x1xf32>
    %eq3A_779 = vector.broadcast %broadcast_in_dim3A_778 : vector<512x1xf32> to vector<512x512xf32>
    %eq3A_780 = arith.cmpf oeq, %select_n3A_775, %eq3A_779 : vector<512x512xf32>
    %jit3A_781 = arith.constant 5.120000e+02 : f32
    %broadcast_in_dim3A_782 = vector.broadcast %jit3A_781 : f32 to vector<512x512xf32>
    %select_n3A_783 = arith.select %eq3A_780, %convert_element_type3A_711, %broadcast_in_dim3A_782 : vector<512x512xi1>, vector<512x512xf32>
    %reduce_min3A_784 = arith.constant dense<0x7F800000> : vector<512xf32>
    %reduce_min3A_785 = vector.multi_reduction <minimumf>, %select_n3A_783, %reduce_min3A_784 [1] : vector<512x512xf32> to vector<512xf32>
    %broadcast_in_dim3A_786 = vector.shape_cast %reduce_min3A_785 : vector<512xf32> to vector<512x1xf32>
    %eq3A_787 = vector.broadcast %broadcast_in_dim3A_786 : vector<512x1xf32> to vector<512x512xf32>
    %eq3A_788 = arith.cmpf oeq, %convert_element_type3A_711, %eq3A_787 : vector<512x512xf32>
    %jit3A_789 = arith.constant 0xFF800000 : f32
    %broadcast_in_dim3A_790 = vector.broadcast %jit3A_789 : f32 to vector<512x512xf32>
    %select_n3A_791 = arith.select %eq3A_788, %broadcast_in_dim3A_790, %select_n3A_775 : vector<512x512xi1>, vector<512x512xf32>
    %reduce_max3A_792 = arith.constant dense<0xFF800000> : vector<512xf32>
    %reduce_max3A_793 = vector.multi_reduction <maximumf>, %select_n3A_791, %reduce_max3A_792 [1] : vector<512x512xf32> to vector<512xf32>
    %broadcast_in_dim3A_794 = vector.shape_cast %reduce_max3A_793 : vector<512xf32> to vector<512x1xf32>
    %eq3A_795 = vector.broadcast %broadcast_in_dim3A_794 : vector<512x1xf32> to vector<512x512xf32>
    %eq3A_796 = arith.cmpf oeq, %select_n3A_791, %eq3A_795 : vector<512x512xf32>
    %jit3A_797 = arith.constant 5.120000e+02 : f32
    %broadcast_in_dim3A_798 = vector.broadcast %jit3A_797 : f32 to vector<512x512xf32>
    %select_n3A_799 = arith.select %eq3A_796, %convert_element_type3A_711, %broadcast_in_dim3A_798 : vector<512x512xi1>, vector<512x512xf32>
    %reduce_min3A_800 = arith.constant dense<0x7F800000> : vector<512xf32>
    %reduce_min3A_801 = vector.multi_reduction <minimumf>, %select_n3A_799, %reduce_min3A_800 [1] : vector<512x512xf32> to vector<512xf32>
    %broadcast_in_dim3A_802 = vector.shape_cast %reduce_min3A_801 : vector<512xf32> to vector<512x1xf32>
    %eq3A_803 = vector.broadcast %broadcast_in_dim3A_802 : vector<512x1xf32> to vector<512x512xf32>
    %eq3A_804 = arith.cmpf oeq, %convert_element_type3A_711, %eq3A_803 : vector<512x512xf32>
    %jit3A_805 = arith.constant 0xFF800000 : f32
    %broadcast_in_dim3A_806 = vector.broadcast %jit3A_805 : f32 to vector<512x512xf32>
    %select_n3A_807 = arith.select %eq3A_804, %broadcast_in_dim3A_806, %select_n3A_791 : vector<512x512xi1>, vector<512x512xf32>
    %reduce_max3A_808 = arith.constant dense<0xFF800000> : vector<512xf32>
    %reduce_max3A_809 = vector.multi_reduction <maximumf>, %select_n3A_807, %reduce_max3A_808 [1] : vector<512x512xf32> to vector<512xf32>
    %broadcast_in_dim3A_810 = vector.shape_cast %reduce_max3A_809 : vector<512xf32> to vector<512x1xf32>
    %eq3A_811 = vector.broadcast %broadcast_in_dim3A_810 : vector<512x1xf32> to vector<512x512xf32>
    %eq3A_812 = arith.cmpf oeq, %select_n3A_807, %eq3A_811 : vector<512x512xf32>
    %jit3A_813 = arith.constant 5.120000e+02 : f32
    %broadcast_in_dim3A_814 = vector.broadcast %jit3A_813 : f32 to vector<512x512xf32>
    %select_n3A_815 = arith.select %eq3A_812, %convert_element_type3A_711, %broadcast_in_dim3A_814 : vector<512x512xi1>, vector<512x512xf32>
    %reduce_min3A_816 = arith.constant dense<0x7F800000> : vector<512xf32>
    %reduce_min3A_817 = vector.multi_reduction <minimumf>, %select_n3A_815, %reduce_min3A_816 [1] : vector<512x512xf32> to vector<512xf32>
    %broadcast_in_dim3A_818 = vector.shape_cast %reduce_min3A_817 : vector<512xf32> to vector<512x1xf32>
    %eq3A_819 = vector.broadcast %broadcast_in_dim3A_818 : vector<512x1xf32> to vector<512x512xf32>
    %eq3A_820 = arith.cmpf oeq, %convert_element_type3A_711, %eq3A_819 : vector<512x512xf32>
    %jit3A_821 = arith.constant 0xFF800000 : f32
    %broadcast_in_dim3A_822 = vector.broadcast %jit3A_821 : f32 to vector<512x512xf32>
    %select_n3A_823 = arith.select %eq3A_820, %broadcast_in_dim3A_822, %select_n3A_807 : vector<512x512xi1>, vector<512x512xf32>
    %reduce_max3A_824 = arith.constant dense<0xFF800000> : vector<512xf32>
    %reduce_max3A_825 = vector.multi_reduction <maximumf>, %select_n3A_823, %reduce_max3A_824 [1] : vector<512x512xf32> to vector<512xf32>
    %broadcast_in_dim3A_826 = vector.shape_cast %reduce_max3A_825 : vector<512xf32> to vector<512x1xf32>
    %eq3A_827 = vector.broadcast %broadcast_in_dim3A_826 : vector<512x1xf32> to vector<512x512xf32>
    %eq3A_828 = arith.cmpf oeq, %select_n3A_823, %eq3A_827 : vector<512x512xf32>
    %jit3A_829 = arith.constant 5.120000e+02 : f32
    %broadcast_in_dim3A_830 = vector.broadcast %jit3A_829 : f32 to vector<512x512xf32>
    %select_n3A_831 = arith.select %eq3A_828, %convert_element_type3A_711, %broadcast_in_dim3A_830 : vector<512x512xi1>, vector<512x512xf32>
    %reduce_min3A_832 = arith.constant dense<0x7F800000> : vector<512xf32>
    %reduce_min3A_833 = vector.multi_reduction <minimumf>, %select_n3A_831, %reduce_min3A_832 [1] : vector<512x512xf32> to vector<512xf32>
    %broadcast_in_dim3A_834 = vector.shape_cast %reduce_min3A_833 : vector<512xf32> to vector<512x1xf32>
    %concatenate3A_835 = tpu.concatenate %broadcast_in_dim3A_722, %broadcast_in_dim3A_738, %broadcast_in_dim3A_754, %broadcast_in_dim3A_770, %broadcast_in_dim3A_786, %broadcast_in_dim3A_802, %broadcast_in_dim3A_818, %broadcast_in_dim3A_834 in 1 : vector<512x1xf32>, vector<512x1xf32>, vector<512x1xf32>, vector<512x1xf32>, vector<512x1xf32>, vector<512x1xf32>, vector<512x1xf32>, vector<512x1xf32> -> vector<512x8xf32>
    %convert_element_type3A_836 = arith.fptosi %concatenate3A_835 : vector<512x8xf32> to vector<512x8xi32>
    %add3A_837 = vector.broadcast %mul3A_709 : i32 to vector<512x8xi32>
    %add3A_838 = arith.addi %convert_element_type3A_836, %add3A_837 : vector<512x8xi32>
    %swap3A_839 = arith.constant 3 : index
    %swap3A_840 = arith.constant 0 : index
    %swap3A_841 = arith.constant 0 : index
    %swap3A_842 = vector.load %arg15[%swap3A_839, %swap3A_840, %swap3A_841] : memref<4x512x8xi32, #tpu.memory_space<vmem>>, vector<1x512x8xi32>
    %swap3A_843 = vector.shape_cast %swap3A_842 : vector<1x512x8xi32> to vector<512x8xi32>
    %swap3A_844 = vector.shape_cast %add3A_838 : vector<512x8xi32> to vector<1x512x8xi32>
    tpu.vector_store %arg15[%swap3A_839, %swap3A_840, %swap3A_841], %swap3A_844 {strides = array<i32>} : memref<4x512x8xi32, #tpu.memory_space<vmem>>, vector<1x512x8xi32>,
    %get3A_845 = arith.constant 0 : index
    %get3A_846 = arith.constant 0 : index
    %get3A_847 = vector.load %arg13[%get3A_845, %get3A_846] : memref<64x32xf32, #tpu.memory_space<vmem>>, vector<64x32xf32>
    %dot_general3A_848 = arith.constant dense<0.000000e+00> : vector<2048x64xf32>
    %dot_general3A_849 = tpu.matmul %mul3A_176, %get3A_847, %dot_general3A_848 {dimension_numbers = #tpu.dot_dimension_numbers<[1], [1], [0], [0], [0, 0, 1, 0], [], []>, transpose_lhs_hint = false} : vector<2048x32xf32>, vector<64x32xf32>, vector<2048x64xf32> -> vector<2048x64xf32>
    %reduce_sum3A_850 = arith.constant dense<0.000000e+00> : vector<64xf32>
    %reduce_sum3A_851 = vector.multi_reduction <add>, %dot_general3A_849, %reduce_sum3A_850 [0] : vector<2048x64xf32> to vector<64xf32>
    %broadcast_in_dim3A_852 = vector.shape_cast %reduce_sum3A_851 : vector<64xf32> to vector<1x64xf32>
    %mul3A_853 = arith.mulf %dot_general3A_849, %dot_general3A_849 : vector<2048x64xf32>
    %reduce_sum3A_854 = arith.constant dense<0.000000e+00> : vector<64xf32>
    %reduce_sum3A_855 = vector.multi_reduction <add>, %mul3A_853, %reduce_sum3A_854 [0] : vector<2048x64xf32> to vector<64xf32>
    %broadcast_in_dim3A_856 = vector.shape_cast %reduce_sum3A_855 : vector<64xf32> to vector<1x64xf32>
    %eq3A_857 = arith.constant 0 : i32
    %eq3A_858 = arith.cmpi eq, %arg0, %eq3A_857 : i32
    %convert_element_type3A_859 = arith.extui %eq3A_858 : i1 to i32
    %cond3A = arith.constant 0 : i32
    %cond3A_860 = arith.cmpi ne, %convert_element_type3A_859, %cond3A : i32
    scf.if %cond3A_860 {
      %broadcast_in_dim3A_869 = arith.constant 0.000000e+00 : f32
      %broadcast_in_dim3A_870 = vector.broadcast %broadcast_in_dim3A_869 : f32 to vector<8x128xf32>
      %swap3A_871 = arith.constant 0 : index
      %swap3A_872 = arith.constant 0 : index
      %swap3A_873 = vector.load %arg16[%swap3A_871, %swap3A_872] : memref<8x128xf32, #tpu.memory_space<vmem>>, vector<8x128xf32>
      tpu.vector_store %arg16[%swap3A_871, %swap3A_872], %broadcast_in_dim3A_870 {strides = array<i32>} : memref<8x128xf32, #tpu.memory_space<vmem>>, vector<8x128xf32>,
    } else {
    }
    %concatenate3A_861 = tpu.concatenate %broadcast_in_dim3A_852, %broadcast_in_dim3A_856 in 0 : vector<1x64xf32>, vector<1x64xf32> -> vector<2x64xf32>
    %get3A_862 = arith.constant 0 : index
    %get3A_863 = arith.constant 0 : index
    %get3A_864 = vector.load %arg16[%get3A_862, %get3A_863] : memref<8x128xf32, #tpu.memory_space<vmem>>, vector<2x64xf32>
    %add3A_865 = arith.addf %get3A_864, %concatenate3A_861 : vector<2x64xf32>
    %swap3A_866 = arith.constant 0 : index
    %swap3A_867 = arith.constant 0 : index
    %swap3A_868 = vector.load %arg16[%swap3A_866, %swap3A_867] : memref<8x128xf32, #tpu.memory_space<vmem>>, vector<2x64xf32>
    tpu.vector_store %arg16[%swap3A_866, %swap3A_867], %add3A_865 {strides = array<i32>} : memref<8x128xf32, #tpu.memory_space<vmem>>, vector<2x64xf32>,
    return
  }
  func.func @transform_0(%arg0: i32) -> (i32, i32, i32) {
    %c0_i32 = arith.constant 0 : i32
    %c0_i32_0 = arith.constant 0 : i32
    %c0_i32_1 = arith.constant 0 : i32
    return %arg0, %c0_i32, %c0_i32_0 : i32, i32, i32
  }
  func.func @transform_1(%arg0: i32) -> (i32, i32, i32) {
    %c0_i32 = arith.constant 0 : i32
    %c0_i32_0 = arith.constant 0 : i32
    %c0_i32_1 = arith.constant 0 : i32
    return %arg0, %c0_i32, %c0_i32_0 : i32, i32, i32
  }
  func.func @transform_2(%arg0: i32) -> (i32, i32) {
    %c0_i32 = arith.constant 0 : i32
    %c0_i32_0 = arith.constant 0 : i32
    %c0_i32_1 = arith.constant 0 : i32
    return %c0_i32, %c0_i32_0 : i32, i32
  }
  func.func @transform_3(%arg0: i32) -> (i32, i32) {
    %c0_i32 = arith.constant 0 : i32
    %c0_i32_0 = arith.constant 0 : i32
    %c0_i32_1 = arith.constant 0 : i32
    return %c0_i32, %c0_i32_0 : i32, i32
  }
  func.func @transform_4(%arg0: i32) -> (i32, i32) {
    %c0_i32 = arith.constant 0 : i32
    %c0_i32_0 = arith.constant 0 : i32
    %c0_i32_1 = arith.constant 0 : i32
    return %c0_i32, %c0_i32_0 : i32, i32
  }
  func.func @transform_5(%arg0: i32) -> (i32, i32) {
    %c0_i32 = arith.constant 0 : i32
    %c0_i32_0 = arith.constant 0 : i32
    %c0_i32_1 = arith.constant 0 : i32
    return %c0_i32, %c0_i32_0 : i32, i32
  }
  func.func @transform_6(%arg0: i32) -> (i32, i32) {
    %c0_i32 = arith.constant 0 : i32
    %c0_i32_0 = arith.constant 0 : i32
    %c0_i32_1 = arith.constant 0 : i32
    return %c0_i32, %c0_i32_0 : i32, i32
  }
  func.func @transform_7(%arg0: i32) -> (i32, i32) {
    %c0_i32 = arith.constant 0 : i32
    %c0_i32_0 = arith.constant 0 : i32
    %c0_i32_1 = arith.constant 0 : i32
    return %c0_i32, %c0_i32_0 : i32, i32
  }
  func.func @transform_8(%arg0: i32) -> (i32, i32) {
    %c0_i32 = arith.constant 0 : i32
    %c0_i32_0 = arith.constant 0 : i32
    %c0_i32_1 = arith.constant 0 : i32
    return %c0_i32, %c0_i32_0 : i32, i32
  }
  func.func @transform_9(%arg0: i32) -> (i32, i32) {
    %c0_i32 = arith.constant 0 : i32
    %c0_i32_0 = arith.constant 0 : i32
    %c0_i32_1 = arith.constant 0 : i32
    return %c0_i32, %c0_i32_0 : i32, i32
  }
  func.func @transform_10(%arg0: i32) -> (i32, i32) {
    %c0_i32 = arith.constant 0 : i32
    %c0_i32_0 = arith.constant 0 : i32
    %c0_i32_1 = arith.constant 0 : i32
    return %c0_i32, %c0_i32_0 : i32, i32
  }
  func.func @transform_11(%arg0: i32) -> (i32, i32) {
    %c0_i32 = arith.constant 0 : i32
    %c0_i32_0 = arith.constant 0 : i32
    %c0_i32_1 = arith.constant 0 : i32
    return %c0_i32, %c0_i32_0 : i32, i32
  }
  func.func @transform_12(%arg0: i32) -> (i32, i32) {
    %c0_i32 = arith.constant 0 : i32
    %c0_i32_0 = arith.constant 0 : i32
    %c0_i32_1 = arith.constant 0 : i32
    return %c0_i32, %c0_i32_0 : i32, i32
  }
  func.func @transform_13(%arg0: i32) -> (i32, i32, i32) {
    %c0_i32 = arith.constant 0 : i32
    %c0_i32_0 = arith.constant 0 : i32
    %c0_i32_1 = arith.constant 0 : i32
    return %arg0, %c0_i32, %c0_i32_0 : i32, i32, i32
  }
  func.func @transform_14(%arg0: i32) -> (i32, i32, i32) {
    %c0_i32 = arith.constant 0 : i32
    %c0_i32_0 = arith.constant 0 : i32
    %c0_i32_1 = arith.constant 0 : i32
    return %arg0, %c0_i32, %c0_i32_0 : i32, i32, i32
  }
  func.func @transform_15(%arg0: i32) -> (i32, i32) {
    %c0_i32 = arith.constant 0 : i32
    %c0_i32_0 = arith.constant 0 : i32
    %c0_i32_1 = arith.constant 0 : i32
    return %c0_i32, %c0_i32_0 : i32, i32
  }
}

module attributes {stable_mosaic.version = 14 : i64} {
  func.func @body(%arg0: i32, %arg1: memref<4x512x32xf32, #tpu.memory_space<vmem>>, %arg2: memref<4x3584x32xf32, #tpu.memory_space<vmem>>, %arg3: memref<64x64xf32, #tpu.memory_space<vmem>>, %arg4: memref<8x128xf32, #tpu.memory_space<vmem>>) attributes {dimension_semantics = [#tpu.dimension_semantics<arbitrary>], iteration_bounds = array<i64: 32>, scalar_prefetch = 0 : i64, scratch_operands = 0 : i64, tpu.core_type = #tpu.core_type<tc>, window_params = [{transform_indices = @transform_0, window_bounds = array<i64: 4, 512, 32>}, {transform_indices = @transform_1, window_bounds = array<i64: 4, 3584, 32>}, {pipeline_mode = #tpu.pipeline_mode<synchronous>, transform_indices = @transform_2, window_bounds = array<i64: 64, 64>}, {pipeline_mode = #tpu.pipeline_mode<synchronous>, transform_indices = @transform_3, window_bounds = array<i64: 8, 128>}]} {
    %get3A = arith.constant 0 : index
    %get3A_0 = arith.constant 0 : index
    %get3A_1 = arith.constant 0 : index
    %get3A_2 = vector.load %arg1[%get3A, %get3A_0, %get3A_1] : memref<4x512x32xf32, #tpu.memory_space<vmem>>, vector<4x512x32xf32>
    %reshape3A = vector.shape_cast %get3A_2 : vector<4x512x32xf32> to vector<2048x32xf32>
    %get3A_3 = arith.constant 0 : index
    %get3A_4 = arith.constant 0 : index
    %get3A_5 = arith.constant 0 : index
    %get3A_6 = vector.load %arg2[%get3A_3, %get3A_4, %get3A_5] : memref<4x3584x32xf32, #tpu.memory_space<vmem>>, vector<4x3584x32xf32>
    %reshape3A_7 = vector.shape_cast %get3A_6 : vector<4x3584x32xf32> to vector<14336x32xf32>
    %get3A_8 = arith.constant 0 : index
    %get3A_9 = arith.constant 0 : index
    %get3A_10 = vector.load %arg3[%get3A_8, %get3A_9] : memref<64x64xf32, #tpu.memory_space<vmem>>, vector<64x64xf32>
    %slice3A = vector.extract_strided_slice %get3A_10 {offsets = [0, 0], sizes = [64, 32], strides = [1, 1]} : vector<64x64xf32> to vector<64x32xf32>
    %slice3A_11 = vector.extract_strided_slice %get3A_10 {offsets = [0, 32], sizes = [64, 32], strides = [1, 1]} : vector<64x64xf32> to vector<64x32xf32>
    %sub3A = arith.subf %slice3A, %slice3A_11 : vector<64x32xf32>
    %dot_general3A = arith.constant dense<0.000000e+00> : vector<2048x64xf32>
    %dot_general3A_12 = tpu.matmul %reshape3A, %sub3A, %dot_general3A {dimension_numbers = #tpu.dot_dimension_numbers<[1], [1], [0], [0], [0, 0, 1, 0], [], []>, transpose_lhs_hint = false} : vector<2048x32xf32>, vector<64x32xf32>, vector<2048x64xf32> -> vector<2048x64xf32>
    %dot_general3A_13 = arith.constant dense<0.000000e+00> : vector<14336x64xf32>
    %dot_general3A_14 = tpu.matmul %reshape3A_7, %slice3A_11, %dot_general3A_13 {dimension_numbers = #tpu.dot_dimension_numbers<[1], [1], [0], [0], [0, 0, 1, 0], [], []>, transpose_lhs_hint = false} : vector<14336x32xf32>, vector<64x32xf32>, vector<14336x64xf32> -> vector<14336x64xf32>
    %slice3A_15 = vector.extract_strided_slice %dot_general3A_12 {offsets = [0, 0], sizes = [512, 64], strides = [1, 1]} : vector<2048x64xf32> to vector<512x64xf32>
    %slice3A_16 = vector.extract_strided_slice %dot_general3A_12 {offsets = [0, 0], sizes = [512, 64], strides = [1, 1]} : vector<2048x64xf32> to vector<512x64xf32>
    %slice3A_17 = vector.extract_strided_slice %dot_general3A_12 {offsets = [0, 0], sizes = [512, 64], strides = [1, 1]} : vector<2048x64xf32> to vector<512x64xf32>
    %slice3A_18 = vector.extract_strided_slice %dot_general3A_12 {offsets = [0, 0], sizes = [512, 64], strides = [1, 1]} : vector<2048x64xf32> to vector<512x64xf32>
    %slice3A_19 = vector.extract_strided_slice %dot_general3A_12 {offsets = [0, 0], sizes = [512, 64], strides = [1, 1]} : vector<2048x64xf32> to vector<512x64xf32>
    %slice3A_20 = vector.extract_strided_slice %dot_general3A_12 {offsets = [0, 0], sizes = [512, 64], strides = [1, 1]} : vector<2048x64xf32> to vector<512x64xf32>
    %slice3A_21 = vector.extract_strided_slice %dot_general3A_12 {offsets = [0, 0], sizes = [512, 64], strides = [1, 1]} : vector<2048x64xf32> to vector<512x64xf32>
    %slice3A_22 = vector.extract_strided_slice %dot_general3A_12 {offsets = [512, 0], sizes = [512, 64], strides = [1, 1]} : vector<2048x64xf32> to vector<512x64xf32>
    %slice3A_23 = vector.extract_strided_slice %dot_general3A_12 {offsets = [512, 0], sizes = [512, 64], strides = [1, 1]} : vector<2048x64xf32> to vector<512x64xf32>
    %slice3A_24 = vector.extract_strided_slice %dot_general3A_12 {offsets = [512, 0], sizes = [512, 64], strides = [1, 1]} : vector<2048x64xf32> to vector<512x64xf32>
    %slice3A_25 = vector.extract_strided_slice %dot_general3A_12 {offsets = [512, 0], sizes = [512, 64], strides = [1, 1]} : vector<2048x64xf32> to vector<512x64xf32>
    %slice3A_26 = vector.extract_strided_slice %dot_general3A_12 {offsets = [512, 0], sizes = [512, 64], strides = [1, 1]} : vector<2048x64xf32> to vector<512x64xf32>
    %slice3A_27 = vector.extract_strided_slice %dot_general3A_12 {offsets = [512, 0], sizes = [512, 64], strides = [1, 1]} : vector<2048x64xf32> to vector<512x64xf32>
    %slice3A_28 = vector.extract_strided_slice %dot_general3A_12 {offsets = [512, 0], sizes = [512, 64], strides = [1, 1]} : vector<2048x64xf32> to vector<512x64xf32>
    %slice3A_29 = vector.extract_strided_slice %dot_general3A_12 {offsets = [1024, 0], sizes = [512, 64], strides = [1, 1]} : vector<2048x64xf32> to vector<512x64xf32>
    %slice3A_30 = vector.extract_strided_slice %dot_general3A_12 {offsets = [1024, 0], sizes = [512, 64], strides = [1, 1]} : vector<2048x64xf32> to vector<512x64xf32>
    %slice3A_31 = vector.extract_strided_slice %dot_general3A_12 {offsets = [1024, 0], sizes = [512, 64], strides = [1, 1]} : vector<2048x64xf32> to vector<512x64xf32>
    %slice3A_32 = vector.extract_strided_slice %dot_general3A_12 {offsets = [1024, 0], sizes = [512, 64], strides = [1, 1]} : vector<2048x64xf32> to vector<512x64xf32>
    %slice3A_33 = vector.extract_strided_slice %dot_general3A_12 {offsets = [1024, 0], sizes = [512, 64], strides = [1, 1]} : vector<2048x64xf32> to vector<512x64xf32>
    %slice3A_34 = vector.extract_strided_slice %dot_general3A_12 {offsets = [1024, 0], sizes = [512, 64], strides = [1, 1]} : vector<2048x64xf32> to vector<512x64xf32>
    %slice3A_35 = vector.extract_strided_slice %dot_general3A_12 {offsets = [1024, 0], sizes = [512, 64], strides = [1, 1]} : vector<2048x64xf32> to vector<512x64xf32>
    %slice3A_36 = vector.extract_strided_slice %dot_general3A_12 {offsets = [1536, 0], sizes = [512, 64], strides = [1, 1]} : vector<2048x64xf32> to vector<512x64xf32>
    %slice3A_37 = vector.extract_strided_slice %dot_general3A_12 {offsets = [1536, 0], sizes = [512, 64], strides = [1, 1]} : vector<2048x64xf32> to vector<512x64xf32>
    %slice3A_38 = vector.extract_strided_slice %dot_general3A_12 {offsets = [1536, 0], sizes = [512, 64], strides = [1, 1]} : vector<2048x64xf32> to vector<512x64xf32>
    %slice3A_39 = vector.extract_strided_slice %dot_general3A_12 {offsets = [1536, 0], sizes = [512, 64], strides = [1, 1]} : vector<2048x64xf32> to vector<512x64xf32>
    %slice3A_40 = vector.extract_strided_slice %dot_general3A_12 {offsets = [1536, 0], sizes = [512, 64], strides = [1, 1]} : vector<2048x64xf32> to vector<512x64xf32>
    %slice3A_41 = vector.extract_strided_slice %dot_general3A_12 {offsets = [1536, 0], sizes = [512, 64], strides = [1, 1]} : vector<2048x64xf32> to vector<512x64xf32>
    %slice3A_42 = vector.extract_strided_slice %dot_general3A_12 {offsets = [1536, 0], sizes = [512, 64], strides = [1, 1]} : vector<2048x64xf32> to vector<512x64xf32>
    %concatenate3A = tpu.concatenate %slice3A_15, %slice3A_16, %slice3A_17, %slice3A_18, %slice3A_19, %slice3A_20, %slice3A_21, %slice3A_22, %slice3A_23, %slice3A_24, %slice3A_25, %slice3A_26, %slice3A_27, %slice3A_28, %slice3A_29, %slice3A_30, %slice3A_31, %slice3A_32, %slice3A_33, %slice3A_34, %slice3A_35, %slice3A_36, %slice3A_37, %slice3A_38, %slice3A_39, %slice3A_40, %slice3A_41, %slice3A_42 in 0 : vector<512x64xf32>, vector<512x64xf32>, vector<512x64xf32>, vector<512x64xf32>, vector<512x64xf32>, vector<512x64xf32>, vector<512x64xf32>, vector<512x64xf32>, vector<512x64xf32>, vector<512x64xf32>, vector<512x64xf32>, vector<512x64xf32>, vector<512x64xf32>, vector<512x64xf32>, vector<512x64xf32>, vector<512x64xf32>, vector<512x64xf32>, vector<512x64xf32>, vector<512x64xf32>, vector<512x64xf32>, vector<512x64xf32>, vector<512x64xf32>, vector<512x64xf32>, vector<512x64xf32>, vector<512x64xf32>, vector<512x64xf32>, vector<512x64xf32>, vector<512x64xf32> -> vector<14336x64xf32>
    %add3A = arith.addf %dot_general3A_14, %concatenate3A : vector<14336x64xf32>
    %reduce_sum3A = arith.constant dense<0.000000e+00> : vector<64xf32>
    %reduce_sum3A_43 = vector.multi_reduction <add>, %add3A, %reduce_sum3A [0] : vector<14336x64xf32> to vector<64xf32>
    %broadcast_in_dim3A = vector.shape_cast %reduce_sum3A_43 : vector<64xf32> to vector<1x64xf32>
    %mul3A = arith.mulf %add3A, %add3A : vector<14336x64xf32>
    %reduce_sum3A_44 = arith.constant dense<0.000000e+00> : vector<64xf32>
    %reduce_sum3A_45 = vector.multi_reduction <add>, %mul3A, %reduce_sum3A_44 [0] : vector<14336x64xf32> to vector<64xf32>
    %broadcast_in_dim3A_46 = vector.shape_cast %reduce_sum3A_45 : vector<64xf32> to vector<1x64xf32>
    %eq3A = arith.constant 0 : i32
    %eq3A_47 = arith.cmpi eq, %arg0, %eq3A : i32
    %convert_element_type3A = arith.extui %eq3A_47 : i1 to i32
    %cond3A = arith.constant 0 : i32
    %cond3A_48 = arith.cmpi ne, %convert_element_type3A, %cond3A : i32
    scf.if %cond3A_48 {
      %broadcast_in_dim3A_56 = arith.constant 0.000000e+00 : f32
      %broadcast_in_dim3A_57 = vector.broadcast %broadcast_in_dim3A_56 : f32 to vector<8x128xf32>
      %swap3A_58 = arith.constant 0 : index
      %swap3A_59 = arith.constant 0 : index
      %swap3A_60 = vector.load %arg4[%swap3A_58, %swap3A_59] : memref<8x128xf32, #tpu.memory_space<vmem>>, vector<8x128xf32>
      tpu.vector_store %arg4[%swap3A_58, %swap3A_59], %broadcast_in_dim3A_57 {strides = array<i32>} : memref<8x128xf32, #tpu.memory_space<vmem>>, vector<8x128xf32>,
    } else {
    }
    %concatenate3A_49 = tpu.concatenate %broadcast_in_dim3A, %broadcast_in_dim3A_46 in 0 : vector<1x64xf32>, vector<1x64xf32> -> vector<2x64xf32>
    %get3A_50 = arith.constant 0 : index
    %get3A_51 = arith.constant 0 : index
    %get3A_52 = vector.load %arg4[%get3A_50, %get3A_51] : memref<8x128xf32, #tpu.memory_space<vmem>>, vector<2x64xf32>
    %add3A_53 = arith.addf %get3A_52, %concatenate3A_49 : vector<2x64xf32>
    %swap3A = arith.constant 0 : index
    %swap3A_54 = arith.constant 0 : index
    %swap3A_55 = vector.load %arg4[%swap3A, %swap3A_54] : memref<8x128xf32, #tpu.memory_space<vmem>>, vector<2x64xf32>
    tpu.vector_store %arg4[%swap3A, %swap3A_54], %add3A_53 {strides = array<i32>} : memref<8x128xf32, #tpu.memory_space<vmem>>, vector<2x64xf32>,
    return
  }
  func.func @transform_0(%arg0: i32) -> (i32, i32, i32) {
    %c0_i32 = arith.constant 0 : i32
    %c0_i32_0 = arith.constant 0 : i32
    %c0_i32_1 = arith.constant 0 : i32
    return %arg0, %c0_i32, %c0_i32_0 : i32, i32, i32
  }
  func.func @transform_1(%arg0: i32) -> (i32, i32, i32) {
    %c0_i32 = arith.constant 0 : i32
    %c0_i32_0 = arith.constant 0 : i32
    %c0_i32_1 = arith.constant 0 : i32
    return %arg0, %c0_i32, %c0_i32_0 : i32, i32, i32
  }
  func.func @transform_2(%arg0: i32) -> (i32, i32) {
    %c0_i32 = arith.constant 0 : i32
    %c0_i32_0 = arith.constant 0 : i32
    %c0_i32_1 = arith.constant 0 : i32
    return %c0_i32, %c0_i32_0 : i32, i32
  }
  func.func @transform_3(%arg0: i32) -> (i32, i32) {
    %c0_i32 = arith.constant 0 : i32
    %c0_i32_0 = arith.constant 0 : i32
    %c0_i32_1 = arith.constant 0 : i32
    return %c0_i32, %c0_i32_0 : i32, i32
  }
}

module attributes {stable_mosaic.version = 14 : i64} {
  func.func @body(%arg0: i32, %arg1: memref<4x512x32xf32, #tpu.memory_space<vmem>>, %arg2: memref<4x3584x32xf32, #tpu.memory_space<vmem>>, %arg3: memref<64x64xf32, #tpu.memory_space<vmem>>, %arg4: memref<64x64xf32, #tpu.memory_space<vmem>>, %arg5: memref<8x128xf32, #tpu.memory_space<vmem>>, %arg6: memref<1x64xf32, #tpu.memory_space<vmem>>, %arg7: memref<1x64xf32, #tpu.memory_space<vmem>>, %arg8: memref<8x128xf32, #tpu.memory_space<vmem>>) attributes {dimension_semantics = [#tpu.dimension_semantics<arbitrary>], iteration_bounds = array<i64: 32>, scalar_prefetch = 0 : i64, scratch_operands = 0 : i64, tpu.core_type = #tpu.core_type<tc>, window_params = [{transform_indices = @transform_0, window_bounds = array<i64: 4, 512, 32>}, {transform_indices = @transform_1, window_bounds = array<i64: 4, 3584, 32>}, {pipeline_mode = #tpu.pipeline_mode<synchronous>, transform_indices = @transform_2, window_bounds = array<i64: 64, 64>}, {pipeline_mode = #tpu.pipeline_mode<synchronous>, transform_indices = @transform_3, window_bounds = array<i64: 64, 64>}, {pipeline_mode = #tpu.pipeline_mode<synchronous>, transform_indices = @transform_4, window_bounds = array<i64: 8, 128>}, {pipeline_mode = #tpu.pipeline_mode<synchronous>, transform_indices = @transform_5, window_bounds = array<i64: 1, 64>}, {pipeline_mode = #tpu.pipeline_mode<synchronous>, transform_indices = @transform_6, window_bounds = array<i64: 1, 64>}, {pipeline_mode = #tpu.pipeline_mode<synchronous>, transform_indices = @transform_7, window_bounds = array<i64: 8, 128>}]} {
    %get3A = arith.constant 0 : index
    %get3A_0 = arith.constant 0 : index
    %get3A_1 = vector.load %arg5[%get3A, %get3A_0] : memref<8x128xf32, #tpu.memory_space<vmem>>, vector<1x64xf32>
    %get3A_2 = arith.constant 1 : index
    %get3A_3 = arith.constant 0 : index
    %get3A_4 = vector.load %arg5[%get3A_2, %get3A_3] : memref<8x128xf32, #tpu.memory_space<vmem>>, vector<1x64xf32>
    %get3A_5 = arith.constant 0 : index
    %get3A_6 = arith.constant 0 : index
    %get3A_7 = vector.load %arg6[%get3A_5, %get3A_6] : memref<1x64xf32, #tpu.memory_space<vmem>>, vector<1x64xf32>
    %get3A_8 = arith.constant 0 : index
    %get3A_9 = arith.constant 0 : index
    %get3A_10 = vector.load %arg7[%get3A_8, %get3A_9] : memref<1x64xf32, #tpu.memory_space<vmem>>, vector<1x64xf32>
    %div3A = arith.constant 4.587520e+05 : f32
    %div3A_11 = vector.broadcast %div3A : f32 to vector<1x64xf32>
    %div3A_12 = arith.divf %get3A_1, %div3A_11 : vector<1x64xf32>
    %div3A_13 = arith.constant 4.587520e+05 : f32
    %div3A_14 = vector.broadcast %div3A_13 : f32 to vector<1x64xf32>
    %div3A_15 = arith.divf %get3A_4, %div3A_14 : vector<1x64xf32>
    %mul3A = arith.mulf %div3A_12, %div3A_12 : vector<1x64xf32>
    %sub3A = arith.subf %div3A_15, %mul3A : vector<1x64xf32>
    %add3A = arith.constant 9.99999974E-6 : f32
    %add3A_16 = vector.broadcast %add3A : f32 to vector<1x64xf32>
    %add3A_17 = arith.addf %sub3A, %add3A_16 : vector<1x64xf32>
    %rsqrt3A = math.rsqrt %add3A_17 : vector<1x64xf32>
    %mul3A_18 = arith.mulf %get3A_7, %rsqrt3A : vector<1x64xf32>
    %mul3A_19 = arith.mulf %div3A_12, %mul3A_18 : vector<1x64xf32>
    %sub3A_20 = arith.subf %get3A_10, %mul3A_19 : vector<1x64xf32>
    %get3A_21 = arith.constant 0 : index
    %get3A_22 = arith.constant 0 : index
    %get3A_23 = arith.constant 0 : index
    %get3A_24 = vector.load %arg1[%get3A_21, %get3A_22, %get3A_23] : memref<4x512x32xf32, #tpu.memory_space<vmem>>, vector<4x512x32xf32>
    %reshape3A = vector.shape_cast %get3A_24 : vector<4x512x32xf32> to vector<2048x32xf32>
    %get3A_25 = arith.constant 0 : index
    %get3A_26 = arith.constant 0 : index
    %get3A_27 = arith.constant 0 : index
    %get3A_28 = vector.load %arg2[%get3A_25, %get3A_26, %get3A_27] : memref<4x3584x32xf32, #tpu.memory_space<vmem>>, vector<4x3584x32xf32>
    %reshape3A_29 = vector.shape_cast %get3A_28 : vector<4x3584x32xf32> to vector<14336x32xf32>
    %get3A_30 = arith.constant 0 : index
    %get3A_31 = arith.constant 0 : index
    %get3A_32 = vector.load %arg3[%get3A_30, %get3A_31] : memref<64x64xf32, #tpu.memory_space<vmem>>, vector<64x64xf32>
    %slice3A = vector.extract_strided_slice %get3A_32 {offsets = [0, 0], sizes = [64, 32], strides = [1, 1]} : vector<64x64xf32> to vector<64x32xf32>
    %slice3A_33 = vector.extract_strided_slice %get3A_32 {offsets = [0, 32], sizes = [64, 32], strides = [1, 1]} : vector<64x64xf32> to vector<64x32xf32>
    %sub3A_34 = arith.subf %slice3A, %slice3A_33 : vector<64x32xf32>
    %dot_general3A = arith.constant dense<0.000000e+00> : vector<2048x64xf32>
    %dot_general3A_35 = tpu.matmul %reshape3A, %sub3A_34, %dot_general3A {dimension_numbers = #tpu.dot_dimension_numbers<[1], [1], [0], [0], [0, 0, 1, 0], [], []>, transpose_lhs_hint = false} : vector<2048x32xf32>, vector<64x32xf32>, vector<2048x64xf32> -> vector<2048x64xf32>
    %dot_general3A_36 = arith.constant dense<0.000000e+00> : vector<14336x64xf32>
    %dot_general3A_37 = tpu.matmul %reshape3A_29, %slice3A_33, %dot_general3A_36 {dimension_numbers = #tpu.dot_dimension_numbers<[1], [1], [0], [0], [0, 0, 1, 0], [], []>, transpose_lhs_hint = false} : vector<14336x32xf32>, vector<64x32xf32>, vector<14336x64xf32> -> vector<14336x64xf32>
    %slice3A_38 = vector.extract_strided_slice %dot_general3A_35 {offsets = [0, 0], sizes = [512, 64], strides = [1, 1]} : vector<2048x64xf32> to vector<512x64xf32>
    %slice3A_39 = vector.extract_strided_slice %dot_general3A_35 {offsets = [0, 0], sizes = [512, 64], strides = [1, 1]} : vector<2048x64xf32> to vector<512x64xf32>
    %slice3A_40 = vector.extract_strided_slice %dot_general3A_35 {offsets = [0, 0], sizes = [512, 64], strides = [1, 1]} : vector<2048x64xf32> to vector<512x64xf32>
    %slice3A_41 = vector.extract_strided_slice %dot_general3A_35 {offsets = [0, 0], sizes = [512, 64], strides = [1, 1]} : vector<2048x64xf32> to vector<512x64xf32>
    %slice3A_42 = vector.extract_strided_slice %dot_general3A_35 {offsets = [0, 0], sizes = [512, 64], strides = [1, 1]} : vector<2048x64xf32> to vector<512x64xf32>
    %slice3A_43 = vector.extract_strided_slice %dot_general3A_35 {offsets = [0, 0], sizes = [512, 64], strides = [1, 1]} : vector<2048x64xf32> to vector<512x64xf32>
    %slice3A_44 = vector.extract_strided_slice %dot_general3A_35 {offsets = [0, 0], sizes = [512, 64], strides = [1, 1]} : vector<2048x64xf32> to vector<512x64xf32>
    %slice3A_45 = vector.extract_strided_slice %dot_general3A_35 {offsets = [512, 0], sizes = [512, 64], strides = [1, 1]} : vector<2048x64xf32> to vector<512x64xf32>
    %slice3A_46 = vector.extract_strided_slice %dot_general3A_35 {offsets = [512, 0], sizes = [512, 64], strides = [1, 1]} : vector<2048x64xf32> to vector<512x64xf32>
    %slice3A_47 = vector.extract_strided_slice %dot_general3A_35 {offsets = [512, 0], sizes = [512, 64], strides = [1, 1]} : vector<2048x64xf32> to vector<512x64xf32>
    %slice3A_48 = vector.extract_strided_slice %dot_general3A_35 {offsets = [512, 0], sizes = [512, 64], strides = [1, 1]} : vector<2048x64xf32> to vector<512x64xf32>
    %slice3A_49 = vector.extract_strided_slice %dot_general3A_35 {offsets = [512, 0], sizes = [512, 64], strides = [1, 1]} : vector<2048x64xf32> to vector<512x64xf32>
    %slice3A_50 = vector.extract_strided_slice %dot_general3A_35 {offsets = [512, 0], sizes = [512, 64], strides = [1, 1]} : vector<2048x64xf32> to vector<512x64xf32>
    %slice3A_51 = vector.extract_strided_slice %dot_general3A_35 {offsets = [512, 0], sizes = [512, 64], strides = [1, 1]} : vector<2048x64xf32> to vector<512x64xf32>
    %slice3A_52 = vector.extract_strided_slice %dot_general3A_35 {offsets = [1024, 0], sizes = [512, 64], strides = [1, 1]} : vector<2048x64xf32> to vector<512x64xf32>
    %slice3A_53 = vector.extract_strided_slice %dot_general3A_35 {offsets = [1024, 0], sizes = [512, 64], strides = [1, 1]} : vector<2048x64xf32> to vector<512x64xf32>
    %slice3A_54 = vector.extract_strided_slice %dot_general3A_35 {offsets = [1024, 0], sizes = [512, 64], strides = [1, 1]} : vector<2048x64xf32> to vector<512x64xf32>
    %slice3A_55 = vector.extract_strided_slice %dot_general3A_35 {offsets = [1024, 0], sizes = [512, 64], strides = [1, 1]} : vector<2048x64xf32> to vector<512x64xf32>
    %slice3A_56 = vector.extract_strided_slice %dot_general3A_35 {offsets = [1024, 0], sizes = [512, 64], strides = [1, 1]} : vector<2048x64xf32> to vector<512x64xf32>
    %slice3A_57 = vector.extract_strided_slice %dot_general3A_35 {offsets = [1024, 0], sizes = [512, 64], strides = [1, 1]} : vector<2048x64xf32> to vector<512x64xf32>
    %slice3A_58 = vector.extract_strided_slice %dot_general3A_35 {offsets = [1024, 0], sizes = [512, 64], strides = [1, 1]} : vector<2048x64xf32> to vector<512x64xf32>
    %slice3A_59 = vector.extract_strided_slice %dot_general3A_35 {offsets = [1536, 0], sizes = [512, 64], strides = [1, 1]} : vector<2048x64xf32> to vector<512x64xf32>
    %slice3A_60 = vector.extract_strided_slice %dot_general3A_35 {offsets = [1536, 0], sizes = [512, 64], strides = [1, 1]} : vector<2048x64xf32> to vector<512x64xf32>
    %slice3A_61 = vector.extract_strided_slice %dot_general3A_35 {offsets = [1536, 0], sizes = [512, 64], strides = [1, 1]} : vector<2048x64xf32> to vector<512x64xf32>
    %slice3A_62 = vector.extract_strided_slice %dot_general3A_35 {offsets = [1536, 0], sizes = [512, 64], strides = [1, 1]} : vector<2048x64xf32> to vector<512x64xf32>
    %slice3A_63 = vector.extract_strided_slice %dot_general3A_35 {offsets = [1536, 0], sizes = [512, 64], strides = [1, 1]} : vector<2048x64xf32> to vector<512x64xf32>
    %slice3A_64 = vector.extract_strided_slice %dot_general3A_35 {offsets = [1536, 0], sizes = [512, 64], strides = [1, 1]} : vector<2048x64xf32> to vector<512x64xf32>
    %slice3A_65 = vector.extract_strided_slice %dot_general3A_35 {offsets = [1536, 0], sizes = [512, 64], strides = [1, 1]} : vector<2048x64xf32> to vector<512x64xf32>
    %concatenate3A = tpu.concatenate %slice3A_38, %slice3A_39, %slice3A_40, %slice3A_41, %slice3A_42, %slice3A_43, %slice3A_44, %slice3A_45, %slice3A_46, %slice3A_47, %slice3A_48, %slice3A_49, %slice3A_50, %slice3A_51, %slice3A_52, %slice3A_53, %slice3A_54, %slice3A_55, %slice3A_56, %slice3A_57, %slice3A_58, %slice3A_59, %slice3A_60, %slice3A_61, %slice3A_62, %slice3A_63, %slice3A_64, %slice3A_65 in 0 : vector<512x64xf32>, vector<512x64xf32>, vector<512x64xf32>, vector<512x64xf32>, vector<512x64xf32>, vector<512x64xf32>, vector<512x64xf32>, vector<512x64xf32>, vector<512x64xf32>, vector<512x64xf32>, vector<512x64xf32>, vector<512x64xf32>, vector<512x64xf32>, vector<512x64xf32>, vector<512x64xf32>, vector<512x64xf32>, vector<512x64xf32>, vector<512x64xf32>, vector<512x64xf32>, vector<512x64xf32>, vector<512x64xf32>, vector<512x64xf32>, vector<512x64xf32>, vector<512x64xf32>, vector<512x64xf32>, vector<512x64xf32>, vector<512x64xf32>, vector<512x64xf32> -> vector<14336x64xf32>
    %add3A_66 = arith.addf %dot_general3A_37, %concatenate3A : vector<14336x64xf32>
    %mul3A_67 = vector.broadcast %mul3A_18 : vector<1x64xf32> to vector<14336x64xf32>
    %mul3A_68 = arith.mulf %add3A_66, %mul3A_67 : vector<14336x64xf32>
    %add3A_69 = vector.broadcast %sub3A_20 : vector<1x64xf32> to vector<14336x64xf32>
    %add3A_70 = arith.addf %mul3A_68, %add3A_69 : vector<14336x64xf32>
    %max3A = arith.constant 0.000000e+00 : f32
    %max3A_71 = vector.broadcast %max3A : f32 to vector<14336x64xf32>
    %max3A_72 = arith.maximumf %add3A_70, %max3A_71 : vector<14336x64xf32>
    %get3A_73 = arith.constant 0 : index
    %get3A_74 = arith.constant 0 : index
    %get3A_75 = vector.load %arg4[%get3A_73, %get3A_74] : memref<64x64xf32, #tpu.memory_space<vmem>>, vector<64x64xf32>
    %dot_general3A_76 = arith.constant dense<0.000000e+00> : vector<14336x64xf32>
    %dot_general3A_77 = tpu.matmul %max3A_72, %get3A_75, %dot_general3A_76 {dimension_numbers = #tpu.dot_dimension_numbers<[1], [1], [0], [0], [0, 0, 1, 0], [], []>, transpose_lhs_hint = false} : vector<14336x64xf32>, vector<64x64xf32>, vector<14336x64xf32> -> vector<14336x64xf32>
    %reduce_sum3A = arith.constant dense<0.000000e+00> : vector<64xf32>
    %reduce_sum3A_78 = vector.multi_reduction <add>, %dot_general3A_77, %reduce_sum3A [0] : vector<14336x64xf32> to vector<64xf32>
    %broadcast_in_dim3A = vector.shape_cast %reduce_sum3A_78 : vector<64xf32> to vector<1x64xf32>
    %mul3A_79 = arith.mulf %dot_general3A_77, %dot_general3A_77 : vector<14336x64xf32>
    %reduce_sum3A_80 = arith.constant dense<0.000000e+00> : vector<64xf32>
    %reduce_sum3A_81 = vector.multi_reduction <add>, %mul3A_79, %reduce_sum3A_80 [0] : vector<14336x64xf32> to vector<64xf32>
    %broadcast_in_dim3A_82 = vector.shape_cast %reduce_sum3A_81 : vector<64xf32> to vector<1x64xf32>
    %eq3A = arith.constant 0 : i32
    %eq3A_83 = arith.cmpi eq, %arg0, %eq3A : i32
    %convert_element_type3A = arith.extui %eq3A_83 : i1 to i32
    %cond3A = arith.constant 0 : i32
    %cond3A_84 = arith.cmpi ne, %convert_element_type3A, %cond3A : i32
    scf.if %cond3A_84 {
      %broadcast_in_dim3A_92 = arith.constant 0.000000e+00 : f32
      %broadcast_in_dim3A_93 = vector.broadcast %broadcast_in_dim3A_92 : f32 to vector<8x128xf32>
      %swap3A_94 = arith.constant 0 : index
      %swap3A_95 = arith.constant 0 : index
      %swap3A_96 = vector.load %arg8[%swap3A_94, %swap3A_95] : memref<8x128xf32, #tpu.memory_space<vmem>>, vector<8x128xf32>
      tpu.vector_store %arg8[%swap3A_94, %swap3A_95], %broadcast_in_dim3A_93 {strides = array<i32>} : memref<8x128xf32, #tpu.memory_space<vmem>>, vector<8x128xf32>,
    } else {
    }
    %concatenate3A_85 = tpu.concatenate %broadcast_in_dim3A, %broadcast_in_dim3A_82 in 0 : vector<1x64xf32>, vector<1x64xf32> -> vector<2x64xf32>
    %get3A_86 = arith.constant 0 : index
    %get3A_87 = arith.constant 0 : index
    %get3A_88 = vector.load %arg8[%get3A_86, %get3A_87] : memref<8x128xf32, #tpu.memory_space<vmem>>, vector<2x64xf32>
    %add3A_89 = arith.addf %get3A_88, %concatenate3A_85 : vector<2x64xf32>
    %swap3A = arith.constant 0 : index
    %swap3A_90 = arith.constant 0 : index
    %swap3A_91 = vector.load %arg8[%swap3A, %swap3A_90] : memref<8x128xf32, #tpu.memory_space<vmem>>, vector<2x64xf32>
    tpu.vector_store %arg8[%swap3A, %swap3A_90], %add3A_89 {strides = array<i32>} : memref<8x128xf32, #tpu.memory_space<vmem>>, vector<2x64xf32>,
    return
  }
  func.func @transform_0(%arg0: i32) -> (i32, i32, i32) {
    %c0_i32 = arith.constant 0 : i32
    %c0_i32_0 = arith.constant 0 : i32
    %c0_i32_1 = arith.constant 0 : i32
    return %arg0, %c0_i32, %c0_i32_0 : i32, i32, i32
  }
  func.func @transform_1(%arg0: i32) -> (i32, i32, i32) {
    %c0_i32 = arith.constant 0 : i32
    %c0_i32_0 = arith.constant 0 : i32
    %c0_i32_1 = arith.constant 0 : i32
    return %arg0, %c0_i32, %c0_i32_0 : i32, i32, i32
  }
  func.func @transform_2(%arg0: i32) -> (i32, i32) {
    %c0_i32 = arith.constant 0 : i32
    %c0_i32_0 = arith.constant 0 : i32
    %c0_i32_1 = arith.constant 0 : i32
    return %c0_i32, %c0_i32_0 : i32, i32
  }
  func.func @transform_3(%arg0: i32) -> (i32, i32) {
    %c0_i32 = arith.constant 0 : i32
    %c0_i32_0 = arith.constant 0 : i32
    %c0_i32_1 = arith.constant 0 : i32
    return %c0_i32, %c0_i32_0 : i32, i32
  }
  func.func @transform_4(%arg0: i32) -> (i32, i32) {
    %c0_i32 = arith.constant 0 : i32
    %c0_i32_0 = arith.constant 0 : i32
    %c0_i32_1 = arith.constant 0 : i32
    return %c0_i32, %c0_i32_0 : i32, i32
  }
  func.func @transform_5(%arg0: i32) -> (i32, i32) {
    %c0_i32 = arith.constant 0 : i32
    %c0_i32_0 = arith.constant 0 : i32
    %c0_i32_1 = arith.constant 0 : i32
    return %c0_i32, %c0_i32_0 : i32, i32
  }
  func.func @transform_6(%arg0: i32) -> (i32, i32) {
    %c0_i32 = arith.constant 0 : i32
    %c0_i32_0 = arith.constant 0 : i32
    %c0_i32_1 = arith.constant 0 : i32
    return %c0_i32, %c0_i32_0 : i32, i32
  }
  func.func @transform_7(%arg0: i32) -> (i32, i32) {
    %c0_i32 = arith.constant 0 : i32
    %c0_i32_0 = arith.constant 0 : i32
    %c0_i32_1 = arith.constant 0 : i32
    return %c0_i32, %c0_i32_0 : i32, i32
  }
}

module attributes {stable_mosaic.version = 14 : i64} {
  func.func @body(%arg0: i32, %arg1: memref<4x512x32xf32, #tpu.memory_space<vmem>>, %arg2: memref<4x3584x32xf32, #tpu.memory_space<vmem>>, %arg3: memref<64x64xf32, #tpu.memory_space<vmem>>, %arg4: memref<64x64xf32, #tpu.memory_space<vmem>>, %arg5: memref<64x64xf32, #tpu.memory_space<vmem>>, %arg6: memref<8x128xf32, #tpu.memory_space<vmem>>, %arg7: memref<1x64xf32, #tpu.memory_space<vmem>>, %arg8: memref<1x64xf32, #tpu.memory_space<vmem>>, %arg9: memref<8x128xf32, #tpu.memory_space<vmem>>, %arg10: memref<1x64xf32, #tpu.memory_space<vmem>>, %arg11: memref<1x64xf32, #tpu.memory_space<vmem>>, %arg12: memref<8x128xf32, #tpu.memory_space<vmem>>) attributes {dimension_semantics = [#tpu.dimension_semantics<arbitrary>], iteration_bounds = array<i64: 32>, scalar_prefetch = 0 : i64, scratch_operands = 0 : i64, tpu.core_type = #tpu.core_type<tc>, window_params = [{transform_indices = @transform_0, window_bounds = array<i64: 4, 512, 32>}, {transform_indices = @transform_1, window_bounds = array<i64: 4, 3584, 32>}, {pipeline_mode = #tpu.pipeline_mode<synchronous>, transform_indices = @transform_2, window_bounds = array<i64: 64, 64>}, {pipeline_mode = #tpu.pipeline_mode<synchronous>, transform_indices = @transform_3, window_bounds = array<i64: 64, 64>}, {pipeline_mode = #tpu.pipeline_mode<synchronous>, transform_indices = @transform_4, window_bounds = array<i64: 64, 64>}, {pipeline_mode = #tpu.pipeline_mode<synchronous>, transform_indices = @transform_5, window_bounds = array<i64: 8, 128>}, {pipeline_mode = #tpu.pipeline_mode<synchronous>, transform_indices = @transform_6, window_bounds = array<i64: 1, 64>}, {pipeline_mode = #tpu.pipeline_mode<synchronous>, transform_indices = @transform_7, window_bounds = array<i64: 1, 64>}, {pipeline_mode = #tpu.pipeline_mode<synchronous>, transform_indices = @transform_8, window_bounds = array<i64: 8, 128>}, {pipeline_mode = #tpu.pipeline_mode<synchronous>, transform_indices = @transform_9, window_bounds = array<i64: 1, 64>}, {pipeline_mode = #tpu.pipeline_mode<synchronous>, transform_indices = @transform_10, window_bounds = array<i64: 1, 64>}, {pipeline_mode = #tpu.pipeline_mode<synchronous>, transform_indices = @transform_11, window_bounds = array<i64: 8, 128>}]} {
    %get3A = arith.constant 0 : index
    %get3A_0 = arith.constant 0 : index
    %get3A_1 = vector.load %arg6[%get3A, %get3A_0] : memref<8x128xf32, #tpu.memory_space<vmem>>, vector<1x64xf32>
    %get3A_2 = arith.constant 1 : index
    %get3A_3 = arith.constant 0 : index
    %get3A_4 = vector.load %arg6[%get3A_2, %get3A_3] : memref<8x128xf32, #tpu.memory_space<vmem>>, vector<1x64xf32>
    %get3A_5 = arith.constant 0 : index
    %get3A_6 = arith.constant 0 : index
    %get3A_7 = vector.load %arg7[%get3A_5, %get3A_6] : memref<1x64xf32, #tpu.memory_space<vmem>>, vector<1x64xf32>
    %get3A_8 = arith.constant 0 : index
    %get3A_9 = arith.constant 0 : index
    %get3A_10 = vector.load %arg8[%get3A_8, %get3A_9] : memref<1x64xf32, #tpu.memory_space<vmem>>, vector<1x64xf32>
    %div3A = arith.constant 4.587520e+05 : f32
    %div3A_11 = vector.broadcast %div3A : f32 to vector<1x64xf32>
    %div3A_12 = arith.divf %get3A_1, %div3A_11 : vector<1x64xf32>
    %div3A_13 = arith.constant 4.587520e+05 : f32
    %div3A_14 = vector.broadcast %div3A_13 : f32 to vector<1x64xf32>
    %div3A_15 = arith.divf %get3A_4, %div3A_14 : vector<1x64xf32>
    %mul3A = arith.mulf %div3A_12, %div3A_12 : vector<1x64xf32>
    %sub3A = arith.subf %div3A_15, %mul3A : vector<1x64xf32>
    %add3A = arith.constant 9.99999974E-6 : f32
    %add3A_16 = vector.broadcast %add3A : f32 to vector<1x64xf32>
    %add3A_17 = arith.addf %sub3A, %add3A_16 : vector<1x64xf32>
    %rsqrt3A = math.rsqrt %add3A_17 : vector<1x64xf32>
    %mul3A_18 = arith.mulf %get3A_7, %rsqrt3A : vector<1x64xf32>
    %mul3A_19 = arith.mulf %div3A_12, %mul3A_18 : vector<1x64xf32>
    %sub3A_20 = arith.subf %get3A_10, %mul3A_19 : vector<1x64xf32>
    %get3A_21 = arith.constant 0 : index
    %get3A_22 = arith.constant 0 : index
    %get3A_23 = vector.load %arg9[%get3A_21, %get3A_22] : memref<8x128xf32, #tpu.memory_space<vmem>>, vector<1x64xf32>
    %get3A_24 = arith.constant 1 : index
    %get3A_25 = arith.constant 0 : index
    %get3A_26 = vector.load %arg9[%get3A_24, %get3A_25] : memref<8x128xf32, #tpu.memory_space<vmem>>, vector<1x64xf32>
    %get3A_27 = arith.constant 0 : index
    %get3A_28 = arith.constant 0 : index
    %get3A_29 = vector.load %arg10[%get3A_27, %get3A_28] : memref<1x64xf32, #tpu.memory_space<vmem>>, vector<1x64xf32>
    %get3A_30 = arith.constant 0 : index
    %get3A_31 = arith.constant 0 : index
    %get3A_32 = vector.load %arg11[%get3A_30, %get3A_31] : memref<1x64xf32, #tpu.memory_space<vmem>>, vector<1x64xf32>
    %div3A_33 = arith.constant 4.587520e+05 : f32
    %div3A_34 = vector.broadcast %div3A_33 : f32 to vector<1x64xf32>
    %div3A_35 = arith.divf %get3A_23, %div3A_34 : vector<1x64xf32>
    %div3A_36 = arith.constant 4.587520e+05 : f32
    %div3A_37 = vector.broadcast %div3A_36 : f32 to vector<1x64xf32>
    %div3A_38 = arith.divf %get3A_26, %div3A_37 : vector<1x64xf32>
    %mul3A_39 = arith.mulf %div3A_35, %div3A_35 : vector<1x64xf32>
    %sub3A_40 = arith.subf %div3A_38, %mul3A_39 : vector<1x64xf32>
    %add3A_41 = arith.constant 9.99999974E-6 : f32
    %add3A_42 = vector.broadcast %add3A_41 : f32 to vector<1x64xf32>
    %add3A_43 = arith.addf %sub3A_40, %add3A_42 : vector<1x64xf32>
    %rsqrt3A_44 = math.rsqrt %add3A_43 : vector<1x64xf32>
    %mul3A_45 = arith.mulf %get3A_29, %rsqrt3A_44 : vector<1x64xf32>
    %mul3A_46 = arith.mulf %div3A_35, %mul3A_45 : vector<1x64xf32>
    %sub3A_47 = arith.subf %get3A_32, %mul3A_46 : vector<1x64xf32>
    %get3A_48 = arith.constant 0 : index
    %get3A_49 = arith.constant 0 : index
    %get3A_50 = arith.constant 0 : index
    %get3A_51 = vector.load %arg1[%get3A_48, %get3A_49, %get3A_50] : memref<4x512x32xf32, #tpu.memory_space<vmem>>, vector<4x512x32xf32>
    %reshape3A = vector.shape_cast %get3A_51 : vector<4x512x32xf32> to vector<2048x32xf32>
    %get3A_52 = arith.constant 0 : index
    %get3A_53 = arith.constant 0 : index
    %get3A_54 = arith.constant 0 : index
    %get3A_55 = vector.load %arg2[%get3A_52, %get3A_53, %get3A_54] : memref<4x3584x32xf32, #tpu.memory_space<vmem>>, vector<4x3584x32xf32>
    %reshape3A_56 = vector.shape_cast %get3A_55 : vector<4x3584x32xf32> to vector<14336x32xf32>
    %get3A_57 = arith.constant 0 : index
    %get3A_58 = arith.constant 0 : index
    %get3A_59 = vector.load %arg3[%get3A_57, %get3A_58] : memref<64x64xf32, #tpu.memory_space<vmem>>, vector<64x64xf32>
    %slice3A = vector.extract_strided_slice %get3A_59 {offsets = [0, 0], sizes = [64, 32], strides = [1, 1]} : vector<64x64xf32> to vector<64x32xf32>
    %slice3A_60 = vector.extract_strided_slice %get3A_59 {offsets = [0, 32], sizes = [64, 32], strides = [1, 1]} : vector<64x64xf32> to vector<64x32xf32>
    %sub3A_61 = arith.subf %slice3A, %slice3A_60 : vector<64x32xf32>
    %dot_general3A = arith.constant dense<0.000000e+00> : vector<2048x64xf32>
    %dot_general3A_62 = tpu.matmul %reshape3A, %sub3A_61, %dot_general3A {dimension_numbers = #tpu.dot_dimension_numbers<[1], [1], [0], [0], [0, 0, 1, 0], [], []>, transpose_lhs_hint = false} : vector<2048x32xf32>, vector<64x32xf32>, vector<2048x64xf32> -> vector<2048x64xf32>
    %dot_general3A_63 = arith.constant dense<0.000000e+00> : vector<14336x64xf32>
    %dot_general3A_64 = tpu.matmul %reshape3A_56, %slice3A_60, %dot_general3A_63 {dimension_numbers = #tpu.dot_dimension_numbers<[1], [1], [0], [0], [0, 0, 1, 0], [], []>, transpose_lhs_hint = false} : vector<14336x32xf32>, vector<64x32xf32>, vector<14336x64xf32> -> vector<14336x64xf32>
    %slice3A_65 = vector.extract_strided_slice %dot_general3A_62 {offsets = [0, 0], sizes = [512, 64], strides = [1, 1]} : vector<2048x64xf32> to vector<512x64xf32>
    %slice3A_66 = vector.extract_strided_slice %dot_general3A_62 {offsets = [0, 0], sizes = [512, 64], strides = [1, 1]} : vector<2048x64xf32> to vector<512x64xf32>
    %slice3A_67 = vector.extract_strided_slice %dot_general3A_62 {offsets = [0, 0], sizes = [512, 64], strides = [1, 1]} : vector<2048x64xf32> to vector<512x64xf32>
    %slice3A_68 = vector.extract_strided_slice %dot_general3A_62 {offsets = [0, 0], sizes = [512, 64], strides = [1, 1]} : vector<2048x64xf32> to vector<512x64xf32>
    %slice3A_69 = vector.extract_strided_slice %dot_general3A_62 {offsets = [0, 0], sizes = [512, 64], strides = [1, 1]} : vector<2048x64xf32> to vector<512x64xf32>
    %slice3A_70 = vector.extract_strided_slice %dot_general3A_62 {offsets = [0, 0], sizes = [512, 64], strides = [1, 1]} : vector<2048x64xf32> to vector<512x64xf32>
    %slice3A_71 = vector.extract_strided_slice %dot_general3A_62 {offsets = [0, 0], sizes = [512, 64], strides = [1, 1]} : vector<2048x64xf32> to vector<512x64xf32>
    %slice3A_72 = vector.extract_strided_slice %dot_general3A_62 {offsets = [512, 0], sizes = [512, 64], strides = [1, 1]} : vector<2048x64xf32> to vector<512x64xf32>
    %slice3A_73 = vector.extract_strided_slice %dot_general3A_62 {offsets = [512, 0], sizes = [512, 64], strides = [1, 1]} : vector<2048x64xf32> to vector<512x64xf32>
    %slice3A_74 = vector.extract_strided_slice %dot_general3A_62 {offsets = [512, 0], sizes = [512, 64], strides = [1, 1]} : vector<2048x64xf32> to vector<512x64xf32>
    %slice3A_75 = vector.extract_strided_slice %dot_general3A_62 {offsets = [512, 0], sizes = [512, 64], strides = [1, 1]} : vector<2048x64xf32> to vector<512x64xf32>
    %slice3A_76 = vector.extract_strided_slice %dot_general3A_62 {offsets = [512, 0], sizes = [512, 64], strides = [1, 1]} : vector<2048x64xf32> to vector<512x64xf32>
    %slice3A_77 = vector.extract_strided_slice %dot_general3A_62 {offsets = [512, 0], sizes = [512, 64], strides = [1, 1]} : vector<2048x64xf32> to vector<512x64xf32>
    %slice3A_78 = vector.extract_strided_slice %dot_general3A_62 {offsets = [512, 0], sizes = [512, 64], strides = [1, 1]} : vector<2048x64xf32> to vector<512x64xf32>
    %slice3A_79 = vector.extract_strided_slice %dot_general3A_62 {offsets = [1024, 0], sizes = [512, 64], strides = [1, 1]} : vector<2048x64xf32> to vector<512x64xf32>
    %slice3A_80 = vector.extract_strided_slice %dot_general3A_62 {offsets = [1024, 0], sizes = [512, 64], strides = [1, 1]} : vector<2048x64xf32> to vector<512x64xf32>
    %slice3A_81 = vector.extract_strided_slice %dot_general3A_62 {offsets = [1024, 0], sizes = [512, 64], strides = [1, 1]} : vector<2048x64xf32> to vector<512x64xf32>
    %slice3A_82 = vector.extract_strided_slice %dot_general3A_62 {offsets = [1024, 0], sizes = [512, 64], strides = [1, 1]} : vector<2048x64xf32> to vector<512x64xf32>
    %slice3A_83 = vector.extract_strided_slice %dot_general3A_62 {offsets = [1024, 0], sizes = [512, 64], strides = [1, 1]} : vector<2048x64xf32> to vector<512x64xf32>
    %slice3A_84 = vector.extract_strided_slice %dot_general3A_62 {offsets = [1024, 0], sizes = [512, 64], strides = [1, 1]} : vector<2048x64xf32> to vector<512x64xf32>
    %slice3A_85 = vector.extract_strided_slice %dot_general3A_62 {offsets = [1024, 0], sizes = [512, 64], strides = [1, 1]} : vector<2048x64xf32> to vector<512x64xf32>
    %slice3A_86 = vector.extract_strided_slice %dot_general3A_62 {offsets = [1536, 0], sizes = [512, 64], strides = [1, 1]} : vector<2048x64xf32> to vector<512x64xf32>
    %slice3A_87 = vector.extract_strided_slice %dot_general3A_62 {offsets = [1536, 0], sizes = [512, 64], strides = [1, 1]} : vector<2048x64xf32> to vector<512x64xf32>
    %slice3A_88 = vector.extract_strided_slice %dot_general3A_62 {offsets = [1536, 0], sizes = [512, 64], strides = [1, 1]} : vector<2048x64xf32> to vector<512x64xf32>
    %slice3A_89 = vector.extract_strided_slice %dot_general3A_62 {offsets = [1536, 0], sizes = [512, 64], strides = [1, 1]} : vector<2048x64xf32> to vector<512x64xf32>
    %slice3A_90 = vector.extract_strided_slice %dot_general3A_62 {offsets = [1536, 0], sizes = [512, 64], strides = [1, 1]} : vector<2048x64xf32> to vector<512x64xf32>
    %slice3A_91 = vector.extract_strided_slice %dot_general3A_62 {offsets = [1536, 0], sizes = [512, 64], strides = [1, 1]} : vector<2048x64xf32> to vector<512x64xf32>
    %slice3A_92 = vector.extract_strided_slice %dot_general3A_62 {offsets = [1536, 0], sizes = [512, 64], strides = [1, 1]} : vector<2048x64xf32> to vector<512x64xf32>
    %concatenate3A = tpu.concatenate %slice3A_65, %slice3A_66, %slice3A_67, %slice3A_68, %slice3A_69, %slice3A_70, %slice3A_71, %slice3A_72, %slice3A_73, %slice3A_74, %slice3A_75, %slice3A_76, %slice3A_77, %slice3A_78, %slice3A_79, %slice3A_80, %slice3A_81, %slice3A_82, %slice3A_83, %slice3A_84, %slice3A_85, %slice3A_86, %slice3A_87, %slice3A_88, %slice3A_89, %slice3A_90, %slice3A_91, %slice3A_92 in 0 : vector<512x64xf32>, vector<512x64xf32>, vector<512x64xf32>, vector<512x64xf32>, vector<512x64xf32>, vector<512x64xf32>, vector<512x64xf32>, vector<512x64xf32>, vector<512x64xf32>, vector<512x64xf32>, vector<512x64xf32>, vector<512x64xf32>, vector<512x64xf32>, vector<512x64xf32>, vector<512x64xf32>, vector<512x64xf32>, vector<512x64xf32>, vector<512x64xf32>, vector<512x64xf32>, vector<512x64xf32>, vector<512x64xf32>, vector<512x64xf32>, vector<512x64xf32>, vector<512x64xf32>, vector<512x64xf32>, vector<512x64xf32>, vector<512x64xf32>, vector<512x64xf32> -> vector<14336x64xf32>
    %add3A_93 = arith.addf %dot_general3A_64, %concatenate3A : vector<14336x64xf32>
    %mul3A_94 = vector.broadcast %mul3A_18 : vector<1x64xf32> to vector<14336x64xf32>
    %mul3A_95 = arith.mulf %add3A_93, %mul3A_94 : vector<14336x64xf32>
    %add3A_96 = vector.broadcast %sub3A_20 : vector<1x64xf32> to vector<14336x64xf32>
    %add3A_97 = arith.addf %mul3A_95, %add3A_96 : vector<14336x64xf32>
    %max3A = arith.constant 0.000000e+00 : f32
    %max3A_98 = vector.broadcast %max3A : f32 to vector<14336x64xf32>
    %max3A_99 = arith.maximumf %add3A_97, %max3A_98 : vector<14336x64xf32>
    %get3A_100 = arith.constant 0 : index
    %get3A_101 = arith.constant 0 : index
    %get3A_102 = vector.load %arg4[%get3A_100, %get3A_101] : memref<64x64xf32, #tpu.memory_space<vmem>>, vector<64x64xf32>
    %dot_general3A_103 = arith.constant dense<0.000000e+00> : vector<14336x64xf32>
    %dot_general3A_104 = tpu.matmul %max3A_99, %get3A_102, %dot_general3A_103 {dimension_numbers = #tpu.dot_dimension_numbers<[1], [1], [0], [0], [0, 0, 1, 0], [], []>, transpose_lhs_hint = false} : vector<14336x64xf32>, vector<64x64xf32>, vector<14336x64xf32> -> vector<14336x64xf32>
    %mul3A_105 = vector.broadcast %mul3A_45 : vector<1x64xf32> to vector<14336x64xf32>
    %mul3A_106 = arith.mulf %dot_general3A_104, %mul3A_105 : vector<14336x64xf32>
    %add3A_107 = vector.broadcast %sub3A_47 : vector<1x64xf32> to vector<14336x64xf32>
    %add3A_108 = arith.addf %mul3A_106, %add3A_107 : vector<14336x64xf32>
    %max3A_109 = arith.constant 0.000000e+00 : f32
    %max3A_110 = vector.broadcast %max3A_109 : f32 to vector<14336x64xf32>
    %max3A_111 = arith.maximumf %add3A_108, %max3A_110 : vector<14336x64xf32>
    %get3A_112 = arith.constant 0 : index
    %get3A_113 = arith.constant 0 : index
    %get3A_114 = vector.load %arg5[%get3A_112, %get3A_113] : memref<64x64xf32, #tpu.memory_space<vmem>>, vector<64x64xf32>
    %dot_general3A_115 = arith.constant dense<0.000000e+00> : vector<14336x64xf32>
    %dot_general3A_116 = tpu.matmul %max3A_111, %get3A_114, %dot_general3A_115 {dimension_numbers = #tpu.dot_dimension_numbers<[1], [1], [0], [0], [0, 0, 1, 0], [], []>, transpose_lhs_hint = false} : vector<14336x64xf32>, vector<64x64xf32>, vector<14336x64xf32> -> vector<14336x64xf32>
    %reduce_sum3A = arith.constant dense<0.000000e+00> : vector<64xf32>
    %reduce_sum3A_117 = vector.multi_reduction <add>, %dot_general3A_116, %reduce_sum3A [0] : vector<14336x64xf32> to vector<64xf32>
    %broadcast_in_dim3A = vector.shape_cast %reduce_sum3A_117 : vector<64xf32> to vector<1x64xf32>
    %mul3A_118 = arith.mulf %dot_general3A_116, %dot_general3A_116 : vector<14336x64xf32>
    %reduce_sum3A_119 = arith.constant dense<0.000000e+00> : vector<64xf32>
    %reduce_sum3A_120 = vector.multi_reduction <add>, %mul3A_118, %reduce_sum3A_119 [0] : vector<14336x64xf32> to vector<64xf32>
    %broadcast_in_dim3A_121 = vector.shape_cast %reduce_sum3A_120 : vector<64xf32> to vector<1x64xf32>
    %eq3A = arith.constant 0 : i32
    %eq3A_122 = arith.cmpi eq, %arg0, %eq3A : i32
    %convert_element_type3A = arith.extui %eq3A_122 : i1 to i32
    %cond3A = arith.constant 0 : i32
    %cond3A_123 = arith.cmpi ne, %convert_element_type3A, %cond3A : i32
    scf.if %cond3A_123 {
      %broadcast_in_dim3A_131 = arith.constant 0.000000e+00 : f32
      %broadcast_in_dim3A_132 = vector.broadcast %broadcast_in_dim3A_131 : f32 to vector<8x128xf32>
      %swap3A_133 = arith.constant 0 : index
      %swap3A_134 = arith.constant 0 : index
      %swap3A_135 = vector.load %arg12[%swap3A_133, %swap3A_134] : memref<8x128xf32, #tpu.memory_space<vmem>>, vector<8x128xf32>
      tpu.vector_store %arg12[%swap3A_133, %swap3A_134], %broadcast_in_dim3A_132 {strides = array<i32>} : memref<8x128xf32, #tpu.memory_space<vmem>>, vector<8x128xf32>,
    } else {
    }
    %concatenate3A_124 = tpu.concatenate %broadcast_in_dim3A, %broadcast_in_dim3A_121 in 0 : vector<1x64xf32>, vector<1x64xf32> -> vector<2x64xf32>
    %get3A_125 = arith.constant 0 : index
    %get3A_126 = arith.constant 0 : index
    %get3A_127 = vector.load %arg12[%get3A_125, %get3A_126] : memref<8x128xf32, #tpu.memory_space<vmem>>, vector<2x64xf32>
    %add3A_128 = arith.addf %get3A_127, %concatenate3A_124 : vector<2x64xf32>
    %swap3A = arith.constant 0 : index
    %swap3A_129 = arith.constant 0 : index
    %swap3A_130 = vector.load %arg12[%swap3A, %swap3A_129] : memref<8x128xf32, #tpu.memory_space<vmem>>, vector<2x64xf32>
    tpu.vector_store %arg12[%swap3A, %swap3A_129], %add3A_128 {strides = array<i32>} : memref<8x128xf32, #tpu.memory_space<vmem>>, vector<2x64xf32>,
    return
  }
  func.func @transform_0(%arg0: i32) -> (i32, i32, i32) {
    %c0_i32 = arith.constant 0 : i32
    %c0_i32_0 = arith.constant 0 : i32
    %c0_i32_1 = arith.constant 0 : i32
    return %arg0, %c0_i32, %c0_i32_0 : i32, i32, i32
  }
  func.func @transform_1(%arg0: i32) -> (i32, i32, i32) {
    %c0_i32 = arith.constant 0 : i32
    %c0_i32_0 = arith.constant 0 : i32
    %c0_i32_1 = arith.constant 0 : i32
    return %arg0, %c0_i32, %c0_i32_0 : i32, i32, i32
  }
  func.func @transform_2(%arg0: i32) -> (i32, i32) {
    %c0_i32 = arith.constant 0 : i32
    %c0_i32_0 = arith.constant 0 : i32
    %c0_i32_1 = arith.constant 0 : i32
    return %c0_i32, %c0_i32_0 : i32, i32
  }
  func.func @transform_3(%arg0: i32) -> (i32, i32) {
    %c0_i32 = arith.constant 0 : i32
    %c0_i32_0 = arith.constant 0 : i32
    %c0_i32_1 = arith.constant 0 : i32
    return %c0_i32, %c0_i32_0 : i32, i32
  }
  func.func @transform_4(%arg0: i32) -> (i32, i32) {
    %c0_i32 = arith.constant 0 : i32
    %c0_i32_0 = arith.constant 0 : i32
    %c0_i32_1 = arith.constant 0 : i32
    return %c0_i32, %c0_i32_0 : i32, i32
  }
  func.func @transform_5(%arg0: i32) -> (i32, i32) {
    %c0_i32 = arith.constant 0 : i32
    %c0_i32_0 = arith.constant 0 : i32
    %c0_i32_1 = arith.constant 0 : i32
    return %c0_i32, %c0_i32_0 : i32, i32
  }
  func.func @transform_6(%arg0: i32) -> (i32, i32) {
    %c0_i32 = arith.constant 0 : i32
    %c0_i32_0 = arith.constant 0 : i32
    %c0_i32_1 = arith.constant 0 : i32
    return %c0_i32, %c0_i32_0 : i32, i32
  }
  func.func @transform_7(%arg0: i32) -> (i32, i32) {
    %c0_i32 = arith.constant 0 : i32
    %c0_i32_0 = arith.constant 0 : i32
    %c0_i32_1 = arith.constant 0 : i32
    return %c0_i32, %c0_i32_0 : i32, i32
  }
  func.func @transform_8(%arg0: i32) -> (i32, i32) {
    %c0_i32 = arith.constant 0 : i32
    %c0_i32_0 = arith.constant 0 : i32
    %c0_i32_1 = arith.constant 0 : i32
    return %c0_i32, %c0_i32_0 : i32, i32
  }
  func.func @transform_9(%arg0: i32) -> (i32, i32) {
    %c0_i32 = arith.constant 0 : i32
    %c0_i32_0 = arith.constant 0 : i32
    %c0_i32_1 = arith.constant 0 : i32
    return %c0_i32, %c0_i32_0 : i32, i32
  }
  func.func @transform_10(%arg0: i32) -> (i32, i32) {
    %c0_i32 = arith.constant 0 : i32
    %c0_i32_0 = arith.constant 0 : i32
    %c0_i32_1 = arith.constant 0 : i32
    return %c0_i32, %c0_i32_0 : i32, i32
  }
  func.func @transform_11(%arg0: i32) -> (i32, i32) {
    %c0_i32 = arith.constant 0 : i32
    %c0_i32_0 = arith.constant 0 : i32
    %c0_i32_1 = arith.constant 0 : i32
    return %c0_i32, %c0_i32_0 : i32, i32
  }
}

module attributes {stable_mosaic.version = 14 : i64} {
  func.func @_p11_body(%arg0: i32, %arg1: memref<4x512x32xf32, #tpu.memory_space<vmem>>, %arg2: memref<4x3584x32xf32, #tpu.memory_space<vmem>>, %arg3: memref<4x512x16xf32, #tpu.memory_space<vmem>>, %arg4: memref<64x64xf32, #tpu.memory_space<vmem>>, %arg5: memref<64x64xf32, #tpu.memory_space<vmem>>, %arg6: memref<64x64xf32, #tpu.memory_space<vmem>>, %arg7: memref<8x128xf32, #tpu.memory_space<vmem>>, %arg8: memref<1x64xf32, #tpu.memory_space<vmem>>, %arg9: memref<1x64xf32, #tpu.memory_space<vmem>>, %arg10: memref<8x128xf32, #tpu.memory_space<vmem>>, %arg11: memref<1x64xf32, #tpu.memory_space<vmem>>, %arg12: memref<1x64xf32, #tpu.memory_space<vmem>>, %arg13: memref<8x128xf32, #tpu.memory_space<vmem>>, %arg14: memref<1x64xf32, #tpu.memory_space<vmem>>, %arg15: memref<1x64xf32, #tpu.memory_space<vmem>>, %arg16: memref<8x128xf32, #tpu.memory_space<vmem>>, %arg17: memref<1x64xf32, #tpu.memory_space<vmem>>, %arg18: memref<1x64xf32, #tpu.memory_space<vmem>>, %arg19: memref<64x32xf32, #tpu.memory_space<vmem>>, %arg20: memref<128x32xf32, #tpu.memory_space<vmem>>, %arg21: memref<128x64xf32, #tpu.memory_space<vmem>>, %arg22: memref<4x512x128xf32, #tpu.memory_space<vmem>>, %arg23: memref<8x128xf32, #tpu.memory_space<vmem>>) attributes {dimension_semantics = [#tpu.dimension_semantics<arbitrary>], iteration_bounds = array<i64: 32>, scalar_prefetch = 0 : i64, scratch_operands = 0 : i64, tpu.core_type = #tpu.core_type<tc>, window_params = [{transform_indices = @transform_0, window_bounds = array<i64: 4, 512, 32>}, {transform_indices = @transform_1, window_bounds = array<i64: 4, 3584, 32>}, {transform_indices = @transform_2, window_bounds = array<i64: 4, 512, 16>}, {pipeline_mode = #tpu.pipeline_mode<synchronous>, transform_indices = @transform_3, window_bounds = array<i64: 64, 64>}, {pipeline_mode = #tpu.pipeline_mode<synchronous>, transform_indices = @transform_4, window_bounds = array<i64: 64, 64>}, {pipeline_mode = #tpu.pipeline_mode<synchronous>, transform_indices = @transform_5, window_bounds = array<i64: 64, 64>}, {pipeline_mode = #tpu.pipeline_mode<synchronous>, transform_indices = @transform_6, window_bounds = array<i64: 8, 128>}, {pipeline_mode = #tpu.pipeline_mode<synchronous>, transform_indices = @transform_7, window_bounds = array<i64: 1, 64>}, {pipeline_mode = #tpu.pipeline_mode<synchronous>, transform_indices = @transform_8, window_bounds = array<i64: 1, 64>}, {pipeline_mode = #tpu.pipeline_mode<synchronous>, transform_indices = @transform_9, window_bounds = array<i64: 8, 128>}, {pipeline_mode = #tpu.pipeline_mode<synchronous>, transform_indices = @transform_10, window_bounds = array<i64: 1, 64>}, {pipeline_mode = #tpu.pipeline_mode<synchronous>, transform_indices = @transform_11, window_bounds = array<i64: 1, 64>}, {pipeline_mode = #tpu.pipeline_mode<synchronous>, transform_indices = @transform_12, window_bounds = array<i64: 8, 128>}, {pipeline_mode = #tpu.pipeline_mode<synchronous>, transform_indices = @transform_13, window_bounds = array<i64: 1, 64>}, {pipeline_mode = #tpu.pipeline_mode<synchronous>, transform_indices = @transform_14, window_bounds = array<i64: 1, 64>}, {pipeline_mode = #tpu.pipeline_mode<synchronous>, transform_indices = @transform_15, window_bounds = array<i64: 8, 128>}, {pipeline_mode = #tpu.pipeline_mode<synchronous>, transform_indices = @transform_16, window_bounds = array<i64: 1, 64>}, {pipeline_mode = #tpu.pipeline_mode<synchronous>, transform_indices = @transform_17, window_bounds = array<i64: 1, 64>}, {pipeline_mode = #tpu.pipeline_mode<synchronous>, transform_indices = @transform_18, window_bounds = array<i64: 64, 32>}, {pipeline_mode = #tpu.pipeline_mode<synchronous>, transform_indices = @transform_19, window_bounds = array<i64: 128, 32>}, {pipeline_mode = #tpu.pipeline_mode<synchronous>, transform_indices = @transform_20, window_bounds = array<i64: 128, 64>}, {transform_indices = @transform_21, window_bounds = array<i64: 4, 512, 128>}, {pipeline_mode = #tpu.pipeline_mode<synchronous>, transform_indices = @transform_22, window_bounds = array<i64: 8, 128>}]} {
    %get3A = arith.constant 0 : index
    %get3A_0 = arith.constant 0 : index
    %get3A_1 = arith.constant 0 : index
    %get3A_2 = vector.load %arg3[%get3A, %get3A_0, %get3A_1] : memref<4x512x16xf32, #tpu.memory_space<vmem>>, vector<4x512x16xf32>
    %reshape3A = vector.shape_cast %get3A_2 : vector<4x512x16xf32> to vector<2048x16xf32>
    %abs3A = math.absf %reshape3A : vector<2048x16xf32>
    %reduce_sum3A = arith.constant dense<0.000000e+00> : vector<2048xf32>
    %reduce_sum3A_3 = vector.multi_reduction <add>, %abs3A, %reduce_sum3A [1] : vector<2048x16xf32> to vector<2048xf32>
    %broadcast_in_dim3A = vector.shape_cast %reduce_sum3A_3 : vector<2048xf32> to vector<2048x1xf32>
    %ne3A = arith.constant 0.000000e+00 : f32
    %ne3A_4 = vector.broadcast %ne3A : f32 to vector<2048x1xf32>
    %ne3A_5 = arith.cmpf one, %broadcast_in_dim3A, %ne3A_4 : vector<2048x1xf32>
    %convert_element_type3A = arith.extui %ne3A_5 : vector<2048x1xi1> to vector<2048x1xi32>
    %convert_element_type3A_6 = arith.sitofp %convert_element_type3A : vector<2048x1xi32> to vector<2048x1xf32>
    %get3A_7 = arith.constant 0 : index
    %get3A_8 = arith.constant 0 : index
    %get3A_9 = arith.constant 0 : index
    %get3A_10 = vector.load %arg1[%get3A_7, %get3A_8, %get3A_9] : memref<4x512x32xf32, #tpu.memory_space<vmem>>, vector<4x512x32xf32>
    %reshape3A_11 = vector.shape_cast %get3A_10 : vector<4x512x32xf32> to vector<2048x32xf32>
    %get3A_12 = arith.constant 0 : index
    %get3A_13 = arith.constant 0 : index
    %get3A_14 = vector.load %arg7[%get3A_12, %get3A_13] : memref<8x128xf32, #tpu.memory_space<vmem>>, vector<1x64xf32>
    %get3A_15 = arith.constant 1 : index
    %get3A_16 = arith.constant 0 : index
    %get3A_17 = vector.load %arg7[%get3A_15, %get3A_16] : memref<8x128xf32, #tpu.memory_space<vmem>>, vector<1x64xf32>
    %get3A_18 = arith.constant 0 : index
    %get3A_19 = arith.constant 0 : index
    %get3A_20 = vector.load %arg8[%get3A_18, %get3A_19] : memref<1x64xf32, #tpu.memory_space<vmem>>, vector<1x64xf32>
    %get3A_21 = arith.constant 0 : index
    %get3A_22 = arith.constant 0 : index
    %get3A_23 = vector.load %arg9[%get3A_21, %get3A_22] : memref<1x64xf32, #tpu.memory_space<vmem>>, vector<1x64xf32>
    %div3A = arith.constant 4.587520e+05 : f32
    %div3A_24 = vector.broadcast %div3A : f32 to vector<1x64xf32>
    %div3A_25 = arith.divf %get3A_14, %div3A_24 : vector<1x64xf32>
    %div3A_26 = arith.constant 4.587520e+05 : f32
    %div3A_27 = vector.broadcast %div3A_26 : f32 to vector<1x64xf32>
    %div3A_28 = arith.divf %get3A_17, %div3A_27 : vector<1x64xf32>
    %mul3A = arith.mulf %div3A_25, %div3A_25 : vector<1x64xf32>
    %sub3A = arith.subf %div3A_28, %mul3A : vector<1x64xf32>
    %add3A = arith.constant 9.99999974E-6 : f32
    %add3A_29 = vector.broadcast %add3A : f32 to vector<1x64xf32>
    %add3A_30 = arith.addf %sub3A, %add3A_29 : vector<1x64xf32>
    %rsqrt3A = math.rsqrt %add3A_30 : vector<1x64xf32>
    %mul3A_31 = arith.mulf %get3A_20, %rsqrt3A : vector<1x64xf32>
    %mul3A_32 = arith.mulf %div3A_25, %mul3A_31 : vector<1x64xf32>
    %sub3A_33 = arith.subf %get3A_23, %mul3A_32 : vector<1x64xf32>
    %get3A_34 = arith.constant 0 : index
    %get3A_35 = arith.constant 0 : index
    %get3A_36 = vector.load %arg10[%get3A_34, %get3A_35] : memref<8x128xf32, #tpu.memory_space<vmem>>, vector<1x64xf32>
    %get3A_37 = arith.constant 1 : index
    %get3A_38 = arith.constant 0 : index
    %get3A_39 = vector.load %arg10[%get3A_37, %get3A_38] : memref<8x128xf32, #tpu.memory_space<vmem>>, vector<1x64xf32>
    %get3A_40 = arith.constant 0 : index
    %get3A_41 = arith.constant 0 : index
    %get3A_42 = vector.load %arg11[%get3A_40, %get3A_41] : memref<1x64xf32, #tpu.memory_space<vmem>>, vector<1x64xf32>
    %get3A_43 = arith.constant 0 : index
    %get3A_44 = arith.constant 0 : index
    %get3A_45 = vector.load %arg12[%get3A_43, %get3A_44] : memref<1x64xf32, #tpu.memory_space<vmem>>, vector<1x64xf32>
    %div3A_46 = arith.constant 4.587520e+05 : f32
    %div3A_47 = vector.broadcast %div3A_46 : f32 to vector<1x64xf32>
    %div3A_48 = arith.divf %get3A_36, %div3A_47 : vector<1x64xf32>
    %div3A_49 = arith.constant 4.587520e+05 : f32
    %div3A_50 = vector.broadcast %div3A_49 : f32 to vector<1x64xf32>
    %div3A_51 = arith.divf %get3A_39, %div3A_50 : vector<1x64xf32>
    %mul3A_52 = arith.mulf %div3A_48, %div3A_48 : vector<1x64xf32>
    %sub3A_53 = arith.subf %div3A_51, %mul3A_52 : vector<1x64xf32>
    %add3A_54 = arith.constant 9.99999974E-6 : f32
    %add3A_55 = vector.broadcast %add3A_54 : f32 to vector<1x64xf32>
    %add3A_56 = arith.addf %sub3A_53, %add3A_55 : vector<1x64xf32>
    %rsqrt3A_57 = math.rsqrt %add3A_56 : vector<1x64xf32>
    %mul3A_58 = arith.mulf %get3A_42, %rsqrt3A_57 : vector<1x64xf32>
    %mul3A_59 = arith.mulf %div3A_48, %mul3A_58 : vector<1x64xf32>
    %sub3A_60 = arith.subf %get3A_45, %mul3A_59 : vector<1x64xf32>
    %get3A_61 = arith.constant 0 : index
    %get3A_62 = arith.constant 0 : index
    %get3A_63 = arith.constant 0 : index
    %get3A_64 = vector.load %arg1[%get3A_61, %get3A_62, %get3A_63] : memref<4x512x32xf32, #tpu.memory_space<vmem>>, vector<4x512x32xf32>
    %reshape3A_65 = vector.shape_cast %get3A_64 : vector<4x512x32xf32> to vector<2048x32xf32>
    %get3A_66 = arith.constant 0 : index
    %get3A_67 = arith.constant 0 : index
    %get3A_68 = arith.constant 0 : index
    %get3A_69 = vector.load %arg2[%get3A_66, %get3A_67, %get3A_68] : memref<4x3584x32xf32, #tpu.memory_space<vmem>>, vector<4x3584x32xf32>
    %reshape3A_70 = vector.shape_cast %get3A_69 : vector<4x3584x32xf32> to vector<14336x32xf32>
    %get3A_71 = arith.constant 0 : index
    %get3A_72 = arith.constant 0 : index
    %get3A_73 = vector.load %arg4[%get3A_71, %get3A_72] : memref<64x64xf32, #tpu.memory_space<vmem>>, vector<64x64xf32>
    %slice3A = vector.extract_strided_slice %get3A_73 {offsets = [0, 0], sizes = [64, 32], strides = [1, 1]} : vector<64x64xf32> to vector<64x32xf32>
    %slice3A_74 = vector.extract_strided_slice %get3A_73 {offsets = [0, 32], sizes = [64, 32], strides = [1, 1]} : vector<64x64xf32> to vector<64x32xf32>
    %sub3A_75 = arith.subf %slice3A, %slice3A_74 : vector<64x32xf32>
    %dot_general3A = arith.constant dense<0.000000e+00> : vector<2048x64xf32>
    %dot_general3A_76 = tpu.matmul %reshape3A_65, %sub3A_75, %dot_general3A {dimension_numbers = #tpu.dot_dimension_numbers<[1], [1], [0], [0], [0, 0, 1, 0], [], []>, transpose_lhs_hint = false} : vector<2048x32xf32>, vector<64x32xf32>, vector<2048x64xf32> -> vector<2048x64xf32>
    %dot_general3A_77 = arith.constant dense<0.000000e+00> : vector<14336x64xf32>
    %dot_general3A_78 = tpu.matmul %reshape3A_70, %slice3A_74, %dot_general3A_77 {dimension_numbers = #tpu.dot_dimension_numbers<[1], [1], [0], [0], [0, 0, 1, 0], [], []>, transpose_lhs_hint = false} : vector<14336x32xf32>, vector<64x32xf32>, vector<14336x64xf32> -> vector<14336x64xf32>
    %slice3A_79 = vector.extract_strided_slice %dot_general3A_76 {offsets = [0, 0], sizes = [512, 64], strides = [1, 1]} : vector<2048x64xf32> to vector<512x64xf32>
    %slice3A_80 = vector.extract_strided_slice %dot_general3A_76 {offsets = [0, 0], sizes = [512, 64], strides = [1, 1]} : vector<2048x64xf32> to vector<512x64xf32>
    %slice3A_81 = vector.extract_strided_slice %dot_general3A_76 {offsets = [0, 0], sizes = [512, 64], strides = [1, 1]} : vector<2048x64xf32> to vector<512x64xf32>
    %slice3A_82 = vector.extract_strided_slice %dot_general3A_76 {offsets = [0, 0], sizes = [512, 64], strides = [1, 1]} : vector<2048x64xf32> to vector<512x64xf32>
    %slice3A_83 = vector.extract_strided_slice %dot_general3A_76 {offsets = [0, 0], sizes = [512, 64], strides = [1, 1]} : vector<2048x64xf32> to vector<512x64xf32>
    %slice3A_84 = vector.extract_strided_slice %dot_general3A_76 {offsets = [0, 0], sizes = [512, 64], strides = [1, 1]} : vector<2048x64xf32> to vector<512x64xf32>
    %slice3A_85 = vector.extract_strided_slice %dot_general3A_76 {offsets = [0, 0], sizes = [512, 64], strides = [1, 1]} : vector<2048x64xf32> to vector<512x64xf32>
    %slice3A_86 = vector.extract_strided_slice %dot_general3A_76 {offsets = [512, 0], sizes = [512, 64], strides = [1, 1]} : vector<2048x64xf32> to vector<512x64xf32>
    %slice3A_87 = vector.extract_strided_slice %dot_general3A_76 {offsets = [512, 0], sizes = [512, 64], strides = [1, 1]} : vector<2048x64xf32> to vector<512x64xf32>
    %slice3A_88 = vector.extract_strided_slice %dot_general3A_76 {offsets = [512, 0], sizes = [512, 64], strides = [1, 1]} : vector<2048x64xf32> to vector<512x64xf32>
    %slice3A_89 = vector.extract_strided_slice %dot_general3A_76 {offsets = [512, 0], sizes = [512, 64], strides = [1, 1]} : vector<2048x64xf32> to vector<512x64xf32>
    %slice3A_90 = vector.extract_strided_slice %dot_general3A_76 {offsets = [512, 0], sizes = [512, 64], strides = [1, 1]} : vector<2048x64xf32> to vector<512x64xf32>
    %slice3A_91 = vector.extract_strided_slice %dot_general3A_76 {offsets = [512, 0], sizes = [512, 64], strides = [1, 1]} : vector<2048x64xf32> to vector<512x64xf32>
    %slice3A_92 = vector.extract_strided_slice %dot_general3A_76 {offsets = [512, 0], sizes = [512, 64], strides = [1, 1]} : vector<2048x64xf32> to vector<512x64xf32>
    %slice3A_93 = vector.extract_strided_slice %dot_general3A_76 {offsets = [1024, 0], sizes = [512, 64], strides = [1, 1]} : vector<2048x64xf32> to vector<512x64xf32>
    %slice3A_94 = vector.extract_strided_slice %dot_general3A_76 {offsets = [1024, 0], sizes = [512, 64], strides = [1, 1]} : vector<2048x64xf32> to vector<512x64xf32>
    %slice3A_95 = vector.extract_strided_slice %dot_general3A_76 {offsets = [1024, 0], sizes = [512, 64], strides = [1, 1]} : vector<2048x64xf32> to vector<512x64xf32>
    %slice3A_96 = vector.extract_strided_slice %dot_general3A_76 {offsets = [1024, 0], sizes = [512, 64], strides = [1, 1]} : vector<2048x64xf32> to vector<512x64xf32>
    %slice3A_97 = vector.extract_strided_slice %dot_general3A_76 {offsets = [1024, 0], sizes = [512, 64], strides = [1, 1]} : vector<2048x64xf32> to vector<512x64xf32>
    %slice3A_98 = vector.extract_strided_slice %dot_general3A_76 {offsets = [1024, 0], sizes = [512, 64], strides = [1, 1]} : vector<2048x64xf32> to vector<512x64xf32>
    %slice3A_99 = vector.extract_strided_slice %dot_general3A_76 {offsets = [1024, 0], sizes = [512, 64], strides = [1, 1]} : vector<2048x64xf32> to vector<512x64xf32>
    %slice3A_100 = vector.extract_strided_slice %dot_general3A_76 {offsets = [1536, 0], sizes = [512, 64], strides = [1, 1]} : vector<2048x64xf32> to vector<512x64xf32>
    %slice3A_101 = vector.extract_strided_slice %dot_general3A_76 {offsets = [1536, 0], sizes = [512, 64], strides = [1, 1]} : vector<2048x64xf32> to vector<512x64xf32>
    %slice3A_102 = vector.extract_strided_slice %dot_general3A_76 {offsets = [1536, 0], sizes = [512, 64], strides = [1, 1]} : vector<2048x64xf32> to vector<512x64xf32>
    %slice3A_103 = vector.extract_strided_slice %dot_general3A_76 {offsets = [1536, 0], sizes = [512, 64], strides = [1, 1]} : vector<2048x64xf32> to vector<512x64xf32>
    %slice3A_104 = vector.extract_strided_slice %dot_general3A_76 {offsets = [1536, 0], sizes = [512, 64], strides = [1, 1]} : vector<2048x64xf32> to vector<512x64xf32>
    %slice3A_105 = vector.extract_strided_slice %dot_general3A_76 {offsets = [1536, 0], sizes = [512, 64], strides = [1, 1]} : vector<2048x64xf32> to vector<512x64xf32>
    %slice3A_106 = vector.extract_strided_slice %dot_general3A_76 {offsets = [1536, 0], sizes = [512, 64], strides = [1, 1]} : vector<2048x64xf32> to vector<512x64xf32>
    %concatenate3A = tpu.concatenate %slice3A_79, %slice3A_80, %slice3A_81, %slice3A_82, %slice3A_83, %slice3A_84, %slice3A_85, %slice3A_86, %slice3A_87, %slice3A_88, %slice3A_89, %slice3A_90, %slice3A_91, %slice3A_92, %slice3A_93, %slice3A_94, %slice3A_95, %slice3A_96, %slice3A_97, %slice3A_98, %slice3A_99, %slice3A_100, %slice3A_101, %slice3A_102, %slice3A_103, %slice3A_104, %slice3A_105, %slice3A_106 in 0 : vector<512x64xf32>, vector<512x64xf32>, vector<512x64xf32>, vector<512x64xf32>, vector<512x64xf32>, vector<512x64xf32>, vector<512x64xf32>, vector<512x64xf32>, vector<512x64xf32>, vector<512x64xf32>, vector<512x64xf32>, vector<512x64xf32>, vector<512x64xf32>, vector<512x64xf32>, vector<512x64xf32>, vector<512x64xf32>, vector<512x64xf32>, vector<512x64xf32>, vector<512x64xf32>, vector<512x64xf32>, vector<512x64xf32>, vector<512x64xf32>, vector<512x64xf32>, vector<512x64xf32>, vector<512x64xf32>, vector<512x64xf32>, vector<512x64xf32>, vector<512x64xf32> -> vector<14336x64xf32>
    %add3A_107 = arith.addf %dot_general3A_78, %concatenate3A : vector<14336x64xf32>
    %mul3A_108 = vector.broadcast %mul3A_31 : vector<1x64xf32> to vector<14336x64xf32>
    %mul3A_109 = arith.mulf %add3A_107, %mul3A_108 : vector<14336x64xf32>
    %add3A_110 = vector.broadcast %sub3A_33 : vector<1x64xf32> to vector<14336x64xf32>
    %add3A_111 = arith.addf %mul3A_109, %add3A_110 : vector<14336x64xf32>
    %max3A = arith.constant 0.000000e+00 : f32
    %max3A_112 = vector.broadcast %max3A : f32 to vector<14336x64xf32>
    %max3A_113 = arith.maximumf %add3A_111, %max3A_112 : vector<14336x64xf32>
    %get3A_114 = arith.constant 0 : index
    %get3A_115 = arith.constant 0 : index
    %get3A_116 = vector.load %arg5[%get3A_114, %get3A_115] : memref<64x64xf32, #tpu.memory_space<vmem>>, vector<64x64xf32>
    %dot_general3A_117 = arith.constant dense<0.000000e+00> : vector<14336x64xf32>
    %dot_general3A_118 = tpu.matmul %max3A_113, %get3A_116, %dot_general3A_117 {dimension_numbers = #tpu.dot_dimension_numbers<[1], [1], [0], [0], [0, 0, 1, 0], [], []>, transpose_lhs_hint = false} : vector<14336x64xf32>, vector<64x64xf32>, vector<14336x64xf32> -> vector<14336x64xf32>
    %mul3A_119 = vector.broadcast %mul3A_58 : vector<1x64xf32> to vector<14336x64xf32>
    %mul3A_120 = arith.mulf %dot_general3A_118, %mul3A_119 : vector<14336x64xf32>
    %add3A_121 = vector.broadcast %sub3A_60 : vector<1x64xf32> to vector<14336x64xf32>
    %add3A_122 = arith.addf %mul3A_120, %add3A_121 : vector<14336x64xf32>
    %max3A_123 = arith.constant 0.000000e+00 : f32
    %max3A_124 = vector.broadcast %max3A_123 : f32 to vector<14336x64xf32>
    %max3A_125 = arith.maximumf %add3A_122, %max3A_124 : vector<14336x64xf32>
    %get3A_126 = arith.constant 0 : index
    %get3A_127 = arith.constant 0 : index
    %get3A_128 = vector.load %arg6[%get3A_126, %get3A_127] : memref<64x64xf32, #tpu.memory_space<vmem>>, vector<64x64xf32>
    %dot_general3A_129 = arith.constant dense<0.000000e+00> : vector<14336x64xf32>
    %dot_general3A_130 = tpu.matmul %max3A_125, %get3A_128, %dot_general3A_129 {dimension_numbers = #tpu.dot_dimension_numbers<[1], [1], [0], [0], [0, 0, 1, 0], [], []>, transpose_lhs_hint = false} : vector<14336x64xf32>, vector<64x64xf32>, vector<14336x64xf32> -> vector<14336x64xf32>
    %get3A_131 = arith.constant 0 : index
    %get3A_132 = arith.constant 0 : index
    %get3A_133 = vector.load %arg13[%get3A_131, %get3A_132] : memref<8x128xf32, #tpu.memory_space<vmem>>, vector<1x64xf32>
    %get3A_134 = arith.constant 1 : index
    %get3A_135 = arith.constant 0 : index
    %get3A_136 = vector.load %arg13[%get3A_134, %get3A_135] : memref<8x128xf32, #tpu.memory_space<vmem>>, vector<1x64xf32>
    %get3A_137 = arith.constant 0 : index
    %get3A_138 = arith.constant 0 : index
    %get3A_139 = vector.load %arg14[%get3A_137, %get3A_138] : memref<1x64xf32, #tpu.memory_space<vmem>>, vector<1x64xf32>
    %get3A_140 = arith.constant 0 : index
    %get3A_141 = arith.constant 0 : index
    %get3A_142 = vector.load %arg15[%get3A_140, %get3A_141] : memref<1x64xf32, #tpu.memory_space<vmem>>, vector<1x64xf32>
    %div3A_143 = arith.constant 4.587520e+05 : f32
    %div3A_144 = vector.broadcast %div3A_143 : f32 to vector<1x64xf32>
    %div3A_145 = arith.divf %get3A_133, %div3A_144 : vector<1x64xf32>
    %div3A_146 = arith.constant 4.587520e+05 : f32
    %div3A_147 = vector.broadcast %div3A_146 : f32 to vector<1x64xf32>
    %div3A_148 = arith.divf %get3A_136, %div3A_147 : vector<1x64xf32>
    %mul3A_149 = arith.mulf %div3A_145, %div3A_145 : vector<1x64xf32>
    %sub3A_150 = arith.subf %div3A_148, %mul3A_149 : vector<1x64xf32>
    %add3A_151 = arith.constant 9.99999974E-6 : f32
    %add3A_152 = vector.broadcast %add3A_151 : f32 to vector<1x64xf32>
    %add3A_153 = arith.addf %sub3A_150, %add3A_152 : vector<1x64xf32>
    %rsqrt3A_154 = math.rsqrt %add3A_153 : vector<1x64xf32>
    %mul3A_155 = arith.mulf %get3A_139, %rsqrt3A_154 : vector<1x64xf32>
    %mul3A_156 = arith.mulf %div3A_145, %mul3A_155 : vector<1x64xf32>
    %sub3A_157 = arith.subf %get3A_142, %mul3A_156 : vector<1x64xf32>
    %mul3A_158 = vector.broadcast %mul3A_155 : vector<1x64xf32> to vector<14336x64xf32>
    %mul3A_159 = arith.mulf %dot_general3A_130, %mul3A_158 : vector<14336x64xf32>
    %add3A_160 = vector.broadcast %sub3A_157 : vector<1x64xf32> to vector<14336x64xf32>
    %add3A_161 = arith.addf %mul3A_159, %add3A_160 : vector<14336x64xf32>
    %max3A_162 = arith.constant 0.000000e+00 : f32
    %max3A_163 = vector.broadcast %max3A_162 : f32 to vector<14336x64xf32>
    %max3A_164 = arith.maximumf %add3A_161, %max3A_163 : vector<14336x64xf32>
    %slice3A_165 = vector.extract_strided_slice %max3A_164 {offsets = [0, 0], sizes = [512, 64], strides = [1, 1]} : vector<14336x64xf32> to vector<512x64xf32>
    %slice3A_166 = vector.extract_strided_slice %max3A_164 {offsets = [512, 0], sizes = [512, 64], strides = [1, 1]} : vector<14336x64xf32> to vector<512x64xf32>
    %add3A_167 = arith.addf %slice3A_165, %slice3A_166 : vector<512x64xf32>
    %slice3A_168 = vector.extract_strided_slice %max3A_164 {offsets = [1024, 0], sizes = [512, 64], strides = [1, 1]} : vector<14336x64xf32> to vector<512x64xf32>
    %add3A_169 = arith.addf %add3A_167, %slice3A_168 : vector<512x64xf32>
    %slice3A_170 = vector.extract_strided_slice %max3A_164 {offsets = [1536, 0], sizes = [512, 64], strides = [1, 1]} : vector<14336x64xf32> to vector<512x64xf32>
    %add3A_171 = arith.addf %add3A_169, %slice3A_170 : vector<512x64xf32>
    %slice3A_172 = vector.extract_strided_slice %max3A_164 {offsets = [2048, 0], sizes = [512, 64], strides = [1, 1]} : vector<14336x64xf32> to vector<512x64xf32>
    %add3A_173 = arith.addf %add3A_171, %slice3A_172 : vector<512x64xf32>
    %slice3A_174 = vector.extract_strided_slice %max3A_164 {offsets = [2560, 0], sizes = [512, 64], strides = [1, 1]} : vector<14336x64xf32> to vector<512x64xf32>
    %add3A_175 = arith.addf %add3A_173, %slice3A_174 : vector<512x64xf32>
    %slice3A_176 = vector.extract_strided_slice %max3A_164 {offsets = [3072, 0], sizes = [512, 64], strides = [1, 1]} : vector<14336x64xf32> to vector<512x64xf32>
    %add3A_177 = arith.addf %add3A_175, %slice3A_176 : vector<512x64xf32>
    %div3A_178 = arith.constant 7.000000e+00 : f32
    %div3A_179 = vector.broadcast %div3A_178 : f32 to vector<512x64xf32>
    %div3A_180 = arith.divf %add3A_177, %div3A_179 : vector<512x64xf32>
    %slice3A_181 = vector.extract_strided_slice %max3A_164 {offsets = [3584, 0], sizes = [512, 64], strides = [1, 1]} : vector<14336x64xf32> to vector<512x64xf32>
    %slice3A_182 = vector.extract_strided_slice %max3A_164 {offsets = [4096, 0], sizes = [512, 64], strides = [1, 1]} : vector<14336x64xf32> to vector<512x64xf32>
    %add3A_183 = arith.addf %slice3A_181, %slice3A_182 : vector<512x64xf32>
    %slice3A_184 = vector.extract_strided_slice %max3A_164 {offsets = [4608, 0], sizes = [512, 64], strides = [1, 1]} : vector<14336x64xf32> to vector<512x64xf32>
    %add3A_185 = arith.addf %add3A_183, %slice3A_184 : vector<512x64xf32>
    %slice3A_186 = vector.extract_strided_slice %max3A_164 {offsets = [5120, 0], sizes = [512, 64], strides = [1, 1]} : vector<14336x64xf32> to vector<512x64xf32>
    %add3A_187 = arith.addf %add3A_185, %slice3A_186 : vector<512x64xf32>
    %slice3A_188 = vector.extract_strided_slice %max3A_164 {offsets = [5632, 0], sizes = [512, 64], strides = [1, 1]} : vector<14336x64xf32> to vector<512x64xf32>
    %add3A_189 = arith.addf %add3A_187, %slice3A_188 : vector<512x64xf32>
    %slice3A_190 = vector.extract_strided_slice %max3A_164 {offsets = [6144, 0], sizes = [512, 64], strides = [1, 1]} : vector<14336x64xf32> to vector<512x64xf32>
    %add3A_191 = arith.addf %add3A_189, %slice3A_190 : vector<512x64xf32>
    %slice3A_192 = vector.extract_strided_slice %max3A_164 {offsets = [6656, 0], sizes = [512, 64], strides = [1, 1]} : vector<14336x64xf32> to vector<512x64xf32>
    %add3A_193 = arith.addf %add3A_191, %slice3A_192 : vector<512x64xf32>
    %div3A_194 = arith.constant 7.000000e+00 : f32
    %div3A_195 = vector.broadcast %div3A_194 : f32 to vector<512x64xf32>
    %div3A_196 = arith.divf %add3A_193, %div3A_195 : vector<512x64xf32>
    %slice3A_197 = vector.extract_strided_slice %max3A_164 {offsets = [7168, 0], sizes = [512, 64], strides = [1, 1]} : vector<14336x64xf32> to vector<512x64xf32>
    %slice3A_198 = vector.extract_strided_slice %max3A_164 {offsets = [7680, 0], sizes = [512, 64], strides = [1, 1]} : vector<14336x64xf32> to vector<512x64xf32>
    %add3A_199 = arith.addf %slice3A_197, %slice3A_198 : vector<512x64xf32>
    %slice3A_200 = vector.extract_strided_slice %max3A_164 {offsets = [8192, 0], sizes = [512, 64], strides = [1, 1]} : vector<14336x64xf32> to vector<512x64xf32>
    %add3A_201 = arith.addf %add3A_199, %slice3A_200 : vector<512x64xf32>
    %slice3A_202 = vector.extract_strided_slice %max3A_164 {offsets = [8704, 0], sizes = [512, 64], strides = [1, 1]} : vector<14336x64xf32> to vector<512x64xf32>
    %add3A_203 = arith.addf %add3A_201, %slice3A_202 : vector<512x64xf32>
    %slice3A_204 = vector.extract_strided_slice %max3A_164 {offsets = [9216, 0], sizes = [512, 64], strides = [1, 1]} : vector<14336x64xf32> to vector<512x64xf32>
    %add3A_205 = arith.addf %add3A_203, %slice3A_204 : vector<512x64xf32>
    %slice3A_206 = vector.extract_strided_slice %max3A_164 {offsets = [9728, 0], sizes = [512, 64], strides = [1, 1]} : vector<14336x64xf32> to vector<512x64xf32>
    %add3A_207 = arith.addf %add3A_205, %slice3A_206 : vector<512x64xf32>
    %slice3A_208 = vector.extract_strided_slice %max3A_164 {offsets = [10240, 0], sizes = [512, 64], strides = [1, 1]} : vector<14336x64xf32> to vector<512x64xf32>
    %add3A_209 = arith.addf %add3A_207, %slice3A_208 : vector<512x64xf32>
    %div3A_210 = arith.constant 7.000000e+00 : f32
    %div3A_211 = vector.broadcast %div3A_210 : f32 to vector<512x64xf32>
    %div3A_212 = arith.divf %add3A_209, %div3A_211 : vector<512x64xf32>
    %slice3A_213 = vector.extract_strided_slice %max3A_164 {offsets = [10752, 0], sizes = [512, 64], strides = [1, 1]} : vector<14336x64xf32> to vector<512x64xf32>
    %slice3A_214 = vector.extract_strided_slice %max3A_164 {offsets = [11264, 0], sizes = [512, 64], strides = [1, 1]} : vector<14336x64xf32> to vector<512x64xf32>
    %add3A_215 = arith.addf %slice3A_213, %slice3A_214 : vector<512x64xf32>
    %slice3A_216 = vector.extract_strided_slice %max3A_164 {offsets = [11776, 0], sizes = [512, 64], strides = [1, 1]} : vector<14336x64xf32> to vector<512x64xf32>
    %add3A_217 = arith.addf %add3A_215, %slice3A_216 : vector<512x64xf32>
    %slice3A_218 = vector.extract_strided_slice %max3A_164 {offsets = [12288, 0], sizes = [512, 64], strides = [1, 1]} : vector<14336x64xf32> to vector<512x64xf32>
    %add3A_219 = arith.addf %add3A_217, %slice3A_218 : vector<512x64xf32>
    %slice3A_220 = vector.extract_strided_slice %max3A_164 {offsets = [12800, 0], sizes = [512, 64], strides = [1, 1]} : vector<14336x64xf32> to vector<512x64xf32>
    %add3A_221 = arith.addf %add3A_219, %slice3A_220 : vector<512x64xf32>
    %slice3A_222 = vector.extract_strided_slice %max3A_164 {offsets = [13312, 0], sizes = [512, 64], strides = [1, 1]} : vector<14336x64xf32> to vector<512x64xf32>
    %add3A_223 = arith.addf %add3A_221, %slice3A_222 : vector<512x64xf32>
    %slice3A_224 = vector.extract_strided_slice %max3A_164 {offsets = [13824, 0], sizes = [512, 64], strides = [1, 1]} : vector<14336x64xf32> to vector<512x64xf32>
    %add3A_225 = arith.addf %add3A_223, %slice3A_224 : vector<512x64xf32>
    %div3A_226 = arith.constant 7.000000e+00 : f32
    %div3A_227 = vector.broadcast %div3A_226 : f32 to vector<512x64xf32>
    %div3A_228 = arith.divf %add3A_225, %div3A_227 : vector<512x64xf32>
    %concatenate3A_229 = tpu.concatenate %div3A_180, %div3A_196, %div3A_212, %div3A_228 in 0 : vector<512x64xf32>, vector<512x64xf32>, vector<512x64xf32>, vector<512x64xf32> -> vector<2048x64xf32>
    %get3A_230 = arith.constant 0 : index
    %get3A_231 = arith.constant 0 : index
    %get3A_232 = vector.load %arg19[%get3A_230, %get3A_231] : memref<64x32xf32, #tpu.memory_space<vmem>>, vector<64x32xf32>
    %dot_general3A_233 = arith.constant dense<0.000000e+00> : vector<2048x64xf32>
    %dot_general3A_234 = tpu.matmul %reshape3A_11, %get3A_232, %dot_general3A_233 {dimension_numbers = #tpu.dot_dimension_numbers<[1], [1], [0], [0], [0, 0, 1, 0], [], []>, transpose_lhs_hint = false} : vector<2048x32xf32>, vector<64x32xf32>, vector<2048x64xf32> -> vector<2048x64xf32>
    %get3A_235 = arith.constant 0 : index
    %get3A_236 = arith.constant 0 : index
    %get3A_237 = vector.load %arg16[%get3A_235, %get3A_236] : memref<8x128xf32, #tpu.memory_space<vmem>>, vector<1x64xf32>
    %get3A_238 = arith.constant 1 : index
    %get3A_239 = arith.constant 0 : index
    %get3A_240 = vector.load %arg16[%get3A_238, %get3A_239] : memref<8x128xf32, #tpu.memory_space<vmem>>, vector<1x64xf32>
    %get3A_241 = arith.constant 0 : index
    %get3A_242 = arith.constant 0 : index
    %get3A_243 = vector.load %arg17[%get3A_241, %get3A_242] : memref<1x64xf32, #tpu.memory_space<vmem>>, vector<1x64xf32>
    %get3A_244 = arith.constant 0 : index
    %get3A_245 = arith.constant 0 : index
    %get3A_246 = vector.load %arg18[%get3A_244, %get3A_245] : memref<1x64xf32, #tpu.memory_space<vmem>>, vector<1x64xf32>
    %div3A_247 = arith.constant 6.553600e+04 : f32
    %div3A_248 = vector.broadcast %div3A_247 : f32 to vector<1x64xf32>
    %div3A_249 = arith.divf %get3A_237, %div3A_248 : vector<1x64xf32>
    %div3A_250 = arith.constant 6.553600e+04 : f32
    %div3A_251 = vector.broadcast %div3A_250 : f32 to vector<1x64xf32>
    %div3A_252 = arith.divf %get3A_240, %div3A_251 : vector<1x64xf32>
    %mul3A_253 = arith.mulf %div3A_249, %div3A_249 : vector<1x64xf32>
    %sub3A_254 = arith.subf %div3A_252, %mul3A_253 : vector<1x64xf32>
    %add3A_255 = arith.constant 9.99999974E-6 : f32
    %add3A_256 = vector.broadcast %add3A_255 : f32 to vector<1x64xf32>
    %add3A_257 = arith.addf %sub3A_254, %add3A_256 : vector<1x64xf32>
    %rsqrt3A_258 = math.rsqrt %add3A_257 : vector<1x64xf32>
    %mul3A_259 = arith.mulf %get3A_243, %rsqrt3A_258 : vector<1x64xf32>
    %mul3A_260 = arith.mulf %div3A_249, %mul3A_259 : vector<1x64xf32>
    %sub3A_261 = arith.subf %get3A_246, %mul3A_260 : vector<1x64xf32>
    %mul3A_262 = vector.broadcast %mul3A_259 : vector<1x64xf32> to vector<2048x64xf32>
    %mul3A_263 = arith.mulf %dot_general3A_234, %mul3A_262 : vector<2048x64xf32>
    %add3A_264 = vector.broadcast %sub3A_261 : vector<1x64xf32> to vector<2048x64xf32>
    %add3A_265 = arith.addf %mul3A_263, %add3A_264 : vector<2048x64xf32>
    %add3A_266 = arith.addf %add3A_265, %concatenate3A_229 : vector<2048x64xf32>
    %max3A_267 = arith.constant 0.000000e+00 : f32
    %max3A_268 = vector.broadcast %max3A_267 : f32 to vector<2048x64xf32>
    %max3A_269 = arith.maximumf %add3A_266, %max3A_268 : vector<2048x64xf32>
    %mul3A_270 = vector.broadcast %convert_element_type3A_6 : vector<2048x1xf32> to vector<2048x64xf32>
    %mul3A_271 = arith.mulf %max3A_269, %mul3A_270 : vector<2048x64xf32>
    %get3A_272 = arith.constant 0 : index
    %get3A_273 = arith.constant 0 : index
    %get3A_274 = vector.load %arg20[%get3A_272, %get3A_273] : memref<128x32xf32, #tpu.memory_space<vmem>>, vector<128x32xf32>
    %dot_general3A_275 = arith.constant dense<0.000000e+00> : vector<2048x128xf32>
    %dot_general3A_276 = tpu.matmul %reshape3A_11, %get3A_274, %dot_general3A_275 {dimension_numbers = #tpu.dot_dimension_numbers<[1], [1], [0], [0], [0, 0, 1, 0], [], []>, transpose_lhs_hint = false} : vector<2048x32xf32>, vector<128x32xf32>, vector<2048x128xf32> -> vector<2048x128xf32>
    %get3A_277 = arith.constant 0 : index
    %get3A_278 = arith.constant 0 : index
    %get3A_279 = vector.load %arg21[%get3A_277, %get3A_278] : memref<128x64xf32, #tpu.memory_space<vmem>>, vector<128x64xf32>
    %dot_general3A_280 = arith.constant dense<0.000000e+00> : vector<2048x128xf32>
    %dot_general3A_281 = tpu.matmul %mul3A_271, %get3A_279, %dot_general3A_280 {dimension_numbers = #tpu.dot_dimension_numbers<[1], [1], [0], [0], [0, 0, 1, 0], [], []>, transpose_lhs_hint = false} : vector<2048x64xf32>, vector<128x64xf32>, vector<2048x128xf32> -> vector<2048x128xf32>
    %add3A_282 = arith.addf %dot_general3A_276, %dot_general3A_281 : vector<2048x128xf32>
    %reshape3A_283 = vector.shape_cast %add3A_282 : vector<2048x128xf32> to vector<4x512x128xf32>
    %swap3A = arith.constant 0 : index
    %swap3A_284 = arith.constant 0 : index
    %swap3A_285 = arith.constant 0 : index
    %swap3A_286 = vector.load %arg22[%swap3A, %swap3A_284, %swap3A_285] : memref<4x512x128xf32, #tpu.memory_space<vmem>>, vector<4x512x128xf32>
    tpu.vector_store %arg22[%swap3A, %swap3A_284, %swap3A_285], %reshape3A_283 {strides = array<i32>} : memref<4x512x128xf32, #tpu.memory_space<vmem>>, vector<4x512x128xf32>,
    %reduce_sum3A_287 = arith.constant dense<0.000000e+00> : vector<128xf32>
    %reduce_sum3A_288 = vector.multi_reduction <add>, %add3A_282, %reduce_sum3A_287 [0] : vector<2048x128xf32> to vector<128xf32>
    %broadcast_in_dim3A_289 = vector.shape_cast %reduce_sum3A_288 : vector<128xf32> to vector<1x128xf32>
    %mul3A_290 = arith.mulf %add3A_282, %add3A_282 : vector<2048x128xf32>
    %reduce_sum3A_291 = arith.constant dense<0.000000e+00> : vector<128xf32>
    %reduce_sum3A_292 = vector.multi_reduction <add>, %mul3A_290, %reduce_sum3A_291 [0] : vector<2048x128xf32> to vector<128xf32>
    %broadcast_in_dim3A_293 = vector.shape_cast %reduce_sum3A_292 : vector<128xf32> to vector<1x128xf32>
    %eq3A = arith.constant 0 : i32
    %eq3A_294 = arith.cmpi eq, %arg0, %eq3A : i32
    %convert_element_type3A_295 = arith.extui %eq3A_294 : i1 to i32
    %cond3A = arith.constant 0 : i32
    %cond3A_296 = arith.cmpi ne, %convert_element_type3A_295, %cond3A : i32
    scf.if %cond3A_296 {
      %broadcast_in_dim3A_305 = arith.constant 0.000000e+00 : f32
      %broadcast_in_dim3A_306 = vector.broadcast %broadcast_in_dim3A_305 : f32 to vector<8x128xf32>
      %swap3A_307 = arith.constant 0 : index
      %swap3A_308 = arith.constant 0 : index
      %swap3A_309 = vector.load %arg23[%swap3A_307, %swap3A_308] : memref<8x128xf32, #tpu.memory_space<vmem>>, vector<8x128xf32>
      tpu.vector_store %arg23[%swap3A_307, %swap3A_308], %broadcast_in_dim3A_306 {strides = array<i32>} : memref<8x128xf32, #tpu.memory_space<vmem>>, vector<8x128xf32>,
    } else {
    }
    %concatenate3A_297 = tpu.concatenate %broadcast_in_dim3A_289, %broadcast_in_dim3A_293 in 0 : vector<1x128xf32>, vector<1x128xf32> -> vector<2x128xf32>
    %get3A_298 = arith.constant 0 : index
    %get3A_299 = arith.constant 0 : index
    %get3A_300 = vector.load %arg23[%get3A_298, %get3A_299] : memref<8x128xf32, #tpu.memory_space<vmem>>, vector<2x128xf32>
    %add3A_301 = arith.addf %get3A_300, %concatenate3A_297 : vector<2x128xf32>
    %swap3A_302 = arith.constant 0 : index
    %swap3A_303 = arith.constant 0 : index
    %swap3A_304 = vector.load %arg23[%swap3A_302, %swap3A_303] : memref<8x128xf32, #tpu.memory_space<vmem>>, vector<2x128xf32>
    tpu.vector_store %arg23[%swap3A_302, %swap3A_303], %add3A_301 {strides = array<i32>} : memref<8x128xf32, #tpu.memory_space<vmem>>, vector<2x128xf32>,
    return
  }
  func.func @transform_0(%arg0: i32) -> (i32, i32, i32) {
    %c0_i32 = arith.constant 0 : i32
    %c0_i32_0 = arith.constant 0 : i32
    %c0_i32_1 = arith.constant 0 : i32
    return %arg0, %c0_i32, %c0_i32_0 : i32, i32, i32
  }
  func.func @transform_1(%arg0: i32) -> (i32, i32, i32) {
    %c0_i32 = arith.constant 0 : i32
    %c0_i32_0 = arith.constant 0 : i32
    %c0_i32_1 = arith.constant 0 : i32
    return %arg0, %c0_i32, %c0_i32_0 : i32, i32, i32
  }
  func.func @transform_2(%arg0: i32) -> (i32, i32, i32) {
    %c0_i32 = arith.constant 0 : i32
    %c0_i32_0 = arith.constant 0 : i32
    %c0_i32_1 = arith.constant 0 : i32
    return %arg0, %c0_i32, %c0_i32_0 : i32, i32, i32
  }
  func.func @transform_3(%arg0: i32) -> (i32, i32) {
    %c0_i32 = arith.constant 0 : i32
    %c0_i32_0 = arith.constant 0 : i32
    %c0_i32_1 = arith.constant 0 : i32
    return %c0_i32, %c0_i32_0 : i32, i32
  }
  func.func @transform_4(%arg0: i32) -> (i32, i32) {
    %c0_i32 = arith.constant 0 : i32
    %c0_i32_0 = arith.constant 0 : i32
    %c0_i32_1 = arith.constant 0 : i32
    return %c0_i32, %c0_i32_0 : i32, i32
  }
  func.func @transform_5(%arg0: i32) -> (i32, i32) {
    %c0_i32 = arith.constant 0 : i32
    %c0_i32_0 = arith.constant 0 : i32
    %c0_i32_1 = arith.constant 0 : i32
    return %c0_i32, %c0_i32_0 : i32, i32
  }
  func.func @transform_6(%arg0: i32) -> (i32, i32) {
    %c0_i32 = arith.constant 0 : i32
    %c0_i32_0 = arith.constant 0 : i32
    %c0_i32_1 = arith.constant 0 : i32
    return %c0_i32, %c0_i32_0 : i32, i32
  }
  func.func @transform_7(%arg0: i32) -> (i32, i32) {
    %c0_i32 = arith.constant 0 : i32
    %c0_i32_0 = arith.constant 0 : i32
    %c0_i32_1 = arith.constant 0 : i32
    return %c0_i32, %c0_i32_0 : i32, i32
  }
  func.func @transform_8(%arg0: i32) -> (i32, i32) {
    %c0_i32 = arith.constant 0 : i32
    %c0_i32_0 = arith.constant 0 : i32
    %c0_i32_1 = arith.constant 0 : i32
    return %c0_i32, %c0_i32_0 : i32, i32
  }
  func.func @transform_9(%arg0: i32) -> (i32, i32) {
    %c0_i32 = arith.constant 0 : i32
    %c0_i32_0 = arith.constant 0 : i32
    %c0_i32_1 = arith.constant 0 : i32
    return %c0_i32, %c0_i32_0 : i32, i32
  }
  func.func @transform_10(%arg0: i32) -> (i32, i32) {
    %c0_i32 = arith.constant 0 : i32
    %c0_i32_0 = arith.constant 0 : i32
    %c0_i32_1 = arith.constant 0 : i32
    return %c0_i32, %c0_i32_0 : i32, i32
  }
  func.func @transform_11(%arg0: i32) -> (i32, i32) {
    %c0_i32 = arith.constant 0 : i32
    %c0_i32_0 = arith.constant 0 : i32
    %c0_i32_1 = arith.constant 0 : i32
    return %c0_i32, %c0_i32_0 : i32, i32
  }
  func.func @transform_12(%arg0: i32) -> (i32, i32) {
    %c0_i32 = arith.constant 0 : i32
    %c0_i32_0 = arith.constant 0 : i32
    %c0_i32_1 = arith.constant 0 : i32
    return %c0_i32, %c0_i32_0 : i32, i32
  }
  func.func @transform_13(%arg0: i32) -> (i32, i32) {
    %c0_i32 = arith.constant 0 : i32
    %c0_i32_0 = arith.constant 0 : i32
    %c0_i32_1 = arith.constant 0 : i32
    return %c0_i32, %c0_i32_0 : i32, i32
  }
  func.func @transform_14(%arg0: i32) -> (i32, i32) {
    %c0_i32 = arith.constant 0 : i32
    %c0_i32_0 = arith.constant 0 : i32
    %c0_i32_1 = arith.constant 0 : i32
    return %c0_i32, %c0_i32_0 : i32, i32
  }
  func.func @transform_15(%arg0: i32) -> (i32, i32) {
    %c0_i32 = arith.constant 0 : i32
    %c0_i32_0 = arith.constant 0 : i32
    %c0_i32_1 = arith.constant 0 : i32
    return %c0_i32, %c0_i32_0 : i32, i32
  }
  func.func @transform_16(%arg0: i32) -> (i32, i32) {
    %c0_i32 = arith.constant 0 : i32
    %c0_i32_0 = arith.constant 0 : i32
    %c0_i32_1 = arith.constant 0 : i32
    return %c0_i32, %c0_i32_0 : i32, i32
  }
  func.func @transform_17(%arg0: i32) -> (i32, i32) {
    %c0_i32 = arith.constant 0 : i32
    %c0_i32_0 = arith.constant 0 : i32
    %c0_i32_1 = arith.constant 0 : i32
    return %c0_i32, %c0_i32_0 : i32, i32
  }
  func.func @transform_18(%arg0: i32) -> (i32, i32) {
    %c0_i32 = arith.constant 0 : i32
    %c0_i32_0 = arith.constant 0 : i32
    %c0_i32_1 = arith.constant 0 : i32
    return %c0_i32, %c0_i32_0 : i32, i32
  }
  func.func @transform_19(%arg0: i32) -> (i32, i32) {
    %c0_i32 = arith.constant 0 : i32
    %c0_i32_0 = arith.constant 0 : i32
    %c0_i32_1 = arith.constant 0 : i32
    return %c0_i32, %c0_i32_0 : i32, i32
  }
  func.func @transform_20(%arg0: i32) -> (i32, i32) {
    %c0_i32 = arith.constant 0 : i32
    %c0_i32_0 = arith.constant 0 : i32
    %c0_i32_1 = arith.constant 0 : i32
    return %c0_i32, %c0_i32_0 : i32, i32
  }
  func.func @transform_21(%arg0: i32) -> (i32, i32, i32) {
    %c0_i32 = arith.constant 0 : i32
    %c0_i32_0 = arith.constant 0 : i32
    %c0_i32_1 = arith.constant 0 : i32
    return %arg0, %c0_i32, %c0_i32_0 : i32, i32, i32
  }
  func.func @transform_22(%arg0: i32) -> (i32, i32) {
    %c0_i32 = arith.constant 0 : i32
    %c0_i32_0 = arith.constant 0 : i32
    %c0_i32_1 = arith.constant 0 : i32
    return %c0_i32, %c0_i32_0 : i32, i32
  }
}

module attributes {stable_mosaic.version = 14 : i64} {
  func.func @_p12_body(%arg0: i32, %arg1: memref<4x512x128xf32, #tpu.memory_space<vmem>>, %arg2: memref<4x512x16xf32, #tpu.memory_space<vmem>>, %arg3: memref<8x128xf32, #tpu.memory_space<vmem>>, %arg4: memref<1x128xf32, #tpu.memory_space<vmem>>, %arg5: memref<1x128xf32, #tpu.memory_space<vmem>>, %arg6: memref<128x128xf32, #tpu.memory_space<vmem>>, %arg7: memref<1x128xf32, #tpu.memory_space<vmem>>, %arg8: memref<10x128xf32, #tpu.memory_space<vmem>>, %arg9: memref<1x10xf32, #tpu.memory_space<vmem>>, %arg10: memref<128x10xf32, #tpu.memory_space<vmem>>, %arg11: memref<128x128xf32, #tpu.memory_space<vmem>>) attributes {dimension_semantics = [#tpu.dimension_semantics<arbitrary>], iteration_bounds = array<i64: 32>, scalar_prefetch = 0 : i64, scratch_operands = 1 : i64, tpu.core_type = #tpu.core_type<tc>, window_params = [{transform_indices = @transform_0, window_bounds = array<i64: 4, 512, 128>}, {transform_indices = @transform_1, window_bounds = array<i64: 4, 512, 16>}, {pipeline_mode = #tpu.pipeline_mode<synchronous>, transform_indices = @transform_2, window_bounds = array<i64: 8, 128>}, {pipeline_mode = #tpu.pipeline_mode<synchronous>, transform_indices = @transform_3, window_bounds = array<i64: 1, 128>}, {pipeline_mode = #tpu.pipeline_mode<synchronous>, transform_indices = @transform_4, window_bounds = array<i64: 1, 128>}, {pipeline_mode = #tpu.pipeline_mode<synchronous>, transform_indices = @transform_5, window_bounds = array<i64: 128, 128>}, {pipeline_mode = #tpu.pipeline_mode<synchronous>, transform_indices = @transform_6, window_bounds = array<i64: 1, 128>}, {pipeline_mode = #tpu.pipeline_mode<synchronous>, transform_indices = @transform_7, window_bounds = array<i64: 10, 128>}, {pipeline_mode = #tpu.pipeline_mode<synchronous>, transform_indices = @transform_8, window_bounds = array<i64: 1, 10>}, {pipeline_mode = #tpu.pipeline_mode<synchronous>, transform_indices = @transform_9, window_bounds = array<i64: 128, 10>}]} {
    %get3A = arith.constant 0 : index
    %get3A_0 = arith.constant 0 : index
    %get3A_1 = vector.load %arg3[%get3A, %get3A_0] : memref<8x128xf32, #tpu.memory_space<vmem>>, vector<1x128xf32>
    %get3A_2 = arith.constant 1 : index
    %get3A_3 = arith.constant 0 : index
    %get3A_4 = vector.load %arg3[%get3A_2, %get3A_3] : memref<8x128xf32, #tpu.memory_space<vmem>>, vector<1x128xf32>
    %get3A_5 = arith.constant 0 : index
    %get3A_6 = arith.constant 0 : index
    %get3A_7 = vector.load %arg4[%get3A_5, %get3A_6] : memref<1x128xf32, #tpu.memory_space<vmem>>, vector<1x128xf32>
    %get3A_8 = arith.constant 0 : index
    %get3A_9 = arith.constant 0 : index
    %get3A_10 = vector.load %arg5[%get3A_8, %get3A_9] : memref<1x128xf32, #tpu.memory_space<vmem>>, vector<1x128xf32>
    %div3A = arith.constant 6.553600e+04 : f32
    %div3A_11 = vector.broadcast %div3A : f32 to vector<1x128xf32>
    %div3A_12 = arith.divf %get3A_1, %div3A_11 : vector<1x128xf32>
    %div3A_13 = arith.constant 6.553600e+04 : f32
    %div3A_14 = vector.broadcast %div3A_13 : f32 to vector<1x128xf32>
    %div3A_15 = arith.divf %get3A_4, %div3A_14 : vector<1x128xf32>
    %mul3A = arith.mulf %div3A_12, %div3A_12 : vector<1x128xf32>
    %sub3A = arith.subf %div3A_15, %mul3A : vector<1x128xf32>
    %add3A = arith.constant 9.99999974E-6 : f32
    %add3A_16 = vector.broadcast %add3A : f32 to vector<1x128xf32>
    %add3A_17 = arith.addf %sub3A, %add3A_16 : vector<1x128xf32>
    %rsqrt3A = math.rsqrt %add3A_17 : vector<1x128xf32>
    %mul3A_18 = arith.mulf %get3A_7, %rsqrt3A : vector<1x128xf32>
    %mul3A_19 = arith.mulf %div3A_12, %mul3A_18 : vector<1x128xf32>
    %sub3A_20 = arith.subf %get3A_10, %mul3A_19 : vector<1x128xf32>
    %get3A_21 = arith.constant 0 : index
    %get3A_22 = arith.constant 0 : index
    %get3A_23 = arith.constant 0 : index
    %get3A_24 = vector.load %arg2[%get3A_21, %get3A_22, %get3A_23] : memref<4x512x16xf32, #tpu.memory_space<vmem>>, vector<4x512x16xf32>
    %reshape3A = vector.shape_cast %get3A_24 : vector<4x512x16xf32> to vector<2048x16xf32>
    %abs3A = math.absf %reshape3A : vector<2048x16xf32>
    %reduce_sum3A = arith.constant dense<0.000000e+00> : vector<2048xf32>
    %reduce_sum3A_25 = vector.multi_reduction <add>, %abs3A, %reduce_sum3A [1] : vector<2048x16xf32> to vector<2048xf32>
    %broadcast_in_dim3A = vector.shape_cast %reduce_sum3A_25 : vector<2048xf32> to vector<2048x1xf32>
    %ne3A = arith.constant 0.000000e+00 : f32
    %ne3A_26 = vector.broadcast %ne3A : f32 to vector<2048x1xf32>
    %ne3A_27 = arith.cmpf one, %broadcast_in_dim3A, %ne3A_26 : vector<2048x1xf32>
    %convert_element_type3A = arith.extui %ne3A_27 : vector<2048x1xi1> to vector<2048x1xi32>
    %convert_element_type3A_28 = arith.sitofp %convert_element_type3A : vector<2048x1xi32> to vector<2048x1xf32>
    %get3A_29 = arith.constant 0 : index
    %get3A_30 = arith.constant 0 : index
    %get3A_31 = arith.constant 0 : index
    %get3A_32 = vector.load %arg1[%get3A_29, %get3A_30, %get3A_31] : memref<4x512x128xf32, #tpu.memory_space<vmem>>, vector<4x512x128xf32>
    %reshape3A_33 = vector.shape_cast %get3A_32 : vector<4x512x128xf32> to vector<2048x128xf32>
    %mul3A_34 = vector.broadcast %mul3A_18 : vector<1x128xf32> to vector<2048x128xf32>
    %mul3A_35 = arith.mulf %reshape3A_33, %mul3A_34 : vector<2048x128xf32>
    %add3A_36 = vector.broadcast %sub3A_20 : vector<1x128xf32> to vector<2048x128xf32>
    %add3A_37 = arith.addf %mul3A_35, %add3A_36 : vector<2048x128xf32>
    %max3A = arith.constant 0.000000e+00 : f32
    %max3A_38 = vector.broadcast %max3A : f32 to vector<2048x128xf32>
    %max3A_39 = arith.maximumf %add3A_37, %max3A_38 : vector<2048x128xf32>
    %mul3A_40 = vector.broadcast %convert_element_type3A_28 : vector<2048x1xf32> to vector<2048x128xf32>
    %mul3A_41 = arith.mulf %max3A_39, %mul3A_40 : vector<2048x128xf32>
    %slice3A = vector.extract_strided_slice %convert_element_type3A_28 {offsets = [0, 0], sizes = [512, 1], strides = [1, 1]} : vector<2048x1xf32> to vector<512x1xf32>
    %reduce_sum3A_42 = arith.constant dense<0.000000e+00> : vector<1xf32>
    %reduce_sum3A_43 = vector.multi_reduction <add>, %slice3A, %reduce_sum3A_42 [0] : vector<512x1xf32> to vector<1xf32>
    %broadcast_in_dim3A_44 = vector.shape_cast %reduce_sum3A_43 : vector<1xf32> to vector<1x1xf32>
    %max3A_45 = arith.constant 1.000000e+00 : f32
    %max3A_46 = vector.broadcast %max3A_45 : f32 to vector<1x1xf32>
    %max3A_47 = arith.maximumf %broadcast_in_dim3A_44, %max3A_46 : vector<1x1xf32>
    %slice3A_48 = vector.extract_strided_slice %mul3A_41 {offsets = [0, 0], sizes = [512, 128], strides = [1, 1]} : vector<2048x128xf32> to vector<512x128xf32>
    %reduce_sum3A_49 = arith.constant dense<0.000000e+00> : vector<128xf32>
    %reduce_sum3A_50 = vector.multi_reduction <add>, %slice3A_48, %reduce_sum3A_49 [0] : vector<512x128xf32> to vector<128xf32>
    %broadcast_in_dim3A_51 = vector.shape_cast %reduce_sum3A_50 : vector<128xf32> to vector<1x128xf32>
    %div3A_52 = vector.broadcast %max3A_47 : vector<1x1xf32> to vector<1x128xf32>
    %div3A_53 = arith.divf %broadcast_in_dim3A_51, %div3A_52 : vector<1x128xf32>
    %mul3A_54 = arith.constant 4 : i32
    %mul3A_55 = arith.muli %arg0, %mul3A_54 : i32
    %add3A_56 = arith.constant 0 : i32
    %add3A_57 = arith.addi %mul3A_55, %add3A_56 : i32
    %swap3A = arith.index_cast %add3A_57 : i32 to index
    %swap3A_58 = arith.constant 0 : index
    %swap3A_59 = vector.load %arg11[%swap3A, %swap3A_58] : memref<128x128xf32, #tpu.memory_space<vmem>>, vector<1x128xf32>
    tpu.vector_store %arg11[%swap3A, %swap3A_58], %div3A_53 {strides = array<i32>} : memref<128x128xf32, #tpu.memory_space<vmem>>, vector<1x128xf32>,
    %slice3A_60 = vector.extract_strided_slice %convert_element_type3A_28 {offsets = [512, 0], sizes = [512, 1], strides = [1, 1]} : vector<2048x1xf32> to vector<512x1xf32>
    %reduce_sum3A_61 = arith.constant dense<0.000000e+00> : vector<1xf32>
    %reduce_sum3A_62 = vector.multi_reduction <add>, %slice3A_60, %reduce_sum3A_61 [0] : vector<512x1xf32> to vector<1xf32>
    %broadcast_in_dim3A_63 = vector.shape_cast %reduce_sum3A_62 : vector<1xf32> to vector<1x1xf32>
    %max3A_64 = arith.constant 1.000000e+00 : f32
    %max3A_65 = vector.broadcast %max3A_64 : f32 to vector<1x1xf32>
    %max3A_66 = arith.maximumf %broadcast_in_dim3A_63, %max3A_65 : vector<1x1xf32>
    %slice3A_67 = vector.extract_strided_slice %mul3A_41 {offsets = [512, 0], sizes = [512, 128], strides = [1, 1]} : vector<2048x128xf32> to vector<512x128xf32>
    %reduce_sum3A_68 = arith.constant dense<0.000000e+00> : vector<128xf32>
    %reduce_sum3A_69 = vector.multi_reduction <add>, %slice3A_67, %reduce_sum3A_68 [0] : vector<512x128xf32> to vector<128xf32>
    %broadcast_in_dim3A_70 = vector.shape_cast %reduce_sum3A_69 : vector<128xf32> to vector<1x128xf32>
    %div3A_71 = vector.broadcast %max3A_66 : vector<1x1xf32> to vector<1x128xf32>
    %div3A_72 = arith.divf %broadcast_in_dim3A_70, %div3A_71 : vector<1x128xf32>
    %mul3A_73 = arith.constant 4 : i32
    %mul3A_74 = arith.muli %arg0, %mul3A_73 : i32
    %add3A_75 = arith.constant 1 : i32
    %add3A_76 = arith.addi %mul3A_74, %add3A_75 : i32
    %swap3A_77 = arith.index_cast %add3A_76 : i32 to index
    %swap3A_78 = arith.constant 0 : index
    %swap3A_79 = vector.load %arg11[%swap3A_77, %swap3A_78] : memref<128x128xf32, #tpu.memory_space<vmem>>, vector<1x128xf32>
    tpu.vector_store %arg11[%swap3A_77, %swap3A_78], %div3A_72 {strides = array<i32>} : memref<128x128xf32, #tpu.memory_space<vmem>>, vector<1x128xf32>,
    %slice3A_80 = vector.extract_strided_slice %convert_element_type3A_28 {offsets = [1024, 0], sizes = [512, 1], strides = [1, 1]} : vector<2048x1xf32> to vector<512x1xf32>
    %reduce_sum3A_81 = arith.constant dense<0.000000e+00> : vector<1xf32>
    %reduce_sum3A_82 = vector.multi_reduction <add>, %slice3A_80, %reduce_sum3A_81 [0] : vector<512x1xf32> to vector<1xf32>
    %broadcast_in_dim3A_83 = vector.shape_cast %reduce_sum3A_82 : vector<1xf32> to vector<1x1xf32>
    %max3A_84 = arith.constant 1.000000e+00 : f32
    %max3A_85 = vector.broadcast %max3A_84 : f32 to vector<1x1xf32>
    %max3A_86 = arith.maximumf %broadcast_in_dim3A_83, %max3A_85 : vector<1x1xf32>
    %slice3A_87 = vector.extract_strided_slice %mul3A_41 {offsets = [1024, 0], sizes = [512, 128], strides = [1, 1]} : vector<2048x128xf32> to vector<512x128xf32>
    %reduce_sum3A_88 = arith.constant dense<0.000000e+00> : vector<128xf32>
    %reduce_sum3A_89 = vector.multi_reduction <add>, %slice3A_87, %reduce_sum3A_88 [0] : vector<512x128xf32> to vector<128xf32>
    %broadcast_in_dim3A_90 = vector.shape_cast %reduce_sum3A_89 : vector<128xf32> to vector<1x128xf32>
    %div3A_91 = vector.broadcast %max3A_86 : vector<1x1xf32> to vector<1x128xf32>
    %div3A_92 = arith.divf %broadcast_in_dim3A_90, %div3A_91 : vector<1x128xf32>
    %mul3A_93 = arith.constant 4 : i32
    %mul3A_94 = arith.muli %arg0, %mul3A_93 : i32
    %add3A_95 = arith.constant 2 : i32
    %add3A_96 = arith.addi %mul3A_94, %add3A_95 : i32
    %swap3A_97 = arith.index_cast %add3A_96 : i32 to index
    %swap3A_98 = arith.constant 0 : index
    %swap3A_99 = vector.load %arg11[%swap3A_97, %swap3A_98] : memref<128x128xf32, #tpu.memory_space<vmem>>, vector<1x128xf32>
    tpu.vector_store %arg11[%swap3A_97, %swap3A_98], %div3A_92 {strides = array<i32>} : memref<128x128xf32, #tpu.memory_space<vmem>>, vector<1x128xf32>,
    %slice3A_100 = vector.extract_strided_slice %convert_element_type3A_28 {offsets = [1536, 0], sizes = [512, 1], strides = [1, 1]} : vector<2048x1xf32> to vector<512x1xf32>
    %reduce_sum3A_101 = arith.constant dense<0.000000e+00> : vector<1xf32>
    %reduce_sum3A_102 = vector.multi_reduction <add>, %slice3A_100, %reduce_sum3A_101 [0] : vector<512x1xf32> to vector<1xf32>
    %broadcast_in_dim3A_103 = vector.shape_cast %reduce_sum3A_102 : vector<1xf32> to vector<1x1xf32>
    %max3A_104 = arith.constant 1.000000e+00 : f32
    %max3A_105 = vector.broadcast %max3A_104 : f32 to vector<1x1xf32>
    %max3A_106 = arith.maximumf %broadcast_in_dim3A_103, %max3A_105 : vector<1x1xf32>
    %slice3A_107 = vector.extract_strided_slice %mul3A_41 {offsets = [1536, 0], sizes = [512, 128], strides = [1, 1]} : vector<2048x128xf32> to vector<512x128xf32>
    %reduce_sum3A_108 = arith.constant dense<0.000000e+00> : vector<128xf32>
    %reduce_sum3A_109 = vector.multi_reduction <add>, %slice3A_107, %reduce_sum3A_108 [0] : vector<512x128xf32> to vector<128xf32>
    %broadcast_in_dim3A_110 = vector.shape_cast %reduce_sum3A_109 : vector<128xf32> to vector<1x128xf32>
    %div3A_111 = vector.broadcast %max3A_106 : vector<1x1xf32> to vector<1x128xf32>
    %div3A_112 = arith.divf %broadcast_in_dim3A_110, %div3A_111 : vector<1x128xf32>
    %mul3A_113 = arith.constant 4 : i32
    %mul3A_114 = arith.muli %arg0, %mul3A_113 : i32
    %add3A_115 = arith.constant 3 : i32
    %add3A_116 = arith.addi %mul3A_114, %add3A_115 : i32
    %swap3A_117 = arith.index_cast %add3A_116 : i32 to index
    %swap3A_118 = arith.constant 0 : index
    %swap3A_119 = vector.load %arg11[%swap3A_117, %swap3A_118] : memref<128x128xf32, #tpu.memory_space<vmem>>, vector<1x128xf32>
    tpu.vector_store %arg11[%swap3A_117, %swap3A_118], %div3A_112 {strides = array<i32>} : memref<128x128xf32, #tpu.memory_space<vmem>>, vector<1x128xf32>,
    %eq3A = arith.constant 31 : i32
    %eq3A_120 = arith.cmpi eq, %arg0, %eq3A : i32
    %convert_element_type3A_121 = arith.extui %eq3A_120 : i1 to i32
    %cond3A = arith.constant 0 : i32
    %cond3A_122 = arith.cmpi ne, %convert_element_type3A_121, %cond3A : i32
    scf.if %cond3A_122 {
      %get3A_123 = arith.constant 0 : index
      %get3A_124 = arith.constant 0 : index
      %get3A_125 = vector.load %arg11[%get3A_123, %get3A_124] : memref<128x128xf32, #tpu.memory_space<vmem>>, vector<128x128xf32>
      %get3A_126 = arith.constant 0 : index
      %get3A_127 = arith.constant 0 : index
      %get3A_128 = vector.load %arg6[%get3A_126, %get3A_127] : memref<128x128xf32, #tpu.memory_space<vmem>>, vector<128x128xf32>
      %dot_general3A = arith.constant dense<0.000000e+00> : vector<128x128xf32>
      %dot_general3A_129 = tpu.matmul %get3A_125, %get3A_128, %dot_general3A {dimension_numbers = #tpu.dot_dimension_numbers<[1], [1], [0], [0], [0, 0, 1, 0], [], []>, precision = #tpu.contract_precision<fp32>, transpose_lhs_hint = false} : vector<128x128xf32>, vector<128x128xf32>, vector<128x128xf32> -> vector<128x128xf32>
      %get3A_130 = arith.constant 0 : index
      %get3A_131 = arith.constant 0 : index
      %get3A_132 = vector.load %arg7[%get3A_130, %get3A_131] : memref<1x128xf32, #tpu.memory_space<vmem>>, vector<1x128xf32>
      %add3A_133 = vector.broadcast %get3A_132 : vector<1x128xf32> to vector<128x128xf32>
      %add3A_134 = arith.addf %dot_general3A_129, %add3A_133 : vector<128x128xf32>
      %max3A_135 = arith.constant 0.000000e+00 : f32
      %max3A_136 = vector.broadcast %max3A_135 : f32 to vector<128x128xf32>
      %max3A_137 = arith.maximumf %add3A_134, %max3A_136 : vector<128x128xf32>
      %get3A_138 = arith.constant 0 : index
      %get3A_139 = arith.constant 0 : index
      %get3A_140 = vector.load %arg8[%get3A_138, %get3A_139] : memref<10x128xf32, #tpu.memory_space<vmem>>, vector<10x128xf32>
      %dot_general3A_141 = arith.constant dense<0.000000e+00> : vector<128x10xf32>
      %dot_general3A_142 = tpu.matmul %max3A_137, %get3A_140, %dot_general3A_141 {dimension_numbers = #tpu.dot_dimension_numbers<[1], [1], [0], [0], [0, 0, 1, 0], [], []>, precision = #tpu.contract_precision<fp32>, transpose_lhs_hint = false} : vector<128x128xf32>, vector<10x128xf32>, vector<128x10xf32> -> vector<128x10xf32>
      %get3A_143 = arith.constant 0 : index
      %get3A_144 = arith.constant 0 : index
      %get3A_145 = vector.load %arg9[%get3A_143, %get3A_144] : memref<1x10xf32, #tpu.memory_space<vmem>>, vector<1x10xf32>
      %add3A_146 = vector.broadcast %get3A_145 : vector<1x10xf32> to vector<128x10xf32>
      %add3A_147 = arith.addf %dot_general3A_142, %add3A_146 : vector<128x10xf32>
      %swap3A_148 = arith.constant 0 : index
      %swap3A_149 = arith.constant 0 : index
      %swap3A_150 = vector.load %arg10[%swap3A_148, %swap3A_149] : memref<128x10xf32, #tpu.memory_space<vmem>>, vector<128x10xf32>
      tpu.vector_store %arg10[%swap3A_148, %swap3A_149], %add3A_147 {strides = array<i32>} : memref<128x10xf32, #tpu.memory_space<vmem>>, vector<128x10xf32>,
    } else {
    }
    return
  }
  func.func @transform_0(%arg0: i32) -> (i32, i32, i32) {
    %c0_i32 = arith.constant 0 : i32
    %c0_i32_0 = arith.constant 0 : i32
    %c0_i32_1 = arith.constant 0 : i32
    return %arg0, %c0_i32, %c0_i32_0 : i32, i32, i32
  }
  func.func @transform_1(%arg0: i32) -> (i32, i32, i32) {
    %c0_i32 = arith.constant 0 : i32
    %c0_i32_0 = arith.constant 0 : i32
    %c0_i32_1 = arith.constant 0 : i32
    return %arg0, %c0_i32, %c0_i32_0 : i32, i32, i32
  }
  func.func @transform_2(%arg0: i32) -> (i32, i32) {
    %c0_i32 = arith.constant 0 : i32
    %c0_i32_0 = arith.constant 0 : i32
    %c0_i32_1 = arith.constant 0 : i32
    return %c0_i32, %c0_i32_0 : i32, i32
  }
  func.func @transform_3(%arg0: i32) -> (i32, i32) {
    %c0_i32 = arith.constant 0 : i32
    %c0_i32_0 = arith.constant 0 : i32
    %c0_i32_1 = arith.constant 0 : i32
    return %c0_i32, %c0_i32_0 : i32, i32
  }
  func.func @transform_4(%arg0: i32) -> (i32, i32) {
    %c0_i32 = arith.constant 0 : i32
    %c0_i32_0 = arith.constant 0 : i32
    %c0_i32_1 = arith.constant 0 : i32
    return %c0_i32, %c0_i32_0 : i32, i32
  }
  func.func @transform_5(%arg0: i32) -> (i32, i32) {
    %c0_i32 = arith.constant 0 : i32
    %c0_i32_0 = arith.constant 0 : i32
    %c0_i32_1 = arith.constant 0 : i32
    return %c0_i32, %c0_i32_0 : i32, i32
  }
  func.func @transform_6(%arg0: i32) -> (i32, i32) {
    %c0_i32 = arith.constant 0 : i32
    %c0_i32_0 = arith.constant 0 : i32
    %c0_i32_1 = arith.constant 0 : i32
    return %c0_i32, %c0_i32_0 : i32, i32
  }
  func.func @transform_7(%arg0: i32) -> (i32, i32) {
    %c0_i32 = arith.constant 0 : i32
    %c0_i32_0 = arith.constant 0 : i32
    %c0_i32_1 = arith.constant 0 : i32
    return %c0_i32, %c0_i32_0 : i32, i32
  }
  func.func @transform_8(%arg0: i32) -> (i32, i32) {
    %c0_i32 = arith.constant 0 : i32
    %c0_i32_0 = arith.constant 0 : i32
    %c0_i32_1 = arith.constant 0 : i32
    return %c0_i32, %c0_i32_0 : i32, i32
  }
  func.func @transform_9(%arg0: i32) -> (i32, i32) {
    %c0_i32 = arith.constant 0 : i32
    %c0_i32_0 = arith.constant 0 : i32
    %c0_i32_1 = arith.constant 0 : i32
    return %c0_i32, %c0_i32_0 : i32, i32
  }
}

</mosaic_0001>

<sc_bundles>
// kernel: kernel.14.cloned.1.call-start
scs
__scs_entry_jumppad:
0x0: {  	(pc) =	sbr.rel $0x88, $3  }
0x1: {  	(tag) =	ssettag $0x0;
	lr =	simm.s32 $0x1  }
0x2: {  	[smem:$0x3F7E] =	sst lr;
	_ =	strace $0xD0000000  }
0x3: {  	_ = 	snop  }
0x4: {  	_ = 	snop  }
0x5: {  	_ = 	snop  }
0x6: {  	_ = 	snop  }
0x7: {  	_ = 	snop  }
__scs_overlays_trampoline_lowered:
0x8: {  	[smem:$0x3F8D] =	sst s0  }
0x9: {  	[smem:$0x3F8E] =	sst s1  }
0xa: {  	[smem:$0x3F8F] =	sst s2  }
0xb: {  	[smem:$0x3F90] =	sst s3  }
0xc: {  	[smem:$0x3F91] =	sst s4  }
0xd: {  	[smem:$0x3F92] =	sst s5  }
0xe: {  	[smem:$0x3F93] =	sst s6  }
0xf: {  	[smem:$0x3F94] =	sst s7  }
0x10: {  	[smem:$0x3F95] =	sst s8  }
0x11: {  	[smem:$0x3F96] =	sst s9;
	s0 =	simm.s32 @!p0 $0x0  }
0x12: {  	s1 =	sld [smem:$0x3F7C];
	s0 =	simm.s32 @p0 $0x1  }
0x13: {  	[smem:$0x3F97] =	sst s0;
	s0 =	simm.s32 @!p1 $0x0  }
0x14: {  	s2 =	sld [smem:$0x3F7B];
	s0 =	simm.s32 @p1 $0x1  }
0x15: {  	[smem:$0x3F98] =	sst s0;
	s0 =	simm.s32 @!p2 $0x0  }
0x16: {  	s3 =	sld [smem:$0x3FDB];
	s0 =	simm.s32 @p2 $0x1  }
0x17: {  	s4 =	simm.s32 $0x1BF5;
	[smem:$0x3F9A] =	sst s0  }
0x18: {  	s0 =	sld [smem:$0x3F7D];
	_ =	swait.ge [sflag:s4], $0x0  }
0x19: {  	s7 =	sld [smem:$0x3F7E]  }
0x1a: {  	s8 =	sadd.s32 $0xFFFFE003, lr  }
0x1b: {  	s9 =	sadd.s32 $0xFFFFFEF7, lr;
	s5 =	simm.s32 $0xFFFFFFFF;
	p2 =	slt.u32 s8, $0xFFFFF086  }
0x1c: {  	p1 =	slt.u32 s9, $0xF7A;
	s5 =	simm.s32 @!p2 $0x0  }
0x1d: {  	s5 =	simm.s32 @p1 $0x1;
	p0 =	seq.s32 s7, s2  }
0x1e: {  	s7 =	smul.u32 @!p0 $0xF7A, s2;
	p2 =	seq.s32 @!p0 s5, $0x0  }
0x1f: {  	s9 =	smul.u32 $0xF7A, s1;
	s8 =	simm.s32 @!p0 $0x1BF5;
	p2 =	por !p2, p0  }
0x20: {  	[sflag:s8] =	ssyncset.s32 @!p0 $0xFFFFF086;
	s6 =	sadd.s32 @!p0 s3, s7;
	s7 =	simm.s32 @!p0 $0x108  }
0x21: {  	s3 =	sadd.s32 s3, s9;
	s6 =	sadd.s32 @!p0 $0x88, s6;
	s7 =	simm.s32 @p2 $0x1082  }
0x22: {  	[simem:s7], [sflag:s8] =	dma.local @!p0 [hbm:s6], $0xF7A  }
0x23: {  	s9 =	sor.u32 $0xD0000000, s2;
	s6 =	simm.s32 $0x108;
	_ =	swait.ge @!p0 [sflag:s8], $0x0  }
0x24: {  	s3 =	sadd.s32 $0x88, s3;
	s6 =	simm.s32 @!p1 $0x1082;
	[sflag:s4] =	ssyncset.s32 $0xFFFFF086  }
0x25: {  	[simem:s6], [sflag:s4] =	dma.local [hbm:s3], $0xF7A  }
0x26: {  	[smem:$0x3F7E] =	sst s1;
	(tag) =	ssettag s2;
	_ =	strace s9  }
0x27: {  	s1 =	sld [smem:$0x3F8E]  }
0x28: {  	s2 =	sld [smem:$0x3F8F]  }
0x29: {  	s4 =	sld [smem:$0x3F91]  }
0x2a: {  	p0 =	seq.s32 s5, $0x0;
	s5 =	sld [smem:$0x3F92]  }
0x2b: {  	s6 =	sld [smem:$0x3F93]  }
0x2c: {  	s7 =	sld [smem:$0x3F94]  }
0x2d: {  	s3 =	simm.s32 $0x108;
	s8 =	sld [smem:$0x3F95]  }
0x2e: {  	s3 =	simm.s32 @!p0 $0x1082;
	s9 =	sld [smem:$0x3F96]  }
0x2f: {  	lr =	sadd.s32 s0, s3;
	s0 =	sld [smem:$0x3F8D]  }
0x30: {  	s3 =	sld [smem:$0x3F90]  }
0x31: {  	[smem:$0x3F99] =	sst s10  }
0x32: {  	s10 =	sld [smem:$0x3F97];
	_ =	sdelay $0x3  }
0x33: {  	p0 =	seq.s32 s10, $0x1;
	s10 =	sld [smem:$0x3F99];
	_ =	sdelay $0x3  }
0x34: {  	[smem:$0x3F99] =	sst s10  }
0x35: {  	s10 =	sld [smem:$0x3F98];
	_ =	sdelay $0x3  }
0x36: {  	p1 =	seq.s32 s10, $0x1;
	s10 =	sld [smem:$0x3F99];
	_ =	sdelay $0x3  }
0x37: {  	[smem:$0x3F99] =	sst s10  }
0x38: {  	s10 =	sld [smem:$0x3F9A]  }
0x39: {  	_ = 	snop;
	(pc) =	sbr.ind lr, $3  }
0x3a: {  	_ = 	snop  }
0x3b: {  	_ = 	snop  }
0x3c: {  	p2 =	seq.s32 s10, $0x1;
	s10 =	sld [smem:$0x3F99]  }
0x3d: {  	_ =	shalt  }
0x3e: {  	_ =	shalt  }
0x3f: {  	_ =	shalt  }
0x40: {  	_ =	shalt  }
0x41: {  	_ =	shalt  }
0x42: {  	_ =	shalt  }
0x43: {  	_ =	shalt  }
0x44: {  	_ =	shalt  }
0x45: {  	_ =	shalt  }
0x46: {  	_ =	shalt  }
0x47: {  	_ =	shalt  }
0x48: {  	_ =	shalt  }
0x49: {  	_ =	shalt  }
0x4a: {  	_ =	shalt  }
0x4b: {  	_ =	shalt  }
0x4c: {  	_ =	shalt  }
0x4d: {  	_ =	shalt  }
0x4e: {  	_ =	shalt  }
0x4f: {  	_ =	shalt  }
0x50: {  	_ =	shalt  }
0x51: {  	_ =	shalt  }
0x52: {  	_ =	shalt  }
0x53: {  	_ =	shalt  }
0x54: {  	_ =	shalt  }
0x55: {  	_ =	shalt  }
0x56: {  	_ =	shalt  }
0x57: {  	_ =	shalt  }
0x58: {  	_ =	shalt  }
0x59: {  	_ =	shalt  }
0x5a: {  	_ =	shalt  }
0x5b: {  	_ =	shalt  }
0x5c: {  	_ =	shalt  }
0x5d: {  	_ =	shalt  }
0x5e: {  	_ =	shalt  }
0x5f: {  	_ =	shalt  }
0x60: {  	_ =	shalt  }
0x61: {  	_ =	shalt  }
0x62: {  	_ =	shalt  }
0x63: {  	_ =	shalt  }
0x64: {  	_ =	shalt  }
0x65: {  	_ =	shalt  }
0x66: {  	_ =	shalt  }
0x67: {  	_ =	shalt  }
0x68: {  	_ =	shalt  }
0x69: {  	_ =	shalt  }
0x6a: {  	_ =	shalt  }
0x6b: {  	_ =	shalt  }
0x6c: {  	_ =	shalt  }
0x6d: {  	_ =	shalt  }
0x6e: {  	_ =	shalt  }
0x6f: {  	_ =	shalt  }
0x70: {  	_ =	shalt  }
0x71: {  	_ =	shalt  }
0x72: {  	_ =	shalt  }
0x73: {  	_ =	shalt  }
0x74: {  	_ =	shalt  }
0x75: {  	_ =	shalt  }
0x76: {  	_ =	shalt  }
0x77: {  	_ =	shalt  }
0x78: {  	_ =	shalt  }
0x79: {  	_ =	shalt  }
0x7a: {  	_ =	shalt  }
0x7b: {  	_ =	shalt  }
0x7c: {  	_ =	shalt  }
0x7d: {  	_ =	shalt  }
0x7e: {  	_ =	shalt  }
0x7f: {  	_ =	shalt  }
0x80: {  	_ =	shalt  }
0x81: {  	_ =	shalt  }
0x82: {  	_ =	shalt  }
0x83: {  	_ =	shalt  }
0x84: {  	_ =	shalt  }
0x85: {  	_ =	shalt  }
0x86: {  	_ =	shalt  }
0x87: {  	_ =	shalt  }
.Lfunc_end0:
.L_simem_size_0:
called_computation_lowered:
.L_overlay_start_0:
0x88: {  	s2 =	sld [smem:$0x3FD9]  }
0x89: {  	s3 =	sld [smem:$0x3FFE];
	_ =	sdelay $0x1  }
0x8a: {  	s1 =	srdreg.scid  }
0x8b: {  	s0 =	sand.u32 $0x1, s1  }
0x8c: {  	s16 =	sshll.u32 s0, $0xA;
	s2 =	sadd.s32 s3, s2  }
0x8d: {  	s2 =	sadd.s32 s2, s16  }
0x8e: {  	[smem:$0x3FA5] =	sst s2  }
0x8f: {  	_ = 	snop  }
0x90: {  	(tm) =	ssettm $0x1  }
0x91: {  	s17 =	sld [smem:$0x3FFB];
	_ =	sdelay $0x3  }
0x92: {  	_ =	strace s17  }
0x93: {  	s2 =	sld [smem:$0x3FFC];
	_ =	sdelay $0x3  }
0x94: {  	_ =	strace s2  }
0x95: {  	s2 =	sld [smem:$0x3FFD];
	_ =	sdelay $0x3  }
0x96: {  	_ =	strace s2  }
0x97: {  	_ =	strace $0x8FFFFFFF  }
0x98: {  	s18 =	sld [smem:$0x3FDB];
	_ =	sdelay $0x1  }
0x99: {  	s19 =	simm.s32 $_scs_section_size  }
0x9a: {  	s4 =	simm.s32 $_size__tile_overlayer_lowered;
	s5 =	simm.s32 $_tile_overlayer_lowered  }
0x9b: {  	s22 =	simm.s32 $0x1BFF;
	s21 =	sshll.u32 s5, $0x1;
	s2 =	sadd.s32 s19, s18  }
0x9c: {  	s6 =	simm.s32 $0x0;
	s20 =	sshll.u32 s4, $0x1;
	s4 =	sadd.s32 s21, s2  }
0x9d: {  	[timem:s6], [sflag:s22] =	dma.local [hbm:s4], s20  }
0x9e: {  	_ =	swait.ge [sflag:s22], s20  }
0x9f: {  	s3 =	ssub.s32 $0x0, s20;
	[sflag:s22] =	ssyncset.done $0x0  }
0xa0: {  	[sflag:s22] =	ssyncadd.s32 s3;
	_ =	sdelay $0x1  }
0xa1: {  	s23 =	simm.s32 $0x1B8B  }
0xa2: {  	_ =	swait.ge [sflag:s23], $0x1  }
0xa3: {  	[sflag:s23] =	ssyncset.done $0x0  }
0xa4: {  	s25 =	simm.s32 $0x1B8E;
	s24 =	sld [smem:$0x3FFE];
	[sflag:s23] =	ssyncadd.s32 $0xFFFFFFFF  }
0xa5: {  	s26 =	simm.s32 $execute0_lowered;
	[smem:$0x3FD2] =	sst s25  }
0xa6: {  	s4 =	sshll.u32 s26, $0x1;
	_ =	strace $0x80000046;
	[dreg:$0x1] =	wrdreg $0xFFFFFFFF  }
0xa7: {  	s28 =	simm.s32 $_size_execute0_lowered;
	s2 =	sadd.s32 s2, s4;
	[dreg:$0x0] =	wrdreg $0x0  }
0xa8: {  	s4 =	sshll.u32 s28, $0x1;
	[dreg:$0x2] =	wrdreg s2  }
0xa9: {  	[dreg:$0x3] =	wrdreg s4  }
0xaa: {  	[dreg:$0x4] =	wrdreg $0xC0  }
0xab: {  	_ =	task [dreg:s6], $0x5FFFF  }
0xac: {  	[dreg:$0x1] =	wrdreg $0xFFFFFFFF  }
0xad: {  	[dreg:$0x0] =	wrdreg $0x60  }
0xae: {  	[dreg:$0x2] =	wrdreg s24  }
0xaf: {  	[dreg:$0x3] =	wrdreg $0x9  }
0xb0: {  	_ =	task.clear_ibuf [dreg:s6], $0x4FFFF;
	_ =	strace $0x90000046  }
0xb1: {  	s29 =	simm.s32 $0x9;
	_ =	strace $0x80000048  }
0xb2: {  	_ =	swait.ge [sflag:s29], $0x1  }
0xb3: {  	[sflag:s29] =	ssyncadd.s32 $0xFFFFFFFF  }
0xb4: {  	_ =	strace $0x90000048  }
0xb5: {  	_ =	sfence  }
0xb6: {  	s30 =	sld [smem:$0x0];
	_ =	sdelay $0x2  }
0xb7: {  	s31 =	sshll.u32 s1, $0xD;
	s1 =	sshrl.u32 s1, $0x2  }
0xb8: {  	s3 =	sand.u32 $0x4000, s31;
	s1 =	sadd.s32 s1, s30  }
0xb9: {  	s0 =	sor.u32 s3, s0;
	s1 =	sshll.u32 s1, $0x11  }
0xba: {  	s0 =	sor.u32 s1, s0  }
0xbb: {  	s0 =	sadd.s32 $0x8F2B, s0  }
0xbc: {  	[sflag:s0] =	ssyncadd.remote.s32 $0x1  }
0xbd: {  	_ =	sfence.sel $0xFFFF  }
0xbe: {  	[dreg:$0x0] =	wrdreg $0xFFFFFFFF;
	(pc) =	sbr.abs _section_cstart, $3  }
0xbf: {  	[dreg:$0x1] =	wrdreg $0xFFFFFFFF  }
0xc0: {  	_ =	task.clear_ibuf [dreg:s6], $0x2FFFF;
	_ =	strace $0x9FFFFFFF  }
0xc1: {  	(tm) =	ssettm $0x7FFFFFFF  }
tec
execute0_lowered:
.L_overlay_start_1:
0x0: {  	(tag) =	ssettag $0x1  }
0x1: {  	s1 =	srdreg.scid;
	s0 =	stileid.u32  }
0x2: {  	s24 =	sand.u32 $0x1, s1;
	s30 =	sshll.u32 s0, $0x1  }
0x3: {  	s12 =	sor.u32 s24, s30  }
0x4: {  	s3 =	smul.u32 $0x700, s12  }
0x5: {  	s10 =	rddreg [dreg:$0x0];
	s2 =	simm.s32 $0x0  }
0x6: {  	s4 =	simm.s32 $0x5;
	[smem:$0x7FF] =	sst s2;
	s3 =	sadd.s32 s3, s10  }
0x7: {  	s1 =	rddreg [dreg:$0x1];
	_ =	strace $0x80000047;
	s3 =	sadd.s32 $0x2400, s3  }
0x8: {  	[tilespmem:s2], [sflag:$0x5] =	stream.linear.gather [hbm4b:s3+s2], $0x3800, $0x38;
	[tilespmem:$0x13800] =	vst v63  }
0x9: {  	_ =	swait.ge [sflag:s4], $0x3800  }
0xa: {  	s6 =	simm.s32 $0x800;
	[sflag:s4] =	ssyncset.done $0x0  }
0xb: {  	s7 =	simm.s32 $0x3800;
	s5 =	sadd.s32 $0x10400, s10;
	[sflag:s4] =	ssyncadd.s32 $0xFFFFC800  }
0xc: {  	[tilespmem:s7], [sflag:$0x1] =	stream.indirect.gather [hbm4b:s5+s6], $0x10, s2, s6, $0xb8;
	[tilespmem:$0x13800] =	vst v63  }
0xd: {  	s8 =	simm.s32 $0xB800;
	s9 =	simm.s32 $0x1  }
0xe: {  	[tilespmem:s8], [sflag:$0x2] =	stream.indirect.gather [hbm4b:s5+s6], $0x10, s6, s6, $0xb8;
	[tilespmem:$0x13800] =	vst v63  }
0xf: {  	s11 =	smul.u32 $0x7000, s12;
	_ =	swait.ge [sflag:s9], $0x8000  }
0x10: {  	s14 =	sadd.s32 $0x20A400, s10;
	[sflag:s9] =	ssyncset.done $0x0  }
0x11: {  	s10 =	sadd.s32 s14, s11;
	s11 =	simm.s32 $0x3;
	[sflag:s9] =	ssyncadd.s32 $0xFFFF8000  }
0x12: {  	[hbm4b:s10+s2] =	stream.linear.scatter [tilespmem:s7], [sflag:$0x3], $0x8000, $0x38;
	[tilespmem:$0x13800] =	vst v63  }
0x13: {  	_ =	swait.ge [sflag:s11], $0x8000  }
0x14: {  	s13 =	simm.s32 $0x2;
	[sflag:s11] =	ssyncset.done $0x0  }
0x15: {  	s15 =	smul.u32 $0x38000, s12;
	s12 =	simm.s32 $0x1000;
	[sflag:s11] =	ssyncadd.s32 $0xFFFF8000  }
0x16: {  	[tilespmem:s7], [sflag:$0x1] =	stream.indirect.gather [hbm4b:s5+s6], $0x10, s12, s6, $0xb8;
	[tilespmem:$0x13800] =	vst v63  }
0x17: {  	s15 =	sshrl.u32 s15, $0x3;
	_ =	swait.ge [sflag:s13], $0x8000  }
0x18: {  	s25 =	sadd.s32 s14, s15;
	[sflag:s13] =	ssyncset.done $0x0  }
0x19: {  	s14 =	simm.s32 $0x4;
	s15 =	sadd.s32 $0x1000, s25;
	[sflag:s13] =	ssyncadd.s32 $0xFFFF8000  }
0x1a: {  	[hbm4b:s15+s2] =	stream.linear.scatter [tilespmem:s8], [sflag:$0x4], $0x8000, $0x38;
	[tilespmem:$0x13800] =	vst v63  }
0x1b: {  	_ =	swait.ge [sflag:s14], $0x8000  }
0x1c: {  	[sflag:s14] =	ssyncset.done $0x0  }
0x1d: {  	s16 =	simm.s32 $0x1800;
	[sflag:s14] =	ssyncadd.s32 $0xFFFF8000  }
0x1e: {  	[tilespmem:s8], [sflag:$0x2] =	stream.indirect.gather [hbm4b:s5+s6], $0x10, s16, s6, $0xb8;
	[tilespmem:$0x13800] =	vst v63  }
0x1f: {  	_ =	swait.ge [sflag:s9], $0x8000  }
0x20: {  	[sflag:s9] =	ssyncset.done $0x0  }
0x21: {  	s17 =	sadd.s32 $0x2000, s25;
	[sflag:s9] =	ssyncadd.s32 $0xFFFF8000  }
0x22: {  	[hbm4b:s17+s2] =	stream.linear.scatter [tilespmem:s7], [sflag:$0x3], $0x8000, $0x38;
	[tilespmem:$0x13800] =	vst v63  }
0x23: {  	_ =	swait.ge [sflag:s11], $0x8000  }
0x24: {  	[sflag:s11] =	ssyncset.done $0x0  }
0x25: {  	s18 =	simm.s32 $0x2000;
	[sflag:s11] =	ssyncadd.s32 $0xFFFF8000  }
0x26: {  	[tilespmem:s7], [sflag:$0x1] =	stream.indirect.gather [hbm4b:s5+s6], $0x10, s18, s6, $0xb8;
	[tilespmem:$0x13800] =	vst v63  }
0x27: {  	_ =	swait.ge [sflag:s13], $0x8000  }
0x28: {  	[sflag:s13] =	ssyncset.done $0x0  }
0x29: {  	s19 =	sadd.s32 $0x3000, s25;
	[sflag:s13] =	ssyncadd.s32 $0xFFFF8000  }
0x2a: {  	[hbm4b:s19+s2] =	stream.linear.scatter [tilespmem:s8], [sflag:$0x4], $0x8000, $0x38;
	[tilespmem:$0x13800] =	vst v63  }
0x2b: {  	_ =	swait.ge [sflag:s14], $0x8000  }
0x2c: {  	[sflag:s14] =	ssyncset.done $0x0  }
0x2d: {  	s20 =	simm.s32 $0x2800;
	[sflag:s14] =	ssyncadd.s32 $0xFFFF8000  }
0x2e: {  	[tilespmem:s8], [sflag:$0x2] =	stream.indirect.gather [hbm4b:s5+s6], $0x10, s20, s6, $0xb8;
	[tilespmem:$0x13800] =	vst v63  }
0x2f: {  	_ =	swait.ge [sflag:s9], $0x8000  }
0x30: {  	[sflag:s9] =	ssyncset.done $0x0  }
0x31: {  	s21 =	sadd.s32 $0x4000, s25;
	[sflag:s9] =	ssyncadd.s32 $0xFFFF8000  }
0x32: {  	[hbm4b:s21+s2] =	stream.linear.scatter [tilespmem:s7], [sflag:$0x3], $0x8000, $0x38;
	[tilespmem:$0x13800] =	vst v63  }
0x33: {  	_ =	swait.ge [sflag:s11], $0x8000  }
0x34: {  	[sflag:s11] =	ssyncset.done $0x0  }
0x35: {  	s22 =	simm.s32 $0x3000;
	[sflag:s11] =	ssyncadd.s32 $0xFFFF8000  }
0x36: {  	[tilespmem:s7], [sflag:$0x1] =	stream.indirect.gather [hbm4b:s5+s6], $0x10, s22, s6, $0xb8;
	[tilespmem:$0x13800] =	vst v63  }
0x37: {  	_ =	swait.ge [sflag:s13], $0x8000  }
0x38: {  	s26 =	ssub.s32 $0x2, s24;
	[sflag:s13] =	ssyncset.done $0x0  }
0x39: {  	s31 =	sshrl.u32 s26, $0x1;
	s23 =	sadd.s32 $0x5000, s25;
	[sflag:s13] =	ssyncadd.s32 $0xFFFF8000  }
0x3a: {  	[hbm4b:s23+s2] =	stream.linear.scatter [tilespmem:s8], [sflag:$0x4], $0x8000, $0x38;
	[tilespmem:$0x13800] =	vst v63  }
0x3b: {  	s24 =	sadd.s32 $0x6000, s25;
	s25 =	ssub.s32 s26, s31;
	_ =	swait.ge [sflag:s9], $0x8000  }
0x3c: {  	s25 =	smax.u32 s25, $0x1;
	[sflag:s9] =	ssyncset.done $0x0  }
0x3d: {  	p0 =	sne.s32 s25, $0x1;
	[sflag:s9] =	ssyncadd.s32 $0xFFFF8000  }
0x3e: {  	[hbm4b:s24+s2] =	stream.linear.scatter [tilespmem:s7], [sflag:$0x3], $0x8000, $0x38;
	[tilespmem:$0x13800] =	vst v63  }
.Ltmp0:
0x3f: {  	_ =	swait.ge [sflag:s11], $0x8000;
	(pc) =	sbr.rel @!p0 .LBB2_2-.Ltmp0, $4  }
0x40: {  	[sflag:s11] =	ssyncset.done $0x0  }
0x41: {  	[sflag:s11] =	ssyncadd.s32 $0xFFFF8000  }
0x42: {  	_ =	swait.ge [sflag:s14], $0x8000  }
0x43: {  	s25 =	sadd.s32 $0xFFFFFFFF, s25;
	[sflag:s14] =	ssyncset.done $0x0  }
.LBB2_1:
0x44: {  	p0 =	sne.s32 s25, $0x1;
	s25 =	sadd.s32 $0xFFFFFFFF, s25;
	[sflag:s14] =	ssyncadd.s32 $0xFFFF8000  }
0x45: {  	[tilespmem:s2], [sflag:$0x5] =	stream.linear.gather [hbm4b:s3+s2], $0x3800, $0x38;
	[tilespmem:$0x13800] =	vst v63  }
0x46: {  	_ =	swait.ge [sflag:s4], $0x3800  }
0x47: {  	[sflag:s4] =	ssyncset.done $0x0  }
0x48: {  	[sflag:s4] =	ssyncadd.s32 $0xFFFFC800  }
0x49: {  	[tilespmem:s7], [sflag:$0x1] =	stream.indirect.gather [hbm4b:s5+s6], $0x10, s2, s6, $0xb8;
	[tilespmem:$0x13800] =	vst v63  }
0x4a: {  	_ = 	snop  }
0x4b: {  	[tilespmem:s8], [sflag:$0x2] =	stream.indirect.gather [hbm4b:s5+s6], $0x10, s6, s6, $0xb8;
	[tilespmem:$0x13800] =	vst v63  }
0x4c: {  	_ =	swait.ge [sflag:s9], $0x8000  }
0x4d: {  	[sflag:s9] =	ssyncset.done $0x0  }
0x4e: {  	[sflag:s9] =	ssyncadd.s32 $0xFFFF8000  }
0x4f: {  	[hbm4b:s10+s2] =	stream.linear.scatter [tilespmem:s7], [sflag:$0x3], $0x8000, $0x38;
	[tilespmem:$0x13800] =	vst v63  }
0x50: {  	_ =	swait.ge [sflag:s11], $0x8000  }
0x51: {  	[sflag:s11] =	ssyncset.done $0x0  }
0x52: {  	[sflag:s11] =	ssyncadd.s32 $0xFFFF8000  }
0x53: {  	[tilespmem:s7], [sflag:$0x1] =	stream.indirect.gather [hbm4b:s5+s6], $0x10, s12, s6, $0xb8;
	[tilespmem:$0x13800] =	vst v63  }
0x54: {  	_ =	swait.ge [sflag:s13], $0x8000  }
0x55: {  	[sflag:s13] =	ssyncset.done $0x0  }
0x56: {  	[sflag:s13] =	ssyncadd.s32 $0xFFFF8000  }
0x57: {  	[hbm4b:s15+s2] =	stream.linear.scatter [tilespmem:s8], [sflag:$0x4], $0x8000, $0x38;
	[tilespmem:$0x13800] =	vst v63  }
0x58: {  	_ =	swait.ge [sflag:s14], $0x8000  }
0x59: {  	[sflag:s14] =	ssyncset.done $0x0  }
0x5a: {  	[sflag:s14] =	ssyncadd.s32 $0xFFFF8000  }
0x5b: {  	[tilespmem:s8], [sflag:$0x2] =	stream.indirect.gather [hbm4b:s5+s6], $0x10, s16, s6, $0xb8;
	[tilespmem:$0x13800] =	vst v63  }
0x5c: {  	_ =	swait.ge [sflag:s9], $0x8000  }
0x5d: {  	[sflag:s9] =	ssyncset.done $0x0  }
0x5e: {  	[sflag:s9] =	ssyncadd.s32 $0xFFFF8000  }
0x5f: {  	[hbm4b:s17+s2] =	stream.linear.scatter [tilespmem:s7], [sflag:$0x3], $0x8000, $0x38;
	[tilespmem:$0x13800] =	vst v63  }
0x60: {  	_ =	swait.ge [sflag:s11], $0x8000  }
0x61: {  	[sflag:s11] =	ssyncset.done $0x0  }
0x62: {  	[sflag:s11] =	ssyncadd.s32 $0xFFFF8000  }
0x63: {  	[tilespmem:s7], [sflag:$0x1] =	stream.indirect.gather [hbm4b:s5+s6], $0x10, s18, s6, $0xb8;
	[tilespmem:$0x13800] =	vst v63  }
0x64: {  	_ =	swait.ge [sflag:s13], $0x8000  }
0x65: {  	[sflag:s13] =	ssyncset.done $0x0  }
0x66: {  	[sflag:s13] =	ssyncadd.s32 $0xFFFF8000  }
0x67: {  	[hbm4b:s19+s2] =	stream.linear.scatter [tilespmem:s8], [sflag:$0x4], $0x8000, $0x38;
	[tilespmem:$0x13800] =	vst v63  }
0x68: {  	_ =	swait.ge [sflag:s14], $0x8000  }
0x69: {  	[sflag:s14] =	ssyncset.done $0x0  }
0x6a: {  	[sflag:s14] =	ssyncadd.s32 $0xFFFF8000  }
0x6b: {  	[tilespmem:s8], [sflag:$0x2] =	stream.indirect.gather [hbm4b:s5+s6], $0x10, s20, s6, $0xb8;
	[tilespmem:$0x13800] =	vst v63  }
0x6c: {  	_ =	swait.ge [sflag:s9], $0x8000  }
0x6d: {  	[sflag:s9] =	ssyncset.done $0x0  }
0x6e: {  	[sflag:s9] =	ssyncadd.s32 $0xFFFF8000  }
0x6f: {  	[hbm4b:s21+s2] =	stream.linear.scatter [tilespmem:s7], [sflag:$0x3], $0x8000, $0x38;
	[tilespmem:$0x13800] =	vst v63  }
0x70: {  	_ =	swait.ge [sflag:s11], $0x8000  }
0x71: {  	[sflag:s11] =	ssyncset.done $0x0  }
0x72: {  	[sflag:s11] =	ssyncadd.s32 $0xFFFF8000  }
0x73: {  	[tilespmem:s7], [sflag:$0x1] =	stream.indirect.gather [hbm4b:s5+s6], $0x10, s22, s6, $0xb8;
	[tilespmem:$0x13800] =	vst v63  }
0x74: {  	_ =	swait.ge [sflag:s13], $0x8000  }
0x75: {  	[sflag:s13] =	ssyncset.done $0x0  }
0x76: {  	[sflag:s13] =	ssyncadd.s32 $0xFFFF8000  }
0x77: {  	[hbm4b:s23+s2] =	stream.linear.scatter [tilespmem:s8], [sflag:$0x4], $0x8000, $0x38;
	[tilespmem:$0x13800] =	vst v63  }
0x78: {  	_ =	swait.ge [sflag:s9], $0x8000  }
0x79: {  	[sflag:s9] =	ssyncset.done $0x0  }
0x7a: {  	[sflag:s9] =	ssyncadd.s32 $0xFFFF8000  }
0x7b: {  	[hbm4b:s24+s2] =	stream.linear.scatter [tilespmem:s7], [sflag:$0x3], $0x8000, $0x38;
	[tilespmem:$0x13800] =	vst v63  }
.Ltmp1:
0x7c: {  	_ =	swait.ge [sflag:s11], $0x8000;
	(pc) =	sbr.rel @p0 .LBB2_1-.Ltmp1, $4  }
0x7d: {  	[sflag:s11] =	ssyncset.done $0x0  }
0x7e: {  	[sflag:s11] =	ssyncadd.s32 $0xFFFF8000  }
0x7f: {  	_ =	swait.ge [sflag:s14], $0x8000  }
0x80: {  	[sflag:s14] =	ssyncset.done $0x0  }
.LBB2_2:
0x81: {  	[sflag:s14] =	ssyncadd.s32 $0xFFFF8000  }
0x82: {  	_ =	sfence.sel $0x180000  }
0x83: {  	[bflag:$0x0] =	sbarrier.arrive $0xFFFF  }
0x84: {  	p0 =	sne.s32 s0, $0x0;
	_ =	strace $0x90000047  }
0x85: {  	s0 =	sadd.s32 @!p0 $0x100000, s1;
	[bflag:$0x2] =	sbarrier.arrive $0xFFFF  }
0x86: {  	[sflag:s0] =	ssyncadd.tile.s32 @!p0 $0x1;
	_ =	shalt  }
.Lfunc_end2:
_tile_overlayer_lowered:
.L_overlay_start_2:
0x87: {  	(tag) =	ssettag $0x2  }
0x88: {  	s0 =	rddreg [dreg:$0x0];
	s2 =	stileid.u32  }
0x89: {  	s1 =	rddreg [dreg:$0x1];
	p0 =	sne.s32 s2, $0x0  }
0x8a: {  	s3 =	rddreg [dreg:$0x2];
	[bflag:$0x3] =	sbarrier.arrive $0xFFFF;
	s2 =	simm.s32 @!p0 $0x1C05  }
0x8b: {  	[timem:s3], [sflag:s2] =	dma.local @!p0 [hbm:s0], s1  }
0x8c: {  	s0 =	simm.s32 @!p0 $0x5  }
0x8d: {  	_ =	swait.ge @!p0 [sflag:s0], s1  }
0x8e: {  	s1 =	ssub.s32 @!p0 $0x0, s1;
	[sflag:s0] =	ssyncset.done @!p0 $0x0  }
0x8f: {  	[sflag:s0] =	ssyncadd.s32 @!p0 s1  }
0x90: {  	[bflag:$0x3] =	sbarrier.arrive $0xFFFF  }
0x91: {  	_ =	shalt  }

// kernel: kernel.17.cloned.1.call-start
scs
__scs_entry_jumppad:
0x0: {  	(pc) =	sbr.rel $0x88, $3  }
0x1: {  	(tag) =	ssettag $0x0;
	lr =	simm.s32 $0x1  }
0x2: {  	[smem:$0x3F7E] =	sst lr;
	_ =	strace $0xD0000000  }
0x3: {  	_ = 	snop  }
0x4: {  	_ = 	snop  }
0x5: {  	_ = 	snop  }
0x6: {  	_ = 	snop  }
0x7: {  	_ = 	snop  }
__scs_overlays_trampoline_lowered:
0x8: {  	[smem:$0x3F8D] =	sst s0  }
0x9: {  	[smem:$0x3F8E] =	sst s1  }
0xa: {  	[smem:$0x3F8F] =	sst s2  }
0xb: {  	[smem:$0x3F90] =	sst s3  }
0xc: {  	[smem:$0x3F91] =	sst s4  }
0xd: {  	[smem:$0x3F92] =	sst s5  }
0xe: {  	[smem:$0x3F93] =	sst s6  }
0xf: {  	[smem:$0x3F94] =	sst s7  }
0x10: {  	[smem:$0x3F95] =	sst s8  }
0x11: {  	[smem:$0x3F96] =	sst s9;
	s0 =	simm.s32 @!p0 $0x0  }
0x12: {  	s1 =	sld [smem:$0x3F7C];
	s0 =	simm.s32 @p0 $0x1  }
0x13: {  	[smem:$0x3F97] =	sst s0;
	s0 =	simm.s32 @!p1 $0x0  }
0x14: {  	s2 =	sld [smem:$0x3F7B];
	s0 =	simm.s32 @p1 $0x1  }
0x15: {  	[smem:$0x3F98] =	sst s0;
	s0 =	simm.s32 @!p2 $0x0  }
0x16: {  	s3 =	sld [smem:$0x3FDB];
	s0 =	simm.s32 @p2 $0x1  }
0x17: {  	s4 =	simm.s32 $0x1BF5;
	[smem:$0x3F9A] =	sst s0  }
0x18: {  	s0 =	sld [smem:$0x3F7D];
	_ =	swait.ge [sflag:s4], $0x0  }
0x19: {  	s7 =	sld [smem:$0x3F7E]  }
0x1a: {  	s8 =	sadd.s32 $0xFFFFE003, lr  }
0x1b: {  	s9 =	sadd.s32 $0xFFFFFEF7, lr;
	s5 =	simm.s32 $0xFFFFFFFF;
	p2 =	slt.u32 s8, $0xFFFFF086  }
0x1c: {  	p1 =	slt.u32 s9, $0xF7A;
	s5 =	simm.s32 @!p2 $0x0  }
0x1d: {  	s5 =	simm.s32 @p1 $0x1;
	p0 =	seq.s32 s7, s2  }
0x1e: {  	s7 =	smul.u32 @!p0 $0xF7A, s2;
	p2 =	seq.s32 @!p0 s5, $0x0  }
0x1f: {  	s9 =	smul.u32 $0xF7A, s1;
	s8 =	simm.s32 @!p0 $0x1BF5;
	p2 =	por !p2, p0  }
0x20: {  	[sflag:s8] =	ssyncset.s32 @!p0 $0xFFFFF086;
	s6 =	sadd.s32 @!p0 s3, s7;
	s7 =	simm.s32 @!p0 $0x108  }
0x21: {  	s3 =	sadd.s32 s3, s9;
	s6 =	sadd.s32 @!p0 $0x88, s6;
	s7 =	simm.s32 @p2 $0x1082  }
0x22: {  	[simem:s7], [sflag:s8] =	dma.local @!p0 [hbm:s6], $0xF7A  }
0x23: {  	s9 =	sor.u32 $0xD0000000, s2;
	s6 =	simm.s32 $0x108;
	_ =	swait.ge @!p0 [sflag:s8], $0x0  }
0x24: {  	s3 =	sadd.s32 $0x88, s3;
	s6 =	simm.s32 @!p1 $0x1082;
	[sflag:s4] =	ssyncset.s32 $0xFFFFF086  }
0x25: {  	[simem:s6], [sflag:s4] =	dma.local [hbm:s3], $0xF7A  }
0x26: {  	[smem:$0x3F7E] =	sst s1;
	(tag) =	ssettag s2;
	_ =	strace s9  }
0x27: {  	s1 =	sld [smem:$0x3F8E]  }
0x28: {  	s2 =	sld [smem:$0x3F8F]  }
0x29: {  	s4 =	sld [smem:$0x3F91]  }
0x2a: {  	p0 =	seq.s32 s5, $0x0;
	s5 =	sld [smem:$0x3F92]  }
0x2b: {  	s6 =	sld [smem:$0x3F93]  }
0x2c: {  	s7 =	sld [smem:$0x3F94]  }
0x2d: {  	s3 =	simm.s32 $0x108;
	s8 =	sld [smem:$0x3F95]  }
0x2e: {  	s3 =	simm.s32 @!p0 $0x1082;
	s9 =	sld [smem:$0x3F96]  }
0x2f: {  	lr =	sadd.s32 s0, s3;
	s0 =	sld [smem:$0x3F8D]  }
0x30: {  	s3 =	sld [smem:$0x3F90]  }
0x31: {  	[smem:$0x3F99] =	sst s10  }
0x32: {  	s10 =	sld [smem:$0x3F97];
	_ =	sdelay $0x3  }
0x33: {  	p0 =	seq.s32 s10, $0x1;
	s10 =	sld [smem:$0x3F99];
	_ =	sdelay $0x3  }
0x34: {  	[smem:$0x3F99] =	sst s10  }
0x35: {  	s10 =	sld [smem:$0x3F98];
	_ =	sdelay $0x3  }
0x36: {  	p1 =	seq.s32 s10, $0x1;
	s10 =	sld [smem:$0x3F99];
	_ =	sdelay $0x3  }
0x37: {  	[smem:$0x3F99] =	sst s10  }
0x38: {  	s10 =	sld [smem:$0x3F9A]  }
0x39: {  	_ = 	snop;
	(pc) =	sbr.ind lr, $3  }
0x3a: {  	_ = 	snop  }
0x3b: {  	_ = 	snop  }
0x3c: {  	p2 =	seq.s32 s10, $0x1;
	s10 =	sld [smem:$0x3F99]  }
0x3d: {  	_ =	shalt  }
0x3e: {  	_ =	shalt  }
0x3f: {  	_ =	shalt  }
0x40: {  	_ =	shalt  }
0x41: {  	_ =	shalt  }
0x42: {  	_ =	shalt  }
0x43: {  	_ =	shalt  }
0x44: {  	_ =	shalt  }
0x45: {  	_ =	shalt  }
0x46: {  	_ =	shalt  }
0x47: {  	_ =	shalt  }
0x48: {  	_ =	shalt  }
0x49: {  	_ =	shalt  }
0x4a: {  	_ =	shalt  }
0x4b: {  	_ =	shalt  }
0x4c: {  	_ =	shalt  }
0x4d: {  	_ =	shalt  }
0x4e: {  	_ =	shalt  }
0x4f: {  	_ =	shalt  }
0x50: {  	_ =	shalt  }
0x51: {  	_ =	shalt  }
0x52: {  	_ =	shalt  }
0x53: {  	_ =	shalt  }
0x54: {  	_ =	shalt  }
0x55: {  	_ =	shalt  }
0x56: {  	_ =	shalt  }
0x57: {  	_ =	shalt  }
0x58: {  	_ =	shalt  }
0x59: {  	_ =	shalt  }
0x5a: {  	_ =	shalt  }
0x5b: {  	_ =	shalt  }
0x5c: {  	_ =	shalt  }
0x5d: {  	_ =	shalt  }
0x5e: {  	_ =	shalt  }
0x5f: {  	_ =	shalt  }
0x60: {  	_ =	shalt  }
0x61: {  	_ =	shalt  }
0x62: {  	_ =	shalt  }
0x63: {  	_ =	shalt  }
0x64: {  	_ =	shalt  }
0x65: {  	_ =	shalt  }
0x66: {  	_ =	shalt  }
0x67: {  	_ =	shalt  }
0x68: {  	_ =	shalt  }
0x69: {  	_ =	shalt  }
0x6a: {  	_ =	shalt  }
0x6b: {  	_ =	shalt  }
0x6c: {  	_ =	shalt  }
0x6d: {  	_ =	shalt  }
0x6e: {  	_ =	shalt  }
0x6f: {  	_ =	shalt  }
0x70: {  	_ =	shalt  }
0x71: {  	_ =	shalt  }
0x72: {  	_ =	shalt  }
0x73: {  	_ =	shalt  }
0x74: {  	_ =	shalt  }
0x75: {  	_ =	shalt  }
0x76: {  	_ =	shalt  }
0x77: {  	_ =	shalt  }
0x78: {  	_ =	shalt  }
0x79: {  	_ =	shalt  }
0x7a: {  	_ =	shalt  }
0x7b: {  	_ =	shalt  }
0x7c: {  	_ =	shalt  }
0x7d: {  	_ =	shalt  }
0x7e: {  	_ =	shalt  }
0x7f: {  	_ =	shalt  }
0x80: {  	_ =	shalt  }
0x81: {  	_ =	shalt  }
0x82: {  	_ =	shalt  }
0x83: {  	_ =	shalt  }
0x84: {  	_ =	shalt  }
0x85: {  	_ =	shalt  }
0x86: {  	_ =	shalt  }
0x87: {  	_ =	shalt  }
.Lfunc_end0:
.L_simem_size_0:
called_computation.1_lowered:
.L_overlay_start_0:
0x88: {  	s2 =	sld [smem:$0x3FD9]  }
0x89: {  	s3 =	sld [smem:$0x3FFE];
	_ =	sdelay $0x1  }
0x8a: {  	s1 =	srdreg.scid  }
0x8b: {  	s0 =	sand.u32 $0x1, s1  }
0x8c: {  	s16 =	sshll.u32 s0, $0xA;
	s2 =	sadd.s32 s3, s2  }
0x8d: {  	s2 =	sadd.s32 s2, s16  }
0x8e: {  	[smem:$0x3FA5] =	sst s2  }
0x8f: {  	_ = 	snop  }
0x90: {  	(tm) =	ssettm $0x1  }
0x91: {  	s17 =	sld [smem:$0x3FFB];
	_ =	sdelay $0x3  }
0x92: {  	_ =	strace s17  }
0x93: {  	s2 =	sld [smem:$0x3FFC];
	_ =	sdelay $0x3  }
0x94: {  	_ =	strace s2  }
0x95: {  	s2 =	sld [smem:$0x3FFD];
	_ =	sdelay $0x3  }
0x96: {  	_ =	strace s2  }
0x97: {  	_ =	strace $0x8FFFFFFF  }
0x98: {  	s18 =	sld [smem:$0x3FDB];
	_ =	sdelay $0x1  }
0x99: {  	s19 =	simm.s32 $_scs_section_size  }
0x9a: {  	s4 =	simm.s32 $_size__tile_overlayer_lowered;
	s5 =	simm.s32 $_tile_overlayer_lowered  }
0x9b: {  	s22 =	simm.s32 $0x1BFF;
	s21 =	sshll.u32 s5, $0x1;
	s2 =	sadd.s32 s19, s18  }
0x9c: {  	s6 =	simm.s32 $0x0;
	s20 =	sshll.u32 s4, $0x1;
	s4 =	sadd.s32 s21, s2  }
0x9d: {  	[timem:s6], [sflag:s22] =	dma.local [hbm:s4], s20  }
0x9e: {  	_ =	swait.ge [sflag:s22], s20  }
0x9f: {  	s3 =	ssub.s32 $0x0, s20;
	[sflag:s22] =	ssyncset.done $0x0  }
0xa0: {  	[sflag:s22] =	ssyncadd.s32 s3;
	_ =	sdelay $0x1  }
0xa1: {  	s23 =	simm.s32 $0x1B8B  }
0xa2: {  	_ =	swait.ge [sflag:s23], $0x1  }
0xa3: {  	[sflag:s23] =	ssyncset.done $0x0  }
0xa4: {  	s25 =	simm.s32 $0x1B8E;
	s24 =	sld [smem:$0x3FFE];
	[sflag:s23] =	ssyncadd.s32 $0xFFFFFFFF  }
0xa5: {  	s26 =	simm.s32 $execute0_lowered;
	[smem:$0x3FD2] =	sst s25  }
0xa6: {  	s4 =	sshll.u32 s26, $0x1;
	_ =	strace $0x80000049;
	[dreg:$0x1] =	wrdreg $0xFFFFFFFF  }
0xa7: {  	s28 =	simm.s32 $_size_execute0_lowered;
	s2 =	sadd.s32 s2, s4;
	[dreg:$0x0] =	wrdreg $0x0  }
0xa8: {  	s4 =	sshll.u32 s28, $0x1;
	[dreg:$0x2] =	wrdreg s2  }
0xa9: {  	[dreg:$0x3] =	wrdreg s4  }
0xaa: {  	[dreg:$0x4] =	wrdreg $0xC0  }
0xab: {  	_ =	task [dreg:s6], $0x5FFFF  }
0xac: {  	[dreg:$0x1] =	wrdreg $0xFFFFFFFF  }
0xad: {  	[dreg:$0x0] =	wrdreg $0x60  }
0xae: {  	[dreg:$0x2] =	wrdreg s24  }
0xaf: {  	[dreg:$0x3] =	wrdreg $0x9  }
0xb0: {  	_ =	task.clear_ibuf [dreg:s6], $0x4FFFF;
	_ =	strace $0x90000049  }
0xb1: {  	s29 =	simm.s32 $0x9;
	_ =	strace $0x8000004B  }
0xb2: {  	_ =	swait.ge [sflag:s29], $0x1  }
0xb3: {  	[sflag:s29] =	ssyncadd.s32 $0xFFFFFFFF  }
0xb4: {  	_ =	strace $0x9000004B  }
0xb5: {  	_ =	sfence  }
0xb6: {  	s30 =	sld [smem:$0x0];
	_ =	sdelay $0x2  }
0xb7: {  	s31 =	sshll.u32 s1, $0xD;
	s1 =	sshrl.u32 s1, $0x2  }
0xb8: {  	s3 =	sand.u32 $0x4000, s31;
	s1 =	sadd.s32 s1, s30  }
0xb9: {  	s0 =	sor.u32 s3, s0;
	s1 =	sshll.u32 s1, $0x11  }
0xba: {  	s0 =	sor.u32 s1, s0  }
0xbb: {  	s0 =	sadd.s32 $0x8F2B, s0  }
0xbc: {  	[sflag:s0] =	ssyncadd.remote.s32 $0x1  }
0xbd: {  	_ =	sfence.sel $0xFFFF  }
0xbe: {  	[dreg:$0x0] =	wrdreg $0xFFFFFFFF;
	(pc) =	sbr.abs _section_cstart, $3  }
0xbf: {  	[dreg:$0x1] =	wrdreg $0xFFFFFFFF  }
0xc0: {  	_ =	task.clear_ibuf [dreg:s6], $0x2FFFF;
	_ =	strace $0x9FFFFFFF  }
0xc1: {  	(tm) =	ssettm $0x7FFFFFFF  }
tec
execute0_lowered:
.L_overlay_start_1:
0x0: {  	(tag) =	ssettag $0x1  }
0x1: {  	s1 =	srdreg.scid;
	s0 =	stileid.u32  }
0x2: {  	s1 =	sand.u32 $0x1, s1;
	s2 =	sshll.u32 s0, $0x1  }
0x3: {  	s3 =	sor.u32 s1, s2  }
0x4: {  	s4 =	smul.u32 $0x700, s3  }
0x5: {  	s5 =	rddreg [dreg:$0x0];
	s2 =	simm.s32 $0x0;
	s6 =	smul.u32 $0xE000, s3  }
0x6: {  	[smem:$0x7FF] =	sst s2;
	s7 =	smul.u32 $0x70000, s3  }
0x7: {  	s18 =	sadd.s32 $0x40A400, s5;
	_ =	strace $0x8000004A;
	s17 =	sadd.s32 s4, s5  }
0x8: {  	s3 =	sadd.s32 s18, s6;
	s19 =	sshrl.u32 s7, $0x3;
	s8 =	sadd.s32 $0x2800, s17  }
0x9: {  	s20 =	sadd.s32 $0x1000, s3;
	s31 =	sadd.s32 s18, s19;
	[dreg:$0x2] =	wrdreg s8  }
0xa: {  	[dreg:$0x3] =	wrdreg s20;
	s4 =	sadd.s32 $0x2000, s31  }
0xb: {  	s21 =	sadd.s32 $0x3000, s31;
	[dreg:$0x4] =	wrdreg s4  }
0xc: {  	s22 =	sadd.s32 $0x4000, s31;
	[dreg:$0x5] =	wrdreg s21  }
0xd: {  	s23 =	sadd.s32 $0x5000, s31;
	[dreg:$0x6] =	wrdreg s22  }
0xe: {  	[dreg:$0x7] =	wrdreg s23  }
0xf: {  	s24 =	sadd.s32 $0x6000, s31;
	s25 =	rddreg [dreg:$0x2]  }
0x10: {  	s26 =	sadd.s32 $0x7000, s31;
	[dreg:$0x8] =	wrdreg s24  }
0x11: {  	[dreg:$0x9] =	wrdreg s26;
	s4 =	simm.s32 $0x5  }
0x12: {  	[tilespmem:s2], [sflag:$0x5] =	stream.linear.gather [hbm4b:s25+s2], $0x3800, $0x38;
	[tilespmem:$0x13800] =	vst v63  }
0x13: {  	_ =	swait.ge [sflag:s4], $0x3800  }
0x14: {  	s5 =	sadd.s32 $0x30A00, s5;
	[sflag:s4] =	ssyncset.done $0x0  }
0x15: {  	s6 =	simm.s32 $0x400;
	s7 =	simm.s32 $0x3800;
	[sflag:s4] =	ssyncadd.s32 $0xFFFFC800  }
0x16: {  	[tilespmem:s7], [sflag:$0x1] =	stream.indirect.gather [hbm4b:s5+s6], $0x20, s2, s6, $0xb8;
	[tilespmem:$0x13800] =	vst v63  }
0x17: {  	s9 =	simm.s32 $0x1;
	s8 =	simm.s32 $0xB800  }
0x18: {  	[tilespmem:s8], [sflag:$0x2] =	stream.indirect.gather [hbm4b:s5+s6], $0x20, s6, s6, $0xb8;
	[tilespmem:$0x13800] =	vst v63  }
0x19: {  	_ =	swait.ge [sflag:s9], $0x8000  }
0x1a: {  	[sflag:s9] =	ssyncset.done $0x0  }
0x1b: {  	s10 =	simm.s32 $0x3;
	[sflag:s9] =	ssyncadd.s32 $0xFFFF8000  }
0x1c: {  	[hbm4b:s3+s2] =	stream.linear.scatter [tilespmem:s7], [sflag:$0x3], $0x8000, $0x38;
	[tilespmem:$0x13800] =	vst v63  }
0x1d: {  	_ =	swait.ge [sflag:s10], $0x8000  }
0x1e: {  	[sflag:s10] =	ssyncset.done $0x0  }
0x1f: {  	s11 =	simm.s32 $0x800;
	s12 =	simm.s32 $0x2;
	[sflag:s10] =	ssyncadd.s32 $0xFFFF8000  }
0x20: {  	[tilespmem:s7], [sflag:$0x1] =	stream.indirect.gather [hbm4b:s5+s6], $0x20, s11, s6, $0xb8;
	[tilespmem:$0x13800] =	vst v63  }
0x21: {  	_ =	swait.ge [sflag:s12], $0x8000  }
0x22: {  	[sflag:s12] =	ssyncset.done $0x0  }
0x23: {  	s13 =	simm.s32 $0x4;
	s14 =	rddreg [dreg:$0x3];
	[sflag:s12] =	ssyncadd.s32 $0xFFFF8000  }
0x24: {  	[hbm4b:s14+s2] =	stream.linear.scatter [tilespmem:s8], [sflag:$0x4], $0x8000, $0x38;
	[tilespmem:$0x13800] =	vst v63  }
0x25: {  	_ =	swait.ge [sflag:s13], $0x8000  }
0x26: {  	[sflag:s13] =	ssyncset.done $0x0  }
0x27: {  	s14 =	simm.s32 $0xC00;
	[sflag:s13] =	ssyncadd.s32 $0xFFFF8000  }
0x28: {  	[tilespmem:s8], [sflag:$0x2] =	stream.indirect.gather [hbm4b:s5+s6], $0x20, s14, s6, $0xb8;
	[tilespmem:$0x13800] =	vst v63  }
0x29: {  	_ =	swait.ge [sflag:s9], $0x8000  }
0x2a: {  	[sflag:s9] =	ssyncset.done $0x0  }
0x2b: {  	s15 =	rddreg [dreg:$0x4];
	[sflag:s9] =	ssyncadd.s32 $0xFFFF8000  }
0x2c: {  	[hbm4b:s15+s2] =	stream.linear.scatter [tilespmem:s7], [sflag:$0x3], $0x8000, $0x38;
	[tilespmem:$0x13800] =	vst v63  }
0x2d: {  	_ =	swait.ge [sflag:s10], $0x8000  }
0x2e: {  	[sflag:s10] =	ssyncset.done $0x0  }
0x2f: {  	s15 =	simm.s32 $0x1000;
	[sflag:s10] =	ssyncadd.s32 $0xFFFF8000  }
0x30: {  	[tilespmem:s7], [sflag:$0x1] =	stream.indirect.gather [hbm4b:s5+s6], $0x20, s15, s6, $0xb8;
	[tilespmem:$0x13800] =	vst v63  }
0x31: {  	_ =	swait.ge [sflag:s12], $0x8000  }
0x32: {  	[sflag:s12] =	ssyncset.done $0x0  }
0x33: {  	s16 =	rddreg [dreg:$0x5];
	[sflag:s12] =	ssyncadd.s32 $0xFFFF8000  }
0x34: {  	[hbm4b:s16+s2] =	stream.linear.scatter [tilespmem:s8], [sflag:$0x4], $0x8000, $0x38;
	[tilespmem:$0x13800] =	vst v63  }
0x35: {  	_ =	swait.ge [sflag:s13], $0x8000  }
0x36: {  	[sflag:s13] =	ssyncset.done $0x0  }
0x37: {  	s16 =	simm.s32 $0x1400;
	[sflag:s13] =	ssyncadd.s32 $0xFFFF8000  }
0x38: {  	[tilespmem:s8], [sflag:$0x2] =	stream.indirect.gather [hbm4b:s5+s6], $0x20, s16, s6, $0xb8;
	[tilespmem:$0x13800] =	vst v63  }
0x39: {  	_ =	swait.ge [sflag:s9], $0x8000  }
0x3a: {  	[sflag:s9] =	ssyncset.done $0x0  }
0x3b: {  	s17 =	rddreg [dreg:$0x6];
	[sflag:s9] =	ssyncadd.s32 $0xFFFF8000  }
0x3c: {  	[hbm4b:s17+s2] =	stream.linear.scatter [tilespmem:s7], [sflag:$0x3], $0x8000, $0x38;
	[tilespmem:$0x13800] =	vst v63  }
0x3d: {  	_ =	swait.ge [sflag:s10], $0x8000  }
0x3e: {  	[sflag:s10] =	ssyncset.done $0x0  }
0x3f: {  	s17 =	simm.s32 $0x1800;
	[sflag:s10] =	ssyncadd.s32 $0xFFFF8000  }
0x40: {  	[tilespmem:s7], [sflag:$0x1] =	stream.indirect.gather [hbm4b:s5+s6], $0x20, s17, s6, $0xb8;
	[tilespmem:$0x13800] =	vst v63  }
0x41: {  	_ =	swait.ge [sflag:s12], $0x8000  }
0x42: {  	[sflag:s12] =	ssyncset.done $0x0  }
0x43: {  	s18 =	rddreg [dreg:$0x7];
	[sflag:s12] =	ssyncadd.s32 $0xFFFF8000  }
0x44: {  	[hbm4b:s18+s2] =	stream.linear.scatter [tilespmem:s8], [sflag:$0x4], $0x8000, $0x38;
	[tilespmem:$0x13800] =	vst v63  }
0x45: {  	_ =	swait.ge [sflag:s13], $0x8000  }
0x46: {  	[sflag:s13] =	ssyncset.done $0x0  }
0x47: {  	s18 =	simm.s32 $0x1C00;
	[sflag:s13] =	ssyncadd.s32 $0xFFFF8000  }
0x48: {  	[tilespmem:s8], [sflag:$0x2] =	stream.indirect.gather [hbm4b:s5+s6], $0x20, s18, s6, $0xb8;
	[tilespmem:$0x13800] =	vst v63  }
0x49: {  	_ =	swait.ge [sflag:s9], $0x8000  }
0x4a: {  	[sflag:s9] =	ssyncset.done $0x0  }
0x4b: {  	s19 =	rddreg [dreg:$0x8];
	[sflag:s9] =	ssyncadd.s32 $0xFFFF8000  }
0x4c: {  	[hbm4b:s19+s2] =	stream.linear.scatter [tilespmem:s7], [sflag:$0x3], $0x8000, $0x38;
	[tilespmem:$0x13800] =	vst v63  }
0x4d: {  	_ =	swait.ge [sflag:s10], $0x8000  }
0x4e: {  	[sflag:s10] =	ssyncset.done $0x0  }
0x4f: {  	s19 =	simm.s32 $0x2000;
	[sflag:s10] =	ssyncadd.s32 $0xFFFF8000  }
0x50: {  	[tilespmem:s7], [sflag:$0x1] =	stream.indirect.gather [hbm4b:s5+s6], $0x20, s19, s6, $0xb8;
	[tilespmem:$0x13800] =	vst v63  }
0x51: {  	_ =	swait.ge [sflag:s12], $0x8000  }
0x52: {  	[sflag:s12] =	ssyncset.done $0x0  }
0x53: {  	s20 =	rddreg [dreg:$0x9];
	[sflag:s12] =	ssyncadd.s32 $0xFFFF8000  }
0x54: {  	[hbm4b:s20+s2] =	stream.linear.scatter [tilespmem:s8], [sflag:$0x4], $0x8000, $0x38;
	[tilespmem:$0x13800] =	vst v63  }
0x55: {  	_ =	swait.ge [sflag:s13], $0x8000  }
0x56: {  	[sflag:s13] =	ssyncset.done $0x0  }
0x57: {  	s20 =	simm.s32 $0x2400;
	[sflag:s13] =	ssyncadd.s32 $0xFFFF8000  }
0x58: {  	[tilespmem:s8], [sflag:$0x2] =	stream.indirect.gather [hbm4b:s5+s6], $0x20, s20, s6, $0xb8;
	[tilespmem:$0x13800] =	vst v63  }
0x59: {  	_ =	swait.ge [sflag:s9], $0x8000  }
0x5a: {  	[sflag:s9] =	ssyncset.done $0x0  }
0x5b: {  	s21 =	sadd.s32 $0x8000, s31;
	[sflag:s9] =	ssyncadd.s32 $0xFFFF8000  }
0x5c: {  	[hbm4b:s21+s2] =	stream.linear.scatter [tilespmem:s7], [sflag:$0x3], $0x8000, $0x38;
	[tilespmem:$0x13800] =	vst v63  }
0x5d: {  	_ =	swait.ge [sflag:s10], $0x8000  }
0x5e: {  	[sflag:s10] =	ssyncset.done $0x0  }
0x5f: {  	s22 =	simm.s32 $0x2800;
	[sflag:s10] =	ssyncadd.s32 $0xFFFF8000  }
0x60: {  	[tilespmem:s7], [sflag:$0x1] =	stream.indirect.gather [hbm4b:s5+s6], $0x20, s22, s6, $0xb8;
	[tilespmem:$0x13800] =	vst v63  }
0x61: {  	_ =	swait.ge [sflag:s12], $0x8000  }
0x62: {  	[sflag:s12] =	ssyncset.done $0x0  }
0x63: {  	s23 =	sadd.s32 $0x9000, s31;
	[sflag:s12] =	ssyncadd.s32 $0xFFFF8000  }
0x64: {  	[hbm4b:s23+s2] =	stream.linear.scatter [tilespmem:s8], [sflag:$0x4], $0x8000, $0x38;
	[tilespmem:$0x13800] =	vst v63  }
0x65: {  	_ =	swait.ge [sflag:s13], $0x8000  }
0x66: {  	[sflag:s13] =	ssyncset.done $0x0  }
0x67: {  	s24 =	simm.s32 $0x2C00;
	[sflag:s13] =	ssyncadd.s32 $0xFFFF8000  }
0x68: {  	[tilespmem:s8], [sflag:$0x2] =	stream.indirect.gather [hbm4b:s5+s6], $0x20, s24, s6, $0xb8;
	[tilespmem:$0x13800] =	vst v63  }
0x69: {  	_ =	swait.ge [sflag:s9], $0x8000  }
0x6a: {  	[sflag:s9] =	ssyncset.done $0x0  }
0x6b: {  	s25 =	sadd.s32 $0xA000, s31;
	[sflag:s9] =	ssyncadd.s32 $0xFFFF8000  }
0x6c: {  	[hbm4b:s25+s2] =	stream.linear.scatter [tilespmem:s7], [sflag:$0x3], $0x8000, $0x38;
	[tilespmem:$0x13800] =	vst v63  }
0x6d: {  	_ =	swait.ge [sflag:s10], $0x8000  }
0x6e: {  	[sflag:s10] =	ssyncset.done $0x0  }
0x6f: {  	s26 =	simm.s32 $0x3000;
	[sflag:s10] =	ssyncadd.s32 $0xFFFF8000  }
0x70: {  	[tilespmem:s7], [sflag:$0x1] =	stream.indirect.gather [hbm4b:s5+s6], $0x20, s26, s6, $0xb8;
	[tilespmem:$0x13800] =	vst v63  }
0x71: {  	_ =	swait.ge [sflag:s12], $0x8000  }
0x72: {  	[sflag:s12] =	ssyncset.done $0x0  }
0x73: {  	s28 =	sadd.s32 $0xB000, s31;
	[sflag:s12] =	ssyncadd.s32 $0xFFFF8000  }
0x74: {  	[hbm4b:s28+s2] =	stream.linear.scatter [tilespmem:s8], [sflag:$0x4], $0x8000, $0x38;
	[tilespmem:$0x13800] =	vst v63  }
0x75: {  	_ =	swait.ge [sflag:s13], $0x8000  }
0x76: {  	[sflag:s13] =	ssyncset.done $0x0  }
0x77: {  	s29 =	simm.s32 $0x3400;
	[sflag:s13] =	ssyncadd.s32 $0xFFFF8000  }
0x78: {  	[tilespmem:s8], [sflag:$0x2] =	stream.indirect.gather [hbm4b:s5+s6], $0x20, s29, s6, $0xb8;
	[tilespmem:$0x13800] =	vst v63  }
0x79: {  	_ =	swait.ge [sflag:s9], $0x8000  }
0x7a: {  	s1 =	ssub.s32 $0x2, s1;
	[sflag:s9] =	ssyncset.done $0x0  }
0x7b: {  	s0 =	sshrl.u32 s1, $0x1;
	s30 =	sadd.s32 $0xC000, s31;
	[sflag:s9] =	ssyncadd.s32 $0xFFFF8000  }
0x7c: {  	[hbm4b:s30+s2] =	stream.linear.scatter [tilespmem:s7], [sflag:$0x3], $0x8000, $0x38;
	[tilespmem:$0x13800] =	vst v63  }
0x7d: {  	s0 =	ssub.s32 s1, s0;
	_ =	swait.ge [sflag:s12], $0x8000  }
0x7e: {  	s0 =	smax.u32 s0, $0x1;
	[sflag:s12] =	ssyncset.done $0x0  }
0x7f: {  	p0 =	sne.s32 s0, $0x1;
	s31 =	sadd.s32 $0xD000, s31;
	[sflag:s12] =	ssyncadd.s32 $0xFFFF8000  }
0x80: {  	[hbm4b:s31+s2] =	stream.linear.scatter [tilespmem:s8], [sflag:$0x4], $0x8000, $0x38;
	[tilespmem:$0x13800] =	vst v63  }
.Ltmp0:
0x81: {  	_ =	swait.ge [sflag:s13], $0x8000;
	(pc) =	sbr.rel @!p0 .LBB2_2-.Ltmp0, $4  }
0x82: {  	[sflag:s13] =	ssyncset.done $0x0  }
0x83: {  	[sflag:s13] =	ssyncadd.s32 $0xFFFF8000  }
0x84: {  	_ =	swait.ge [sflag:s10], $0x8000  }
0x85: {  	s1 =	sadd.s32 $0xFFFFFFFF, s0;
	[sflag:s10] =	ssyncset.done $0x0  }
.LBB2_1:
0x86: {  	s0 =	rddreg [dreg:$0x2];
	[sflag:s10] =	ssyncadd.s32 $0xFFFF8000  }
0x87: {  	[tilespmem:s2], [sflag:$0x5] =	stream.linear.gather [hbm4b:s0+s2], $0x3800, $0x38;
	[tilespmem:$0x13800] =	vst v63  }
0x88: {  	_ =	swait.ge [sflag:s4], $0x3800  }
0x89: {  	[sflag:s4] =	ssyncset.done $0x0  }
0x8a: {  	[sflag:s4] =	ssyncadd.s32 $0xFFFFC800  }
0x8b: {  	[tilespmem:s7], [sflag:$0x1] =	stream.indirect.gather [hbm4b:s5+s6], $0x20, s2, s6, $0xb8;
	[tilespmem:$0x13800] =	vst v63  }
0x8c: {  	_ = 	snop  }
0x8d: {  	[tilespmem:s8], [sflag:$0x2] =	stream.indirect.gather [hbm4b:s5+s6], $0x20, s6, s6, $0xb8;
	[tilespmem:$0x13800] =	vst v63  }
0x8e: {  	_ =	swait.ge [sflag:s9], $0x8000  }
0x8f: {  	[sflag:s9] =	ssyncset.done $0x0  }
0x90: {  	[sflag:s9] =	ssyncadd.s32 $0xFFFF8000  }
0x91: {  	[hbm4b:s3+s2] =	stream.linear.scatter [tilespmem:s7], [sflag:$0x3], $0x8000, $0x38;
	[tilespmem:$0x13800] =	vst v63  }
0x92: {  	_ =	swait.ge [sflag:s10], $0x8000  }
0x93: {  	[sflag:s10] =	ssyncset.done $0x0  }
0x94: {  	[sflag:s10] =	ssyncadd.s32 $0xFFFF8000  }
0x95: {  	[tilespmem:s7], [sflag:$0x1] =	stream.indirect.gather [hbm4b:s5+s6], $0x20, s11, s6, $0xb8;
	[tilespmem:$0x13800] =	vst v63  }
0x96: {  	_ =	swait.ge [sflag:s12], $0x8000  }
0x97: {  	[sflag:s12] =	ssyncset.done $0x0  }
0x98: {  	s0 =	rddreg [dreg:$0x3];
	[sflag:s12] =	ssyncadd.s32 $0xFFFF8000  }
0x99: {  	[hbm4b:s0+s2] =	stream.linear.scatter [tilespmem:s8], [sflag:$0x4], $0x8000, $0x38;
	[tilespmem:$0x13800] =	vst v63  }
0x9a: {  	_ =	swait.ge [sflag:s13], $0x8000  }
0x9b: {  	[sflag:s13] =	ssyncset.done $0x0  }
0x9c: {  	[sflag:s13] =	ssyncadd.s32 $0xFFFF8000  }
0x9d: {  	[tilespmem:s8], [sflag:$0x2] =	stream.indirect.gather [hbm4b:s5+s6], $0x20, s14, s6, $0xb8;
	[tilespmem:$0x13800] =	vst v63  }
0x9e: {  	_ =	swait.ge [sflag:s9], $0x8000  }
0x9f: {  	[sflag:s9] =	ssyncset.done $0x0  }
0xa0: {  	s0 =	rddreg [dreg:$0x4];
	[sflag:s9] =	ssyncadd.s32 $0xFFFF8000  }
0xa1: {  	[hbm4b:s0+s2] =	stream.linear.scatter [tilespmem:s7], [sflag:$0x3], $0x8000, $0x38;
	[tilespmem:$0x13800] =	vst v63  }
0xa2: {  	_ =	swait.ge [sflag:s10], $0x8000  }
0xa3: {  	[sflag:s10] =	ssyncset.done $0x0  }
0xa4: {  	[sflag:s10] =	ssyncadd.s32 $0xFFFF8000  }
0xa5: {  	[tilespmem:s7], [sflag:$0x1] =	stream.indirect.gather [hbm4b:s5+s6], $0x20, s15, s6, $0xb8;
	[tilespmem:$0x13800] =	vst v63  }
0xa6: {  	_ =	swait.ge [sflag:s12], $0x8000  }
0xa7: {  	[sflag:s12] =	ssyncset.done $0x0  }
0xa8: {  	s0 =	rddreg [dreg:$0x5];
	[sflag:s12] =	ssyncadd.s32 $0xFFFF8000  }
0xa9: {  	[hbm4b:s0+s2] =	stream.linear.scatter [tilespmem:s8], [sflag:$0x4], $0x8000, $0x38;
	[tilespmem:$0x13800] =	vst v63  }
0xaa: {  	_ =	swait.ge [sflag:s13], $0x8000  }
0xab: {  	[sflag:s13] =	ssyncset.done $0x0  }
0xac: {  	[sflag:s13] =	ssyncadd.s32 $0xFFFF8000  }
0xad: {  	[tilespmem:s8], [sflag:$0x2] =	stream.indirect.gather [hbm4b:s5+s6], $0x20, s16, s6, $0xb8;
	[tilespmem:$0x13800] =	vst v63  }
0xae: {  	_ =	swait.ge [sflag:s9], $0x8000  }
0xaf: {  	[sflag:s9] =	ssyncset.done $0x0  }
0xb0: {  	s0 =	rddreg [dreg:$0x6];
	[sflag:s9] =	ssyncadd.s32 $0xFFFF8000  }
0xb1: {  	[hbm4b:s0+s2] =	stream.linear.scatter [tilespmem:s7], [sflag:$0x3], $0x8000, $0x38;
	[tilespmem:$0x13800] =	vst v63  }
0xb2: {  	_ =	swait.ge [sflag:s10], $0x8000  }
0xb3: {  	[sflag:s10] =	ssyncset.done $0x0  }
0xb4: {  	[sflag:s10] =	ssyncadd.s32 $0xFFFF8000  }
0xb5: {  	[tilespmem:s7], [sflag:$0x1] =	stream.indirect.gather [hbm4b:s5+s6], $0x20, s17, s6, $0xb8;
	[tilespmem:$0x13800] =	vst v63  }
0xb6: {  	_ =	swait.ge [sflag:s12], $0x8000  }
0xb7: {  	[sflag:s12] =	ssyncset.done $0x0  }
0xb8: {  	s0 =	rddreg [dreg:$0x7];
	[sflag:s12] =	ssyncadd.s32 $0xFFFF8000  }
0xb9: {  	[hbm4b:s0+s2] =	stream.linear.scatter [tilespmem:s8], [sflag:$0x4], $0x8000, $0x38;
	[tilespmem:$0x13800] =	vst v63  }
0xba: {  	_ =	swait.ge [sflag:s13], $0x8000  }
0xbb: {  	[sflag:s13] =	ssyncset.done $0x0  }
0xbc: {  	[sflag:s13] =	ssyncadd.s32 $0xFFFF8000  }
0xbd: {  	[tilespmem:s8], [sflag:$0x2] =	stream.indirect.gather [hbm4b:s5+s6], $0x20, s18, s6, $0xb8;
	[tilespmem:$0x13800] =	vst v63  }
0xbe: {  	_ =	swait.ge [sflag:s9], $0x8000  }
0xbf: {  	[sflag:s9] =	ssyncset.done $0x0  }
0xc0: {  	s0 =	rddreg [dreg:$0x8];
	[sflag:s9] =	ssyncadd.s32 $0xFFFF8000  }
0xc1: {  	[hbm4b:s0+s2] =	stream.linear.scatter [tilespmem:s7], [sflag:$0x3], $0x8000, $0x38;
	[tilespmem:$0x13800] =	vst v63  }
0xc2: {  	_ =	swait.ge [sflag:s10], $0x8000  }
0xc3: {  	[sflag:s10] =	ssyncset.done $0x0  }
0xc4: {  	[sflag:s10] =	ssyncadd.s32 $0xFFFF8000  }
0xc5: {  	[tilespmem:s7], [sflag:$0x1] =	stream.indirect.gather [hbm4b:s5+s6], $0x20, s19, s6, $0xb8;
	[tilespmem:$0x13800] =	vst v63  }
0xc6: {  	_ =	swait.ge [sflag:s12], $0x8000  }
0xc7: {  	[sflag:s12] =	ssyncset.done $0x0  }
0xc8: {  	s0 =	rddreg [dreg:$0x9];
	[sflag:s12] =	ssyncadd.s32 $0xFFFF8000  }
0xc9: {  	[hbm4b:s0+s2] =	stream.linear.scatter [tilespmem:s8], [sflag:$0x4], $0x8000, $0x38;
	[tilespmem:$0x13800] =	vst v63  }
0xca: {  	_ =	swait.ge [sflag:s13], $0x8000  }
0xcb: {  	[sflag:s13] =	ssyncset.done $0x0  }
0xcc: {  	[sflag:s13] =	ssyncadd.s32 $0xFFFF8000  }
0xcd: {  	[tilespmem:s8], [sflag:$0x2] =	stream.indirect.gather [hbm4b:s5+s6], $0x20, s20, s6, $0xb8;
	[tilespmem:$0x13800] =	vst v63  }
0xce: {  	_ =	swait.ge [sflag:s9], $0x8000  }
0xcf: {  	[sflag:s9] =	ssyncset.done $0x0  }
0xd0: {  	[sflag:s9] =	ssyncadd.s32 $0xFFFF8000  }
0xd1: {  	[hbm4b:s21+s2] =	stream.linear.scatter [tilespmem:s7], [sflag:$0x3], $0x8000, $0x38;
	[tilespmem:$0x13800] =	vst v63  }
0xd2: {  	_ =	swait.ge [sflag:s10], $0x8000  }
0xd3: {  	[sflag:s10] =	ssyncset.done $0x0  }
0xd4: {  	[sflag:s10] =	ssyncadd.s32 $0xFFFF8000  }
0xd5: {  	[tilespmem:s7], [sflag:$0x1] =	stream.indirect.gather [hbm4b:s5+s6], $0x20, s22, s6, $0xb8;
	[tilespmem:$0x13800] =	vst v63  }
0xd6: {  	_ =	swait.ge [sflag:s12], $0x8000  }
0xd7: {  	[sflag:s12] =	ssyncset.done $0x0  }
0xd8: {  	[sflag:s12] =	ssyncadd.s32 $0xFFFF8000  }
0xd9: {  	[hbm4b:s23+s2] =	stream.linear.scatter [tilespmem:s8], [sflag:$0x4], $0x8000, $0x38;
	[tilespmem:$0x13800] =	vst v63  }
0xda: {  	_ =	swait.ge [sflag:s13], $0x8000  }
0xdb: {  	[sflag:s13] =	ssyncset.done $0x0  }
0xdc: {  	[sflag:s13] =	ssyncadd.s32 $0xFFFF8000  }
0xdd: {  	[tilespmem:s8], [sflag:$0x2] =	stream.indirect.gather [hbm4b:s5+s6], $0x20, s24, s6, $0xb8;
	[tilespmem:$0x13800] =	vst v63  }
0xde: {  	_ =	swait.ge [sflag:s9], $0x8000  }
0xdf: {  	[sflag:s9] =	ssyncset.done $0x0  }
0xe0: {  	[sflag:s9] =	ssyncadd.s32 $0xFFFF8000  }
0xe1: {  	[hbm4b:s25+s2] =	stream.linear.scatter [tilespmem:s7], [sflag:$0x3], $0x8000, $0x38;
	[tilespmem:$0x13800] =	vst v63  }
0xe2: {  	_ =	swait.ge [sflag:s10], $0x8000  }
0xe3: {  	[sflag:s10] =	ssyncset.done $0x0  }
0xe4: {  	[sflag:s10] =	ssyncadd.s32 $0xFFFF8000  }
0xe5: {  	[tilespmem:s7], [sflag:$0x1] =	stream.indirect.gather [hbm4b:s5+s6], $0x20, s26, s6, $0xb8;
	[tilespmem:$0x13800] =	vst v63  }
0xe6: {  	_ =	swait.ge [sflag:s12], $0x8000  }
0xe7: {  	[sflag:s12] =	ssyncset.done $0x0  }
0xe8: {  	[sflag:s12] =	ssyncadd.s32 $0xFFFF8000  }
0xe9: {  	[hbm4b:s28+s2] =	stream.linear.scatter [tilespmem:s8], [sflag:$0x4], $0x8000, $0x38;
	[tilespmem:$0x13800] =	vst v63  }
0xea: {  	_ =	swait.ge [sflag:s13], $0x8000  }
0xeb: {  	[sflag:s13] =	ssyncset.done $0x0  }
0xec: {  	[sflag:s13] =	ssyncadd.s32 $0xFFFF8000  }
0xed: {  	[tilespmem:s8], [sflag:$0x2] =	stream.indirect.gather [hbm4b:s5+s6], $0x20, s29, s6, $0xb8;
	[tilespmem:$0x13800] =	vst v63  }
0xee: {  	_ =	swait.ge [sflag:s9], $0x8000  }
0xef: {  	[sflag:s9] =	ssyncset.done $0x0  }
0xf0: {  	[sflag:s9] =	ssyncadd.s32 $0xFFFF8000  }
0xf1: {  	[hbm4b:s30+s2] =	stream.linear.scatter [tilespmem:s7], [sflag:$0x3], $0x8000, $0x38;
	[tilespmem:$0x13800] =	vst v63  }
0xf2: {  	_ =	swait.ge [sflag:s12], $0x8000  }
0xf3: {  	[sflag:s12] =	ssyncset.done $0x0  }
0xf4: {  	p0 =	sne.s32 s1, $0x1;
	[sflag:s12] =	ssyncadd.s32 $0xFFFF8000  }
0xf5: {  	[hbm4b:s31+s2] =	stream.linear.scatter [tilespmem:s8], [sflag:$0x4], $0x8000, $0x38;
	[tilespmem:$0x13800] =	vst v63  }
.Ltmp1:
0xf6: {  	_ =	swait.ge [sflag:s13], $0x8000;
	(pc) =	sbr.rel @p0 .LBB2_1-.Ltmp1, $4  }
0xf7: {  	[sflag:s13] =	ssyncset.done $0x0  }
0xf8: {  	[sflag:s13] =	ssyncadd.s32 $0xFFFF8000  }
0xf9: {  	_ =	swait.ge [sflag:s10], $0x8000  }
0xfa: {  	s1 =	sadd.s32 $0xFFFFFFFF, s1;
	[sflag:s10] =	ssyncset.done $0x0  }
.LBB2_2:
0xfb: {  	[sflag:s10] =	ssyncadd.s32 $0xFFFF8000  }
0xfc: {  	_ =	sfence.sel $0x180000  }
0xfd: {  	[bflag:$0x0] =	sbarrier.arrive $0xFFFF  }
0xfe: {  	_ =	strace $0x9000004A  }
0xff: {  	s0 =	stileid.u32;
	[bflag:$0x2] =	sbarrier.arrive $0xFFFF  }
0x100: {  	p0 =	sne.s32 s0, $0x0;
	s0 =	rddreg [dreg:$0x1]  }
0x101: {  	s0 =	sadd.s32 @!p0 $0x100000, s0  }
0x102: {  	[sflag:s0] =	ssyncadd.tile.s32 @!p0 $0x1;
	_ =	shalt  }
.Lfunc_end2:
_tile_overlayer_lowered:
.L_overlay_start_2:
0x103: {  	(tag) =	ssettag $0x2  }
0x104: {  	s0 =	rddreg [dreg:$0x0];
	s2 =	stileid.u32  }
0x105: {  	s1 =	rddreg [dreg:$0x1];
	p0 =	sne.s32 s2, $0x0  }
0x106: {  	s3 =	rddreg [dreg:$0x2];
	[bflag:$0x3] =	sbarrier.arrive $0xFFFF;
	s2 =	simm.s32 @!p0 $0x1C05  }
0x107: {  	[timem:s3], [sflag:s2] =	dma.local @!p0 [hbm:s0], s1  }
0x108: {  	s0 =	simm.s32 @!p0 $0x5  }
0x109: {  	_ =	swait.ge @!p0 [sflag:s0], s1  }
0x10a: {  	s1 =	ssub.s32 @!p0 $0x0, s1;
	[sflag:s0] =	ssyncset.done @!p0 $0x0  }
0x10b: {  	[sflag:s0] =	ssyncadd.s32 @!p0 s1  }
0x10c: {  	[bflag:$0x3] =	sbarrier.arrive $0xFFFF  }
0x10d: {  	_ =	shalt  }

</sc_bundles>
